<compile_context>
chip_gen: v7x
topology: tpu7x:2x2x1
jax: 0.10.2.dev20260603
libtpu: 0.0.44.dev20260713+nightly
codegen_flags: <defaults>
</compile_context>

<pallas_src>
import functools

import jax
import jax.numpy as jnp
from jax import lax
from jax.experimental import pallas as pl
from jax.experimental.pallas import tpu as pltpu
from jax.experimental.pallas import tpu_sc as plsc

_N = 10000
_D = 128
_E = 320000

_NC = 2
_NS = 16
_N_PAD = 10240
_ROWS_PER_TILE = _N_PAD // _NS
_E_PER_SC = _E // _NC
_E_PER_TILE = _E_PER_SC // _NS
_CHUNK = 80
_N_CHUNKS = _E_PER_TILE // _CHUNK
_BATCH = 25

_BM = 2000


def _segsum_sc(y, ei5):
  mesh = plsc.VectorSubcoreMesh(
      core_axis_name="c", subcore_axis_name="s",
      num_cores=_NC, num_subcores=_NS)

  @functools.partial(
      pl.kernel,
      mesh=mesh,
      out_type=jax.ShapeDtypeStruct((_NC, _N_PAD, _D), jnp.float32),
      scratch_types=[
          pltpu.MemorySpace.VMEM_SHARED((_N_PAD, _D), jnp.float32),
          pltpu.MemorySpace.VMEM((_BATCH, _CHUNK), jnp.int32),
          pltpu.MemorySpace.VMEM((_BATCH, _CHUNK), jnp.int32),
          pltpu.MemorySpace.VMEM((_CHUNK, _D), jnp.float32),
          pltpu.MemorySpace.VMEM((_CHUNK, _D), jnp.float32),
          pltpu.MemorySpace.VMEM((_CHUNK, _D), jnp.float32),
          [pltpu.SemaphoreType.DMA] * 3,
          [pltpu.SemaphoreType.DMA] * 3,
      ],
  )
  def k(y_hbm, ei_hbm, out_hbm, acc, src_v, dst_v,
        rows0, rows1, rows2, gg, ss):
    c = lax.axis_index("c")
    s = lax.axis_index("s")
    w = c * _NS + s

    zero16 = jnp.zeros((16,), jnp.float32)

    def zrow(i, carry):
      for j in range(_D // 16):
        rows1[i, pl.ds(j * 16, 16)] = zero16
      return carry

    lax.fori_loop(0, _CHUNK, zrow, 0)
    pltpu.async_copy(ei_hbm.at[0, w, 0], src_v, gg[0])
    row0 = s * _ROWS_PER_TILE
    for j in range(_ROWS_PER_TILE // _CHUNK):
      pltpu.sync_copy(rows1, acc.at[pl.ds(row0 + j * _CHUNK, _CHUNK)])
    plsc.subcore_barrier()

    rows = [rows0, rows1, rows2]

    def _gather(j, i):
      pltpu.async_copy(y_hbm.at[src_v.at[j]], rows[i], gg[i])

    def _gwait(j, i):
      pltpu.make_async_copy(y_hbm.at[src_v.at[j]], rows[i], gg[i]).wait()

    def _scat(j, i):
      pltpu.async_copy(rows[i], acc.at[dst_v.at[j]], ss[i], add=True)

    def _swait(j, i):
      pltpu.make_async_copy(rows[i], acc.at[dst_v.at[j]], ss[i]).wait()

    nb = _N_CHUNKS // _BATCH

    def batch(b, carry):
      pltpu.async_copy(ei_hbm.at[1, w, b], dst_v, ss[1])
      pltpu.make_async_copy(ei_hbm.at[0, w, b], src_v, gg[0]).wait()
      _gather(0, 0)
      _gather(1, 1)
      _gwait(0, 0)
      pltpu.make_async_copy(ei_hbm.at[1, w, b], dst_v, ss[1]).wait()
      _scat(0, 0)
      _gather(2, 2)

      def body(t, carry2):
        for k, i in enumerate((1, 2, 0)):
          j = 3 * t + 1 + k
          _gwait(j, i)
          _scat(j, i)
          _swait(j - 1, k)
          _gather(j + 2, k)
        return carry2

      lax.fori_loop(0, (_BATCH - 4) // 3, body, 0)
      je = _BATCH - 3
      i0, i1, i2 = je % 3, (je + 1) % 3, (je + 2) % 3
      _gwait(je, i0)
      _scat(je, i0)
      _swait(je - 1, (je - 1) % 3)
      _gather(je + 2, (je - 1) % 3)
      _gwait(je + 1, i1)
      _scat(je + 1, i1)
      _gwait(je + 2, i2)
      pltpu.async_copy(ei_hbm.at[0, w, jnp.minimum(b + 1, nb - 1)],
                       src_v, gg[0])
      _scat(je + 2, i2)
      _swait(je, i0)
      _swait(je + 1, i1)
      _swait(je + 2, i2)
      return carry

    lax.fori_loop(0, nb, batch, 0)
    pltpu.make_async_copy(ei_hbm.at[0, w, nb - 1], src_v, gg[0]).wait()
    plsc.subcore_barrier()

    pltpu.sync_copy(acc.at[pl.ds(row0, _ROWS_PER_TILE)],
                    out_hbm.at[c, pl.ds(row0, _ROWS_PER_TILE)])

  return k(y, ei5)


def _mmy_body(h_ref, wn_ref, y_ref):
  y_ref[...] = jnp.dot(h_ref[...], wn_ref[...],
                       preferred_element_type=jnp.float32)


def _mmy(h, wn):
  return pl.pallas_call(
      _mmy_body,
      grid=(_N // _BM,),
      in_specs=[
          pl.BlockSpec((_BM, _D), lambda i: (i, 0)),
          pl.BlockSpec((_D, _D), lambda i: (0, 0)),
      ],
      out_specs=pl.BlockSpec((_BM, _D), lambda i: (i, 0)),
      out_shape=jax.ShapeDtypeStruct((_N, _D), jnp.float32),
  )(h, wn)


def _mms_body(h_ref, ws_ref, b_ref, s_ref):
  s_ref[...] = jnp.dot(h_ref[...], ws_ref[...],
                       preferred_element_type=jnp.float32) + b_ref[...]


def _mms(h, ws, b):
  return pl.pallas_call(
      _mms_body,
      grid=(_N // _BM,),
      in_specs=[
          pl.BlockSpec((_BM, _D), lambda i: (i, 0)),
          pl.BlockSpec((_D, _D), lambda i: (0, 0)),
          pl.BlockSpec((1, _D), lambda i: (0, 0)),
      ],
      out_specs=pl.BlockSpec((_BM, _D), lambda i: (i, 0)),
      out_shape=jax.ShapeDtypeStruct((_N, _D), jnp.float32),
  )(h, ws, b.reshape(1, _D))


def _cmby_body(h_ref, sp_ref, z_ref, wn_ref, h_out_ref, y_ref):
  hn = h_ref[...] + jax.nn.relu(sp_ref[...] + z_ref[0] + z_ref[1])
  h_out_ref[...] = hn
  y_ref[...] = jnp.dot(hn, wn_ref[...], preferred_element_type=jnp.float32)


def _cmby(h, sp, z, wn):
  return pl.pallas_call(
      _cmby_body,
      grid=(_N // _BM,),
      in_specs=[
          pl.BlockSpec((_BM, _D), lambda i: (i, 0)),
          pl.BlockSpec((_BM, _D), lambda i: (i, 0)),
          pl.BlockSpec((_NC, _BM, _D), lambda i: (0, i, 0)),
          pl.BlockSpec((_D, _D), lambda i: (0, 0)),
      ],
      out_specs=[pl.BlockSpec((_BM, _D), lambda i: (i, 0))] * 2,
      out_shape=[jax.ShapeDtypeStruct((_N, _D), jnp.float32)] * 2,
  )(h, sp, z, wn)


def _final_body(s_ref, z_ref, o_ref):
  o_ref[...] = s_ref[...] + z_ref[0] + z_ref[1]


def _final(s, z):
  return pl.pallas_call(
      _final_body,
      grid=(_N // _BM,),
      in_specs=[
          pl.BlockSpec((_BM, _D), lambda i: (i, 0)),
          pl.BlockSpec((_NC, _BM, _D), lambda i: (0, i, 0)),
      ],
      out_specs=pl.BlockSpec((_BM, _D), lambda i: (i, 0)),
      out_shape=jax.ShapeDtypeStruct((_N, _D), jnp.float32),
  )(s, z)


@jax.jit
def kernel(x, edge_index, W0s, W0n, b0, W1s, W1n, b1, W2s, W2n, b2):
  ei5 = edge_index.reshape(2, _NC * _NS, _N_CHUNKS // _BATCH, _BATCH, _CHUNK)
  y = _mmy(x, W0n)
  z = _segsum_sc(y, ei5)
  s = _mms(x, W0s, b0)
  h, y = _cmby(x, s, z, W1n)
  z = _segsum_sc(y, ei5)
  s = _mms(h, W1s, b1)
  h2, y = _cmby(h, s, z, W2n)
  z = _segsum_sc(y, ei5)
  s = _mms(h2, W2s, b2)
  return _final(s, z)

# --- scband reference (transcript-rebuilt; emitter-appended) ---
"""Pipeline reference for scband-gnn-14121852470180 (READ-ONLY COPY).

The authoritative reference and input builder live on the scoring server;
editing this copy changes nothing except your own understanding.
"""

import jax, jax.numpy as jnp
import numpy as np

N = 10000
E = 320000
D = 128
NUM_LAYERS = 3


def setup_inputs(seed: int = 0) -> dict:
    key = jax.random.key(seed)
    ks = jax.random.split(key, 2 + 3 * NUM_LAYERS)
    inp = {}
    inp["x"] = jax.random.normal(ks[0], (N, D), dtype=jnp.float32)
    inp["edge_index"] = jax.random.randint(ks[1], (2, E), 0, N, dtype=jnp.int32)
    scale = 1.0 / np.sqrt(D)
    for i in range(NUM_LAYERS):
        inp[f"W{i}s"] = jax.random.normal(ks[2 + 3 * i], (D, D), dtype=jnp.float32) * scale
        inp[f"W{i}n"] = jax.random.normal(ks[3 + 3 * i], (D, D), dtype=jnp.float32) * scale
        inp[f"b{i}"] = jnp.zeros((D,), dtype=jnp.float32)
    return inp


def _conv(x, edge_index, Ws, Wn, b):
    # GraphConv-style layer: self transform + sum-aggregated neighbor messages
    src = edge_index[0]
    dst = edge_index[1]
    msgs = jnp.take(x, src, axis=0)              # gather over edges
    agg = jax.ops.segment_sum(msgs, dst, num_segments=x.shape[0])  # scatter-add
    return x @ Ws + agg @ Wn + b


def reference(x, edge_index, W0s, W0n, b0, W1s, W1n, b1, W2s, W2n, b2):
    params = [(W0s, W0n, b0), (W1s, W1n, b1), (W2s, W2n, b2)]
    h_in = x
    h_out = x
    for i, (Ws, Wn, b) in enumerate(params):
        h_out = _conv(h_in, edge_index, Ws, Wn, b)
        if i == NUM_LAYERS - 1:  # is_pred_module=True -> last layer raw output
            break
        # batchnorm=False -> skip; Dropout(p=0.0) in eval -> identity
        h_out = jax.nn.relu(h_out)  # activation_fn = ReLU
        h_in = h_out = h_in + h_out  # stage_type = 'skipsum'
    return h_out

if __name__ == "__main__":
    import jax
    _d = setup_inputs()
    print(jax.jit(kernel)(*tuple(_d.values())))

</pallas_src>

<mosaic_0001>
#map = affine_map<(d0, d1) -> (0, 0)>
#map1 = affine_map<(d0, d1) -> (0, 0, 0, 0, 0)>
#map2 = affine_map<(d0, d1) -> (0, 0, 0)>
module attributes {stable_mosaic.version = 14 : i64} {
  func.func @k(%arg0: i32, %arg1: i32, %arg2: memref<10000x128xf32, #tpu.memory_space<hbm>>, %arg3: memref<2x32x5x25x80xi32, #tpu.memory_space<hbm>>, %arg4: memref<2x10240x128xf32, #tpu.memory_space<hbm>>, %arg5: memref<10240x128xf32, #tpu.memory_space<vmem_shared>>, %arg6: memref<25x80xi32, #tpu.memory_space<vmem>>, %arg7: memref<25x80xi32, #tpu.memory_space<vmem>>, %arg8: memref<80x128xf32, #tpu.memory_space<vmem>>, %arg9: memref<80x128xf32, #tpu.memory_space<vmem>>, %arg10: memref<80x128xf32, #tpu.memory_space<vmem>>, %arg11: memref<!tpu.dma_semaphore, #tpu.memory_space<semaphore_mem>>, %arg12: memref<!tpu.dma_semaphore, #tpu.memory_space<semaphore_mem>>, %arg13: memref<!tpu.dma_semaphore, #tpu.memory_space<semaphore_mem>>, %arg14: memref<!tpu.dma_semaphore, #tpu.memory_space<semaphore_mem>>, %arg15: memref<!tpu.dma_semaphore, #tpu.memory_space<semaphore_mem>>, %arg16: memref<!tpu.dma_semaphore, #tpu.memory_space<semaphore_mem>>) attributes {dimension_semantics = [#tpu.dimension_semantics<core_parallel>, #tpu.dimension_semantics<subcore_parallel>], iteration_bounds = array<i64: 2, 16>, scalar_prefetch = 0 : i64, scratch_operands = 12 : i64, tpu.core_type = #tpu.core_type<sc_vector_subcore>, window_params = [{transform_indices = #map}, {transform_indices = #map1}, {transform_indices = #map2}]} {
    %mul3A = arith.constant 16 : i32
    %mul3A_0 = arith.muli %arg0, %mul3A : i32
    %add3A = arith.addi %mul3A_0, %arg1 : i32
    %broadcast_in_dim3A = arith.constant 0.000000e+00 : f32
    %broadcast_in_dim3A_1 = vector.broadcast %broadcast_in_dim3A : f32 to vector<16xf32>
    %scan3A = arith.constant 0 : i32
    %scan3A_2 = arith.constant 0 : i32
    %scan3A_3 = arith.constant 80 : i32
    %scan3A_4 = arith.addi %scan3A_2, %scan3A_3 : i32
    %scan3A_5 = arith.constant 1 : i32
    scf.for %scan3A_50 = %scan3A_2 to %scan3A_4 step %scan3A_5  : i32 {
      %swap3A = arith.index_cast %scan3A_50 : i32 to index
      %swap3A_51 = arith.constant 0 : index
      %swap3A_52 = tpu.vector_load %arg9[%swap3A, %swap3A_51] {strides = array<i32>} : memref<80x128xf32, #tpu.memory_space<vmem>>, vector<1x16xf32>,
      %swap3A_53 = vector.shape_cast %swap3A_52 : vector<1x16xf32> to vector<16xf32>
      %swap3A_54 = vector.shape_cast %broadcast_in_dim3A_1 : vector<16xf32> to vector<1x16xf32>
      tpu.vector_store %arg9[%swap3A, %swap3A_51], %swap3A_54 {strides = array<i32>} : memref<80x128xf32, #tpu.memory_space<vmem>>, vector<1x16xf32>,
      %swap3A_55 = arith.index_cast %scan3A_50 : i32 to index
      %swap3A_56 = arith.constant 16 : index
      %swap3A_57 = tpu.vector_load %arg9[%swap3A_55, %swap3A_56] {strides = array<i32>} : memref<80x128xf32, #tpu.memory_space<vmem>>, vector<1x16xf32>,
      %swap3A_58 = vector.shape_cast %swap3A_57 : vector<1x16xf32> to vector<16xf32>
      %swap3A_59 = vector.shape_cast %broadcast_in_dim3A_1 : vector<16xf32> to vector<1x16xf32>
      tpu.vector_store %arg9[%swap3A_55, %swap3A_56], %swap3A_59 {strides = array<i32>} : memref<80x128xf32, #tpu.memory_space<vmem>>, vector<1x16xf32>,
      %swap3A_60 = arith.index_cast %scan3A_50 : i32 to index
      %swap3A_61 = arith.constant 32 : index
      %swap3A_62 = tpu.vector_load %arg9[%swap3A_60, %swap3A_61] {strides = array<i32>} : memref<80x128xf32, #tpu.memory_space<vmem>>, vector<1x16xf32>,
      %swap3A_63 = vector.shape_cast %swap3A_62 : vector<1x16xf32> to vector<16xf32>
      %swap3A_64 = vector.shape_cast %broadcast_in_dim3A_1 : vector<16xf32> to vector<1x16xf32>
      tpu.vector_store %arg9[%swap3A_60, %swap3A_61], %swap3A_64 {strides = array<i32>} : memref<80x128xf32, #tpu.memory_space<vmem>>, vector<1x16xf32>,
      %swap3A_65 = arith.index_cast %scan3A_50 : i32 to index
      %swap3A_66 = arith.constant 48 : index
      %swap3A_67 = tpu.vector_load %arg9[%swap3A_65, %swap3A_66] {strides = array<i32>} : memref<80x128xf32, #tpu.memory_space<vmem>>, vector<1x16xf32>,
      %swap3A_68 = vector.shape_cast %swap3A_67 : vector<1x16xf32> to vector<16xf32>
      %swap3A_69 = vector.shape_cast %broadcast_in_dim3A_1 : vector<16xf32> to vector<1x16xf32>
      tpu.vector_store %arg9[%swap3A_65, %swap3A_66], %swap3A_69 {strides = array<i32>} : memref<80x128xf32, #tpu.memory_space<vmem>>, vector<1x16xf32>,
      %swap3A_70 = arith.index_cast %scan3A_50 : i32 to index
      %swap3A_71 = arith.constant 64 : index
      %swap3A_72 = tpu.vector_load %arg9[%swap3A_70, %swap3A_71] {strides = array<i32>} : memref<80x128xf32, #tpu.memory_space<vmem>>, vector<1x16xf32>,
      %swap3A_73 = vector.shape_cast %swap3A_72 : vector<1x16xf32> to vector<16xf32>
      %swap3A_74 = vector.shape_cast %broadcast_in_dim3A_1 : vector<16xf32> to vector<1x16xf32>
      tpu.vector_store %arg9[%swap3A_70, %swap3A_71], %swap3A_74 {strides = array<i32>} : memref<80x128xf32, #tpu.memory_space<vmem>>, vector<1x16xf32>,
      %swap3A_75 = arith.index_cast %scan3A_50 : i32 to index
      %swap3A_76 = arith.constant 80 : index
      %swap3A_77 = tpu.vector_load %arg9[%swap3A_75, %swap3A_76] {strides = array<i32>} : memref<80x128xf32, #tpu.memory_space<vmem>>, vector<1x16xf32>,
      %swap3A_78 = vector.shape_cast %swap3A_77 : vector<1x16xf32> to vector<16xf32>
      %swap3A_79 = vector.shape_cast %broadcast_in_dim3A_1 : vector<16xf32> to vector<1x16xf32>
      tpu.vector_store %arg9[%swap3A_75, %swap3A_76], %swap3A_79 {strides = array<i32>} : memref<80x128xf32, #tpu.memory_space<vmem>>, vector<1x16xf32>,
      %swap3A_80 = arith.index_cast %scan3A_50 : i32 to index
      %swap3A_81 = arith.constant 96 : index
      %swap3A_82 = tpu.vector_load %arg9[%swap3A_80, %swap3A_81] {strides = array<i32>} : memref<80x128xf32, #tpu.memory_space<vmem>>, vector<1x16xf32>,
      %swap3A_83 = vector.shape_cast %swap3A_82 : vector<1x16xf32> to vector<16xf32>
      %swap3A_84 = vector.shape_cast %broadcast_in_dim3A_1 : vector<16xf32> to vector<1x16xf32>
      tpu.vector_store %arg9[%swap3A_80, %swap3A_81], %swap3A_84 {strides = array<i32>} : memref<80x128xf32, #tpu.memory_space<vmem>>, vector<1x16xf32>,
      %swap3A_85 = arith.index_cast %scan3A_50 : i32 to index
      %swap3A_86 = arith.constant 112 : index
      %swap3A_87 = tpu.vector_load %arg9[%swap3A_85, %swap3A_86] {strides = array<i32>} : memref<80x128xf32, #tpu.memory_space<vmem>>, vector<1x16xf32>,
      %swap3A_88 = vector.shape_cast %swap3A_87 : vector<1x16xf32> to vector<16xf32>
      %swap3A_89 = vector.shape_cast %broadcast_in_dim3A_1 : vector<16xf32> to vector<1x16xf32>
      tpu.vector_store %arg9[%swap3A_85, %swap3A_86], %swap3A_89 {strides = array<i32>} : memref<80x128xf32, #tpu.memory_space<vmem>>, vector<1x16xf32>,
    }
    %scan3A_6 = arith.constant 80 : i32
    %dma_start3A = arith.constant 0 : i32
    %dma_start3A_7 = arith.constant 0 : i32
    %dma_start3A_8 = arith.constant 0 : i32
    %dma_start3A_9 = arith.constant 0 : i32
    %dma_start3A_10 = tpu.memref_slice %arg3[%dma_start3A, %add3A, %dma_start3A_7, %dma_start3A_8, %dma_start3A_9] : memref<2x32x5x25x80xi32, #tpu.memory_space<hbm>> -> memref<1x1x1x25x80xi32, #tpu.memory_space<hbm>>
    %dma_start3A_11 = tpu.memref_squeeze %dma_start3A_10 : memref<1x1x1x25x80xi32, #tpu.memory_space<hbm>> -> memref<25x80xi32, #tpu.memory_space<hbm>>
    %dma_start3A_12 = arith.constant 0 : i32
    %dma_start3A_13 = arith.constant 0 : i32
    %dma_start3A_14 = tpu.memref_slice %arg3[%dma_start3A, %add3A, %dma_start3A_7, %dma_start3A_12, %dma_start3A_13] : memref<2x32x5x25x80xi32, #tpu.memory_space<hbm>> -> memref<1x1x1x25x80xi32, #tpu.memory_space<hbm>>
    %dma_start3A_15 = tpu.memref_squeeze %dma_start3A_14 : memref<1x1x1x25x80xi32, #tpu.memory_space<hbm>> -> memref<25x80xi32, #tpu.memory_space<hbm>>
    tpu.enqueue_dma source(%dma_start3A_15 : memref<25x80xi32, #tpu.memory_space<hbm>>) target(%arg6 : memref<25x80xi32, #tpu.memory_space<vmem>>) target_semaphore(%arg11 : memref<!tpu.dma_semaphore, #tpu.memory_space<semaphore_mem>>)
    %mul3A_16 = arith.constant 640 : i32
    %mul3A_17 = arith.muli %arg1, %mul3A_16 : i32
    %add3A_18 = arith.constant 0 : i32
    %add3A_19 = arith.addi %mul3A_17, %add3A_18 : i32
    "tpu.region"() ({
      %run_scoped3A = tpu.sem_alloc : memref<!tpu.dma_semaphore, #tpu.memory_space<semaphore_mem>>
      %dma_start3A_50 = arith.constant 0 : i32
      %dma_start3A_51 = tpu.memref_slice %arg5[%add3A_19, %dma_start3A_50] : memref<10240x128xf32, #tpu.memory_space<vmem_shared>> -> memref<80x128xf32, #tpu.memory_space<vmem_shared>>
      %dma_start3A_52 = arith.constant 0 : i32
      %dma_start3A_53 = tpu.memref_slice %arg5[%add3A_19, %dma_start3A_52] : memref<10240x128xf32, #tpu.memory_space<vmem_shared>> -> memref<80x128xf32, #tpu.memory_space<vmem_shared>>
      tpu.enqueue_dma source(%arg9 : memref<80x128xf32, #tpu.memory_space<vmem>>) target(%dma_start3A_53 : memref<80x128xf32, #tpu.memory_space<vmem_shared>>) target_semaphore(%run_scoped3A : memref<!tpu.dma_semaphore, #tpu.memory_space<semaphore_mem>>)
      %dma_wait3A_54 = arith.constant 0 : i32
      %dma_wait3A_55 = tpu.memref_slice %arg5[%add3A_19, %dma_wait3A_54] : memref<10240x128xf32, #tpu.memory_space<vmem_shared>> -> memref<80x128xf32, #tpu.memory_space<vmem_shared>>
      %dma_wait3A_56 = arith.constant 0 : i32
      %dma_wait3A_57 = tpu.memref_slice %arg5[%add3A_19, %dma_wait3A_56] : memref<10240x128xf32, #tpu.memory_space<vmem_shared>> -> memref<80x128xf32, #tpu.memory_space<vmem_shared>>
      tpu.wait_dma2 semaphore(%run_scoped3A : memref<!tpu.dma_semaphore, #tpu.memory_space<semaphore_mem>>) src(%arg9 : memref<80x128xf32, #tpu.memory_space<vmem>>) dst(%dma_wait3A_57 : memref<80x128xf32, #tpu.memory_space<vmem_shared>>)
      tpu.yield
    }) : () -> ()
    %add3A_20 = arith.constant 80 : i32
    %add3A_21 = arith.addi %mul3A_17, %add3A_20 : i32
    "tpu.region"() ({
      %run_scoped3A = tpu.sem_alloc : memref<!tpu.dma_semaphore, #tpu.memory_space<semaphore_mem>>
      %dma_start3A_50 = arith.constant 0 : i32
      %dma_start3A_51 = tpu.memref_slice %arg5[%add3A_21, %dma_start3A_50] : memref<10240x128xf32, #tpu.memory_space<vmem_shared>> -> memref<80x128xf32, #tpu.memory_space<vmem_shared>>
      %dma_start3A_52 = arith.constant 0 : i32
      %dma_start3A_53 = tpu.memref_slice %arg5[%add3A_21, %dma_start3A_52] : memref<10240x128xf32, #tpu.memory_space<vmem_shared>> -> memref<80x128xf32, #tpu.memory_space<vmem_shared>>
      tpu.enqueue_dma source(%arg9 : memref<80x128xf32, #tpu.memory_space<vmem>>) target(%dma_start3A_53 : memref<80x128xf32, #tpu.memory_space<vmem_shared>>) target_semaphore(%run_scoped3A : memref<!tpu.dma_semaphore, #tpu.memory_space<semaphore_mem>>)
      %dma_wait3A_54 = arith.constant 0 : i32
      %dma_wait3A_55 = tpu.memref_slice %arg5[%add3A_21, %dma_wait3A_54] : memref<10240x128xf32, #tpu.memory_space<vmem_shared>> -> memref<80x128xf32, #tpu.memory_space<vmem_shared>>
      %dma_wait3A_56 = arith.constant 0 : i32
      %dma_wait3A_57 = tpu.memref_slice %arg5[%add3A_21, %dma_wait3A_56] : memref<10240x128xf32, #tpu.memory_space<vmem_shared>> -> memref<80x128xf32, #tpu.memory_space<vmem_shared>>
      tpu.wait_dma2 semaphore(%run_scoped3A : memref<!tpu.dma_semaphore, #tpu.memory_space<semaphore_mem>>) src(%arg9 : memref<80x128xf32, #tpu.memory_space<vmem>>) dst(%dma_wait3A_57 : memref<80x128xf32, #tpu.memory_space<vmem_shared>>)
      tpu.yield
    }) : () -> ()
    %add3A_22 = arith.constant 160 : i32
    %add3A_23 = arith.addi %mul3A_17, %add3A_22 : i32
    "tpu.region"() ({
      %run_scoped3A = tpu.sem_alloc : memref<!tpu.dma_semaphore, #tpu.memory_space<semaphore_mem>>
      %dma_start3A_50 = arith.constant 0 : i32
      %dma_start3A_51 = tpu.memref_slice %arg5[%add3A_23, %dma_start3A_50] : memref<10240x128xf32, #tpu.memory_space<vmem_shared>> -> memref<80x128xf32, #tpu.memory_space<vmem_shared>>
      %dma_start3A_52 = arith.constant 0 : i32
      %dma_start3A_53 = tpu.memref_slice %arg5[%add3A_23, %dma_start3A_52] : memref<10240x128xf32, #tpu.memory_space<vmem_shared>> -> memref<80x128xf32, #tpu.memory_space<vmem_shared>>
      tpu.enqueue_dma source(%arg9 : memref<80x128xf32, #tpu.memory_space<vmem>>) target(%dma_start3A_53 : memref<80x128xf32, #tpu.memory_space<vmem_shared>>) target_semaphore(%run_scoped3A : memref<!tpu.dma_semaphore, #tpu.memory_space<semaphore_mem>>)
      %dma_wait3A_54 = arith.constant 0 : i32
      %dma_wait3A_55 = tpu.memref_slice %arg5[%add3A_23, %dma_wait3A_54] : memref<10240x128xf32, #tpu.memory_space<vmem_shared>> -> memref<80x128xf32, #tpu.memory_space<vmem_shared>>
      %dma_wait3A_56 = arith.constant 0 : i32
      %dma_wait3A_57 = tpu.memref_slice %arg5[%add3A_23, %dma_wait3A_56] : memref<10240x128xf32, #tpu.memory_space<vmem_shared>> -> memref<80x128xf32, #tpu.memory_space<vmem_shared>>
      tpu.wait_dma2 semaphore(%run_scoped3A : memref<!tpu.dma_semaphore, #tpu.memory_space<semaphore_mem>>) src(%arg9 : memref<80x128xf32, #tpu.memory_space<vmem>>) dst(%dma_wait3A_57 : memref<80x128xf32, #tpu.memory_space<vmem_shared>>)
      tpu.yield
    }) : () -> ()
    %add3A_24 = arith.constant 240 : i32
    %add3A_25 = arith.addi %mul3A_17, %add3A_24 : i32
    "tpu.region"() ({
      %run_scoped3A = tpu.sem_alloc : memref<!tpu.dma_semaphore, #tpu.memory_space<semaphore_mem>>
      %dma_start3A_50 = arith.constant 0 : i32
      %dma_start3A_51 = tpu.memref_slice %arg5[%add3A_25, %dma_start3A_50] : memref<10240x128xf32, #tpu.memory_space<vmem_shared>> -> memref<80x128xf32, #tpu.memory_space<vmem_shared>>
      %dma_start3A_52 = arith.constant 0 : i32
      %dma_start3A_53 = tpu.memref_slice %arg5[%add3A_25, %dma_start3A_52] : memref<10240x128xf32, #tpu.memory_space<vmem_shared>> -> memref<80x128xf32, #tpu.memory_space<vmem_shared>>
      tpu.enqueue_dma source(%arg9 : memref<80x128xf32, #tpu.memory_space<vmem>>) target(%dma_start3A_53 : memref<80x128xf32, #tpu.memory_space<vmem_shared>>) target_semaphore(%run_scoped3A : memref<!tpu.dma_semaphore, #tpu.memory_space<semaphore_mem>>)
      %dma_wait3A_54 = arith.constant 0 : i32
      %dma_wait3A_55 = tpu.memref_slice %arg5[%add3A_25, %dma_wait3A_54] : memref<10240x128xf32, #tpu.memory_space<vmem_shared>> -> memref<80x128xf32, #tpu.memory_space<vmem_shared>>
      %dma_wait3A_56 = arith.constant 0 : i32
      %dma_wait3A_57 = tpu.memref_slice %arg5[%add3A_25, %dma_wait3A_56] : memref<10240x128xf32, #tpu.memory_space<vmem_shared>> -> memref<80x128xf32, #tpu.memory_space<vmem_shared>>
      tpu.wait_dma2 semaphore(%run_scoped3A : memref<!tpu.dma_semaphore, #tpu.memory_space<semaphore_mem>>) src(%arg9 : memref<80x128xf32, #tpu.memory_space<vmem>>) dst(%dma_wait3A_57 : memref<80x128xf32, #tpu.memory_space<vmem_shared>>)
      tpu.yield
    }) : () -> ()
    %add3A_26 = arith.constant 320 : i32
    %add3A_27 = arith.addi %mul3A_17, %add3A_26 : i32
    "tpu.region"() ({
      %run_scoped3A = tpu.sem_alloc : memref<!tpu.dma_semaphore, #tpu.memory_space<semaphore_mem>>
      %dma_start3A_50 = arith.constant 0 : i32
      %dma_start3A_51 = tpu.memref_slice %arg5[%add3A_27, %dma_start3A_50] : memref<10240x128xf32, #tpu.memory_space<vmem_shared>> -> memref<80x128xf32, #tpu.memory_space<vmem_shared>>
      %dma_start3A_52 = arith.constant 0 : i32
      %dma_start3A_53 = tpu.memref_slice %arg5[%add3A_27, %dma_start3A_52] : memref<10240x128xf32, #tpu.memory_space<vmem_shared>> -> memref<80x128xf32, #tpu.memory_space<vmem_shared>>
      tpu.enqueue_dma source(%arg9 : memref<80x128xf32, #tpu.memory_space<vmem>>) target(%dma_start3A_53 : memref<80x128xf32, #tpu.memory_space<vmem_shared>>) target_semaphore(%run_scoped3A : memref<!tpu.dma_semaphore, #tpu.memory_space<semaphore_mem>>)
      %dma_wait3A_54 = arith.constant 0 : i32
      %dma_wait3A_55 = tpu.memref_slice %arg5[%add3A_27, %dma_wait3A_54] : memref<10240x128xf32, #tpu.memory_space<vmem_shared>> -> memref<80x128xf32, #tpu.memory_space<vmem_shared>>
      %dma_wait3A_56 = arith.constant 0 : i32
      %dma_wait3A_57 = tpu.memref_slice %arg5[%add3A_27, %dma_wait3A_56] : memref<10240x128xf32, #tpu.memory_space<vmem_shared>> -> memref<80x128xf32, #tpu.memory_space<vmem_shared>>
      tpu.wait_dma2 semaphore(%run_scoped3A : memref<!tpu.dma_semaphore, #tpu.memory_space<semaphore_mem>>) src(%arg9 : memref<80x128xf32, #tpu.memory_space<vmem>>) dst(%dma_wait3A_57 : memref<80x128xf32, #tpu.memory_space<vmem_shared>>)
      tpu.yield
    }) : () -> ()
    %add3A_28 = arith.constant 400 : i32
    %add3A_29 = arith.addi %mul3A_17, %add3A_28 : i32
    "tpu.region"() ({
      %run_scoped3A = tpu.sem_alloc : memref<!tpu.dma_semaphore, #tpu.memory_space<semaphore_mem>>
      %dma_start3A_50 = arith.constant 0 : i32
      %dma_start3A_51 = tpu.memref_slice %arg5[%add3A_29, %dma_start3A_50] : memref<10240x128xf32, #tpu.memory_space<vmem_shared>> -> memref<80x128xf32, #tpu.memory_space<vmem_shared>>
      %dma_start3A_52 = arith.constant 0 : i32
      %dma_start3A_53 = tpu.memref_slice %arg5[%add3A_29, %dma_start3A_52] : memref<10240x128xf32, #tpu.memory_space<vmem_shared>> -> memref<80x128xf32, #tpu.memory_space<vmem_shared>>
      tpu.enqueue_dma source(%arg9 : memref<80x128xf32, #tpu.memory_space<vmem>>) target(%dma_start3A_53 : memref<80x128xf32, #tpu.memory_space<vmem_shared>>) target_semaphore(%run_scoped3A : memref<!tpu.dma_semaphore, #tpu.memory_space<semaphore_mem>>)
      %dma_wait3A_54 = arith.constant 0 : i32
      %dma_wait3A_55 = tpu.memref_slice %arg5[%add3A_29, %dma_wait3A_54] : memref<10240x128xf32, #tpu.memory_space<vmem_shared>> -> memref<80x128xf32, #tpu.memory_space<vmem_shared>>
      %dma_wait3A_56 = arith.constant 0 : i32
      %dma_wait3A_57 = tpu.memref_slice %arg5[%add3A_29, %dma_wait3A_56] : memref<10240x128xf32, #tpu.memory_space<vmem_shared>> -> memref<80x128xf32, #tpu.memory_space<vmem_shared>>
      tpu.wait_dma2 semaphore(%run_scoped3A : memref<!tpu.dma_semaphore, #tpu.memory_space<semaphore_mem>>) src(%arg9 : memref<80x128xf32, #tpu.memory_space<vmem>>) dst(%dma_wait3A_57 : memref<80x128xf32, #tpu.memory_space<vmem_shared>>)
      tpu.yield
    }) : () -> ()
    %add3A_30 = arith.constant 480 : i32
    %add3A_31 = arith.addi %mul3A_17, %add3A_30 : i32
    "tpu.region"() ({
      %run_scoped3A = tpu.sem_alloc : memref<!tpu.dma_semaphore, #tpu.memory_space<semaphore_mem>>
      %dma_start3A_50 = arith.constant 0 : i32
      %dma_start3A_51 = tpu.memref_slice %arg5[%add3A_31, %dma_start3A_50] : memref<10240x128xf32, #tpu.memory_space<vmem_shared>> -> memref<80x128xf32, #tpu.memory_space<vmem_shared>>
      %dma_start3A_52 = arith.constant 0 : i32
      %dma_start3A_53 = tpu.memref_slice %arg5[%add3A_31, %dma_start3A_52] : memref<10240x128xf32, #tpu.memory_space<vmem_shared>> -> memref<80x128xf32, #tpu.memory_space<vmem_shared>>
      tpu.enqueue_dma source(%arg9 : memref<80x128xf32, #tpu.memory_space<vmem>>) target(%dma_start3A_53 : memref<80x128xf32, #tpu.memory_space<vmem_shared>>) target_semaphore(%run_scoped3A : memref<!tpu.dma_semaphore, #tpu.memory_space<semaphore_mem>>)
      %dma_wait3A_54 = arith.constant 0 : i32
      %dma_wait3A_55 = tpu.memref_slice %arg5[%add3A_31, %dma_wait3A_54] : memref<10240x128xf32, #tpu.memory_space<vmem_shared>> -> memref<80x128xf32, #tpu.memory_space<vmem_shared>>
      %dma_wait3A_56 = arith.constant 0 : i32
      %dma_wait3A_57 = tpu.memref_slice %arg5[%add3A_31, %dma_wait3A_56] : memref<10240x128xf32, #tpu.memory_space<vmem_shared>> -> memref<80x128xf32, #tpu.memory_space<vmem_shared>>
      tpu.wait_dma2 semaphore(%run_scoped3A : memref<!tpu.dma_semaphore, #tpu.memory_space<semaphore_mem>>) src(%arg9 : memref<80x128xf32, #tpu.memory_space<vmem>>) dst(%dma_wait3A_57 : memref<80x128xf32, #tpu.memory_space<vmem_shared>>)
      tpu.yield
    }) : () -> ()
    %add3A_32 = arith.constant 560 : i32
    %add3A_33 = arith.addi %mul3A_17, %add3A_32 : i32
    "tpu.region"() ({
      %run_scoped3A = tpu.sem_alloc : memref<!tpu.dma_semaphore, #tpu.memory_space<semaphore_mem>>
      %dma_start3A_50 = arith.constant 0 : i32
      %dma_start3A_51 = tpu.memref_slice %arg5[%add3A_33, %dma_start3A_50] : memref<10240x128xf32, #tpu.memory_space<vmem_shared>> -> memref<80x128xf32, #tpu.memory_space<vmem_shared>>
      %dma_start3A_52 = arith.constant 0 : i32
      %dma_start3A_53 = tpu.memref_slice %arg5[%add3A_33, %dma_start3A_52] : memref<10240x128xf32, #tpu.memory_space<vmem_shared>> -> memref<80x128xf32, #tpu.memory_space<vmem_shared>>
      tpu.enqueue_dma source(%arg9 : memref<80x128xf32, #tpu.memory_space<vmem>>) target(%dma_start3A_53 : memref<80x128xf32, #tpu.memory_space<vmem_shared>>) target_semaphore(%run_scoped3A : memref<!tpu.dma_semaphore, #tpu.memory_space<semaphore_mem>>)
      %dma_wait3A_54 = arith.constant 0 : i32
      %dma_wait3A_55 = tpu.memref_slice %arg5[%add3A_33, %dma_wait3A_54] : memref<10240x128xf32, #tpu.memory_space<vmem_shared>> -> memref<80x128xf32, #tpu.memory_space<vmem_shared>>
      %dma_wait3A_56 = arith.constant 0 : i32
      %dma_wait3A_57 = tpu.memref_slice %arg5[%add3A_33, %dma_wait3A_56] : memref<10240x128xf32, #tpu.memory_space<vmem_shared>> -> memref<80x128xf32, #tpu.memory_space<vmem_shared>>
      tpu.wait_dma2 semaphore(%run_scoped3A : memref<!tpu.dma_semaphore, #tpu.memory_space<semaphore_mem>>) src(%arg9 : memref<80x128xf32, #tpu.memory_space<vmem>>) dst(%dma_wait3A_57 : memref<80x128xf32, #tpu.memory_space<vmem_shared>>)
      tpu.yield
    }) : () -> ()
    %barrier3A = arith.constant 0 : index
    tpu.barrier barrier_id(%barrier3A)
    %scan3A_34 = arith.constant 0 : i32
    %scan3A_35 = arith.constant 0 : i32
    %scan3A_36 = arith.constant 5 : i32
    %scan3A_37 = arith.addi %scan3A_35, %scan3A_36 : i32
    %scan3A_38 = arith.constant 1 : i32
    scf.for %scan3A_50 = %scan3A_35 to %scan3A_37 step %scan3A_38  : i32 {
      %dma_start3A_51 = arith.constant 1 : i32
      %dma_start3A_52 = arith.constant 0 : i32
      %dma_start3A_53 = arith.constant 0 : i32
      %dma_start3A_54 = tpu.memref_slice %arg3[%dma_start3A_51, %add3A, %scan3A_50, %dma_start3A_52, %dma_start3A_53] : memref<2x32x5x25x80xi32, #tpu.memory_space<hbm>> -> memref<1x1x1x25x80xi32, #tpu.memory_space<hbm>>
      %dma_start3A_55 = tpu.memref_squeeze %dma_start3A_54 : memref<1x1x1x25x80xi32, #tpu.memory_space<hbm>> -> memref<25x80xi32, #tpu.memory_space<hbm>>
      %dma_start3A_56 = arith.constant 0 : i32
      %dma_start3A_57 = arith.constant 0 : i32
      %dma_start3A_58 = tpu.memref_slice %arg3[%dma_start3A_51, %add3A, %scan3A_50, %dma_start3A_56, %dma_start3A_57] : memref<2x32x5x25x80xi32, #tpu.memory_space<hbm>> -> memref<1x1x1x25x80xi32, #tpu.memory_space<hbm>>
      %dma_start3A_59 = tpu.memref_squeeze %dma_start3A_58 : memref<1x1x1x25x80xi32, #tpu.memory_space<hbm>> -> memref<25x80xi32, #tpu.memory_space<hbm>>
      tpu.enqueue_dma source(%dma_start3A_59 : memref<25x80xi32, #tpu.memory_space<hbm>>) target(%arg7 : memref<25x80xi32, #tpu.memory_space<vmem>>) target_semaphore(%arg15 : memref<!tpu.dma_semaphore, #tpu.memory_space<semaphore_mem>>)
      %dma_wait3A_60 = arith.constant 0 : i32
      %dma_wait3A_61 = arith.constant 0 : i32
      %dma_wait3A_62 = arith.constant 0 : i32
      %dma_wait3A_63 = tpu.memref_slice %arg3[%dma_wait3A_60, %add3A, %scan3A_50, %dma_wait3A_61, %dma_wait3A_62] : memref<2x32x5x25x80xi32, #tpu.memory_space<hbm>> -> memref<1x1x1x25x80xi32, #tpu.memory_space<hbm>>
      %dma_wait3A_64 = tpu.memref_squeeze %dma_wait3A_63 : memref<1x1x1x25x80xi32, #tpu.memory_space<hbm>> -> memref<25x80xi32, #tpu.memory_space<hbm>>
      %dma_wait3A_65 = arith.constant 0 : i32
      %dma_wait3A_66 = arith.constant 0 : i32
      %dma_wait3A_67 = tpu.memref_slice %arg3[%dma_wait3A_60, %add3A, %scan3A_50, %dma_wait3A_65, %dma_wait3A_66] : memref<2x32x5x25x80xi32, #tpu.memory_space<hbm>> -> memref<1x1x1x25x80xi32, #tpu.memory_space<hbm>>
      %dma_wait3A_68 = tpu.memref_squeeze %dma_wait3A_67 : memref<1x1x1x25x80xi32, #tpu.memory_space<hbm>> -> memref<25x80xi32, #tpu.memory_space<hbm>>
      tpu.wait_dma2 semaphore(%arg11 : memref<!tpu.dma_semaphore, #tpu.memory_space<semaphore_mem>>) src(%dma_wait3A_68 : memref<25x80xi32, #tpu.memory_space<hbm>>) dst(%arg6 : memref<25x80xi32, #tpu.memory_space<vmem>>)
      %dma_start3A_69 = arith.constant 0 : i32
      %dma_start3A_70 = arith.constant 0 : i32
      %dma_start3A_71 = tpu.memref_slice %arg6[%dma_start3A_69, %dma_start3A_70] : memref<25x80xi32, #tpu.memory_space<vmem>> -> memref<1x80xi32, #tpu.memory_space<vmem>>
      %dma_start3A_72 = tpu.memref_squeeze %dma_start3A_71 : memref<1x80xi32, #tpu.memory_space<vmem>> -> memref<80xi32, #tpu.memory_space<vmem>>
      %dma_start3A_73 = arith.constant 0 : i32
      %dma_start3A_74 = arith.constant 0 : i32
      %dma_start3A_75 = tpu.memref_slice %arg2[%dma_start3A_73, %dma_start3A_74] : memref<10000x128xf32, #tpu.memory_space<hbm>> -> memref<10000x128xf32, #tpu.memory_space<hbm>>
      tpu.enqueue_indirect_dma source(%dma_start3A_75 : memref<10000x128xf32, #tpu.memory_space<hbm>>) target(%arg8 : memref<80x128xf32, #tpu.memory_space<vmem>>) offsets(%dma_start3A_72 : memref<80xi32, #tpu.memory_space<vmem>>) semaphore(%arg11 : memref<!tpu.dma_semaphore, #tpu.memory_space<semaphore_mem>>)
      %dma_start3A_76 = arith.constant 1 : i32
      %dma_start3A_77 = arith.constant 0 : i32
      %dma_start3A_78 = tpu.memref_slice %arg6[%dma_start3A_76, %dma_start3A_77] : memref<25x80xi32, #tpu.memory_space<vmem>> -> memref<1x80xi32, #tpu.memory_space<vmem>>
      %dma_start3A_79 = tpu.memref_squeeze %dma_start3A_78 : memref<1x80xi32, #tpu.memory_space<vmem>> -> memref<80xi32, #tpu.memory_space<vmem>>
      %dma_start3A_80 = arith.constant 0 : i32
      %dma_start3A_81 = arith.constant 0 : i32
      %dma_start3A_82 = tpu.memref_slice %arg2[%dma_start3A_80, %dma_start3A_81] : memref<10000x128xf32, #tpu.memory_space<hbm>> -> memref<10000x128xf32, #tpu.memory_space<hbm>>
      tpu.enqueue_indirect_dma source(%dma_start3A_82 : memref<10000x128xf32, #tpu.memory_space<hbm>>) target(%arg9 : memref<80x128xf32, #tpu.memory_space<vmem>>) offsets(%dma_start3A_79 : memref<80xi32, #tpu.memory_space<vmem>>) semaphore(%arg12 : memref<!tpu.dma_semaphore, #tpu.memory_space<semaphore_mem>>)
      %dma_wait3A_83 = arith.constant 0 : i32
      %dma_wait3A_84 = arith.constant 0 : i32
      %dma_wait3A_85 = tpu.memref_slice %arg6[%dma_wait3A_83, %dma_wait3A_84] : memref<25x80xi32, #tpu.memory_space<vmem>> -> memref<1x80xi32, #tpu.memory_space<vmem>>
      %dma_wait3A_86 = tpu.memref_squeeze %dma_wait3A_85 : memref<1x80xi32, #tpu.memory_space<vmem>> -> memref<80xi32, #tpu.memory_space<vmem>>
      %dma_wait3A_87 = arith.constant 0 : i32
      %dma_wait3A_88 = arith.constant 0 : i32
      %dma_wait3A_89 = tpu.memref_slice %arg2[%dma_wait3A_87, %dma_wait3A_88] : memref<10000x128xf32, #tpu.memory_space<hbm>> -> memref<10000x128xf32, #tpu.memory_space<hbm>>
      tpu.wait_indirect_dma semaphore(%arg11 : memref<!tpu.dma_semaphore, #tpu.memory_space<semaphore_mem>>) src(%dma_wait3A_89 : memref<10000x128xf32, #tpu.memory_space<hbm>>) dst(%arg8 : memref<80x128xf32, #tpu.memory_space<vmem>>)
      %dma_wait3A_90 = arith.constant 1 : i32
      %dma_wait3A_91 = arith.constant 0 : i32
      %dma_wait3A_92 = arith.constant 0 : i32
      %dma_wait3A_93 = tpu.memref_slice %arg3[%dma_wait3A_90, %add3A, %scan3A_50, %dma_wait3A_91, %dma_wait3A_92] : memref<2x32x5x25x80xi32, #tpu.memory_space<hbm>> -> memref<1x1x1x25x80xi32, #tpu.memory_space<hbm>>
      %dma_wait3A_94 = tpu.memref_squeeze %dma_wait3A_93 : memref<1x1x1x25x80xi32, #tpu.memory_space<hbm>> -> memref<25x80xi32, #tpu.memory_space<hbm>>
      %dma_wait3A_95 = arith.constant 0 : i32
      %dma_wait3A_96 = arith.constant 0 : i32
      %dma_wait3A_97 = tpu.memref_slice %arg3[%dma_wait3A_90, %add3A, %scan3A_50, %dma_wait3A_95, %dma_wait3A_96] : memref<2x32x5x25x80xi32, #tpu.memory_space<hbm>> -> memref<1x1x1x25x80xi32, #tpu.memory_space<hbm>>
      %dma_wait3A_98 = tpu.memref_squeeze %dma_wait3A_97 : memref<1x1x1x25x80xi32, #tpu.memory_space<hbm>> -> memref<25x80xi32, #tpu.memory_space<hbm>>
      tpu.wait_dma2 semaphore(%arg15 : memref<!tpu.dma_semaphore, #tpu.memory_space<semaphore_mem>>) src(%dma_wait3A_98 : memref<25x80xi32, #tpu.memory_space<hbm>>) dst(%arg7 : memref<25x80xi32, #tpu.memory_space<vmem>>)
      %dma_start3A_99 = arith.constant 0 : i32
      %dma_start3A_100 = arith.constant 0 : i32
      %dma_start3A_101 = tpu.memref_slice %arg7[%dma_start3A_99, %dma_start3A_100] : memref<25x80xi32, #tpu.memory_space<vmem>> -> memref<1x80xi32, #tpu.memory_space<vmem>>
      %dma_start3A_102 = tpu.memref_squeeze %dma_start3A_101 : memref<1x80xi32, #tpu.memory_space<vmem>> -> memref<80xi32, #tpu.memory_space<vmem>>
      %dma_start3A_103 = arith.constant 0 : i32
      %dma_start3A_104 = arith.constant 0 : i32
      %dma_start3A_105 = tpu.memref_slice %arg5[%dma_start3A_103, %dma_start3A_104] : memref<10240x128xf32, #tpu.memory_space<vmem_shared>> -> memref<10240x128xf32, #tpu.memory_space<vmem_shared>>
      tpu.enqueue_indirect_dma source(%arg8 : memref<80x128xf32, #tpu.memory_space<vmem>>) target(%dma_start3A_105 : memref<10240x128xf32, #tpu.memory_space<vmem_shared>>) offsets(%dma_start3A_102 : memref<80xi32, #tpu.memory_space<vmem>>) semaphore(%arg14 : memref<!tpu.dma_semaphore, #tpu.memory_space<semaphore_mem>>) {add = true}
      %dma_start3A_106 = arith.constant 2 : i32
      %dma_start3A_107 = arith.constant 0 : i32
      %dma_start3A_108 = tpu.memref_slice %arg6[%dma_start3A_106, %dma_start3A_107] : memref<25x80xi32, #tpu.memory_space<vmem>> -> memref<1x80xi32, #tpu.memory_space<vmem>>
      %dma_start3A_109 = tpu.memref_squeeze %dma_start3A_108 : memref<1x80xi32, #tpu.memory_space<vmem>> -> memref<80xi32, #tpu.memory_space<vmem>>
      %dma_start3A_110 = arith.constant 0 : i32
      %dma_start3A_111 = arith.constant 0 : i32
      %dma_start3A_112 = tpu.memref_slice %arg2[%dma_start3A_110, %dma_start3A_111] : memref<10000x128xf32, #tpu.memory_space<hbm>> -> memref<10000x128xf32, #tpu.memory_space<hbm>>
      tpu.enqueue_indirect_dma source(%dma_start3A_112 : memref<10000x128xf32, #tpu.memory_space<hbm>>) target(%arg10 : memref<80x128xf32, #tpu.memory_space<vmem>>) offsets(%dma_start3A_109 : memref<80xi32, #tpu.memory_space<vmem>>) semaphore(%arg13 : memref<!tpu.dma_semaphore, #tpu.memory_space<semaphore_mem>>)
      %scan3A_113 = arith.constant 0 : i32
      %scan3A_114 = arith.constant 0 : i32
      %scan3A_115 = arith.constant 7 : i32
      %scan3A_116 = arith.addi %scan3A_114, %scan3A_115 : i32
      %scan3A_117 = arith.constant 1 : i32
      scf.for %scan3A_208 = %scan3A_114 to %scan3A_116 step %scan3A_117  : i32 {
        %mul3A_209 = arith.constant 3 : i32
        %mul3A_210 = arith.muli %mul3A_209, %scan3A_208 : i32
        %add3A_211 = arith.constant 1 : i32
        %add3A_212 = arith.addi %mul3A_210, %add3A_211 : i32
        %add3A_213 = arith.constant 0 : i32
        %add3A_214 = arith.addi %add3A_212, %add3A_213 : i32
        %dma_wait3A_215 = arith.constant 0 : i32
        %dma_wait3A_216 = tpu.memref_slice %arg6[%add3A_214, %dma_wait3A_215] : memref<25x80xi32, #tpu.memory_space<vmem>> -> memref<1x80xi32, #tpu.memory_space<vmem>>
        %dma_wait3A_217 = tpu.memref_squeeze %dma_wait3A_216 : memref<1x80xi32, #tpu.memory_space<vmem>> -> memref<80xi32, #tpu.memory_space<vmem>>
        %dma_wait3A_218 = arith.constant 0 : i32
        %dma_wait3A_219 = arith.constant 0 : i32
        %dma_wait3A_220 = tpu.memref_slice %arg2[%dma_wait3A_218, %dma_wait3A_219] : memref<10000x128xf32, #tpu.memory_space<hbm>> -> memref<10000x128xf32, #tpu.memory_space<hbm>>
        tpu.wait_indirect_dma semaphore(%arg12 : memref<!tpu.dma_semaphore, #tpu.memory_space<semaphore_mem>>) src(%dma_wait3A_220 : memref<10000x128xf32, #tpu.memory_space<hbm>>) dst(%arg9 : memref<80x128xf32, #tpu.memory_space<vmem>>)
        %dma_start3A_221 = arith.constant 0 : i32
        %dma_start3A_222 = tpu.memref_slice %arg7[%add3A_214, %dma_start3A_221] : memref<25x80xi32, #tpu.memory_space<vmem>> -> memref<1x80xi32, #tpu.memory_space<vmem>>
        %dma_start3A_223 = tpu.memref_squeeze %dma_start3A_222 : memref<1x80xi32, #tpu.memory_space<vmem>> -> memref<80xi32, #tpu.memory_space<vmem>>
        %dma_start3A_224 = arith.constant 0 : i32
        %dma_start3A_225 = arith.constant 0 : i32
        %dma_start3A_226 = tpu.memref_slice %arg5[%dma_start3A_224, %dma_start3A_225] : memref<10240x128xf32, #tpu.memory_space<vmem_shared>> -> memref<10240x128xf32, #tpu.memory_space<vmem_shared>>
        tpu.enqueue_indirect_dma source(%arg9 : memref<80x128xf32, #tpu.memory_space<vmem>>) target(%dma_start3A_226 : memref<10240x128xf32, #tpu.memory_space<vmem_shared>>) offsets(%dma_start3A_223 : memref<80xi32, #tpu.memory_space<vmem>>) semaphore(%arg15 : memref<!tpu.dma_semaphore, #tpu.memory_space<semaphore_mem>>) {add = true}
        %sub3A = arith.constant 1 : i32
        %sub3A_227 = arith.subi %add3A_214, %sub3A : i32
        %dma_wait3A_228 = arith.constant 0 : i32
        %dma_wait3A_229 = tpu.memref_slice %arg7[%sub3A_227, %dma_wait3A_228] : memref<25x80xi32, #tpu.memory_space<vmem>> -> memref<1x80xi32, #tpu.memory_space<vmem>>
        %dma_wait3A_230 = tpu.memref_squeeze %dma_wait3A_229 : memref<1x80xi32, #tpu.memory_space<vmem>> -> memref<80xi32, #tpu.memory_space<vmem>>
        %dma_wait3A_231 = arith.constant 0 : i32
        %dma_wait3A_232 = arith.constant 0 : i32
        %dma_wait3A_233 = tpu.memref_slice %arg5[%dma_wait3A_231, %dma_wait3A_232] : memref<10240x128xf32, #tpu.memory_space<vmem_shared>> -> memref<10240x128xf32, #tpu.memory_space<vmem_shared>>
        tpu.wait_indirect_dma semaphore(%arg14 : memref<!tpu.dma_semaphore, #tpu.memory_space<semaphore_mem>>) src(%arg8 : memref<80x128xf32, #tpu.memory_space<vmem>>) dst(%dma_wait3A_233 : memref<10240x128xf32, #tpu.memory_space<vmem_shared>>)
        %add3A_234 = arith.constant 2 : i32
        %add3A_235 = arith.addi %add3A_214, %add3A_234 : i32
        %dma_start3A_236 = arith.constant 0 : i32
        %dma_start3A_237 = tpu.memref_slice %arg6[%add3A_235, %dma_start3A_236] : memref<25x80xi32, #tpu.memory_space<vmem>> -> memref<1x80xi32, #tpu.memory_space<vmem>>
        %dma_start3A_238 = tpu.memref_squeeze %dma_start3A_237 : memref<1x80xi32, #tpu.memory_space<vmem>> -> memref<80xi32, #tpu.memory_space<vmem>>
        %dma_start3A_239 = arith.constant 0 : i32
        %dma_start3A_240 = arith.constant 0 : i32
        %dma_start3A_241 = tpu.memref_slice %arg2[%dma_start3A_239, %dma_start3A_240] : memref<10000x128xf32, #tpu.memory_space<hbm>> -> memref<10000x128xf32, #tpu.memory_space<hbm>>
        tpu.enqueue_indirect_dma source(%dma_start3A_241 : memref<10000x128xf32, #tpu.memory_space<hbm>>) target(%arg8 : memref<80x128xf32, #tpu.memory_space<vmem>>) offsets(%dma_start3A_238 : memref<80xi32, #tpu.memory_space<vmem>>) semaphore(%arg11 : memref<!tpu.dma_semaphore, #tpu.memory_space<semaphore_mem>>)
        %mul3A_242 = arith.constant 3 : i32
        %mul3A_243 = arith.muli %mul3A_242, %scan3A_208 : i32
        %add3A_244 = arith.constant 1 : i32
        %add3A_245 = arith.addi %mul3A_243, %add3A_244 : i32
        %add3A_246 = arith.constant 1 : i32
        %add3A_247 = arith.addi %add3A_245, %add3A_246 : i32
        %dma_wait3A_248 = arith.constant 0 : i32
        %dma_wait3A_249 = tpu.memref_slice %arg6[%add3A_247, %dma_wait3A_248] : memref<25x80xi32, #tpu.memory_space<vmem>> -> memref<1x80xi32, #tpu.memory_space<vmem>>
        %dma_wait3A_250 = tpu.memref_squeeze %dma_wait3A_249 : memref<1x80xi32, #tpu.memory_space<vmem>> -> memref<80xi32, #tpu.memory_space<vmem>>
        %dma_wait3A_251 = arith.constant 0 : i32
        %dma_wait3A_252 = arith.constant 0 : i32
        %dma_wait3A_253 = tpu.memref_slice %arg2[%dma_wait3A_251, %dma_wait3A_252] : memref<10000x128xf32, #tpu.memory_space<hbm>> -> memref<10000x128xf32, #tpu.memory_space<hbm>>
        tpu.wait_indirect_dma semaphore(%arg13 : memref<!tpu.dma_semaphore, #tpu.memory_space<semaphore_mem>>) src(%dma_wait3A_253 : memref<10000x128xf32, #tpu.memory_space<hbm>>) dst(%arg10 : memref<80x128xf32, #tpu.memory_space<vmem>>)
        %dma_start3A_254 = arith.constant 0 : i32
        %dma_start3A_255 = tpu.memref_slice %arg7[%add3A_247, %dma_start3A_254] : memref<25x80xi32, #tpu.memory_space<vmem>> -> memref<1x80xi32, #tpu.memory_space<vmem>>
        %dma_start3A_256 = tpu.memref_squeeze %dma_start3A_255 : memref<1x80xi32, #tpu.memory_space<vmem>> -> memref<80xi32, #tpu.memory_space<vmem>>
        %dma_start3A_257 = arith.constant 0 : i32
        %dma_start3A_258 = arith.constant 0 : i32
        %dma_start3A_259 = tpu.memref_slice %arg5[%dma_start3A_257, %dma_start3A_258] : memref<10240x128xf32, #tpu.memory_space<vmem_shared>> -> memref<10240x128xf32, #tpu.memory_space<vmem_shared>>
        tpu.enqueue_indirect_dma source(%arg10 : memref<80x128xf32, #tpu.memory_space<vmem>>) target(%dma_start3A_259 : memref<10240x128xf32, #tpu.memory_space<vmem_shared>>) offsets(%dma_start3A_256 : memref<80xi32, #tpu.memory_space<vmem>>) semaphore(%arg16 : memref<!tpu.dma_semaphore, #tpu.memory_space<semaphore_mem>>) {add = true}
        %sub3A_260 = arith.constant 1 : i32
        %sub3A_261 = arith.subi %add3A_247, %sub3A_260 : i32
        %dma_wait3A_262 = arith.constant 0 : i32
        %dma_wait3A_263 = tpu.memref_slice %arg7[%sub3A_261, %dma_wait3A_262] : memref<25x80xi32, #tpu.memory_space<vmem>> -> memref<1x80xi32, #tpu.memory_space<vmem>>
        %dma_wait3A_264 = tpu.memref_squeeze %dma_wait3A_263 : memref<1x80xi32, #tpu.memory_space<vmem>> -> memref<80xi32, #tpu.memory_space<vmem>>
        %dma_wait3A_265 = arith.constant 0 : i32
        %dma_wait3A_266 = arith.constant 0 : i32
        %dma_wait3A_267 = tpu.memref_slice %arg5[%dma_wait3A_265, %dma_wait3A_266] : memref<10240x128xf32, #tpu.memory_space<vmem_shared>> -> memref<10240x128xf32, #tpu.memory_space<vmem_shared>>
        tpu.wait_indirect_dma semaphore(%arg15 : memref<!tpu.dma_semaphore, #tpu.memory_space<semaphore_mem>>) src(%arg9 : memref<80x128xf32, #tpu.memory_space<vmem>>) dst(%dma_wait3A_267 : memref<10240x128xf32, #tpu.memory_space<vmem_shared>>)
        %add3A_268 = arith.constant 2 : i32
        %add3A_269 = arith.addi %add3A_247, %add3A_268 : i32
        %dma_start3A_270 = arith.constant 0 : i32
        %dma_start3A_271 = tpu.memref_slice %arg6[%add3A_269, %dma_start3A_270] : memref<25x80xi32, #tpu.memory_space<vmem>> -> memref<1x80xi32, #tpu.memory_space<vmem>>
        %dma_start3A_272 = tpu.memref_squeeze %dma_start3A_271 : memref<1x80xi32, #tpu.memory_space<vmem>> -> memref<80xi32, #tpu.memory_space<vmem>>
        %dma_start3A_273 = arith.constant 0 : i32
        %dma_start3A_274 = arith.constant 0 : i32
        %dma_start3A_275 = tpu.memref_slice %arg2[%dma_start3A_273, %dma_start3A_274] : memref<10000x128xf32, #tpu.memory_space<hbm>> -> memref<10000x128xf32, #tpu.memory_space<hbm>>
        tpu.enqueue_indirect_dma source(%dma_start3A_275 : memref<10000x128xf32, #tpu.memory_space<hbm>>) target(%arg9 : memref<80x128xf32, #tpu.memory_space<vmem>>) offsets(%dma_start3A_272 : memref<80xi32, #tpu.memory_space<vmem>>) semaphore(%arg12 : memref<!tpu.dma_semaphore, #tpu.memory_space<semaphore_mem>>)
        %mul3A_276 = arith.constant 3 : i32
        %mul3A_277 = arith.muli %mul3A_276, %scan3A_208 : i32
        %add3A_278 = arith.constant 1 : i32
        %add3A_279 = arith.addi %mul3A_277, %add3A_278 : i32
        %add3A_280 = arith.constant 2 : i32
        %add3A_281 = arith.addi %add3A_279, %add3A_280 : i32
        %dma_wait3A_282 = arith.constant 0 : i32
        %dma_wait3A_283 = tpu.memref_slice %arg6[%add3A_281, %dma_wait3A_282] : memref<25x80xi32, #tpu.memory_space<vmem>> -> memref<1x80xi32, #tpu.memory_space<vmem>>
        %dma_wait3A_284 = tpu.memref_squeeze %dma_wait3A_283 : memref<1x80xi32, #tpu.memory_space<vmem>> -> memref<80xi32, #tpu.memory_space<vmem>>
        %dma_wait3A_285 = arith.constant 0 : i32
        %dma_wait3A_286 = arith.constant 0 : i32
        %dma_wait3A_287 = tpu.memref_slice %arg2[%dma_wait3A_285, %dma_wait3A_286] : memref<10000x128xf32, #tpu.memory_space<hbm>> -> memref<10000x128xf32, #tpu.memory_space<hbm>>
        tpu.wait_indirect_dma semaphore(%arg11 : memref<!tpu.dma_semaphore, #tpu.memory_space<semaphore_mem>>) src(%dma_wait3A_287 : memref<10000x128xf32, #tpu.memory_space<hbm>>) dst(%arg8 : memref<80x128xf32, #tpu.memory_space<vmem>>)
        %dma_start3A_288 = arith.constant 0 : i32
        %dma_start3A_289 = tpu.memref_slice %arg7[%add3A_281, %dma_start3A_288] : memref<25x80xi32, #tpu.memory_space<vmem>> -> memref<1x80xi32, #tpu.memory_space<vmem>>
        %dma_start3A_290 = tpu.memref_squeeze %dma_start3A_289 : memref<1x80xi32, #tpu.memory_space<vmem>> -> memref<80xi32, #tpu.memory_space<vmem>>
        %dma_start3A_291 = arith.constant 0 : i32
        %dma_start3A_292 = arith.constant 0 : i32
        %dma_start3A_293 = tpu.memref_slice %arg5[%dma_start3A_291, %dma_start3A_292] : memref<10240x128xf32, #tpu.memory_space<vmem_shared>> -> memref<10240x128xf32, #tpu.memory_space<vmem_shared>>
        tpu.enqueue_indirect_dma source(%arg8 : memref<80x128xf32, #tpu.memory_space<vmem>>) target(%dma_start3A_293 : memref<10240x128xf32, #tpu.memory_space<vmem_shared>>) offsets(%dma_start3A_290 : memref<80xi32, #tpu.memory_space<vmem>>) semaphore(%arg14 : memref<!tpu.dma_semaphore, #tpu.memory_space<semaphore_mem>>) {add = true}
        %sub3A_294 = arith.constant 1 : i32
        %sub3A_295 = arith.subi %add3A_281, %sub3A_294 : i32
        %dma_wait3A_296 = arith.constant 0 : i32
        %dma_wait3A_297 = tpu.memref_slice %arg7[%sub3A_295, %dma_wait3A_296] : memref<25x80xi32, #tpu.memory_space<vmem>> -> memref<1x80xi32, #tpu.memory_space<vmem>>
        %dma_wait3A_298 = tpu.memref_squeeze %dma_wait3A_297 : memref<1x80xi32, #tpu.memory_space<vmem>> -> memref<80xi32, #tpu.memory_space<vmem>>
        %dma_wait3A_299 = arith.constant 0 : i32
        %dma_wait3A_300 = arith.constant 0 : i32
        %dma_wait3A_301 = tpu.memref_slice %arg5[%dma_wait3A_299, %dma_wait3A_300] : memref<10240x128xf32, #tpu.memory_space<vmem_shared>> -> memref<10240x128xf32, #tpu.memory_space<vmem_shared>>
        tpu.wait_indirect_dma semaphore(%arg16 : memref<!tpu.dma_semaphore, #tpu.memory_space<semaphore_mem>>) src(%arg10 : memref<80x128xf32, #tpu.memory_space<vmem>>) dst(%dma_wait3A_301 : memref<10240x128xf32, #tpu.memory_space<vmem_shared>>)
        %add3A_302 = arith.constant 2 : i32
        %add3A_303 = arith.addi %add3A_281, %add3A_302 : i32
        %dma_start3A_304 = arith.constant 0 : i32
        %dma_start3A_305 = tpu.memref_slice %arg6[%add3A_303, %dma_start3A_304] : memref<25x80xi32, #tpu.memory_space<vmem>> -> memref<1x80xi32, #tpu.memory_space<vmem>>
        %dma_start3A_306 = tpu.memref_squeeze %dma_start3A_305 : memref<1x80xi32, #tpu.memory_space<vmem>> -> memref<80xi32, #tpu.memory_space<vmem>>
        %dma_start3A_307 = arith.constant 0 : i32
        %dma_start3A_308 = arith.constant 0 : i32
        %dma_start3A_309 = tpu.memref_slice %arg2[%dma_start3A_307, %dma_start3A_308] : memref<10000x128xf32, #tpu.memory_space<hbm>> -> memref<10000x128xf32, #tpu.memory_space<hbm>>
        tpu.enqueue_indirect_dma source(%dma_start3A_309 : memref<10000x128xf32, #tpu.memory_space<hbm>>) target(%arg10 : memref<80x128xf32, #tpu.memory_space<vmem>>) offsets(%dma_start3A_306 : memref<80xi32, #tpu.memory_space<vmem>>) semaphore(%arg13 : memref<!tpu.dma_semaphore, #tpu.memory_space<semaphore_mem>>)
      }
      %scan3A_118 = arith.constant 7 : i32
      %dma_wait3A_119 = arith.constant 22 : i32
      %dma_wait3A_120 = arith.constant 0 : i32
      %dma_wait3A_121 = tpu.memref_slice %arg6[%dma_wait3A_119, %dma_wait3A_120] : memref<25x80xi32, #tpu.memory_space<vmem>> -> memref<1x80xi32, #tpu.memory_space<vmem>>
      %dma_wait3A_122 = tpu.memref_squeeze %dma_wait3A_121 : memref<1x80xi32, #tpu.memory_space<vmem>> -> memref<80xi32, #tpu.memory_space<vmem>>
      %dma_wait3A_123 = arith.constant 0 : i32
      %dma_wait3A_124 = arith.constant 0 : i32
      %dma_wait3A_125 = tpu.memref_slice %arg2[%dma_wait3A_123, %dma_wait3A_124] : memref<10000x128xf32, #tpu.memory_space<hbm>> -> memref<10000x128xf32, #tpu.memory_space<hbm>>
      tpu.wait_indirect_dma semaphore(%arg12 : memref<!tpu.dma_semaphore, #tpu.memory_space<semaphore_mem>>) src(%dma_wait3A_125 : memref<10000x128xf32, #tpu.memory_space<hbm>>) dst(%arg9 : memref<80x128xf32, #tpu.memory_space<vmem>>)
      %dma_start3A_126 = arith.constant 22 : i32
      %dma_start3A_127 = arith.constant 0 : i32
      %dma_start3A_128 = tpu.memref_slice %arg7[%dma_start3A_126, %dma_start3A_127] : memref<25x80xi32, #tpu.memory_space<vmem>> -> memref<1x80xi32, #tpu.memory_space<vmem>>
      %dma_start3A_129 = tpu.memref_squeeze %dma_start3A_128 : memref<1x80xi32, #tpu.memory_space<vmem>> -> memref<80xi32, #tpu.memory_space<vmem>>
      %dma_start3A_130 = arith.constant 0 : i32
      %dma_start3A_131 = arith.constant 0 : i32
      %dma_start3A_132 = tpu.memref_slice %arg5[%dma_start3A_130, %dma_start3A_131] : memref<10240x128xf32, #tpu.memory_space<vmem_shared>> -> memref<10240x128xf32, #tpu.memory_space<vmem_shared>>
      tpu.enqueue_indirect_dma source(%arg9 : memref<80x128xf32, #tpu.memory_space<vmem>>) target(%dma_start3A_132 : memref<10240x128xf32, #tpu.memory_space<vmem_shared>>) offsets(%dma_start3A_129 : memref<80xi32, #tpu.memory_space<vmem>>) semaphore(%arg15 : memref<!tpu.dma_semaphore, #tpu.memory_space<semaphore_mem>>) {add = true}
      %dma_wait3A_133 = arith.constant 21 : i32
      %dma_wait3A_134 = arith.constant 0 : i32
      %dma_wait3A_135 = tpu.memref_slice %arg7[%dma_wait3A_133, %dma_wait3A_134] : memref<25x80xi32, #tpu.memory_space<vmem>> -> memref<1x80xi32, #tpu.memory_space<vmem>>
      %dma_wait3A_136 = tpu.memref_squeeze %dma_wait3A_135 : memref<1x80xi32, #tpu.memory_space<vmem>> -> memref<80xi32, #tpu.memory_space<vmem>>
      %dma_wait3A_137 = arith.constant 0 : i32
      %dma_wait3A_138 = arith.constant 0 : i32
      %dma_wait3A_139 = tpu.memref_slice %arg5[%dma_wait3A_137, %dma_wait3A_138] : memref<10240x128xf32, #tpu.memory_space<vmem_shared>> -> memref<10240x128xf32, #tpu.memory_space<vmem_shared>>
      tpu.wait_indirect_dma semaphore(%arg14 : memref<!tpu.dma_semaphore, #tpu.memory_space<semaphore_mem>>) src(%arg8 : memref<80x128xf32, #tpu.memory_space<vmem>>) dst(%dma_wait3A_139 : memref<10240x128xf32, #tpu.memory_space<vmem_shared>>)
      %dma_start3A_140 = arith.constant 24 : i32
      %dma_start3A_141 = arith.constant 0 : i32
      %dma_start3A_142 = tpu.memref_slice %arg6[%dma_start3A_140, %dma_start3A_141] : memref<25x80xi32, #tpu.memory_space<vmem>> -> memref<1x80xi32, #tpu.memory_space<vmem>>
      %dma_start3A_143 = tpu.memref_squeeze %dma_start3A_142 : memref<1x80xi32, #tpu.memory_space<vmem>> -> memref<80xi32, #tpu.memory_space<vmem>>
      %dma_start3A_144 = arith.constant 0 : i32
      %dma_start3A_145 = arith.constant 0 : i32
      %dma_start3A_146 = tpu.memref_slice %arg2[%dma_start3A_144, %dma_start3A_145] : memref<10000x128xf32, #tpu.memory_space<hbm>> -> memref<10000x128xf32, #tpu.memory_space<hbm>>
      tpu.enqueue_indirect_dma source(%dma_start3A_146 : memref<10000x128xf32, #tpu.memory_space<hbm>>) target(%arg8 : memref<80x128xf32, #tpu.memory_space<vmem>>) offsets(%dma_start3A_143 : memref<80xi32, #tpu.memory_space<vmem>>) semaphore(%arg11 : memref<!tpu.dma_semaphore, #tpu.memory_space<semaphore_mem>>)
      %dma_wait3A_147 = arith.constant 23 : i32
      %dma_wait3A_148 = arith.constant 0 : i32
      %dma_wait3A_149 = tpu.memref_slice %arg6[%dma_wait3A_147, %dma_wait3A_148] : memref<25x80xi32, #tpu.memory_space<vmem>> -> memref<1x80xi32, #tpu.memory_space<vmem>>
      %dma_wait3A_150 = tpu.memref_squeeze %dma_wait3A_149 : memref<1x80xi32, #tpu.memory_space<vmem>> -> memref<80xi32, #tpu.memory_space<vmem>>
      %dma_wait3A_151 = arith.constant 0 : i32
      %dma_wait3A_152 = arith.constant 0 : i32
      %dma_wait3A_153 = tpu.memref_slice %arg2[%dma_wait3A_151, %dma_wait3A_152] : memref<10000x128xf32, #tpu.memory_space<hbm>> -> memref<10000x128xf32, #tpu.memory_space<hbm>>
      tpu.wait_indirect_dma semaphore(%arg13 : memref<!tpu.dma_semaphore, #tpu.memory_space<semaphore_mem>>) src(%dma_wait3A_153 : memref<10000x128xf32, #tpu.memory_space<hbm>>) dst(%arg10 : memref<80x128xf32, #tpu.memory_space<vmem>>)
      %dma_start3A_154 = arith.constant 23 : i32
      %dma_start3A_155 = arith.constant 0 : i32
      %dma_start3A_156 = tpu.memref_slice %arg7[%dma_start3A_154, %dma_start3A_155] : memref<25x80xi32, #tpu.memory_space<vmem>> -> memref<1x80xi32, #tpu.memory_space<vmem>>
      %dma_start3A_157 = tpu.memref_squeeze %dma_start3A_156 : memref<1x80xi32, #tpu.memory_space<vmem>> -> memref<80xi32, #tpu.memory_space<vmem>>
      %dma_start3A_158 = arith.constant 0 : i32
      %dma_start3A_159 = arith.constant 0 : i32
      %dma_start3A_160 = tpu.memref_slice %arg5[%dma_start3A_158, %dma_start3A_159] : memref<10240x128xf32, #tpu.memory_space<vmem_shared>> -> memref<10240x128xf32, #tpu.memory_space<vmem_shared>>
      tpu.enqueue_indirect_dma source(%arg10 : memref<80x128xf32, #tpu.memory_space<vmem>>) target(%dma_start3A_160 : memref<10240x128xf32, #tpu.memory_space<vmem_shared>>) offsets(%dma_start3A_157 : memref<80xi32, #tpu.memory_space<vmem>>) semaphore(%arg16 : memref<!tpu.dma_semaphore, #tpu.memory_space<semaphore_mem>>) {add = true}
      %dma_wait3A_161 = arith.constant 24 : i32
      %dma_wait3A_162 = arith.constant 0 : i32
      %dma_wait3A_163 = tpu.memref_slice %arg6[%dma_wait3A_161, %dma_wait3A_162] : memref<25x80xi32, #tpu.memory_space<vmem>> -> memref<1x80xi32, #tpu.memory_space<vmem>>
      %dma_wait3A_164 = tpu.memref_squeeze %dma_wait3A_163 : memref<1x80xi32, #tpu.memory_space<vmem>> -> memref<80xi32, #tpu.memory_space<vmem>>
      %dma_wait3A_165 = arith.constant 0 : i32
      %dma_wait3A_166 = arith.constant 0 : i32
      %dma_wait3A_167 = tpu.memref_slice %arg2[%dma_wait3A_165, %dma_wait3A_166] : memref<10000x128xf32, #tpu.memory_space<hbm>> -> memref<10000x128xf32, #tpu.memory_space<hbm>>
      tpu.wait_indirect_dma semaphore(%arg11 : memref<!tpu.dma_semaphore, #tpu.memory_space<semaphore_mem>>) src(%dma_wait3A_167 : memref<10000x128xf32, #tpu.memory_space<hbm>>) dst(%arg8 : memref<80x128xf32, #tpu.memory_space<vmem>>)
      %add3A_168 = arith.constant 1 : i32
      %add3A_169 = arith.addi %scan3A_50, %add3A_168 : i32
      %min3A = arith.constant 4 : i32
      %min3A_170 = arith.minsi %add3A_169, %min3A : i32
      %dma_start3A_171 = arith.constant 0 : i32
      %dma_start3A_172 = arith.constant 0 : i32
      %dma_start3A_173 = arith.constant 0 : i32
      %dma_start3A_174 = tpu.memref_slice %arg3[%dma_start3A_171, %add3A, %min3A_170, %dma_start3A_172, %dma_start3A_173] : memref<2x32x5x25x80xi32, #tpu.memory_space<hbm>> -> memref<1x1x1x25x80xi32, #tpu.memory_space<hbm>>
      %dma_start3A_175 = tpu.memref_squeeze %dma_start3A_174 : memref<1x1x1x25x80xi32, #tpu.memory_space<hbm>> -> memref<25x80xi32, #tpu.memory_space<hbm>>
      %dma_start3A_176 = arith.constant 0 : i32
      %dma_start3A_177 = arith.constant 0 : i32
      %dma_start3A_178 = tpu.memref_slice %arg3[%dma_start3A_171, %add3A, %min3A_170, %dma_start3A_176, %dma_start3A_177] : memref<2x32x5x25x80xi32, #tpu.memory_space<hbm>> -> memref<1x1x1x25x80xi32, #tpu.memory_space<hbm>>
      %dma_start3A_179 = tpu.memref_squeeze %dma_start3A_178 : memref<1x1x1x25x80xi32, #tpu.memory_space<hbm>> -> memref<25x80xi32, #tpu.memory_space<hbm>>
      tpu.enqueue_dma source(%dma_start3A_179 : memref<25x80xi32, #tpu.memory_space<hbm>>) target(%arg6 : memref<25x80xi32, #tpu.memory_space<vmem>>) target_semaphore(%arg11 : memref<!tpu.dma_semaphore, #tpu.memory_space<semaphore_mem>>)
      %dma_start3A_180 = arith.constant 24 : i32
      %dma_start3A_181 = arith.constant 0 : i32
      %dma_start3A_182 = tpu.memref_slice %arg7[%dma_start3A_180, %dma_start3A_181] : memref<25x80xi32, #tpu.memory_space<vmem>> -> memref<1x80xi32, #tpu.memory_space<vmem>>
      %dma_start3A_183 = tpu.memref_squeeze %dma_start3A_182 : memref<1x80xi32, #tpu.memory_space<vmem>> -> memref<80xi32, #tpu.memory_space<vmem>>
      %dma_start3A_184 = arith.constant 0 : i32
      %dma_start3A_185 = arith.constant 0 : i32
      %dma_start3A_186 = tpu.memref_slice %arg5[%dma_start3A_184, %dma_start3A_185] : memref<10240x128xf32, #tpu.memory_space<vmem_shared>> -> memref<10240x128xf32, #tpu.memory_space<vmem_shared>>
      tpu.enqueue_indirect_dma source(%arg8 : memref<80x128xf32, #tpu.memory_space<vmem>>) target(%dma_start3A_186 : memref<10240x128xf32, #tpu.memory_space<vmem_shared>>) offsets(%dma_start3A_183 : memref<80xi32, #tpu.memory_space<vmem>>) semaphore(%arg14 : memref<!tpu.dma_semaphore, #tpu.memory_space<semaphore_mem>>) {add = true}
      %dma_wait3A_187 = arith.constant 22 : i32
      %dma_wait3A_188 = arith.constant 0 : i32
      %dma_wait3A_189 = tpu.memref_slice %arg7[%dma_wait3A_187, %dma_wait3A_188] : memref<25x80xi32, #tpu.memory_space<vmem>> -> memref<1x80xi32, #tpu.memory_space<vmem>>
      %dma_wait3A_190 = tpu.memref_squeeze %dma_wait3A_189 : memref<1x80xi32, #tpu.memory_space<vmem>> -> memref<80xi32, #tpu.memory_space<vmem>>
      %dma_wait3A_191 = arith.constant 0 : i32
      %dma_wait3A_192 = arith.constant 0 : i32
      %dma_wait3A_193 = tpu.memref_slice %arg5[%dma_wait3A_191, %dma_wait3A_192] : memref<10240x128xf32, #tpu.memory_space<vmem_shared>> -> memref<10240x128xf32, #tpu.memory_space<vmem_shared>>
      tpu.wait_indirect_dma semaphore(%arg15 : memref<!tpu.dma_semaphore, #tpu.memory_space<semaphore_mem>>) src(%arg9 : memref<80x128xf32, #tpu.memory_space<vmem>>) dst(%dma_wait3A_193 : memref<10240x128xf32, #tpu.memory_space<vmem_shared>>)
      %dma_wait3A_194 = arith.constant 23 : i32
      %dma_wait3A_195 = arith.constant 0 : i32
      %dma_wait3A_196 = tpu.memref_slice %arg7[%dma_wait3A_194, %dma_wait3A_195] : memref<25x80xi32, #tpu.memory_space<vmem>> -> memref<1x80xi32, #tpu.memory_space<vmem>>
      %dma_wait3A_197 = tpu.memref_squeeze %dma_wait3A_196 : memref<1x80xi32, #tpu.memory_space<vmem>> -> memref<80xi32, #tpu.memory_space<vmem>>
      %dma_wait3A_198 = arith.constant 0 : i32
      %dma_wait3A_199 = arith.constant 0 : i32
      %dma_wait3A_200 = tpu.memref_slice %arg5[%dma_wait3A_198, %dma_wait3A_199] : memref<10240x128xf32, #tpu.memory_space<vmem_shared>> -> memref<10240x128xf32, #tpu.memory_space<vmem_shared>>
      tpu.wait_indirect_dma semaphore(%arg16 : memref<!tpu.dma_semaphore, #tpu.memory_space<semaphore_mem>>) src(%arg10 : memref<80x128xf32, #tpu.memory_space<vmem>>) dst(%dma_wait3A_200 : memref<10240x128xf32, #tpu.memory_space<vmem_shared>>)
      %dma_wait3A_201 = arith.constant 24 : i32
      %dma_wait3A_202 = arith.constant 0 : i32
      %dma_wait3A_203 = tpu.memref_slice %arg7[%dma_wait3A_201, %dma_wait3A_202] : memref<25x80xi32, #tpu.memory_space<vmem>> -> memref<1x80xi32, #tpu.memory_space<vmem>>
      %dma_wait3A_204 = tpu.memref_squeeze %dma_wait3A_203 : memref<1x80xi32, #tpu.memory_space<vmem>> -> memref<80xi32, #tpu.memory_space<vmem>>
      %dma_wait3A_205 = arith.constant 0 : i32
      %dma_wait3A_206 = arith.constant 0 : i32
      %dma_wait3A_207 = tpu.memref_slice %arg5[%dma_wait3A_205, %dma_wait3A_206] : memref<10240x128xf32, #tpu.memory_space<vmem_shared>> -> memref<10240x128xf32, #tpu.memory_space<vmem_shared>>
      tpu.wait_indirect_dma semaphore(%arg14 : memref<!tpu.dma_semaphore, #tpu.memory_space<semaphore_mem>>) src(%arg8 : memref<80x128xf32, #tpu.memory_space<vmem>>) dst(%dma_wait3A_207 : memref<10240x128xf32, #tpu.memory_space<vmem_shared>>)
    }
    %scan3A_39 = arith.constant 5 : i32
    %dma_wait3A = arith.constant 0 : i32
    %dma_wait3A_40 = arith.constant 4 : i32
    %dma_wait3A_41 = arith.constant 0 : i32
    %dma_wait3A_42 = arith.constant 0 : i32
    %dma_wait3A_43 = tpu.memref_slice %arg3[%dma_wait3A, %add3A, %dma_wait3A_40, %dma_wait3A_41, %dma_wait3A_42] : memref<2x32x5x25x80xi32, #tpu.memory_space<hbm>> -> memref<1x1x1x25x80xi32, #tpu.memory_space<hbm>>
    %dma_wait3A_44 = tpu.memref_squeeze %dma_wait3A_43 : memref<1x1x1x25x80xi32, #tpu.memory_space<hbm>> -> memref<25x80xi32, #tpu.memory_space<hbm>>
    %dma_wait3A_45 = arith.constant 0 : i32
    %dma_wait3A_46 = arith.constant 0 : i32
    %dma_wait3A_47 = tpu.memref_slice %arg3[%dma_wait3A, %add3A, %dma_wait3A_40, %dma_wait3A_45, %dma_wait3A_46] : memref<2x32x5x25x80xi32, #tpu.memory_space<hbm>> -> memref<1x1x1x25x80xi32, #tpu.memory_space<hbm>>
    %dma_wait3A_48 = tpu.memref_squeeze %dma_wait3A_47 : memref<1x1x1x25x80xi32, #tpu.memory_space<hbm>> -> memref<25x80xi32, #tpu.memory_space<hbm>>
    tpu.wait_dma2 semaphore(%arg11 : memref<!tpu.dma_semaphore, #tpu.memory_space<semaphore_mem>>) src(%dma_wait3A_48 : memref<25x80xi32, #tpu.memory_space<hbm>>) dst(%arg6 : memref<25x80xi32, #tpu.memory_space<vmem>>)
    %barrier3A_49 = arith.constant 0 : index
    tpu.barrier barrier_id(%barrier3A_49)
    "tpu.region"() ({
      %run_scoped3A = tpu.sem_alloc : memref<!tpu.dma_semaphore, #tpu.memory_space<semaphore_mem>>
      %dma_start3A_50 = arith.constant 0 : i32
      %dma_start3A_51 = tpu.memref_slice %arg4[%arg0, %mul3A_17, %dma_start3A_50] : memref<2x10240x128xf32, #tpu.memory_space<hbm>> -> memref<1x640x128xf32, #tpu.memory_space<hbm>>
      %dma_start3A_52 = tpu.memref_squeeze %dma_start3A_51 : memref<1x640x128xf32, #tpu.memory_space<hbm>> -> memref<640x128xf32, #tpu.memory_space<hbm>>
      %dma_start3A_53 = arith.constant 0 : i32
      %dma_start3A_54 = tpu.memref_slice %arg5[%mul3A_17, %dma_start3A_53] : memref<10240x128xf32, #tpu.memory_space<vmem_shared>> -> memref<640x128xf32, #tpu.memory_space<vmem_shared>>
      tpu.enqueue_dma source(%dma_start3A_54 : memref<640x128xf32, #tpu.memory_space<vmem_shared>>) target(%dma_start3A_52 : memref<640x128xf32, #tpu.memory_space<hbm>>) target_semaphore(%run_scoped3A : memref<!tpu.dma_semaphore, #tpu.memory_space<semaphore_mem>>)
      %dma_wait3A_55 = arith.constant 0 : i32
      %dma_wait3A_56 = tpu.memref_slice %arg4[%arg0, %mul3A_17, %dma_wait3A_55] : memref<2x10240x128xf32, #tpu.memory_space<hbm>> -> memref<1x640x128xf32, #tpu.memory_space<hbm>>
      %dma_wait3A_57 = tpu.memref_squeeze %dma_wait3A_56 : memref<1x640x128xf32, #tpu.memory_space<hbm>> -> memref<640x128xf32, #tpu.memory_space<hbm>>
      %dma_wait3A_58 = arith.constant 0 : i32
      %dma_wait3A_59 = tpu.memref_slice %arg5[%mul3A_17, %dma_wait3A_58] : memref<10240x128xf32, #tpu.memory_space<vmem_shared>> -> memref<640x128xf32, #tpu.memory_space<vmem_shared>>
      tpu.wait_dma2 semaphore(%run_scoped3A : memref<!tpu.dma_semaphore, #tpu.memory_space<semaphore_mem>>) src(%dma_wait3A_59 : memref<640x128xf32, #tpu.memory_space<vmem_shared>>) dst(%dma_wait3A_57 : memref<640x128xf32, #tpu.memory_space<hbm>>)
      tpu.yield
    }) : () -> ()
    return
  }
}

#map = affine_map<(d0, d1) -> (0, 0)>
#map1 = affine_map<(d0, d1) -> (0, 0, 0, 0, 0)>
#map2 = affine_map<(d0, d1) -> (0, 0, 0)>
module attributes {stable_mosaic.version = 14 : i64} {
  func.func @k(%arg0: i32, %arg1: i32, %arg2: memref<10000x128xf32, #tpu.memory_space<hbm>>, %arg3: memref<2x32x5x25x80xi32, #tpu.memory_space<hbm>>, %arg4: memref<2x10240x128xf32, #tpu.memory_space<hbm>>, %arg5: memref<10240x128xf32, #tpu.memory_space<vmem_shared>>, %arg6: memref<25x80xi32, #tpu.memory_space<vmem>>, %arg7: memref<25x80xi32, #tpu.memory_space<vmem>>, %arg8: memref<80x128xf32, #tpu.memory_space<vmem>>, %arg9: memref<80x128xf32, #tpu.memory_space<vmem>>, %arg10: memref<80x128xf32, #tpu.memory_space<vmem>>, %arg11: memref<!tpu.dma_semaphore, #tpu.memory_space<semaphore_mem>>, %arg12: memref<!tpu.dma_semaphore, #tpu.memory_space<semaphore_mem>>, %arg13: memref<!tpu.dma_semaphore, #tpu.memory_space<semaphore_mem>>, %arg14: memref<!tpu.dma_semaphore, #tpu.memory_space<semaphore_mem>>, %arg15: memref<!tpu.dma_semaphore, #tpu.memory_space<semaphore_mem>>, %arg16: memref<!tpu.dma_semaphore, #tpu.memory_space<semaphore_mem>>) attributes {dimension_semantics = [#tpu.dimension_semantics<core_parallel>, #tpu.dimension_semantics<subcore_parallel>], iteration_bounds = array<i64: 2, 16>, scalar_prefetch = 0 : i64, scratch_operands = 12 : i64, tpu.core_type = #tpu.core_type<sc_vector_subcore>, window_params = [{transform_indices = #map}, {transform_indices = #map1}, {transform_indices = #map2}]} {
    %mul3A = arith.constant 16 : i32
    %mul3A_0 = arith.muli %arg0, %mul3A : i32
    %add3A = arith.addi %mul3A_0, %arg1 : i32
    %broadcast_in_dim3A = arith.constant 0.000000e+00 : f32
    %broadcast_in_dim3A_1 = vector.broadcast %broadcast_in_dim3A : f32 to vector<16xf32>
    %scan3A = arith.constant 0 : i32
    %scan3A_2 = arith.constant 0 : i32
    %scan3A_3 = arith.constant 80 : i32
    %scan3A_4 = arith.addi %scan3A_2, %scan3A_3 : i32
    %scan3A_5 = arith.constant 1 : i32
    scf.for %scan3A_50 = %scan3A_2 to %scan3A_4 step %scan3A_5  : i32 {
      %swap3A = arith.index_cast %scan3A_50 : i32 to index
      %swap3A_51 = arith.constant 0 : index
      %swap3A_52 = tpu.vector_load %arg9[%swap3A, %swap3A_51] {strides = array<i32>} : memref<80x128xf32, #tpu.memory_space<vmem>>, vector<1x16xf32>,
      %swap3A_53 = vector.shape_cast %swap3A_52 : vector<1x16xf32> to vector<16xf32>
      %swap3A_54 = vector.shape_cast %broadcast_in_dim3A_1 : vector<16xf32> to vector<1x16xf32>
      tpu.vector_store %arg9[%swap3A, %swap3A_51], %swap3A_54 {strides = array<i32>} : memref<80x128xf32, #tpu.memory_space<vmem>>, vector<1x16xf32>,
      %swap3A_55 = arith.index_cast %scan3A_50 : i32 to index
      %swap3A_56 = arith.constant 16 : index
      %swap3A_57 = tpu.vector_load %arg9[%swap3A_55, %swap3A_56] {strides = array<i32>} : memref<80x128xf32, #tpu.memory_space<vmem>>, vector<1x16xf32>,
      %swap3A_58 = vector.shape_cast %swap3A_57 : vector<1x16xf32> to vector<16xf32>
      %swap3A_59 = vector.shape_cast %broadcast_in_dim3A_1 : vector<16xf32> to vector<1x16xf32>
      tpu.vector_store %arg9[%swap3A_55, %swap3A_56], %swap3A_59 {strides = array<i32>} : memref<80x128xf32, #tpu.memory_space<vmem>>, vector<1x16xf32>,
      %swap3A_60 = arith.index_cast %scan3A_50 : i32 to index
      %swap3A_61 = arith.constant 32 : index
      %swap3A_62 = tpu.vector_load %arg9[%swap3A_60, %swap3A_61] {strides = array<i32>} : memref<80x128xf32, #tpu.memory_space<vmem>>, vector<1x16xf32>,
      %swap3A_63 = vector.shape_cast %swap3A_62 : vector<1x16xf32> to vector<16xf32>
      %swap3A_64 = vector.shape_cast %broadcast_in_dim3A_1 : vector<16xf32> to vector<1x16xf32>
      tpu.vector_store %arg9[%swap3A_60, %swap3A_61], %swap3A_64 {strides = array<i32>} : memref<80x128xf32, #tpu.memory_space<vmem>>, vector<1x16xf32>,
      %swap3A_65 = arith.index_cast %scan3A_50 : i32 to index
      %swap3A_66 = arith.constant 48 : index
      %swap3A_67 = tpu.vector_load %arg9[%swap3A_65, %swap3A_66] {strides = array<i32>} : memref<80x128xf32, #tpu.memory_space<vmem>>, vector<1x16xf32>,
      %swap3A_68 = vector.shape_cast %swap3A_67 : vector<1x16xf32> to vector<16xf32>
      %swap3A_69 = vector.shape_cast %broadcast_in_dim3A_1 : vector<16xf32> to vector<1x16xf32>
      tpu.vector_store %arg9[%swap3A_65, %swap3A_66], %swap3A_69 {strides = array<i32>} : memref<80x128xf32, #tpu.memory_space<vmem>>, vector<1x16xf32>,
      %swap3A_70 = arith.index_cast %scan3A_50 : i32 to index
      %swap3A_71 = arith.constant 64 : index
      %swap3A_72 = tpu.vector_load %arg9[%swap3A_70, %swap3A_71] {strides = array<i32>} : memref<80x128xf32, #tpu.memory_space<vmem>>, vector<1x16xf32>,
      %swap3A_73 = vector.shape_cast %swap3A_72 : vector<1x16xf32> to vector<16xf32>
      %swap3A_74 = vector.shape_cast %broadcast_in_dim3A_1 : vector<16xf32> to vector<1x16xf32>
      tpu.vector_store %arg9[%swap3A_70, %swap3A_71], %swap3A_74 {strides = array<i32>} : memref<80x128xf32, #tpu.memory_space<vmem>>, vector<1x16xf32>,
      %swap3A_75 = arith.index_cast %scan3A_50 : i32 to index
      %swap3A_76 = arith.constant 80 : index
      %swap3A_77 = tpu.vector_load %arg9[%swap3A_75, %swap3A_76] {strides = array<i32>} : memref<80x128xf32, #tpu.memory_space<vmem>>, vector<1x16xf32>,
      %swap3A_78 = vector.shape_cast %swap3A_77 : vector<1x16xf32> to vector<16xf32>
      %swap3A_79 = vector.shape_cast %broadcast_in_dim3A_1 : vector<16xf32> to vector<1x16xf32>
      tpu.vector_store %arg9[%swap3A_75, %swap3A_76], %swap3A_79 {strides = array<i32>} : memref<80x128xf32, #tpu.memory_space<vmem>>, vector<1x16xf32>,
      %swap3A_80 = arith.index_cast %scan3A_50 : i32 to index
      %swap3A_81 = arith.constant 96 : index
      %swap3A_82 = tpu.vector_load %arg9[%swap3A_80, %swap3A_81] {strides = array<i32>} : memref<80x128xf32, #tpu.memory_space<vmem>>, vector<1x16xf32>,
      %swap3A_83 = vector.shape_cast %swap3A_82 : vector<1x16xf32> to vector<16xf32>
      %swap3A_84 = vector.shape_cast %broadcast_in_dim3A_1 : vector<16xf32> to vector<1x16xf32>
      tpu.vector_store %arg9[%swap3A_80, %swap3A_81], %swap3A_84 {strides = array<i32>} : memref<80x128xf32, #tpu.memory_space<vmem>>, vector<1x16xf32>,
      %swap3A_85 = arith.index_cast %scan3A_50 : i32 to index
      %swap3A_86 = arith.constant 112 : index
      %swap3A_87 = tpu.vector_load %arg9[%swap3A_85, %swap3A_86] {strides = array<i32>} : memref<80x128xf32, #tpu.memory_space<vmem>>, vector<1x16xf32>,
      %swap3A_88 = vector.shape_cast %swap3A_87 : vector<1x16xf32> to vector<16xf32>
      %swap3A_89 = vector.shape_cast %broadcast_in_dim3A_1 : vector<16xf32> to vector<1x16xf32>
      tpu.vector_store %arg9[%swap3A_85, %swap3A_86], %swap3A_89 {strides = array<i32>} : memref<80x128xf32, #tpu.memory_space<vmem>>, vector<1x16xf32>,
    }
    %scan3A_6 = arith.constant 80 : i32
    %dma_start3A = arith.constant 0 : i32
    %dma_start3A_7 = arith.constant 0 : i32
    %dma_start3A_8 = arith.constant 0 : i32
    %dma_start3A_9 = arith.constant 0 : i32
    %dma_start3A_10 = tpu.memref_slice %arg3[%dma_start3A, %add3A, %dma_start3A_7, %dma_start3A_8, %dma_start3A_9] : memref<2x32x5x25x80xi32, #tpu.memory_space<hbm>> -> memref<1x1x1x25x80xi32, #tpu.memory_space<hbm>>
    %dma_start3A_11 = tpu.memref_squeeze %dma_start3A_10 : memref<1x1x1x25x80xi32, #tpu.memory_space<hbm>> -> memref<25x80xi32, #tpu.memory_space<hbm>>
    %dma_start3A_12 = arith.constant 0 : i32
    %dma_start3A_13 = arith.constant 0 : i32
    %dma_start3A_14 = tpu.memref_slice %arg3[%dma_start3A, %add3A, %dma_start3A_7, %dma_start3A_12, %dma_start3A_13] : memref<2x32x5x25x80xi32, #tpu.memory_space<hbm>> -> memref<1x1x1x25x80xi32, #tpu.memory_space<hbm>>
    %dma_start3A_15 = tpu.memref_squeeze %dma_start3A_14 : memref<1x1x1x25x80xi32, #tpu.memory_space<hbm>> -> memref<25x80xi32, #tpu.memory_space<hbm>>
    tpu.enqueue_dma source(%dma_start3A_15 : memref<25x80xi32, #tpu.memory_space<hbm>>) target(%arg6 : memref<25x80xi32, #tpu.memory_space<vmem>>) target_semaphore(%arg11 : memref<!tpu.dma_semaphore, #tpu.memory_space<semaphore_mem>>)
    %mul3A_16 = arith.constant 640 : i32
    %mul3A_17 = arith.muli %arg1, %mul3A_16 : i32
    %add3A_18 = arith.constant 0 : i32
    %add3A_19 = arith.addi %mul3A_17, %add3A_18 : i32
    "tpu.region"() ({
      %run_scoped3A = tpu.sem_alloc : memref<!tpu.dma_semaphore, #tpu.memory_space<semaphore_mem>>
      %dma_start3A_50 = arith.constant 0 : i32
      %dma_start3A_51 = tpu.memref_slice %arg5[%add3A_19, %dma_start3A_50] : memref<10240x128xf32, #tpu.memory_space<vmem_shared>> -> memref<80x128xf32, #tpu.memory_space<vmem_shared>>
      %dma_start3A_52 = arith.constant 0 : i32
      %dma_start3A_53 = tpu.memref_slice %arg5[%add3A_19, %dma_start3A_52] : memref<10240x128xf32, #tpu.memory_space<vmem_shared>> -> memref<80x128xf32, #tpu.memory_space<vmem_shared>>
      tpu.enqueue_dma source(%arg9 : memref<80x128xf32, #tpu.memory_space<vmem>>) target(%dma_start3A_53 : memref<80x128xf32, #tpu.memory_space<vmem_shared>>) target_semaphore(%run_scoped3A : memref<!tpu.dma_semaphore, #tpu.memory_space<semaphore_mem>>)
      %dma_wait3A_54 = arith.constant 0 : i32
      %dma_wait3A_55 = tpu.memref_slice %arg5[%add3A_19, %dma_wait3A_54] : memref<10240x128xf32, #tpu.memory_space<vmem_shared>> -> memref<80x128xf32, #tpu.memory_space<vmem_shared>>
      %dma_wait3A_56 = arith.constant 0 : i32
      %dma_wait3A_57 = tpu.memref_slice %arg5[%add3A_19, %dma_wait3A_56] : memref<10240x128xf32, #tpu.memory_space<vmem_shared>> -> memref<80x128xf32, #tpu.memory_space<vmem_shared>>
      tpu.wait_dma2 semaphore(%run_scoped3A : memref<!tpu.dma_semaphore, #tpu.memory_space<semaphore_mem>>) src(%arg9 : memref<80x128xf32, #tpu.memory_space<vmem>>) dst(%dma_wait3A_57 : memref<80x128xf32, #tpu.memory_space<vmem_shared>>)
      tpu.yield
    }) : () -> ()
    %add3A_20 = arith.constant 80 : i32
    %add3A_21 = arith.addi %mul3A_17, %add3A_20 : i32
    "tpu.region"() ({
      %run_scoped3A = tpu.sem_alloc : memref<!tpu.dma_semaphore, #tpu.memory_space<semaphore_mem>>
      %dma_start3A_50 = arith.constant 0 : i32
      %dma_start3A_51 = tpu.memref_slice %arg5[%add3A_21, %dma_start3A_50] : memref<10240x128xf32, #tpu.memory_space<vmem_shared>> -> memref<80x128xf32, #tpu.memory_space<vmem_shared>>
      %dma_start3A_52 = arith.constant 0 : i32
      %dma_start3A_53 = tpu.memref_slice %arg5[%add3A_21, %dma_start3A_52] : memref<10240x128xf32, #tpu.memory_space<vmem_shared>> -> memref<80x128xf32, #tpu.memory_space<vmem_shared>>
      tpu.enqueue_dma source(%arg9 : memref<80x128xf32, #tpu.memory_space<vmem>>) target(%dma_start3A_53 : memref<80x128xf32, #tpu.memory_space<vmem_shared>>) target_semaphore(%run_scoped3A : memref<!tpu.dma_semaphore, #tpu.memory_space<semaphore_mem>>)
      %dma_wait3A_54 = arith.constant 0 : i32
      %dma_wait3A_55 = tpu.memref_slice %arg5[%add3A_21, %dma_wait3A_54] : memref<10240x128xf32, #tpu.memory_space<vmem_shared>> -> memref<80x128xf32, #tpu.memory_space<vmem_shared>>
      %dma_wait3A_56 = arith.constant 0 : i32
      %dma_wait3A_57 = tpu.memref_slice %arg5[%add3A_21, %dma_wait3A_56] : memref<10240x128xf32, #tpu.memory_space<vmem_shared>> -> memref<80x128xf32, #tpu.memory_space<vmem_shared>>
      tpu.wait_dma2 semaphore(%run_scoped3A : memref<!tpu.dma_semaphore, #tpu.memory_space<semaphore_mem>>) src(%arg9 : memref<80x128xf32, #tpu.memory_space<vmem>>) dst(%dma_wait3A_57 : memref<80x128xf32, #tpu.memory_space<vmem_shared>>)
      tpu.yield
    }) : () -> ()
    %add3A_22 = arith.constant 160 : i32
    %add3A_23 = arith.addi %mul3A_17, %add3A_22 : i32
    "tpu.region"() ({
      %run_scoped3A = tpu.sem_alloc : memref<!tpu.dma_semaphore, #tpu.memory_space<semaphore_mem>>
      %dma_start3A_50 = arith.constant 0 : i32
      %dma_start3A_51 = tpu.memref_slice %arg5[%add3A_23, %dma_start3A_50] : memref<10240x128xf32, #tpu.memory_space<vmem_shared>> -> memref<80x128xf32, #tpu.memory_space<vmem_shared>>
      %dma_start3A_52 = arith.constant 0 : i32
      %dma_start3A_53 = tpu.memref_slice %arg5[%add3A_23, %dma_start3A_52] : memref<10240x128xf32, #tpu.memory_space<vmem_shared>> -> memref<80x128xf32, #tpu.memory_space<vmem_shared>>
      tpu.enqueue_dma source(%arg9 : memref<80x128xf32, #tpu.memory_space<vmem>>) target(%dma_start3A_53 : memref<80x128xf32, #tpu.memory_space<vmem_shared>>) target_semaphore(%run_scoped3A : memref<!tpu.dma_semaphore, #tpu.memory_space<semaphore_mem>>)
      %dma_wait3A_54 = arith.constant 0 : i32
      %dma_wait3A_55 = tpu.memref_slice %arg5[%add3A_23, %dma_wait3A_54] : memref<10240x128xf32, #tpu.memory_space<vmem_shared>> -> memref<80x128xf32, #tpu.memory_space<vmem_shared>>
      %dma_wait3A_56 = arith.constant 0 : i32
      %dma_wait3A_57 = tpu.memref_slice %arg5[%add3A_23, %dma_wait3A_56] : memref<10240x128xf32, #tpu.memory_space<vmem_shared>> -> memref<80x128xf32, #tpu.memory_space<vmem_shared>>
      tpu.wait_dma2 semaphore(%run_scoped3A : memref<!tpu.dma_semaphore, #tpu.memory_space<semaphore_mem>>) src(%arg9 : memref<80x128xf32, #tpu.memory_space<vmem>>) dst(%dma_wait3A_57 : memref<80x128xf32, #tpu.memory_space<vmem_shared>>)
      tpu.yield
    }) : () -> ()
    %add3A_24 = arith.constant 240 : i32
    %add3A_25 = arith.addi %mul3A_17, %add3A_24 : i32
    "tpu.region"() ({
      %run_scoped3A = tpu.sem_alloc : memref<!tpu.dma_semaphore, #tpu.memory_space<semaphore_mem>>
      %dma_start3A_50 = arith.constant 0 : i32
      %dma_start3A_51 = tpu.memref_slice %arg5[%add3A_25, %dma_start3A_50] : memref<10240x128xf32, #tpu.memory_space<vmem_shared>> -> memref<80x128xf32, #tpu.memory_space<vmem_shared>>
      %dma_start3A_52 = arith.constant 0 : i32
      %dma_start3A_53 = tpu.memref_slice %arg5[%add3A_25, %dma_start3A_52] : memref<10240x128xf32, #tpu.memory_space<vmem_shared>> -> memref<80x128xf32, #tpu.memory_space<vmem_shared>>
      tpu.enqueue_dma source(%arg9 : memref<80x128xf32, #tpu.memory_space<vmem>>) target(%dma_start3A_53 : memref<80x128xf32, #tpu.memory_space<vmem_shared>>) target_semaphore(%run_scoped3A : memref<!tpu.dma_semaphore, #tpu.memory_space<semaphore_mem>>)
      %dma_wait3A_54 = arith.constant 0 : i32
      %dma_wait3A_55 = tpu.memref_slice %arg5[%add3A_25, %dma_wait3A_54] : memref<10240x128xf32, #tpu.memory_space<vmem_shared>> -> memref<80x128xf32, #tpu.memory_space<vmem_shared>>
      %dma_wait3A_56 = arith.constant 0 : i32
      %dma_wait3A_57 = tpu.memref_slice %arg5[%add3A_25, %dma_wait3A_56] : memref<10240x128xf32, #tpu.memory_space<vmem_shared>> -> memref<80x128xf32, #tpu.memory_space<vmem_shared>>
      tpu.wait_dma2 semaphore(%run_scoped3A : memref<!tpu.dma_semaphore, #tpu.memory_space<semaphore_mem>>) src(%arg9 : memref<80x128xf32, #tpu.memory_space<vmem>>) dst(%dma_wait3A_57 : memref<80x128xf32, #tpu.memory_space<vmem_shared>>)
      tpu.yield
    }) : () -> ()
    %add3A_26 = arith.constant 320 : i32
    %add3A_27 = arith.addi %mul3A_17, %add3A_26 : i32
    "tpu.region"() ({
      %run_scoped3A = tpu.sem_alloc : memref<!tpu.dma_semaphore, #tpu.memory_space<semaphore_mem>>
      %dma_start3A_50 = arith.constant 0 : i32
      %dma_start3A_51 = tpu.memref_slice %arg5[%add3A_27, %dma_start3A_50] : memref<10240x128xf32, #tpu.memory_space<vmem_shared>> -> memref<80x128xf32, #tpu.memory_space<vmem_shared>>
      %dma_start3A_52 = arith.constant 0 : i32
      %dma_start3A_53 = tpu.memref_slice %arg5[%add3A_27, %dma_start3A_52] : memref<10240x128xf32, #tpu.memory_space<vmem_shared>> -> memref<80x128xf32, #tpu.memory_space<vmem_shared>>
      tpu.enqueue_dma source(%arg9 : memref<80x128xf32, #tpu.memory_space<vmem>>) target(%dma_start3A_53 : memref<80x128xf32, #tpu.memory_space<vmem_shared>>) target_semaphore(%run_scoped3A : memref<!tpu.dma_semaphore, #tpu.memory_space<semaphore_mem>>)
      %dma_wait3A_54 = arith.constant 0 : i32
      %dma_wait3A_55 = tpu.memref_slice %arg5[%add3A_27, %dma_wait3A_54] : memref<10240x128xf32, #tpu.memory_space<vmem_shared>> -> memref<80x128xf32, #tpu.memory_space<vmem_shared>>
      %dma_wait3A_56 = arith.constant 0 : i32
      %dma_wait3A_57 = tpu.memref_slice %arg5[%add3A_27, %dma_wait3A_56] : memref<10240x128xf32, #tpu.memory_space<vmem_shared>> -> memref<80x128xf32, #tpu.memory_space<vmem_shared>>
      tpu.wait_dma2 semaphore(%run_scoped3A : memref<!tpu.dma_semaphore, #tpu.memory_space<semaphore_mem>>) src(%arg9 : memref<80x128xf32, #tpu.memory_space<vmem>>) dst(%dma_wait3A_57 : memref<80x128xf32, #tpu.memory_space<vmem_shared>>)
      tpu.yield
    }) : () -> ()
    %add3A_28 = arith.constant 400 : i32
    %add3A_29 = arith.addi %mul3A_17, %add3A_28 : i32
    "tpu.region"() ({
      %run_scoped3A = tpu.sem_alloc : memref<!tpu.dma_semaphore, #tpu.memory_space<semaphore_mem>>
      %dma_start3A_50 = arith.constant 0 : i32
      %dma_start3A_51 = tpu.memref_slice %arg5[%add3A_29, %dma_start3A_50] : memref<10240x128xf32, #tpu.memory_space<vmem_shared>> -> memref<80x128xf32, #tpu.memory_space<vmem_shared>>
      %dma_start3A_52 = arith.constant 0 : i32
      %dma_start3A_53 = tpu.memref_slice %arg5[%add3A_29, %dma_start3A_52] : memref<10240x128xf32, #tpu.memory_space<vmem_shared>> -> memref<80x128xf32, #tpu.memory_space<vmem_shared>>
      tpu.enqueue_dma source(%arg9 : memref<80x128xf32, #tpu.memory_space<vmem>>) target(%dma_start3A_53 : memref<80x128xf32, #tpu.memory_space<vmem_shared>>) target_semaphore(%run_scoped3A : memref<!tpu.dma_semaphore, #tpu.memory_space<semaphore_mem>>)
      %dma_wait3A_54 = arith.constant 0 : i32
      %dma_wait3A_55 = tpu.memref_slice %arg5[%add3A_29, %dma_wait3A_54] : memref<10240x128xf32, #tpu.memory_space<vmem_shared>> -> memref<80x128xf32, #tpu.memory_space<vmem_shared>>
      %dma_wait3A_56 = arith.constant 0 : i32
      %dma_wait3A_57 = tpu.memref_slice %arg5[%add3A_29, %dma_wait3A_56] : memref<10240x128xf32, #tpu.memory_space<vmem_shared>> -> memref<80x128xf32, #tpu.memory_space<vmem_shared>>
      tpu.wait_dma2 semaphore(%run_scoped3A : memref<!tpu.dma_semaphore, #tpu.memory_space<semaphore_mem>>) src(%arg9 : memref<80x128xf32, #tpu.memory_space<vmem>>) dst(%dma_wait3A_57 : memref<80x128xf32, #tpu.memory_space<vmem_shared>>)
      tpu.yield
    }) : () -> ()
    %add3A_30 = arith.constant 480 : i32
    %add3A_31 = arith.addi %mul3A_17, %add3A_30 : i32
    "tpu.region"() ({
      %run_scoped3A = tpu.sem_alloc : memref<!tpu.dma_semaphore, #tpu.memory_space<semaphore_mem>>
      %dma_start3A_50 = arith.constant 0 : i32
      %dma_start3A_51 = tpu.memref_slice %arg5[%add3A_31, %dma_start3A_50] : memref<10240x128xf32, #tpu.memory_space<vmem_shared>> -> memref<80x128xf32, #tpu.memory_space<vmem_shared>>
      %dma_start3A_52 = arith.constant 0 : i32
      %dma_start3A_53 = tpu.memref_slice %arg5[%add3A_31, %dma_start3A_52] : memref<10240x128xf32, #tpu.memory_space<vmem_shared>> -> memref<80x128xf32, #tpu.memory_space<vmem_shared>>
      tpu.enqueue_dma source(%arg9 : memref<80x128xf32, #tpu.memory_space<vmem>>) target(%dma_start3A_53 : memref<80x128xf32, #tpu.memory_space<vmem_shared>>) target_semaphore(%run_scoped3A : memref<!tpu.dma_semaphore, #tpu.memory_space<semaphore_mem>>)
      %dma_wait3A_54 = arith.constant 0 : i32
      %dma_wait3A_55 = tpu.memref_slice %arg5[%add3A_31, %dma_wait3A_54] : memref<10240x128xf32, #tpu.memory_space<vmem_shared>> -> memref<80x128xf32, #tpu.memory_space<vmem_shared>>
      %dma_wait3A_56 = arith.constant 0 : i32
      %dma_wait3A_57 = tpu.memref_slice %arg5[%add3A_31, %dma_wait3A_56] : memref<10240x128xf32, #tpu.memory_space<vmem_shared>> -> memref<80x128xf32, #tpu.memory_space<vmem_shared>>
      tpu.wait_dma2 semaphore(%run_scoped3A : memref<!tpu.dma_semaphore, #tpu.memory_space<semaphore_mem>>) src(%arg9 : memref<80x128xf32, #tpu.memory_space<vmem>>) dst(%dma_wait3A_57 : memref<80x128xf32, #tpu.memory_space<vmem_shared>>)
      tpu.yield
    }) : () -> ()
    %add3A_32 = arith.constant 560 : i32
    %add3A_33 = arith.addi %mul3A_17, %add3A_32 : i32
    "tpu.region"() ({
      %run_scoped3A = tpu.sem_alloc : memref<!tpu.dma_semaphore, #tpu.memory_space<semaphore_mem>>
      %dma_start3A_50 = arith.constant 0 : i32
      %dma_start3A_51 = tpu.memref_slice %arg5[%add3A_33, %dma_start3A_50] : memref<10240x128xf32, #tpu.memory_space<vmem_shared>> -> memref<80x128xf32, #tpu.memory_space<vmem_shared>>
      %dma_start3A_52 = arith.constant 0 : i32
      %dma_start3A_53 = tpu.memref_slice %arg5[%add3A_33, %dma_start3A_52] : memref<10240x128xf32, #tpu.memory_space<vmem_shared>> -> memref<80x128xf32, #tpu.memory_space<vmem_shared>>
      tpu.enqueue_dma source(%arg9 : memref<80x128xf32, #tpu.memory_space<vmem>>) target(%dma_start3A_53 : memref<80x128xf32, #tpu.memory_space<vmem_shared>>) target_semaphore(%run_scoped3A : memref<!tpu.dma_semaphore, #tpu.memory_space<semaphore_mem>>)
      %dma_wait3A_54 = arith.constant 0 : i32
      %dma_wait3A_55 = tpu.memref_slice %arg5[%add3A_33, %dma_wait3A_54] : memref<10240x128xf32, #tpu.memory_space<vmem_shared>> -> memref<80x128xf32, #tpu.memory_space<vmem_shared>>
      %dma_wait3A_56 = arith.constant 0 : i32
      %dma_wait3A_57 = tpu.memref_slice %arg5[%add3A_33, %dma_wait3A_56] : memref<10240x128xf32, #tpu.memory_space<vmem_shared>> -> memref<80x128xf32, #tpu.memory_space<vmem_shared>>
      tpu.wait_dma2 semaphore(%run_scoped3A : memref<!tpu.dma_semaphore, #tpu.memory_space<semaphore_mem>>) src(%arg9 : memref<80x128xf32, #tpu.memory_space<vmem>>) dst(%dma_wait3A_57 : memref<80x128xf32, #tpu.memory_space<vmem_shared>>)
      tpu.yield
    }) : () -> ()
    %barrier3A = arith.constant 0 : index
    tpu.barrier barrier_id(%barrier3A)
    %scan3A_34 = arith.constant 0 : i32
    %scan3A_35 = arith.constant 0 : i32
    %scan3A_36 = arith.constant 5 : i32
    %scan3A_37 = arith.addi %scan3A_35, %scan3A_36 : i32
    %scan3A_38 = arith.constant 1 : i32
    scf.for %scan3A_50 = %scan3A_35 to %scan3A_37 step %scan3A_38  : i32 {
      %dma_start3A_51 = arith.constant 1 : i32
      %dma_start3A_52 = arith.constant 0 : i32
      %dma_start3A_53 = arith.constant 0 : i32
      %dma_start3A_54 = tpu.memref_slice %arg3[%dma_start3A_51, %add3A, %scan3A_50, %dma_start3A_52, %dma_start3A_53] : memref<2x32x5x25x80xi32, #tpu.memory_space<hbm>> -> memref<1x1x1x25x80xi32, #tpu.memory_space<hbm>>
      %dma_start3A_55 = tpu.memref_squeeze %dma_start3A_54 : memref<1x1x1x25x80xi32, #tpu.memory_space<hbm>> -> memref<25x80xi32, #tpu.memory_space<hbm>>
      %dma_start3A_56 = arith.constant 0 : i32
      %dma_start3A_57 = arith.constant 0 : i32
      %dma_start3A_58 = tpu.memref_slice %arg3[%dma_start3A_51, %add3A, %scan3A_50, %dma_start3A_56, %dma_start3A_57] : memref<2x32x5x25x80xi32, #tpu.memory_space<hbm>> -> memref<1x1x1x25x80xi32, #tpu.memory_space<hbm>>
      %dma_start3A_59 = tpu.memref_squeeze %dma_start3A_58 : memref<1x1x1x25x80xi32, #tpu.memory_space<hbm>> -> memref<25x80xi32, #tpu.memory_space<hbm>>
      tpu.enqueue_dma source(%dma_start3A_59 : memref<25x80xi32, #tpu.memory_space<hbm>>) target(%arg7 : memref<25x80xi32, #tpu.memory_space<vmem>>) target_semaphore(%arg15 : memref<!tpu.dma_semaphore, #tpu.memory_space<semaphore_mem>>)
      %dma_wait3A_60 = arith.constant 0 : i32
      %dma_wait3A_61 = arith.constant 0 : i32
      %dma_wait3A_62 = arith.constant 0 : i32
      %dma_wait3A_63 = tpu.memref_slice %arg3[%dma_wait3A_60, %add3A, %scan3A_50, %dma_wait3A_61, %dma_wait3A_62] : memref<2x32x5x25x80xi32, #tpu.memory_space<hbm>> -> memref<1x1x1x25x80xi32, #tpu.memory_space<hbm>>
      %dma_wait3A_64 = tpu.memref_squeeze %dma_wait3A_63 : memref<1x1x1x25x80xi32, #tpu.memory_space<hbm>> -> memref<25x80xi32, #tpu.memory_space<hbm>>
      %dma_wait3A_65 = arith.constant 0 : i32
      %dma_wait3A_66 = arith.constant 0 : i32
      %dma_wait3A_67 = tpu.memref_slice %arg3[%dma_wait3A_60, %add3A, %scan3A_50, %dma_wait3A_65, %dma_wait3A_66] : memref<2x32x5x25x80xi32, #tpu.memory_space<hbm>> -> memref<1x1x1x25x80xi32, #tpu.memory_space<hbm>>
      %dma_wait3A_68 = tpu.memref_squeeze %dma_wait3A_67 : memref<1x1x1x25x80xi32, #tpu.memory_space<hbm>> -> memref<25x80xi32, #tpu.memory_space<hbm>>
      tpu.wait_dma2 semaphore(%arg11 : memref<!tpu.dma_semaphore, #tpu.memory_space<semaphore_mem>>) src(%dma_wait3A_68 : memref<25x80xi32, #tpu.memory_space<hbm>>) dst(%arg6 : memref<25x80xi32, #tpu.memory_space<vmem>>)
      %dma_start3A_69 = arith.constant 0 : i32
      %dma_start3A_70 = arith.constant 0 : i32
      %dma_start3A_71 = tpu.memref_slice %arg6[%dma_start3A_69, %dma_start3A_70] : memref<25x80xi32, #tpu.memory_space<vmem>> -> memref<1x80xi32, #tpu.memory_space<vmem>>
      %dma_start3A_72 = tpu.memref_squeeze %dma_start3A_71 : memref<1x80xi32, #tpu.memory_space<vmem>> -> memref<80xi32, #tpu.memory_space<vmem>>
      %dma_start3A_73 = arith.constant 0 : i32
      %dma_start3A_74 = arith.constant 0 : i32
      %dma_start3A_75 = tpu.memref_slice %arg2[%dma_start3A_73, %dma_start3A_74] : memref<10000x128xf32, #tpu.memory_space<hbm>> -> memref<10000x128xf32, #tpu.memory_space<hbm>>
      tpu.enqueue_indirect_dma source(%dma_start3A_75 : memref<10000x128xf32, #tpu.memory_space<hbm>>) target(%arg8 : memref<80x128xf32, #tpu.memory_space<vmem>>) offsets(%dma_start3A_72 : memref<80xi32, #tpu.memory_space<vmem>>) semaphore(%arg11 : memref<!tpu.dma_semaphore, #tpu.memory_space<semaphore_mem>>)
      %dma_start3A_76 = arith.constant 1 : i32
      %dma_start3A_77 = arith.constant 0 : i32
      %dma_start3A_78 = tpu.memref_slice %arg6[%dma_start3A_76, %dma_start3A_77] : memref<25x80xi32, #tpu.memory_space<vmem>> -> memref<1x80xi32, #tpu.memory_space<vmem>>
      %dma_start3A_79 = tpu.memref_squeeze %dma_start3A_78 : memref<1x80xi32, #tpu.memory_space<vmem>> -> memref<80xi32, #tpu.memory_space<vmem>>
      %dma_start3A_80 = arith.constant 0 : i32
      %dma_start3A_81 = arith.constant 0 : i32
      %dma_start3A_82 = tpu.memref_slice %arg2[%dma_start3A_80, %dma_start3A_81] : memref<10000x128xf32, #tpu.memory_space<hbm>> -> memref<10000x128xf32, #tpu.memory_space<hbm>>
      tpu.enqueue_indirect_dma source(%dma_start3A_82 : memref<10000x128xf32, #tpu.memory_space<hbm>>) target(%arg9 : memref<80x128xf32, #tpu.memory_space<vmem>>) offsets(%dma_start3A_79 : memref<80xi32, #tpu.memory_space<vmem>>) semaphore(%arg12 : memref<!tpu.dma_semaphore, #tpu.memory_space<semaphore_mem>>)
      %dma_wait3A_83 = arith.constant 0 : i32
      %dma_wait3A_84 = arith.constant 0 : i32
      %dma_wait3A_85 = tpu.memref_slice %arg6[%dma_wait3A_83, %dma_wait3A_84] : memref<25x80xi32, #tpu.memory_space<vmem>> -> memref<1x80xi32, #tpu.memory_space<vmem>>
      %dma_wait3A_86 = tpu.memref_squeeze %dma_wait3A_85 : memref<1x80xi32, #tpu.memory_space<vmem>> -> memref<80xi32, #tpu.memory_space<vmem>>
      %dma_wait3A_87 = arith.constant 0 : i32
      %dma_wait3A_88 = arith.constant 0 : i32
      %dma_wait3A_89 = tpu.memref_slice %arg2[%dma_wait3A_87, %dma_wait3A_88] : memref<10000x128xf32, #tpu.memory_space<hbm>> -> memref<10000x128xf32, #tpu.memory_space<hbm>>
      tpu.wait_indirect_dma semaphore(%arg11 : memref<!tpu.dma_semaphore, #tpu.memory_space<semaphore_mem>>) src(%dma_wait3A_89 : memref<10000x128xf32, #tpu.memory_space<hbm>>) dst(%arg8 : memref<80x128xf32, #tpu.memory_space<vmem>>)
      %dma_wait3A_90 = arith.constant 1 : i32
      %dma_wait3A_91 = arith.constant 0 : i32
      %dma_wait3A_92 = arith.constant 0 : i32
      %dma_wait3A_93 = tpu.memref_slice %arg3[%dma_wait3A_90, %add3A, %scan3A_50, %dma_wait3A_91, %dma_wait3A_92] : memref<2x32x5x25x80xi32, #tpu.memory_space<hbm>> -> memref<1x1x1x25x80xi32, #tpu.memory_space<hbm>>
      %dma_wait3A_94 = tpu.memref_squeeze %dma_wait3A_93 : memref<1x1x1x25x80xi32, #tpu.memory_space<hbm>> -> memref<25x80xi32, #tpu.memory_space<hbm>>
      %dma_wait3A_95 = arith.constant 0 : i32
      %dma_wait3A_96 = arith.constant 0 : i32
      %dma_wait3A_97 = tpu.memref_slice %arg3[%dma_wait3A_90, %add3A, %scan3A_50, %dma_wait3A_95, %dma_wait3A_96] : memref<2x32x5x25x80xi32, #tpu.memory_space<hbm>> -> memref<1x1x1x25x80xi32, #tpu.memory_space<hbm>>
      %dma_wait3A_98 = tpu.memref_squeeze %dma_wait3A_97 : memref<1x1x1x25x80xi32, #tpu.memory_space<hbm>> -> memref<25x80xi32, #tpu.memory_space<hbm>>
      tpu.wait_dma2 semaphore(%arg15 : memref<!tpu.dma_semaphore, #tpu.memory_space<semaphore_mem>>) src(%dma_wait3A_98 : memref<25x80xi32, #tpu.memory_space<hbm>>) dst(%arg7 : memref<25x80xi32, #tpu.memory_space<vmem>>)
      %dma_start3A_99 = arith.constant 0 : i32
      %dma_start3A_100 = arith.constant 0 : i32
      %dma_start3A_101 = tpu.memref_slice %arg7[%dma_start3A_99, %dma_start3A_100] : memref<25x80xi32, #tpu.memory_space<vmem>> -> memref<1x80xi32, #tpu.memory_space<vmem>>
      %dma_start3A_102 = tpu.memref_squeeze %dma_start3A_101 : memref<1x80xi32, #tpu.memory_space<vmem>> -> memref<80xi32, #tpu.memory_space<vmem>>
      %dma_start3A_103 = arith.constant 0 : i32
      %dma_start3A_104 = arith.constant 0 : i32
      %dma_start3A_105 = tpu.memref_slice %arg5[%dma_start3A_103, %dma_start3A_104] : memref<10240x128xf32, #tpu.memory_space<vmem_shared>> -> memref<10240x128xf32, #tpu.memory_space<vmem_shared>>
      tpu.enqueue_indirect_dma source(%arg8 : memref<80x128xf32, #tpu.memory_space<vmem>>) target(%dma_start3A_105 : memref<10240x128xf32, #tpu.memory_space<vmem_shared>>) offsets(%dma_start3A_102 : memref<80xi32, #tpu.memory_space<vmem>>) semaphore(%arg14 : memref<!tpu.dma_semaphore, #tpu.memory_space<semaphore_mem>>) {add = true}
      %dma_start3A_106 = arith.constant 2 : i32
      %dma_start3A_107 = arith.constant 0 : i32
      %dma_start3A_108 = tpu.memref_slice %arg6[%dma_start3A_106, %dma_start3A_107] : memref<25x80xi32, #tpu.memory_space<vmem>> -> memref<1x80xi32, #tpu.memory_space<vmem>>
      %dma_start3A_109 = tpu.memref_squeeze %dma_start3A_108 : memref<1x80xi32, #tpu.memory_space<vmem>> -> memref<80xi32, #tpu.memory_space<vmem>>
      %dma_start3A_110 = arith.constant 0 : i32
      %dma_start3A_111 = arith.constant 0 : i32
      %dma_start3A_112 = tpu.memref_slice %arg2[%dma_start3A_110, %dma_start3A_111] : memref<10000x128xf32, #tpu.memory_space<hbm>> -> memref<10000x128xf32, #tpu.memory_space<hbm>>
      tpu.enqueue_indirect_dma source(%dma_start3A_112 : memref<10000x128xf32, #tpu.memory_space<hbm>>) target(%arg10 : memref<80x128xf32, #tpu.memory_space<vmem>>) offsets(%dma_start3A_109 : memref<80xi32, #tpu.memory_space<vmem>>) semaphore(%arg13 : memref<!tpu.dma_semaphore, #tpu.memory_space<semaphore_mem>>)
      %scan3A_113 = arith.constant 0 : i32
      %scan3A_114 = arith.constant 0 : i32
      %scan3A_115 = arith.constant 7 : i32
      %scan3A_116 = arith.addi %scan3A_114, %scan3A_115 : i32
      %scan3A_117 = arith.constant 1 : i32
      scf.for %scan3A_208 = %scan3A_114 to %scan3A_116 step %scan3A_117  : i32 {
        %mul3A_209 = arith.constant 3 : i32
        %mul3A_210 = arith.muli %mul3A_209, %scan3A_208 : i32
        %add3A_211 = arith.constant 1 : i32
        %add3A_212 = arith.addi %mul3A_210, %add3A_211 : i32
        %add3A_213 = arith.constant 0 : i32
        %add3A_214 = arith.addi %add3A_212, %add3A_213 : i32
        %dma_wait3A_215 = arith.constant 0 : i32
        %dma_wait3A_216 = tpu.memref_slice %arg6[%add3A_214, %dma_wait3A_215] : memref<25x80xi32, #tpu.memory_space<vmem>> -> memref<1x80xi32, #tpu.memory_space<vmem>>
        %dma_wait3A_217 = tpu.memref_squeeze %dma_wait3A_216 : memref<1x80xi32, #tpu.memory_space<vmem>> -> memref<80xi32, #tpu.memory_space<vmem>>
        %dma_wait3A_218 = arith.constant 0 : i32
        %dma_wait3A_219 = arith.constant 0 : i32
        %dma_wait3A_220 = tpu.memref_slice %arg2[%dma_wait3A_218, %dma_wait3A_219] : memref<10000x128xf32, #tpu.memory_space<hbm>> -> memref<10000x128xf32, #tpu.memory_space<hbm>>
        tpu.wait_indirect_dma semaphore(%arg12 : memref<!tpu.dma_semaphore, #tpu.memory_space<semaphore_mem>>) src(%dma_wait3A_220 : memref<10000x128xf32, #tpu.memory_space<hbm>>) dst(%arg9 : memref<80x128xf32, #tpu.memory_space<vmem>>)
        %dma_start3A_221 = arith.constant 0 : i32
        %dma_start3A_222 = tpu.memref_slice %arg7[%add3A_214, %dma_start3A_221] : memref<25x80xi32, #tpu.memory_space<vmem>> -> memref<1x80xi32, #tpu.memory_space<vmem>>
        %dma_start3A_223 = tpu.memref_squeeze %dma_start3A_222 : memref<1x80xi32, #tpu.memory_space<vmem>> -> memref<80xi32, #tpu.memory_space<vmem>>
        %dma_start3A_224 = arith.constant 0 : i32
        %dma_start3A_225 = arith.constant 0 : i32
        %dma_start3A_226 = tpu.memref_slice %arg5[%dma_start3A_224, %dma_start3A_225] : memref<10240x128xf32, #tpu.memory_space<vmem_shared>> -> memref<10240x128xf32, #tpu.memory_space<vmem_shared>>
        tpu.enqueue_indirect_dma source(%arg9 : memref<80x128xf32, #tpu.memory_space<vmem>>) target(%dma_start3A_226 : memref<10240x128xf32, #tpu.memory_space<vmem_shared>>) offsets(%dma_start3A_223 : memref<80xi32, #tpu.memory_space<vmem>>) semaphore(%arg15 : memref<!tpu.dma_semaphore, #tpu.memory_space<semaphore_mem>>) {add = true}
        %sub3A = arith.constant 1 : i32
        %sub3A_227 = arith.subi %add3A_214, %sub3A : i32
        %dma_wait3A_228 = arith.constant 0 : i32
        %dma_wait3A_229 = tpu.memref_slice %arg7[%sub3A_227, %dma_wait3A_228] : memref<25x80xi32, #tpu.memory_space<vmem>> -> memref<1x80xi32, #tpu.memory_space<vmem>>
        %dma_wait3A_230 = tpu.memref_squeeze %dma_wait3A_229 : memref<1x80xi32, #tpu.memory_space<vmem>> -> memref<80xi32, #tpu.memory_space<vmem>>
        %dma_wait3A_231 = arith.constant 0 : i32
        %dma_wait3A_232 = arith.constant 0 : i32
        %dma_wait3A_233 = tpu.memref_slice %arg5[%dma_wait3A_231, %dma_wait3A_232] : memref<10240x128xf32, #tpu.memory_space<vmem_shared>> -> memref<10240x128xf32, #tpu.memory_space<vmem_shared>>
        tpu.wait_indirect_dma semaphore(%arg14 : memref<!tpu.dma_semaphore, #tpu.memory_space<semaphore_mem>>) src(%arg8 : memref<80x128xf32, #tpu.memory_space<vmem>>) dst(%dma_wait3A_233 : memref<10240x128xf32, #tpu.memory_space<vmem_shared>>)
        %add3A_234 = arith.constant 2 : i32
        %add3A_235 = arith.addi %add3A_214, %add3A_234 : i32
        %dma_start3A_236 = arith.constant 0 : i32
        %dma_start3A_237 = tpu.memref_slice %arg6[%add3A_235, %dma_start3A_236] : memref<25x80xi32, #tpu.memory_space<vmem>> -> memref<1x80xi32, #tpu.memory_space<vmem>>
        %dma_start3A_238 = tpu.memref_squeeze %dma_start3A_237 : memref<1x80xi32, #tpu.memory_space<vmem>> -> memref<80xi32, #tpu.memory_space<vmem>>
        %dma_start3A_239 = arith.constant 0 : i32
        %dma_start3A_240 = arith.constant 0 : i32
        %dma_start3A_241 = tpu.memref_slice %arg2[%dma_start3A_239, %dma_start3A_240] : memref<10000x128xf32, #tpu.memory_space<hbm>> -> memref<10000x128xf32, #tpu.memory_space<hbm>>
        tpu.enqueue_indirect_dma source(%dma_start3A_241 : memref<10000x128xf32, #tpu.memory_space<hbm>>) target(%arg8 : memref<80x128xf32, #tpu.memory_space<vmem>>) offsets(%dma_start3A_238 : memref<80xi32, #tpu.memory_space<vmem>>) semaphore(%arg11 : memref<!tpu.dma_semaphore, #tpu.memory_space<semaphore_mem>>)
        %mul3A_242 = arith.constant 3 : i32
        %mul3A_243 = arith.muli %mul3A_242, %scan3A_208 : i32
        %add3A_244 = arith.constant 1 : i32
        %add3A_245 = arith.addi %mul3A_243, %add3A_244 : i32
        %add3A_246 = arith.constant 1 : i32
        %add3A_247 = arith.addi %add3A_245, %add3A_246 : i32
        %dma_wait3A_248 = arith.constant 0 : i32
        %dma_wait3A_249 = tpu.memref_slice %arg6[%add3A_247, %dma_wait3A_248] : memref<25x80xi32, #tpu.memory_space<vmem>> -> memref<1x80xi32, #tpu.memory_space<vmem>>
        %dma_wait3A_250 = tpu.memref_squeeze %dma_wait3A_249 : memref<1x80xi32, #tpu.memory_space<vmem>> -> memref<80xi32, #tpu.memory_space<vmem>>
        %dma_wait3A_251 = arith.constant 0 : i32
        %dma_wait3A_252 = arith.constant 0 : i32
        %dma_wait3A_253 = tpu.memref_slice %arg2[%dma_wait3A_251, %dma_wait3A_252] : memref<10000x128xf32, #tpu.memory_space<hbm>> -> memref<10000x128xf32, #tpu.memory_space<hbm>>
        tpu.wait_indirect_dma semaphore(%arg13 : memref<!tpu.dma_semaphore, #tpu.memory_space<semaphore_mem>>) src(%dma_wait3A_253 : memref<10000x128xf32, #tpu.memory_space<hbm>>) dst(%arg10 : memref<80x128xf32, #tpu.memory_space<vmem>>)
        %dma_start3A_254 = arith.constant 0 : i32
        %dma_start3A_255 = tpu.memref_slice %arg7[%add3A_247, %dma_start3A_254] : memref<25x80xi32, #tpu.memory_space<vmem>> -> memref<1x80xi32, #tpu.memory_space<vmem>>
        %dma_start3A_256 = tpu.memref_squeeze %dma_start3A_255 : memref<1x80xi32, #tpu.memory_space<vmem>> -> memref<80xi32, #tpu.memory_space<vmem>>
        %dma_start3A_257 = arith.constant 0 : i32
        %dma_start3A_258 = arith.constant 0 : i32
        %dma_start3A_259 = tpu.memref_slice %arg5[%dma_start3A_257, %dma_start3A_258] : memref<10240x128xf32, #tpu.memory_space<vmem_shared>> -> memref<10240x128xf32, #tpu.memory_space<vmem_shared>>
        tpu.enqueue_indirect_dma source(%arg10 : memref<80x128xf32, #tpu.memory_space<vmem>>) target(%dma_start3A_259 : memref<10240x128xf32, #tpu.memory_space<vmem_shared>>) offsets(%dma_start3A_256 : memref<80xi32, #tpu.memory_space<vmem>>) semaphore(%arg16 : memref<!tpu.dma_semaphore, #tpu.memory_space<semaphore_mem>>) {add = true}
        %sub3A_260 = arith.constant 1 : i32
        %sub3A_261 = arith.subi %add3A_247, %sub3A_260 : i32
        %dma_wait3A_262 = arith.constant 0 : i32
        %dma_wait3A_263 = tpu.memref_slice %arg7[%sub3A_261, %dma_wait3A_262] : memref<25x80xi32, #tpu.memory_space<vmem>> -> memref<1x80xi32, #tpu.memory_space<vmem>>
        %dma_wait3A_264 = tpu.memref_squeeze %dma_wait3A_263 : memref<1x80xi32, #tpu.memory_space<vmem>> -> memref<80xi32, #tpu.memory_space<vmem>>
        %dma_wait3A_265 = arith.constant 0 : i32
        %dma_wait3A_266 = arith.constant 0 : i32
        %dma_wait3A_267 = tpu.memref_slice %arg5[%dma_wait3A_265, %dma_wait3A_266] : memref<10240x128xf32, #tpu.memory_space<vmem_shared>> -> memref<10240x128xf32, #tpu.memory_space<vmem_shared>>
        tpu.wait_indirect_dma semaphore(%arg15 : memref<!tpu.dma_semaphore, #tpu.memory_space<semaphore_mem>>) src(%arg9 : memref<80x128xf32, #tpu.memory_space<vmem>>) dst(%dma_wait3A_267 : memref<10240x128xf32, #tpu.memory_space<vmem_shared>>)
        %add3A_268 = arith.constant 2 : i32
        %add3A_269 = arith.addi %add3A_247, %add3A_268 : i32
        %dma_start3A_270 = arith.constant 0 : i32
        %dma_start3A_271 = tpu.memref_slice %arg6[%add3A_269, %dma_start3A_270] : memref<25x80xi32, #tpu.memory_space<vmem>> -> memref<1x80xi32, #tpu.memory_space<vmem>>
        %dma_start3A_272 = tpu.memref_squeeze %dma_start3A_271 : memref<1x80xi32, #tpu.memory_space<vmem>> -> memref<80xi32, #tpu.memory_space<vmem>>
        %dma_start3A_273 = arith.constant 0 : i32
        %dma_start3A_274 = arith.constant 0 : i32
        %dma_start3A_275 = tpu.memref_slice %arg2[%dma_start3A_273, %dma_start3A_274] : memref<10000x128xf32, #tpu.memory_space<hbm>> -> memref<10000x128xf32, #tpu.memory_space<hbm>>
        tpu.enqueue_indirect_dma source(%dma_start3A_275 : memref<10000x128xf32, #tpu.memory_space<hbm>>) target(%arg9 : memref<80x128xf32, #tpu.memory_space<vmem>>) offsets(%dma_start3A_272 : memref<80xi32, #tpu.memory_space<vmem>>) semaphore(%arg12 : memref<!tpu.dma_semaphore, #tpu.memory_space<semaphore_mem>>)
        %mul3A_276 = arith.constant 3 : i32
        %mul3A_277 = arith.muli %mul3A_276, %scan3A_208 : i32
        %add3A_278 = arith.constant 1 : i32
        %add3A_279 = arith.addi %mul3A_277, %add3A_278 : i32
        %add3A_280 = arith.constant 2 : i32
        %add3A_281 = arith.addi %add3A_279, %add3A_280 : i32
        %dma_wait3A_282 = arith.constant 0 : i32
        %dma_wait3A_283 = tpu.memref_slice %arg6[%add3A_281, %dma_wait3A_282] : memref<25x80xi32, #tpu.memory_space<vmem>> -> memref<1x80xi32, #tpu.memory_space<vmem>>
        %dma_wait3A_284 = tpu.memref_squeeze %dma_wait3A_283 : memref<1x80xi32, #tpu.memory_space<vmem>> -> memref<80xi32, #tpu.memory_space<vmem>>
        %dma_wait3A_285 = arith.constant 0 : i32
        %dma_wait3A_286 = arith.constant 0 : i32
        %dma_wait3A_287 = tpu.memref_slice %arg2[%dma_wait3A_285, %dma_wait3A_286] : memref<10000x128xf32, #tpu.memory_space<hbm>> -> memref<10000x128xf32, #tpu.memory_space<hbm>>
        tpu.wait_indirect_dma semaphore(%arg11 : memref<!tpu.dma_semaphore, #tpu.memory_space<semaphore_mem>>) src(%dma_wait3A_287 : memref<10000x128xf32, #tpu.memory_space<hbm>>) dst(%arg8 : memref<80x128xf32, #tpu.memory_space<vmem>>)
        %dma_start3A_288 = arith.constant 0 : i32
        %dma_start3A_289 = tpu.memref_slice %arg7[%add3A_281, %dma_start3A_288] : memref<25x80xi32, #tpu.memory_space<vmem>> -> memref<1x80xi32, #tpu.memory_space<vmem>>
        %dma_start3A_290 = tpu.memref_squeeze %dma_start3A_289 : memref<1x80xi32, #tpu.memory_space<vmem>> -> memref<80xi32, #tpu.memory_space<vmem>>
        %dma_start3A_291 = arith.constant 0 : i32
        %dma_start3A_292 = arith.constant 0 : i32
        %dma_start3A_293 = tpu.memref_slice %arg5[%dma_start3A_291, %dma_start3A_292] : memref<10240x128xf32, #tpu.memory_space<vmem_shared>> -> memref<10240x128xf32, #tpu.memory_space<vmem_shared>>
        tpu.enqueue_indirect_dma source(%arg8 : memref<80x128xf32, #tpu.memory_space<vmem>>) target(%dma_start3A_293 : memref<10240x128xf32, #tpu.memory_space<vmem_shared>>) offsets(%dma_start3A_290 : memref<80xi32, #tpu.memory_space<vmem>>) semaphore(%arg14 : memref<!tpu.dma_semaphore, #tpu.memory_space<semaphore_mem>>) {add = true}
        %sub3A_294 = arith.constant 1 : i32
        %sub3A_295 = arith.subi %add3A_281, %sub3A_294 : i32
        %dma_wait3A_296 = arith.constant 0 : i32
        %dma_wait3A_297 = tpu.memref_slice %arg7[%sub3A_295, %dma_wait3A_296] : memref<25x80xi32, #tpu.memory_space<vmem>> -> memref<1x80xi32, #tpu.memory_space<vmem>>
        %dma_wait3A_298 = tpu.memref_squeeze %dma_wait3A_297 : memref<1x80xi32, #tpu.memory_space<vmem>> -> memref<80xi32, #tpu.memory_space<vmem>>
        %dma_wait3A_299 = arith.constant 0 : i32
        %dma_wait3A_300 = arith.constant 0 : i32
        %dma_wait3A_301 = tpu.memref_slice %arg5[%dma_wait3A_299, %dma_wait3A_300] : memref<10240x128xf32, #tpu.memory_space<vmem_shared>> -> memref<10240x128xf32, #tpu.memory_space<vmem_shared>>
        tpu.wait_indirect_dma semaphore(%arg16 : memref<!tpu.dma_semaphore, #tpu.memory_space<semaphore_mem>>) src(%arg10 : memref<80x128xf32, #tpu.memory_space<vmem>>) dst(%dma_wait3A_301 : memref<10240x128xf32, #tpu.memory_space<vmem_shared>>)
        %add3A_302 = arith.constant 2 : i32
        %add3A_303 = arith.addi %add3A_281, %add3A_302 : i32
        %dma_start3A_304 = arith.constant 0 : i32
        %dma_start3A_305 = tpu.memref_slice %arg6[%add3A_303, %dma_start3A_304] : memref<25x80xi32, #tpu.memory_space<vmem>> -> memref<1x80xi32, #tpu.memory_space<vmem>>
        %dma_start3A_306 = tpu.memref_squeeze %dma_start3A_305 : memref<1x80xi32, #tpu.memory_space<vmem>> -> memref<80xi32, #tpu.memory_space<vmem>>
        %dma_start3A_307 = arith.constant 0 : i32
        %dma_start3A_308 = arith.constant 0 : i32
        %dma_start3A_309 = tpu.memref_slice %arg2[%dma_start3A_307, %dma_start3A_308] : memref<10000x128xf32, #tpu.memory_space<hbm>> -> memref<10000x128xf32, #tpu.memory_space<hbm>>
        tpu.enqueue_indirect_dma source(%dma_start3A_309 : memref<10000x128xf32, #tpu.memory_space<hbm>>) target(%arg10 : memref<80x128xf32, #tpu.memory_space<vmem>>) offsets(%dma_start3A_306 : memref<80xi32, #tpu.memory_space<vmem>>) semaphore(%arg13 : memref<!tpu.dma_semaphore, #tpu.memory_space<semaphore_mem>>)
      }
      %scan3A_118 = arith.constant 7 : i32
      %dma_wait3A_119 = arith.constant 22 : i32
      %dma_wait3A_120 = arith.constant 0 : i32
      %dma_wait3A_121 = tpu.memref_slice %arg6[%dma_wait3A_119, %dma_wait3A_120] : memref<25x80xi32, #tpu.memory_space<vmem>> -> memref<1x80xi32, #tpu.memory_space<vmem>>
      %dma_wait3A_122 = tpu.memref_squeeze %dma_wait3A_121 : memref<1x80xi32, #tpu.memory_space<vmem>> -> memref<80xi32, #tpu.memory_space<vmem>>
      %dma_wait3A_123 = arith.constant 0 : i32
      %dma_wait3A_124 = arith.constant 0 : i32
      %dma_wait3A_125 = tpu.memref_slice %arg2[%dma_wait3A_123, %dma_wait3A_124] : memref<10000x128xf32, #tpu.memory_space<hbm>> -> memref<10000x128xf32, #tpu.memory_space<hbm>>
      tpu.wait_indirect_dma semaphore(%arg12 : memref<!tpu.dma_semaphore, #tpu.memory_space<semaphore_mem>>) src(%dma_wait3A_125 : memref<10000x128xf32, #tpu.memory_space<hbm>>) dst(%arg9 : memref<80x128xf32, #tpu.memory_space<vmem>>)
      %dma_start3A_126 = arith.constant 22 : i32
      %dma_start3A_127 = arith.constant 0 : i32
      %dma_start3A_128 = tpu.memref_slice %arg7[%dma_start3A_126, %dma_start3A_127] : memref<25x80xi32, #tpu.memory_space<vmem>> -> memref<1x80xi32, #tpu.memory_space<vmem>>
      %dma_start3A_129 = tpu.memref_squeeze %dma_start3A_128 : memref<1x80xi32, #tpu.memory_space<vmem>> -> memref<80xi32, #tpu.memory_space<vmem>>
      %dma_start3A_130 = arith.constant 0 : i32
      %dma_start3A_131 = arith.constant 0 : i32
      %dma_start3A_132 = tpu.memref_slice %arg5[%dma_start3A_130, %dma_start3A_131] : memref<10240x128xf32, #tpu.memory_space<vmem_shared>> -> memref<10240x128xf32, #tpu.memory_space<vmem_shared>>
      tpu.enqueue_indirect_dma source(%arg9 : memref<80x128xf32, #tpu.memory_space<vmem>>) target(%dma_start3A_132 : memref<10240x128xf32, #tpu.memory_space<vmem_shared>>) offsets(%dma_start3A_129 : memref<80xi32, #tpu.memory_space<vmem>>) semaphore(%arg15 : memref<!tpu.dma_semaphore, #tpu.memory_space<semaphore_mem>>) {add = true}
      %dma_wait3A_133 = arith.constant 21 : i32
      %dma_wait3A_134 = arith.constant 0 : i32
      %dma_wait3A_135 = tpu.memref_slice %arg7[%dma_wait3A_133, %dma_wait3A_134] : memref<25x80xi32, #tpu.memory_space<vmem>> -> memref<1x80xi32, #tpu.memory_space<vmem>>
      %dma_wait3A_136 = tpu.memref_squeeze %dma_wait3A_135 : memref<1x80xi32, #tpu.memory_space<vmem>> -> memref<80xi32, #tpu.memory_space<vmem>>
      %dma_wait3A_137 = arith.constant 0 : i32
      %dma_wait3A_138 = arith.constant 0 : i32
      %dma_wait3A_139 = tpu.memref_slice %arg5[%dma_wait3A_137, %dma_wait3A_138] : memref<10240x128xf32, #tpu.memory_space<vmem_shared>> -> memref<10240x128xf32, #tpu.memory_space<vmem_shared>>
      tpu.wait_indirect_dma semaphore(%arg14 : memref<!tpu.dma_semaphore, #tpu.memory_space<semaphore_mem>>) src(%arg8 : memref<80x128xf32, #tpu.memory_space<vmem>>) dst(%dma_wait3A_139 : memref<10240x128xf32, #tpu.memory_space<vmem_shared>>)
      %dma_start3A_140 = arith.constant 24 : i32
      %dma_start3A_141 = arith.constant 0 : i32
      %dma_start3A_142 = tpu.memref_slice %arg6[%dma_start3A_140, %dma_start3A_141] : memref<25x80xi32, #tpu.memory_space<vmem>> -> memref<1x80xi32, #tpu.memory_space<vmem>>
      %dma_start3A_143 = tpu.memref_squeeze %dma_start3A_142 : memref<1x80xi32, #tpu.memory_space<vmem>> -> memref<80xi32, #tpu.memory_space<vmem>>
      %dma_start3A_144 = arith.constant 0 : i32
      %dma_start3A_145 = arith.constant 0 : i32
      %dma_start3A_146 = tpu.memref_slice %arg2[%dma_start3A_144, %dma_start3A_145] : memref<10000x128xf32, #tpu.memory_space<hbm>> -> memref<10000x128xf32, #tpu.memory_space<hbm>>
      tpu.enqueue_indirect_dma source(%dma_start3A_146 : memref<10000x128xf32, #tpu.memory_space<hbm>>) target(%arg8 : memref<80x128xf32, #tpu.memory_space<vmem>>) offsets(%dma_start3A_143 : memref<80xi32, #tpu.memory_space<vmem>>) semaphore(%arg11 : memref<!tpu.dma_semaphore, #tpu.memory_space<semaphore_mem>>)
      %dma_wait3A_147 = arith.constant 23 : i32
      %dma_wait3A_148 = arith.constant 0 : i32
      %dma_wait3A_149 = tpu.memref_slice %arg6[%dma_wait3A_147, %dma_wait3A_148] : memref<25x80xi32, #tpu.memory_space<vmem>> -> memref<1x80xi32, #tpu.memory_space<vmem>>
      %dma_wait3A_150 = tpu.memref_squeeze %dma_wait3A_149 : memref<1x80xi32, #tpu.memory_space<vmem>> -> memref<80xi32, #tpu.memory_space<vmem>>
      %dma_wait3A_151 = arith.constant 0 : i32
      %dma_wait3A_152 = arith.constant 0 : i32
      %dma_wait3A_153 = tpu.memref_slice %arg2[%dma_wait3A_151, %dma_wait3A_152] : memref<10000x128xf32, #tpu.memory_space<hbm>> -> memref<10000x128xf32, #tpu.memory_space<hbm>>
      tpu.wait_indirect_dma semaphore(%arg13 : memref<!tpu.dma_semaphore, #tpu.memory_space<semaphore_mem>>) src(%dma_wait3A_153 : memref<10000x128xf32, #tpu.memory_space<hbm>>) dst(%arg10 : memref<80x128xf32, #tpu.memory_space<vmem>>)
      %dma_start3A_154 = arith.constant 23 : i32
      %dma_start3A_155 = arith.constant 0 : i32
      %dma_start3A_156 = tpu.memref_slice %arg7[%dma_start3A_154, %dma_start3A_155] : memref<25x80xi32, #tpu.memory_space<vmem>> -> memref<1x80xi32, #tpu.memory_space<vmem>>
      %dma_start3A_157 = tpu.memref_squeeze %dma_start3A_156 : memref<1x80xi32, #tpu.memory_space<vmem>> -> memref<80xi32, #tpu.memory_space<vmem>>
      %dma_start3A_158 = arith.constant 0 : i32
      %dma_start3A_159 = arith.constant 0 : i32
      %dma_start3A_160 = tpu.memref_slice %arg5[%dma_start3A_158, %dma_start3A_159] : memref<10240x128xf32, #tpu.memory_space<vmem_shared>> -> memref<10240x128xf32, #tpu.memory_space<vmem_shared>>
      tpu.enqueue_indirect_dma source(%arg10 : memref<80x128xf32, #tpu.memory_space<vmem>>) target(%dma_start3A_160 : memref<10240x128xf32, #tpu.memory_space<vmem_shared>>) offsets(%dma_start3A_157 : memref<80xi32, #tpu.memory_space<vmem>>) semaphore(%arg16 : memref<!tpu.dma_semaphore, #tpu.memory_space<semaphore_mem>>) {add = true}
      %dma_wait3A_161 = arith.constant 24 : i32
      %dma_wait3A_162 = arith.constant 0 : i32
      %dma_wait3A_163 = tpu.memref_slice %arg6[%dma_wait3A_161, %dma_wait3A_162] : memref<25x80xi32, #tpu.memory_space<vmem>> -> memref<1x80xi32, #tpu.memory_space<vmem>>
      %dma_wait3A_164 = tpu.memref_squeeze %dma_wait3A_163 : memref<1x80xi32, #tpu.memory_space<vmem>> -> memref<80xi32, #tpu.memory_space<vmem>>
      %dma_wait3A_165 = arith.constant 0 : i32
      %dma_wait3A_166 = arith.constant 0 : i32
      %dma_wait3A_167 = tpu.memref_slice %arg2[%dma_wait3A_165, %dma_wait3A_166] : memref<10000x128xf32, #tpu.memory_space<hbm>> -> memref<10000x128xf32, #tpu.memory_space<hbm>>
      tpu.wait_indirect_dma semaphore(%arg11 : memref<!tpu.dma_semaphore, #tpu.memory_space<semaphore_mem>>) src(%dma_wait3A_167 : memref<10000x128xf32, #tpu.memory_space<hbm>>) dst(%arg8 : memref<80x128xf32, #tpu.memory_space<vmem>>)
      %add3A_168 = arith.constant 1 : i32
      %add3A_169 = arith.addi %scan3A_50, %add3A_168 : i32
      %min3A = arith.constant 4 : i32
      %min3A_170 = arith.minsi %add3A_169, %min3A : i32
      %dma_start3A_171 = arith.constant 0 : i32
      %dma_start3A_172 = arith.constant 0 : i32
      %dma_start3A_173 = arith.constant 0 : i32
      %dma_start3A_174 = tpu.memref_slice %arg3[%dma_start3A_171, %add3A, %min3A_170, %dma_start3A_172, %dma_start3A_173] : memref<2x32x5x25x80xi32, #tpu.memory_space<hbm>> -> memref<1x1x1x25x80xi32, #tpu.memory_space<hbm>>
      %dma_start3A_175 = tpu.memref_squeeze %dma_start3A_174 : memref<1x1x1x25x80xi32, #tpu.memory_space<hbm>> -> memref<25x80xi32, #tpu.memory_space<hbm>>
      %dma_start3A_176 = arith.constant 0 : i32
      %dma_start3A_177 = arith.constant 0 : i32
      %dma_start3A_178 = tpu.memref_slice %arg3[%dma_start3A_171, %add3A, %min3A_170, %dma_start3A_176, %dma_start3A_177] : memref<2x32x5x25x80xi32, #tpu.memory_space<hbm>> -> memref<1x1x1x25x80xi32, #tpu.memory_space<hbm>>
      %dma_start3A_179 = tpu.memref_squeeze %dma_start3A_178 : memref<1x1x1x25x80xi32, #tpu.memory_space<hbm>> -> memref<25x80xi32, #tpu.memory_space<hbm>>
      tpu.enqueue_dma source(%dma_start3A_179 : memref<25x80xi32, #tpu.memory_space<hbm>>) target(%arg6 : memref<25x80xi32, #tpu.memory_space<vmem>>) target_semaphore(%arg11 : memref<!tpu.dma_semaphore, #tpu.memory_space<semaphore_mem>>)
      %dma_start3A_180 = arith.constant 24 : i32
      %dma_start3A_181 = arith.constant 0 : i32
      %dma_start3A_182 = tpu.memref_slice %arg7[%dma_start3A_180, %dma_start3A_181] : memref<25x80xi32, #tpu.memory_space<vmem>> -> memref<1x80xi32, #tpu.memory_space<vmem>>
      %dma_start3A_183 = tpu.memref_squeeze %dma_start3A_182 : memref<1x80xi32, #tpu.memory_space<vmem>> -> memref<80xi32, #tpu.memory_space<vmem>>
      %dma_start3A_184 = arith.constant 0 : i32
      %dma_start3A_185 = arith.constant 0 : i32
      %dma_start3A_186 = tpu.memref_slice %arg5[%dma_start3A_184, %dma_start3A_185] : memref<10240x128xf32, #tpu.memory_space<vmem_shared>> -> memref<10240x128xf32, #tpu.memory_space<vmem_shared>>
      tpu.enqueue_indirect_dma source(%arg8 : memref<80x128xf32, #tpu.memory_space<vmem>>) target(%dma_start3A_186 : memref<10240x128xf32, #tpu.memory_space<vmem_shared>>) offsets(%dma_start3A_183 : memref<80xi32, #tpu.memory_space<vmem>>) semaphore(%arg14 : memref<!tpu.dma_semaphore, #tpu.memory_space<semaphore_mem>>) {add = true}
      %dma_wait3A_187 = arith.constant 22 : i32
      %dma_wait3A_188 = arith.constant 0 : i32
      %dma_wait3A_189 = tpu.memref_slice %arg7[%dma_wait3A_187, %dma_wait3A_188] : memref<25x80xi32, #tpu.memory_space<vmem>> -> memref<1x80xi32, #tpu.memory_space<vmem>>
      %dma_wait3A_190 = tpu.memref_squeeze %dma_wait3A_189 : memref<1x80xi32, #tpu.memory_space<vmem>> -> memref<80xi32, #tpu.memory_space<vmem>>
      %dma_wait3A_191 = arith.constant 0 : i32
      %dma_wait3A_192 = arith.constant 0 : i32
      %dma_wait3A_193 = tpu.memref_slice %arg5[%dma_wait3A_191, %dma_wait3A_192] : memref<10240x128xf32, #tpu.memory_space<vmem_shared>> -> memref<10240x128xf32, #tpu.memory_space<vmem_shared>>
      tpu.wait_indirect_dma semaphore(%arg15 : memref<!tpu.dma_semaphore, #tpu.memory_space<semaphore_mem>>) src(%arg9 : memref<80x128xf32, #tpu.memory_space<vmem>>) dst(%dma_wait3A_193 : memref<10240x128xf32, #tpu.memory_space<vmem_shared>>)
      %dma_wait3A_194 = arith.constant 23 : i32
      %dma_wait3A_195 = arith.constant 0 : i32
      %dma_wait3A_196 = tpu.memref_slice %arg7[%dma_wait3A_194, %dma_wait3A_195] : memref<25x80xi32, #tpu.memory_space<vmem>> -> memref<1x80xi32, #tpu.memory_space<vmem>>
      %dma_wait3A_197 = tpu.memref_squeeze %dma_wait3A_196 : memref<1x80xi32, #tpu.memory_space<vmem>> -> memref<80xi32, #tpu.memory_space<vmem>>
      %dma_wait3A_198 = arith.constant 0 : i32
      %dma_wait3A_199 = arith.constant 0 : i32
      %dma_wait3A_200 = tpu.memref_slice %arg5[%dma_wait3A_198, %dma_wait3A_199] : memref<10240x128xf32, #tpu.memory_space<vmem_shared>> -> memref<10240x128xf32, #tpu.memory_space<vmem_shared>>
      tpu.wait_indirect_dma semaphore(%arg16 : memref<!tpu.dma_semaphore, #tpu.memory_space<semaphore_mem>>) src(%arg10 : memref<80x128xf32, #tpu.memory_space<vmem>>) dst(%dma_wait3A_200 : memref<10240x128xf32, #tpu.memory_space<vmem_shared>>)
      %dma_wait3A_201 = arith.constant 24 : i32
      %dma_wait3A_202 = arith.constant 0 : i32
      %dma_wait3A_203 = tpu.memref_slice %arg7[%dma_wait3A_201, %dma_wait3A_202] : memref<25x80xi32, #tpu.memory_space<vmem>> -> memref<1x80xi32, #tpu.memory_space<vmem>>
      %dma_wait3A_204 = tpu.memref_squeeze %dma_wait3A_203 : memref<1x80xi32, #tpu.memory_space<vmem>> -> memref<80xi32, #tpu.memory_space<vmem>>
      %dma_wait3A_205 = arith.constant 0 : i32
      %dma_wait3A_206 = arith.constant 0 : i32
      %dma_wait3A_207 = tpu.memref_slice %arg5[%dma_wait3A_205, %dma_wait3A_206] : memref<10240x128xf32, #tpu.memory_space<vmem_shared>> -> memref<10240x128xf32, #tpu.memory_space<vmem_shared>>
      tpu.wait_indirect_dma semaphore(%arg14 : memref<!tpu.dma_semaphore, #tpu.memory_space<semaphore_mem>>) src(%arg8 : memref<80x128xf32, #tpu.memory_space<vmem>>) dst(%dma_wait3A_207 : memref<10240x128xf32, #tpu.memory_space<vmem_shared>>)
    }
    %scan3A_39 = arith.constant 5 : i32
    %dma_wait3A = arith.constant 0 : i32
    %dma_wait3A_40 = arith.constant 4 : i32
    %dma_wait3A_41 = arith.constant 0 : i32
    %dma_wait3A_42 = arith.constant 0 : i32
    %dma_wait3A_43 = tpu.memref_slice %arg3[%dma_wait3A, %add3A, %dma_wait3A_40, %dma_wait3A_41, %dma_wait3A_42] : memref<2x32x5x25x80xi32, #tpu.memory_space<hbm>> -> memref<1x1x1x25x80xi32, #tpu.memory_space<hbm>>
    %dma_wait3A_44 = tpu.memref_squeeze %dma_wait3A_43 : memref<1x1x1x25x80xi32, #tpu.memory_space<hbm>> -> memref<25x80xi32, #tpu.memory_space<hbm>>
    %dma_wait3A_45 = arith.constant 0 : i32
    %dma_wait3A_46 = arith.constant 0 : i32
    %dma_wait3A_47 = tpu.memref_slice %arg3[%dma_wait3A, %add3A, %dma_wait3A_40, %dma_wait3A_45, %dma_wait3A_46] : memref<2x32x5x25x80xi32, #tpu.memory_space<hbm>> -> memref<1x1x1x25x80xi32, #tpu.memory_space<hbm>>
    %dma_wait3A_48 = tpu.memref_squeeze %dma_wait3A_47 : memref<1x1x1x25x80xi32, #tpu.memory_space<hbm>> -> memref<25x80xi32, #tpu.memory_space<hbm>>
    tpu.wait_dma2 semaphore(%arg11 : memref<!tpu.dma_semaphore, #tpu.memory_space<semaphore_mem>>) src(%dma_wait3A_48 : memref<25x80xi32, #tpu.memory_space<hbm>>) dst(%arg6 : memref<25x80xi32, #tpu.memory_space<vmem>>)
    %barrier3A_49 = arith.constant 0 : index
    tpu.barrier barrier_id(%barrier3A_49)
    "tpu.region"() ({
      %run_scoped3A = tpu.sem_alloc : memref<!tpu.dma_semaphore, #tpu.memory_space<semaphore_mem>>
      %dma_start3A_50 = arith.constant 0 : i32
      %dma_start3A_51 = tpu.memref_slice %arg4[%arg0, %mul3A_17, %dma_start3A_50] : memref<2x10240x128xf32, #tpu.memory_space<hbm>> -> memref<1x640x128xf32, #tpu.memory_space<hbm>>
      %dma_start3A_52 = tpu.memref_squeeze %dma_start3A_51 : memref<1x640x128xf32, #tpu.memory_space<hbm>> -> memref<640x128xf32, #tpu.memory_space<hbm>>
      %dma_start3A_53 = arith.constant 0 : i32
      %dma_start3A_54 = tpu.memref_slice %arg5[%mul3A_17, %dma_start3A_53] : memref<10240x128xf32, #tpu.memory_space<vmem_shared>> -> memref<640x128xf32, #tpu.memory_space<vmem_shared>>
      tpu.enqueue_dma source(%dma_start3A_54 : memref<640x128xf32, #tpu.memory_space<vmem_shared>>) target(%dma_start3A_52 : memref<640x128xf32, #tpu.memory_space<hbm>>) target_semaphore(%run_scoped3A : memref<!tpu.dma_semaphore, #tpu.memory_space<semaphore_mem>>)
      %dma_wait3A_55 = arith.constant 0 : i32
      %dma_wait3A_56 = tpu.memref_slice %arg4[%arg0, %mul3A_17, %dma_wait3A_55] : memref<2x10240x128xf32, #tpu.memory_space<hbm>> -> memref<1x640x128xf32, #tpu.memory_space<hbm>>
      %dma_wait3A_57 = tpu.memref_squeeze %dma_wait3A_56 : memref<1x640x128xf32, #tpu.memory_space<hbm>> -> memref<640x128xf32, #tpu.memory_space<hbm>>
      %dma_wait3A_58 = arith.constant 0 : i32
      %dma_wait3A_59 = tpu.memref_slice %arg5[%mul3A_17, %dma_wait3A_58] : memref<10240x128xf32, #tpu.memory_space<vmem_shared>> -> memref<640x128xf32, #tpu.memory_space<vmem_shared>>
      tpu.wait_dma2 semaphore(%run_scoped3A : memref<!tpu.dma_semaphore, #tpu.memory_space<semaphore_mem>>) src(%dma_wait3A_59 : memref<640x128xf32, #tpu.memory_space<vmem_shared>>) dst(%dma_wait3A_57 : memref<640x128xf32, #tpu.memory_space<hbm>>)
      tpu.yield
    }) : () -> ()
    return
  }
}

#map = affine_map<(d0, d1) -> (0, 0)>
#map1 = affine_map<(d0, d1) -> (0, 0, 0, 0, 0)>
#map2 = affine_map<(d0, d1) -> (0, 0, 0)>
module attributes {stable_mosaic.version = 14 : i64} {
  func.func @k(%arg0: i32, %arg1: i32, %arg2: memref<10000x128xf32, #tpu.memory_space<hbm>>, %arg3: memref<2x32x5x25x80xi32, #tpu.memory_space<hbm>>, %arg4: memref<2x10240x128xf32, #tpu.memory_space<hbm>>, %arg5: memref<10240x128xf32, #tpu.memory_space<vmem_shared>>, %arg6: memref<25x80xi32, #tpu.memory_space<vmem>>, %arg7: memref<25x80xi32, #tpu.memory_space<vmem>>, %arg8: memref<80x128xf32, #tpu.memory_space<vmem>>, %arg9: memref<80x128xf32, #tpu.memory_space<vmem>>, %arg10: memref<80x128xf32, #tpu.memory_space<vmem>>, %arg11: memref<!tpu.dma_semaphore, #tpu.memory_space<semaphore_mem>>, %arg12: memref<!tpu.dma_semaphore, #tpu.memory_space<semaphore_mem>>, %arg13: memref<!tpu.dma_semaphore, #tpu.memory_space<semaphore_mem>>, %arg14: memref<!tpu.dma_semaphore, #tpu.memory_space<semaphore_mem>>, %arg15: memref<!tpu.dma_semaphore, #tpu.memory_space<semaphore_mem>>, %arg16: memref<!tpu.dma_semaphore, #tpu.memory_space<semaphore_mem>>) attributes {dimension_semantics = [#tpu.dimension_semantics<core_parallel>, #tpu.dimension_semantics<subcore_parallel>], iteration_bounds = array<i64: 2, 16>, scalar_prefetch = 0 : i64, scratch_operands = 12 : i64, tpu.core_type = #tpu.core_type<sc_vector_subcore>, window_params = [{transform_indices = #map}, {transform_indices = #map1}, {transform_indices = #map2}]} {
    %mul3A = arith.constant 16 : i32
    %mul3A_0 = arith.muli %arg0, %mul3A : i32
    %add3A = arith.addi %mul3A_0, %arg1 : i32
    %broadcast_in_dim3A = arith.constant 0.000000e+00 : f32
    %broadcast_in_dim3A_1 = vector.broadcast %broadcast_in_dim3A : f32 to vector<16xf32>
    %scan3A = arith.constant 0 : i32
    %scan3A_2 = arith.constant 0 : i32
    %scan3A_3 = arith.constant 80 : i32
    %scan3A_4 = arith.addi %scan3A_2, %scan3A_3 : i32
    %scan3A_5 = arith.constant 1 : i32
    scf.for %scan3A_50 = %scan3A_2 to %scan3A_4 step %scan3A_5  : i32 {
      %swap3A = arith.index_cast %scan3A_50 : i32 to index
      %swap3A_51 = arith.constant 0 : index
      %swap3A_52 = tpu.vector_load %arg9[%swap3A, %swap3A_51] {strides = array<i32>} : memref<80x128xf32, #tpu.memory_space<vmem>>, vector<1x16xf32>,
      %swap3A_53 = vector.shape_cast %swap3A_52 : vector<1x16xf32> to vector<16xf32>
      %swap3A_54 = vector.shape_cast %broadcast_in_dim3A_1 : vector<16xf32> to vector<1x16xf32>
      tpu.vector_store %arg9[%swap3A, %swap3A_51], %swap3A_54 {strides = array<i32>} : memref<80x128xf32, #tpu.memory_space<vmem>>, vector<1x16xf32>,
      %swap3A_55 = arith.index_cast %scan3A_50 : i32 to index
      %swap3A_56 = arith.constant 16 : index
      %swap3A_57 = tpu.vector_load %arg9[%swap3A_55, %swap3A_56] {strides = array<i32>} : memref<80x128xf32, #tpu.memory_space<vmem>>, vector<1x16xf32>,
      %swap3A_58 = vector.shape_cast %swap3A_57 : vector<1x16xf32> to vector<16xf32>
      %swap3A_59 = vector.shape_cast %broadcast_in_dim3A_1 : vector<16xf32> to vector<1x16xf32>
      tpu.vector_store %arg9[%swap3A_55, %swap3A_56], %swap3A_59 {strides = array<i32>} : memref<80x128xf32, #tpu.memory_space<vmem>>, vector<1x16xf32>,
      %swap3A_60 = arith.index_cast %scan3A_50 : i32 to index
      %swap3A_61 = arith.constant 32 : index
      %swap3A_62 = tpu.vector_load %arg9[%swap3A_60, %swap3A_61] {strides = array<i32>} : memref<80x128xf32, #tpu.memory_space<vmem>>, vector<1x16xf32>,
      %swap3A_63 = vector.shape_cast %swap3A_62 : vector<1x16xf32> to vector<16xf32>
      %swap3A_64 = vector.shape_cast %broadcast_in_dim3A_1 : vector<16xf32> to vector<1x16xf32>
      tpu.vector_store %arg9[%swap3A_60, %swap3A_61], %swap3A_64 {strides = array<i32>} : memref<80x128xf32, #tpu.memory_space<vmem>>, vector<1x16xf32>,
      %swap3A_65 = arith.index_cast %scan3A_50 : i32 to index
      %swap3A_66 = arith.constant 48 : index
      %swap3A_67 = tpu.vector_load %arg9[%swap3A_65, %swap3A_66] {strides = array<i32>} : memref<80x128xf32, #tpu.memory_space<vmem>>, vector<1x16xf32>,
      %swap3A_68 = vector.shape_cast %swap3A_67 : vector<1x16xf32> to vector<16xf32>
      %swap3A_69 = vector.shape_cast %broadcast_in_dim3A_1 : vector<16xf32> to vector<1x16xf32>
      tpu.vector_store %arg9[%swap3A_65, %swap3A_66], %swap3A_69 {strides = array<i32>} : memref<80x128xf32, #tpu.memory_space<vmem>>, vector<1x16xf32>,
      %swap3A_70 = arith.index_cast %scan3A_50 : i32 to index
      %swap3A_71 = arith.constant 64 : index
      %swap3A_72 = tpu.vector_load %arg9[%swap3A_70, %swap3A_71] {strides = array<i32>} : memref<80x128xf32, #tpu.memory_space<vmem>>, vector<1x16xf32>,
      %swap3A_73 = vector.shape_cast %swap3A_72 : vector<1x16xf32> to vector<16xf32>
      %swap3A_74 = vector.shape_cast %broadcast_in_dim3A_1 : vector<16xf32> to vector<1x16xf32>
      tpu.vector_store %arg9[%swap3A_70, %swap3A_71], %swap3A_74 {strides = array<i32>} : memref<80x128xf32, #tpu.memory_space<vmem>>, vector<1x16xf32>,
      %swap3A_75 = arith.index_cast %scan3A_50 : i32 to index
      %swap3A_76 = arith.constant 80 : index
      %swap3A_77 = tpu.vector_load %arg9[%swap3A_75, %swap3A_76] {strides = array<i32>} : memref<80x128xf32, #tpu.memory_space<vmem>>, vector<1x16xf32>,
      %swap3A_78 = vector.shape_cast %swap3A_77 : vector<1x16xf32> to vector<16xf32>
      %swap3A_79 = vector.shape_cast %broadcast_in_dim3A_1 : vector<16xf32> to vector<1x16xf32>
      tpu.vector_store %arg9[%swap3A_75, %swap3A_76], %swap3A_79 {strides = array<i32>} : memref<80x128xf32, #tpu.memory_space<vmem>>, vector<1x16xf32>,
      %swap3A_80 = arith.index_cast %scan3A_50 : i32 to index
      %swap3A_81 = arith.constant 96 : index
      %swap3A_82 = tpu.vector_load %arg9[%swap3A_80, %swap3A_81] {strides = array<i32>} : memref<80x128xf32, #tpu.memory_space<vmem>>, vector<1x16xf32>,
      %swap3A_83 = vector.shape_cast %swap3A_82 : vector<1x16xf32> to vector<16xf32>
      %swap3A_84 = vector.shape_cast %broadcast_in_dim3A_1 : vector<16xf32> to vector<1x16xf32>
      tpu.vector_store %arg9[%swap3A_80, %swap3A_81], %swap3A_84 {strides = array<i32>} : memref<80x128xf32, #tpu.memory_space<vmem>>, vector<1x16xf32>,
      %swap3A_85 = arith.index_cast %scan3A_50 : i32 to index
      %swap3A_86 = arith.constant 112 : index
      %swap3A_87 = tpu.vector_load %arg9[%swap3A_85, %swap3A_86] {strides = array<i32>} : memref<80x128xf32, #tpu.memory_space<vmem>>, vector<1x16xf32>,
      %swap3A_88 = vector.shape_cast %swap3A_87 : vector<1x16xf32> to vector<16xf32>
      %swap3A_89 = vector.shape_cast %broadcast_in_dim3A_1 : vector<16xf32> to vector<1x16xf32>
      tpu.vector_store %arg9[%swap3A_85, %swap3A_86], %swap3A_89 {strides = array<i32>} : memref<80x128xf32, #tpu.memory_space<vmem>>, vector<1x16xf32>,
    }
    %scan3A_6 = arith.constant 80 : i32
    %dma_start3A = arith.constant 0 : i32
    %dma_start3A_7 = arith.constant 0 : i32
    %dma_start3A_8 = arith.constant 0 : i32
    %dma_start3A_9 = arith.constant 0 : i32
    %dma_start3A_10 = tpu.memref_slice %arg3[%dma_start3A, %add3A, %dma_start3A_7, %dma_start3A_8, %dma_start3A_9] : memref<2x32x5x25x80xi32, #tpu.memory_space<hbm>> -> memref<1x1x1x25x80xi32, #tpu.memory_space<hbm>>
    %dma_start3A_11 = tpu.memref_squeeze %dma_start3A_10 : memref<1x1x1x25x80xi32, #tpu.memory_space<hbm>> -> memref<25x80xi32, #tpu.memory_space<hbm>>
    %dma_start3A_12 = arith.constant 0 : i32
    %dma_start3A_13 = arith.constant 0 : i32
    %dma_start3A_14 = tpu.memref_slice %arg3[%dma_start3A, %add3A, %dma_start3A_7, %dma_start3A_12, %dma_start3A_13] : memref<2x32x5x25x80xi32, #tpu.memory_space<hbm>> -> memref<1x1x1x25x80xi32, #tpu.memory_space<hbm>>
    %dma_start3A_15 = tpu.memref_squeeze %dma_start3A_14 : memref<1x1x1x25x80xi32, #tpu.memory_space<hbm>> -> memref<25x80xi32, #tpu.memory_space<hbm>>
    tpu.enqueue_dma source(%dma_start3A_15 : memref<25x80xi32, #tpu.memory_space<hbm>>) target(%arg6 : memref<25x80xi32, #tpu.memory_space<vmem>>) target_semaphore(%arg11 : memref<!tpu.dma_semaphore, #tpu.memory_space<semaphore_mem>>)
    %mul3A_16 = arith.constant 640 : i32
    %mul3A_17 = arith.muli %arg1, %mul3A_16 : i32
    %add3A_18 = arith.constant 0 : i32
    %add3A_19 = arith.addi %mul3A_17, %add3A_18 : i32
    "tpu.region"() ({
      %run_scoped3A = tpu.sem_alloc : memref<!tpu.dma_semaphore, #tpu.memory_space<semaphore_mem>>
      %dma_start3A_50 = arith.constant 0 : i32
      %dma_start3A_51 = tpu.memref_slice %arg5[%add3A_19, %dma_start3A_50] : memref<10240x128xf32, #tpu.memory_space<vmem_shared>> -> memref<80x128xf32, #tpu.memory_space<vmem_shared>>
      %dma_start3A_52 = arith.constant 0 : i32
      %dma_start3A_53 = tpu.memref_slice %arg5[%add3A_19, %dma_start3A_52] : memref<10240x128xf32, #tpu.memory_space<vmem_shared>> -> memref<80x128xf32, #tpu.memory_space<vmem_shared>>
      tpu.enqueue_dma source(%arg9 : memref<80x128xf32, #tpu.memory_space<vmem>>) target(%dma_start3A_53 : memref<80x128xf32, #tpu.memory_space<vmem_shared>>) target_semaphore(%run_scoped3A : memref<!tpu.dma_semaphore, #tpu.memory_space<semaphore_mem>>)
      %dma_wait3A_54 = arith.constant 0 : i32
      %dma_wait3A_55 = tpu.memref_slice %arg5[%add3A_19, %dma_wait3A_54] : memref<10240x128xf32, #tpu.memory_space<vmem_shared>> -> memref<80x128xf32, #tpu.memory_space<vmem_shared>>
      %dma_wait3A_56 = arith.constant 0 : i32
      %dma_wait3A_57 = tpu.memref_slice %arg5[%add3A_19, %dma_wait3A_56] : memref<10240x128xf32, #tpu.memory_space<vmem_shared>> -> memref<80x128xf32, #tpu.memory_space<vmem_shared>>
      tpu.wait_dma2 semaphore(%run_scoped3A : memref<!tpu.dma_semaphore, #tpu.memory_space<semaphore_mem>>) src(%arg9 : memref<80x128xf32, #tpu.memory_space<vmem>>) dst(%dma_wait3A_57 : memref<80x128xf32, #tpu.memory_space<vmem_shared>>)
      tpu.yield
    }) : () -> ()
    %add3A_20 = arith.constant 80 : i32
    %add3A_21 = arith.addi %mul3A_17, %add3A_20 : i32
    "tpu.region"() ({
      %run_scoped3A = tpu.sem_alloc : memref<!tpu.dma_semaphore, #tpu.memory_space<semaphore_mem>>
      %dma_start3A_50 = arith.constant 0 : i32
      %dma_start3A_51 = tpu.memref_slice %arg5[%add3A_21, %dma_start3A_50] : memref<10240x128xf32, #tpu.memory_space<vmem_shared>> -> memref<80x128xf32, #tpu.memory_space<vmem_shared>>
      %dma_start3A_52 = arith.constant 0 : i32
      %dma_start3A_53 = tpu.memref_slice %arg5[%add3A_21, %dma_start3A_52] : memref<10240x128xf32, #tpu.memory_space<vmem_shared>> -> memref<80x128xf32, #tpu.memory_space<vmem_shared>>
      tpu.enqueue_dma source(%arg9 : memref<80x128xf32, #tpu.memory_space<vmem>>) target(%dma_start3A_53 : memref<80x128xf32, #tpu.memory_space<vmem_shared>>) target_semaphore(%run_scoped3A : memref<!tpu.dma_semaphore, #tpu.memory_space<semaphore_mem>>)
      %dma_wait3A_54 = arith.constant 0 : i32
      %dma_wait3A_55 = tpu.memref_slice %arg5[%add3A_21, %dma_wait3A_54] : memref<10240x128xf32, #tpu.memory_space<vmem_shared>> -> memref<80x128xf32, #tpu.memory_space<vmem_shared>>
      %dma_wait3A_56 = arith.constant 0 : i32
      %dma_wait3A_57 = tpu.memref_slice %arg5[%add3A_21, %dma_wait3A_56] : memref<10240x128xf32, #tpu.memory_space<vmem_shared>> -> memref<80x128xf32, #tpu.memory_space<vmem_shared>>
      tpu.wait_dma2 semaphore(%run_scoped3A : memref<!tpu.dma_semaphore, #tpu.memory_space<semaphore_mem>>) src(%arg9 : memref<80x128xf32, #tpu.memory_space<vmem>>) dst(%dma_wait3A_57 : memref<80x128xf32, #tpu.memory_space<vmem_shared>>)
      tpu.yield
    }) : () -> ()
    %add3A_22 = arith.constant 160 : i32
    %add3A_23 = arith.addi %mul3A_17, %add3A_22 : i32
    "tpu.region"() ({
      %run_scoped3A = tpu.sem_alloc : memref<!tpu.dma_semaphore, #tpu.memory_space<semaphore_mem>>
      %dma_start3A_50 = arith.constant 0 : i32
      %dma_start3A_51 = tpu.memref_slice %arg5[%add3A_23, %dma_start3A_50] : memref<10240x128xf32, #tpu.memory_space<vmem_shared>> -> memref<80x128xf32, #tpu.memory_space<vmem_shared>>
      %dma_start3A_52 = arith.constant 0 : i32
      %dma_start3A_53 = tpu.memref_slice %arg5[%add3A_23, %dma_start3A_52] : memref<10240x128xf32, #tpu.memory_space<vmem_shared>> -> memref<80x128xf32, #tpu.memory_space<vmem_shared>>
      tpu.enqueue_dma source(%arg9 : memref<80x128xf32, #tpu.memory_space<vmem>>) target(%dma_start3A_53 : memref<80x128xf32, #tpu.memory_space<vmem_shared>>) target_semaphore(%run_scoped3A : memref<!tpu.dma_semaphore, #tpu.memory_space<semaphore_mem>>)
      %dma_wait3A_54 = arith.constant 0 : i32
      %dma_wait3A_55 = tpu.memref_slice %arg5[%add3A_23, %dma_wait3A_54] : memref<10240x128xf32, #tpu.memory_space<vmem_shared>> -> memref<80x128xf32, #tpu.memory_space<vmem_shared>>
      %dma_wait3A_56 = arith.constant 0 : i32
      %dma_wait3A_57 = tpu.memref_slice %arg5[%add3A_23, %dma_wait3A_56] : memref<10240x128xf32, #tpu.memory_space<vmem_shared>> -> memref<80x128xf32, #tpu.memory_space<vmem_shared>>
      tpu.wait_dma2 semaphore(%run_scoped3A : memref<!tpu.dma_semaphore, #tpu.memory_space<semaphore_mem>>) src(%arg9 : memref<80x128xf32, #tpu.memory_space<vmem>>) dst(%dma_wait3A_57 : memref<80x128xf32, #tpu.memory_space<vmem_shared>>)
      tpu.yield
    }) : () -> ()
    %add3A_24 = arith.constant 240 : i32
    %add3A_25 = arith.addi %mul3A_17, %add3A_24 : i32
    "tpu.region"() ({
      %run_scoped3A = tpu.sem_alloc : memref<!tpu.dma_semaphore, #tpu.memory_space<semaphore_mem>>
      %dma_start3A_50 = arith.constant 0 : i32
      %dma_start3A_51 = tpu.memref_slice %arg5[%add3A_25, %dma_start3A_50] : memref<10240x128xf32, #tpu.memory_space<vmem_shared>> -> memref<80x128xf32, #tpu.memory_space<vmem_shared>>
      %dma_start3A_52 = arith.constant 0 : i32
      %dma_start3A_53 = tpu.memref_slice %arg5[%add3A_25, %dma_start3A_52] : memref<10240x128xf32, #tpu.memory_space<vmem_shared>> -> memref<80x128xf32, #tpu.memory_space<vmem_shared>>
      tpu.enqueue_dma source(%arg9 : memref<80x128xf32, #tpu.memory_space<vmem>>) target(%dma_start3A_53 : memref<80x128xf32, #tpu.memory_space<vmem_shared>>) target_semaphore(%run_scoped3A : memref<!tpu.dma_semaphore, #tpu.memory_space<semaphore_mem>>)
      %dma_wait3A_54 = arith.constant 0 : i32
      %dma_wait3A_55 = tpu.memref_slice %arg5[%add3A_25, %dma_wait3A_54] : memref<10240x128xf32, #tpu.memory_space<vmem_shared>> -> memref<80x128xf32, #tpu.memory_space<vmem_shared>>
      %dma_wait3A_56 = arith.constant 0 : i32
      %dma_wait3A_57 = tpu.memref_slice %arg5[%add3A_25, %dma_wait3A_56] : memref<10240x128xf32, #tpu.memory_space<vmem_shared>> -> memref<80x128xf32, #tpu.memory_space<vmem_shared>>
      tpu.wait_dma2 semaphore(%run_scoped3A : memref<!tpu.dma_semaphore, #tpu.memory_space<semaphore_mem>>) src(%arg9 : memref<80x128xf32, #tpu.memory_space<vmem>>) dst(%dma_wait3A_57 : memref<80x128xf32, #tpu.memory_space<vmem_shared>>)
      tpu.yield
    }) : () -> ()
    %add3A_26 = arith.constant 320 : i32
    %add3A_27 = arith.addi %mul3A_17, %add3A_26 : i32
    "tpu.region"() ({
      %run_scoped3A = tpu.sem_alloc : memref<!tpu.dma_semaphore, #tpu.memory_space<semaphore_mem>>
      %dma_start3A_50 = arith.constant 0 : i32
      %dma_start3A_51 = tpu.memref_slice %arg5[%add3A_27, %dma_start3A_50] : memref<10240x128xf32, #tpu.memory_space<vmem_shared>> -> memref<80x128xf32, #tpu.memory_space<vmem_shared>>
      %dma_start3A_52 = arith.constant 0 : i32
      %dma_start3A_53 = tpu.memref_slice %arg5[%add3A_27, %dma_start3A_52] : memref<10240x128xf32, #tpu.memory_space<vmem_shared>> -> memref<80x128xf32, #tpu.memory_space<vmem_shared>>
      tpu.enqueue_dma source(%arg9 : memref<80x128xf32, #tpu.memory_space<vmem>>) target(%dma_start3A_53 : memref<80x128xf32, #tpu.memory_space<vmem_shared>>) target_semaphore(%run_scoped3A : memref<!tpu.dma_semaphore, #tpu.memory_space<semaphore_mem>>)
      %dma_wait3A_54 = arith.constant 0 : i32
      %dma_wait3A_55 = tpu.memref_slice %arg5[%add3A_27, %dma_wait3A_54] : memref<10240x128xf32, #tpu.memory_space<vmem_shared>> -> memref<80x128xf32, #tpu.memory_space<vmem_shared>>
      %dma_wait3A_56 = arith.constant 0 : i32
      %dma_wait3A_57 = tpu.memref_slice %arg5[%add3A_27, %dma_wait3A_56] : memref<10240x128xf32, #tpu.memory_space<vmem_shared>> -> memref<80x128xf32, #tpu.memory_space<vmem_shared>>
      tpu.wait_dma2 semaphore(%run_scoped3A : memref<!tpu.dma_semaphore, #tpu.memory_space<semaphore_mem>>) src(%arg9 : memref<80x128xf32, #tpu.memory_space<vmem>>) dst(%dma_wait3A_57 : memref<80x128xf32, #tpu.memory_space<vmem_shared>>)
      tpu.yield
    }) : () -> ()
    %add3A_28 = arith.constant 400 : i32
    %add3A_29 = arith.addi %mul3A_17, %add3A_28 : i32
    "tpu.region"() ({
      %run_scoped3A = tpu.sem_alloc : memref<!tpu.dma_semaphore, #tpu.memory_space<semaphore_mem>>
      %dma_start3A_50 = arith.constant 0 : i32
      %dma_start3A_51 = tpu.memref_slice %arg5[%add3A_29, %dma_start3A_50] : memref<10240x128xf32, #tpu.memory_space<vmem_shared>> -> memref<80x128xf32, #tpu.memory_space<vmem_shared>>
      %dma_start3A_52 = arith.constant 0 : i32
      %dma_start3A_53 = tpu.memref_slice %arg5[%add3A_29, %dma_start3A_52] : memref<10240x128xf32, #tpu.memory_space<vmem_shared>> -> memref<80x128xf32, #tpu.memory_space<vmem_shared>>
      tpu.enqueue_dma source(%arg9 : memref<80x128xf32, #tpu.memory_space<vmem>>) target(%dma_start3A_53 : memref<80x128xf32, #tpu.memory_space<vmem_shared>>) target_semaphore(%run_scoped3A : memref<!tpu.dma_semaphore, #tpu.memory_space<semaphore_mem>>)
      %dma_wait3A_54 = arith.constant 0 : i32
      %dma_wait3A_55 = tpu.memref_slice %arg5[%add3A_29, %dma_wait3A_54] : memref<10240x128xf32, #tpu.memory_space<vmem_shared>> -> memref<80x128xf32, #tpu.memory_space<vmem_shared>>
      %dma_wait3A_56 = arith.constant 0 : i32
      %dma_wait3A_57 = tpu.memref_slice %arg5[%add3A_29, %dma_wait3A_56] : memref<10240x128xf32, #tpu.memory_space<vmem_shared>> -> memref<80x128xf32, #tpu.memory_space<vmem_shared>>
      tpu.wait_dma2 semaphore(%run_scoped3A : memref<!tpu.dma_semaphore, #tpu.memory_space<semaphore_mem>>) src(%arg9 : memref<80x128xf32, #tpu.memory_space<vmem>>) dst(%dma_wait3A_57 : memref<80x128xf32, #tpu.memory_space<vmem_shared>>)
      tpu.yield
    }) : () -> ()
    %add3A_30 = arith.constant 480 : i32
    %add3A_31 = arith.addi %mul3A_17, %add3A_30 : i32
    "tpu.region"() ({
      %run_scoped3A = tpu.sem_alloc : memref<!tpu.dma_semaphore, #tpu.memory_space<semaphore_mem>>
      %dma_start3A_50 = arith.constant 0 : i32
      %dma_start3A_51 = tpu.memref_slice %arg5[%add3A_31, %dma_start3A_50] : memref<10240x128xf32, #tpu.memory_space<vmem_shared>> -> memref<80x128xf32, #tpu.memory_space<vmem_shared>>
      %dma_start3A_52 = arith.constant 0 : i32
      %dma_start3A_53 = tpu.memref_slice %arg5[%add3A_31, %dma_start3A_52] : memref<10240x128xf32, #tpu.memory_space<vmem_shared>> -> memref<80x128xf32, #tpu.memory_space<vmem_shared>>
      tpu.enqueue_dma source(%arg9 : memref<80x128xf32, #tpu.memory_space<vmem>>) target(%dma_start3A_53 : memref<80x128xf32, #tpu.memory_space<vmem_shared>>) target_semaphore(%run_scoped3A : memref<!tpu.dma_semaphore, #tpu.memory_space<semaphore_mem>>)
      %dma_wait3A_54 = arith.constant 0 : i32
      %dma_wait3A_55 = tpu.memref_slice %arg5[%add3A_31, %dma_wait3A_54] : memref<10240x128xf32, #tpu.memory_space<vmem_shared>> -> memref<80x128xf32, #tpu.memory_space<vmem_shared>>
      %dma_wait3A_56 = arith.constant 0 : i32
      %dma_wait3A_57 = tpu.memref_slice %arg5[%add3A_31, %dma_wait3A_56] : memref<10240x128xf32, #tpu.memory_space<vmem_shared>> -> memref<80x128xf32, #tpu.memory_space<vmem_shared>>
      tpu.wait_dma2 semaphore(%run_scoped3A : memref<!tpu.dma_semaphore, #tpu.memory_space<semaphore_mem>>) src(%arg9 : memref<80x128xf32, #tpu.memory_space<vmem>>) dst(%dma_wait3A_57 : memref<80x128xf32, #tpu.memory_space<vmem_shared>>)
      tpu.yield
    }) : () -> ()
    %add3A_32 = arith.constant 560 : i32
    %add3A_33 = arith.addi %mul3A_17, %add3A_32 : i32
    "tpu.region"() ({
      %run_scoped3A = tpu.sem_alloc : memref<!tpu.dma_semaphore, #tpu.memory_space<semaphore_mem>>
      %dma_start3A_50 = arith.constant 0 : i32
      %dma_start3A_51 = tpu.memref_slice %arg5[%add3A_33, %dma_start3A_50] : memref<10240x128xf32, #tpu.memory_space<vmem_shared>> -> memref<80x128xf32, #tpu.memory_space<vmem_shared>>
      %dma_start3A_52 = arith.constant 0 : i32
      %dma_start3A_53 = tpu.memref_slice %arg5[%add3A_33, %dma_start3A_52] : memref<10240x128xf32, #tpu.memory_space<vmem_shared>> -> memref<80x128xf32, #tpu.memory_space<vmem_shared>>
      tpu.enqueue_dma source(%arg9 : memref<80x128xf32, #tpu.memory_space<vmem>>) target(%dma_start3A_53 : memref<80x128xf32, #tpu.memory_space<vmem_shared>>) target_semaphore(%run_scoped3A : memref<!tpu.dma_semaphore, #tpu.memory_space<semaphore_mem>>)
      %dma_wait3A_54 = arith.constant 0 : i32
      %dma_wait3A_55 = tpu.memref_slice %arg5[%add3A_33, %dma_wait3A_54] : memref<10240x128xf32, #tpu.memory_space<vmem_shared>> -> memref<80x128xf32, #tpu.memory_space<vmem_shared>>
      %dma_wait3A_56 = arith.constant 0 : i32
      %dma_wait3A_57 = tpu.memref_slice %arg5[%add3A_33, %dma_wait3A_56] : memref<10240x128xf32, #tpu.memory_space<vmem_shared>> -> memref<80x128xf32, #tpu.memory_space<vmem_shared>>
      tpu.wait_dma2 semaphore(%run_scoped3A : memref<!tpu.dma_semaphore, #tpu.memory_space<semaphore_mem>>) src(%arg9 : memref<80x128xf32, #tpu.memory_space<vmem>>) dst(%dma_wait3A_57 : memref<80x128xf32, #tpu.memory_space<vmem_shared>>)
      tpu.yield
    }) : () -> ()
    %barrier3A = arith.constant 0 : index
    tpu.barrier barrier_id(%barrier3A)
    %scan3A_34 = arith.constant 0 : i32
    %scan3A_35 = arith.constant 0 : i32
    %scan3A_36 = arith.constant 5 : i32
    %scan3A_37 = arith.addi %scan3A_35, %scan3A_36 : i32
    %scan3A_38 = arith.constant 1 : i32
    scf.for %scan3A_50 = %scan3A_35 to %scan3A_37 step %scan3A_38  : i32 {
      %dma_start3A_51 = arith.constant 1 : i32
      %dma_start3A_52 = arith.constant 0 : i32
      %dma_start3A_53 = arith.constant 0 : i32
      %dma_start3A_54 = tpu.memref_slice %arg3[%dma_start3A_51, %add3A, %scan3A_50, %dma_start3A_52, %dma_start3A_53] : memref<2x32x5x25x80xi32, #tpu.memory_space<hbm>> -> memref<1x1x1x25x80xi32, #tpu.memory_space<hbm>>
      %dma_start3A_55 = tpu.memref_squeeze %dma_start3A_54 : memref<1x1x1x25x80xi32, #tpu.memory_space<hbm>> -> memref<25x80xi32, #tpu.memory_space<hbm>>
      %dma_start3A_56 = arith.constant 0 : i32
      %dma_start3A_57 = arith.constant 0 : i32
      %dma_start3A_58 = tpu.memref_slice %arg3[%dma_start3A_51, %add3A, %scan3A_50, %dma_start3A_56, %dma_start3A_57] : memref<2x32x5x25x80xi32, #tpu.memory_space<hbm>> -> memref<1x1x1x25x80xi32, #tpu.memory_space<hbm>>
      %dma_start3A_59 = tpu.memref_squeeze %dma_start3A_58 : memref<1x1x1x25x80xi32, #tpu.memory_space<hbm>> -> memref<25x80xi32, #tpu.memory_space<hbm>>
      tpu.enqueue_dma source(%dma_start3A_59 : memref<25x80xi32, #tpu.memory_space<hbm>>) target(%arg7 : memref<25x80xi32, #tpu.memory_space<vmem>>) target_semaphore(%arg15 : memref<!tpu.dma_semaphore, #tpu.memory_space<semaphore_mem>>)
      %dma_wait3A_60 = arith.constant 0 : i32
      %dma_wait3A_61 = arith.constant 0 : i32
      %dma_wait3A_62 = arith.constant 0 : i32
      %dma_wait3A_63 = tpu.memref_slice %arg3[%dma_wait3A_60, %add3A, %scan3A_50, %dma_wait3A_61, %dma_wait3A_62] : memref<2x32x5x25x80xi32, #tpu.memory_space<hbm>> -> memref<1x1x1x25x80xi32, #tpu.memory_space<hbm>>
      %dma_wait3A_64 = tpu.memref_squeeze %dma_wait3A_63 : memref<1x1x1x25x80xi32, #tpu.memory_space<hbm>> -> memref<25x80xi32, #tpu.memory_space<hbm>>
      %dma_wait3A_65 = arith.constant 0 : i32
      %dma_wait3A_66 = arith.constant 0 : i32
      %dma_wait3A_67 = tpu.memref_slice %arg3[%dma_wait3A_60, %add3A, %scan3A_50, %dma_wait3A_65, %dma_wait3A_66] : memref<2x32x5x25x80xi32, #tpu.memory_space<hbm>> -> memref<1x1x1x25x80xi32, #tpu.memory_space<hbm>>
      %dma_wait3A_68 = tpu.memref_squeeze %dma_wait3A_67 : memref<1x1x1x25x80xi32, #tpu.memory_space<hbm>> -> memref<25x80xi32, #tpu.memory_space<hbm>>
      tpu.wait_dma2 semaphore(%arg11 : memref<!tpu.dma_semaphore, #tpu.memory_space<semaphore_mem>>) src(%dma_wait3A_68 : memref<25x80xi32, #tpu.memory_space<hbm>>) dst(%arg6 : memref<25x80xi32, #tpu.memory_space<vmem>>)
      %dma_start3A_69 = arith.constant 0 : i32
      %dma_start3A_70 = arith.constant 0 : i32
      %dma_start3A_71 = tpu.memref_slice %arg6[%dma_start3A_69, %dma_start3A_70] : memref<25x80xi32, #tpu.memory_space<vmem>> -> memref<1x80xi32, #tpu.memory_space<vmem>>
      %dma_start3A_72 = tpu.memref_squeeze %dma_start3A_71 : memref<1x80xi32, #tpu.memory_space<vmem>> -> memref<80xi32, #tpu.memory_space<vmem>>
      %dma_start3A_73 = arith.constant 0 : i32
      %dma_start3A_74 = arith.constant 0 : i32
      %dma_start3A_75 = tpu.memref_slice %arg2[%dma_start3A_73, %dma_start3A_74] : memref<10000x128xf32, #tpu.memory_space<hbm>> -> memref<10000x128xf32, #tpu.memory_space<hbm>>
      tpu.enqueue_indirect_dma source(%dma_start3A_75 : memref<10000x128xf32, #tpu.memory_space<hbm>>) target(%arg8 : memref<80x128xf32, #tpu.memory_space<vmem>>) offsets(%dma_start3A_72 : memref<80xi32, #tpu.memory_space<vmem>>) semaphore(%arg11 : memref<!tpu.dma_semaphore, #tpu.memory_space<semaphore_mem>>)
      %dma_start3A_76 = arith.constant 1 : i32
      %dma_start3A_77 = arith.constant 0 : i32
      %dma_start3A_78 = tpu.memref_slice %arg6[%dma_start3A_76, %dma_start3A_77] : memref<25x80xi32, #tpu.memory_space<vmem>> -> memref<1x80xi32, #tpu.memory_space<vmem>>
      %dma_start3A_79 = tpu.memref_squeeze %dma_start3A_78 : memref<1x80xi32, #tpu.memory_space<vmem>> -> memref<80xi32, #tpu.memory_space<vmem>>
      %dma_start3A_80 = arith.constant 0 : i32
      %dma_start3A_81 = arith.constant 0 : i32
      %dma_start3A_82 = tpu.memref_slice %arg2[%dma_start3A_80, %dma_start3A_81] : memref<10000x128xf32, #tpu.memory_space<hbm>> -> memref<10000x128xf32, #tpu.memory_space<hbm>>
      tpu.enqueue_indirect_dma source(%dma_start3A_82 : memref<10000x128xf32, #tpu.memory_space<hbm>>) target(%arg9 : memref<80x128xf32, #tpu.memory_space<vmem>>) offsets(%dma_start3A_79 : memref<80xi32, #tpu.memory_space<vmem>>) semaphore(%arg12 : memref<!tpu.dma_semaphore, #tpu.memory_space<semaphore_mem>>)
      %dma_wait3A_83 = arith.constant 0 : i32
      %dma_wait3A_84 = arith.constant 0 : i32
      %dma_wait3A_85 = tpu.memref_slice %arg6[%dma_wait3A_83, %dma_wait3A_84] : memref<25x80xi32, #tpu.memory_space<vmem>> -> memref<1x80xi32, #tpu.memory_space<vmem>>
      %dma_wait3A_86 = tpu.memref_squeeze %dma_wait3A_85 : memref<1x80xi32, #tpu.memory_space<vmem>> -> memref<80xi32, #tpu.memory_space<vmem>>
      %dma_wait3A_87 = arith.constant 0 : i32
      %dma_wait3A_88 = arith.constant 0 : i32
      %dma_wait3A_89 = tpu.memref_slice %arg2[%dma_wait3A_87, %dma_wait3A_88] : memref<10000x128xf32, #tpu.memory_space<hbm>> -> memref<10000x128xf32, #tpu.memory_space<hbm>>
      tpu.wait_indirect_dma semaphore(%arg11 : memref<!tpu.dma_semaphore, #tpu.memory_space<semaphore_mem>>) src(%dma_wait3A_89 : memref<10000x128xf32, #tpu.memory_space<hbm>>) dst(%arg8 : memref<80x128xf32, #tpu.memory_space<vmem>>)
      %dma_wait3A_90 = arith.constant 1 : i32
      %dma_wait3A_91 = arith.constant 0 : i32
      %dma_wait3A_92 = arith.constant 0 : i32
      %dma_wait3A_93 = tpu.memref_slice %arg3[%dma_wait3A_90, %add3A, %scan3A_50, %dma_wait3A_91, %dma_wait3A_92] : memref<2x32x5x25x80xi32, #tpu.memory_space<hbm>> -> memref<1x1x1x25x80xi32, #tpu.memory_space<hbm>>
      %dma_wait3A_94 = tpu.memref_squeeze %dma_wait3A_93 : memref<1x1x1x25x80xi32, #tpu.memory_space<hbm>> -> memref<25x80xi32, #tpu.memory_space<hbm>>
      %dma_wait3A_95 = arith.constant 0 : i32
      %dma_wait3A_96 = arith.constant 0 : i32
      %dma_wait3A_97 = tpu.memref_slice %arg3[%dma_wait3A_90, %add3A, %scan3A_50, %dma_wait3A_95, %dma_wait3A_96] : memref<2x32x5x25x80xi32, #tpu.memory_space<hbm>> -> memref<1x1x1x25x80xi32, #tpu.memory_space<hbm>>
      %dma_wait3A_98 = tpu.memref_squeeze %dma_wait3A_97 : memref<1x1x1x25x80xi32, #tpu.memory_space<hbm>> -> memref<25x80xi32, #tpu.memory_space<hbm>>
      tpu.wait_dma2 semaphore(%arg15 : memref<!tpu.dma_semaphore, #tpu.memory_space<semaphore_mem>>) src(%dma_wait3A_98 : memref<25x80xi32, #tpu.memory_space<hbm>>) dst(%arg7 : memref<25x80xi32, #tpu.memory_space<vmem>>)
      %dma_start3A_99 = arith.constant 0 : i32
      %dma_start3A_100 = arith.constant 0 : i32
      %dma_start3A_101 = tpu.memref_slice %arg7[%dma_start3A_99, %dma_start3A_100] : memref<25x80xi32, #tpu.memory_space<vmem>> -> memref<1x80xi32, #tpu.memory_space<vmem>>
      %dma_start3A_102 = tpu.memref_squeeze %dma_start3A_101 : memref<1x80xi32, #tpu.memory_space<vmem>> -> memref<80xi32, #tpu.memory_space<vmem>>
      %dma_start3A_103 = arith.constant 0 : i32
      %dma_start3A_104 = arith.constant 0 : i32
      %dma_start3A_105 = tpu.memref_slice %arg5[%dma_start3A_103, %dma_start3A_104] : memref<10240x128xf32, #tpu.memory_space<vmem_shared>> -> memref<10240x128xf32, #tpu.memory_space<vmem_shared>>
      tpu.enqueue_indirect_dma source(%arg8 : memref<80x128xf32, #tpu.memory_space<vmem>>) target(%dma_start3A_105 : memref<10240x128xf32, #tpu.memory_space<vmem_shared>>) offsets(%dma_start3A_102 : memref<80xi32, #tpu.memory_space<vmem>>) semaphore(%arg14 : memref<!tpu.dma_semaphore, #tpu.memory_space<semaphore_mem>>) {add = true}
      %dma_start3A_106 = arith.constant 2 : i32
      %dma_start3A_107 = arith.constant 0 : i32
      %dma_start3A_108 = tpu.memref_slice %arg6[%dma_start3A_106, %dma_start3A_107] : memref<25x80xi32, #tpu.memory_space<vmem>> -> memref<1x80xi32, #tpu.memory_space<vmem>>
      %dma_start3A_109 = tpu.memref_squeeze %dma_start3A_108 : memref<1x80xi32, #tpu.memory_space<vmem>> -> memref<80xi32, #tpu.memory_space<vmem>>
      %dma_start3A_110 = arith.constant 0 : i32
      %dma_start3A_111 = arith.constant 0 : i32
      %dma_start3A_112 = tpu.memref_slice %arg2[%dma_start3A_110, %dma_start3A_111] : memref<10000x128xf32, #tpu.memory_space<hbm>> -> memref<10000x128xf32, #tpu.memory_space<hbm>>
      tpu.enqueue_indirect_dma source(%dma_start3A_112 : memref<10000x128xf32, #tpu.memory_space<hbm>>) target(%arg10 : memref<80x128xf32, #tpu.memory_space<vmem>>) offsets(%dma_start3A_109 : memref<80xi32, #tpu.memory_space<vmem>>) semaphore(%arg13 : memref<!tpu.dma_semaphore, #tpu.memory_space<semaphore_mem>>)
      %scan3A_113 = arith.constant 0 : i32
      %scan3A_114 = arith.constant 0 : i32
      %scan3A_115 = arith.constant 7 : i32
      %scan3A_116 = arith.addi %scan3A_114, %scan3A_115 : i32
      %scan3A_117 = arith.constant 1 : i32
      scf.for %scan3A_208 = %scan3A_114 to %scan3A_116 step %scan3A_117  : i32 {
        %mul3A_209 = arith.constant 3 : i32
        %mul3A_210 = arith.muli %mul3A_209, %scan3A_208 : i32
        %add3A_211 = arith.constant 1 : i32
        %add3A_212 = arith.addi %mul3A_210, %add3A_211 : i32
        %add3A_213 = arith.constant 0 : i32
        %add3A_214 = arith.addi %add3A_212, %add3A_213 : i32
        %dma_wait3A_215 = arith.constant 0 : i32
        %dma_wait3A_216 = tpu.memref_slice %arg6[%add3A_214, %dma_wait3A_215] : memref<25x80xi32, #tpu.memory_space<vmem>> -> memref<1x80xi32, #tpu.memory_space<vmem>>
        %dma_wait3A_217 = tpu.memref_squeeze %dma_wait3A_216 : memref<1x80xi32, #tpu.memory_space<vmem>> -> memref<80xi32, #tpu.memory_space<vmem>>
        %dma_wait3A_218 = arith.constant 0 : i32
        %dma_wait3A_219 = arith.constant 0 : i32
        %dma_wait3A_220 = tpu.memref_slice %arg2[%dma_wait3A_218, %dma_wait3A_219] : memref<10000x128xf32, #tpu.memory_space<hbm>> -> memref<10000x128xf32, #tpu.memory_space<hbm>>
        tpu.wait_indirect_dma semaphore(%arg12 : memref<!tpu.dma_semaphore, #tpu.memory_space<semaphore_mem>>) src(%dma_wait3A_220 : memref<10000x128xf32, #tpu.memory_space<hbm>>) dst(%arg9 : memref<80x128xf32, #tpu.memory_space<vmem>>)
        %dma_start3A_221 = arith.constant 0 : i32
        %dma_start3A_222 = tpu.memref_slice %arg7[%add3A_214, %dma_start3A_221] : memref<25x80xi32, #tpu.memory_space<vmem>> -> memref<1x80xi32, #tpu.memory_space<vmem>>
        %dma_start3A_223 = tpu.memref_squeeze %dma_start3A_222 : memref<1x80xi32, #tpu.memory_space<vmem>> -> memref<80xi32, #tpu.memory_space<vmem>>
        %dma_start3A_224 = arith.constant 0 : i32
        %dma_start3A_225 = arith.constant 0 : i32
        %dma_start3A_226 = tpu.memref_slice %arg5[%dma_start3A_224, %dma_start3A_225] : memref<10240x128xf32, #tpu.memory_space<vmem_shared>> -> memref<10240x128xf32, #tpu.memory_space<vmem_shared>>
        tpu.enqueue_indirect_dma source(%arg9 : memref<80x128xf32, #tpu.memory_space<vmem>>) target(%dma_start3A_226 : memref<10240x128xf32, #tpu.memory_space<vmem_shared>>) offsets(%dma_start3A_223 : memref<80xi32, #tpu.memory_space<vmem>>) semaphore(%arg15 : memref<!tpu.dma_semaphore, #tpu.memory_space<semaphore_mem>>) {add = true}
        %sub3A = arith.constant 1 : i32
        %sub3A_227 = arith.subi %add3A_214, %sub3A : i32
        %dma_wait3A_228 = arith.constant 0 : i32
        %dma_wait3A_229 = tpu.memref_slice %arg7[%sub3A_227, %dma_wait3A_228] : memref<25x80xi32, #tpu.memory_space<vmem>> -> memref<1x80xi32, #tpu.memory_space<vmem>>
        %dma_wait3A_230 = tpu.memref_squeeze %dma_wait3A_229 : memref<1x80xi32, #tpu.memory_space<vmem>> -> memref<80xi32, #tpu.memory_space<vmem>>
        %dma_wait3A_231 = arith.constant 0 : i32
        %dma_wait3A_232 = arith.constant 0 : i32
        %dma_wait3A_233 = tpu.memref_slice %arg5[%dma_wait3A_231, %dma_wait3A_232] : memref<10240x128xf32, #tpu.memory_space<vmem_shared>> -> memref<10240x128xf32, #tpu.memory_space<vmem_shared>>
        tpu.wait_indirect_dma semaphore(%arg14 : memref<!tpu.dma_semaphore, #tpu.memory_space<semaphore_mem>>) src(%arg8 : memref<80x128xf32, #tpu.memory_space<vmem>>) dst(%dma_wait3A_233 : memref<10240x128xf32, #tpu.memory_space<vmem_shared>>)
        %add3A_234 = arith.constant 2 : i32
        %add3A_235 = arith.addi %add3A_214, %add3A_234 : i32
        %dma_start3A_236 = arith.constant 0 : i32
        %dma_start3A_237 = tpu.memref_slice %arg6[%add3A_235, %dma_start3A_236] : memref<25x80xi32, #tpu.memory_space<vmem>> -> memref<1x80xi32, #tpu.memory_space<vmem>>
        %dma_start3A_238 = tpu.memref_squeeze %dma_start3A_237 : memref<1x80xi32, #tpu.memory_space<vmem>> -> memref<80xi32, #tpu.memory_space<vmem>>
        %dma_start3A_239 = arith.constant 0 : i32
        %dma_start3A_240 = arith.constant 0 : i32
        %dma_start3A_241 = tpu.memref_slice %arg2[%dma_start3A_239, %dma_start3A_240] : memref<10000x128xf32, #tpu.memory_space<hbm>> -> memref<10000x128xf32, #tpu.memory_space<hbm>>
        tpu.enqueue_indirect_dma source(%dma_start3A_241 : memref<10000x128xf32, #tpu.memory_space<hbm>>) target(%arg8 : memref<80x128xf32, #tpu.memory_space<vmem>>) offsets(%dma_start3A_238 : memref<80xi32, #tpu.memory_space<vmem>>) semaphore(%arg11 : memref<!tpu.dma_semaphore, #tpu.memory_space<semaphore_mem>>)
        %mul3A_242 = arith.constant 3 : i32
        %mul3A_243 = arith.muli %mul3A_242, %scan3A_208 : i32
        %add3A_244 = arith.constant 1 : i32
        %add3A_245 = arith.addi %mul3A_243, %add3A_244 : i32
        %add3A_246 = arith.constant 1 : i32
        %add3A_247 = arith.addi %add3A_245, %add3A_246 : i32
        %dma_wait3A_248 = arith.constant 0 : i32
        %dma_wait3A_249 = tpu.memref_slice %arg6[%add3A_247, %dma_wait3A_248] : memref<25x80xi32, #tpu.memory_space<vmem>> -> memref<1x80xi32, #tpu.memory_space<vmem>>
        %dma_wait3A_250 = tpu.memref_squeeze %dma_wait3A_249 : memref<1x80xi32, #tpu.memory_space<vmem>> -> memref<80xi32, #tpu.memory_space<vmem>>
        %dma_wait3A_251 = arith.constant 0 : i32
        %dma_wait3A_252 = arith.constant 0 : i32
        %dma_wait3A_253 = tpu.memref_slice %arg2[%dma_wait3A_251, %dma_wait3A_252] : memref<10000x128xf32, #tpu.memory_space<hbm>> -> memref<10000x128xf32, #tpu.memory_space<hbm>>
        tpu.wait_indirect_dma semaphore(%arg13 : memref<!tpu.dma_semaphore, #tpu.memory_space<semaphore_mem>>) src(%dma_wait3A_253 : memref<10000x128xf32, #tpu.memory_space<hbm>>) dst(%arg10 : memref<80x128xf32, #tpu.memory_space<vmem>>)
        %dma_start3A_254 = arith.constant 0 : i32
        %dma_start3A_255 = tpu.memref_slice %arg7[%add3A_247, %dma_start3A_254] : memref<25x80xi32, #tpu.memory_space<vmem>> -> memref<1x80xi32, #tpu.memory_space<vmem>>
        %dma_start3A_256 = tpu.memref_squeeze %dma_start3A_255 : memref<1x80xi32, #tpu.memory_space<vmem>> -> memref<80xi32, #tpu.memory_space<vmem>>
        %dma_start3A_257 = arith.constant 0 : i32
        %dma_start3A_258 = arith.constant 0 : i32
        %dma_start3A_259 = tpu.memref_slice %arg5[%dma_start3A_257, %dma_start3A_258] : memref<10240x128xf32, #tpu.memory_space<vmem_shared>> -> memref<10240x128xf32, #tpu.memory_space<vmem_shared>>
        tpu.enqueue_indirect_dma source(%arg10 : memref<80x128xf32, #tpu.memory_space<vmem>>) target(%dma_start3A_259 : memref<10240x128xf32, #tpu.memory_space<vmem_shared>>) offsets(%dma_start3A_256 : memref<80xi32, #tpu.memory_space<vmem>>) semaphore(%arg16 : memref<!tpu.dma_semaphore, #tpu.memory_space<semaphore_mem>>) {add = true}
        %sub3A_260 = arith.constant 1 : i32
        %sub3A_261 = arith.subi %add3A_247, %sub3A_260 : i32
        %dma_wait3A_262 = arith.constant 0 : i32
        %dma_wait3A_263 = tpu.memref_slice %arg7[%sub3A_261, %dma_wait3A_262] : memref<25x80xi32, #tpu.memory_space<vmem>> -> memref<1x80xi32, #tpu.memory_space<vmem>>
        %dma_wait3A_264 = tpu.memref_squeeze %dma_wait3A_263 : memref<1x80xi32, #tpu.memory_space<vmem>> -> memref<80xi32, #tpu.memory_space<vmem>>
        %dma_wait3A_265 = arith.constant 0 : i32
        %dma_wait3A_266 = arith.constant 0 : i32
        %dma_wait3A_267 = tpu.memref_slice %arg5[%dma_wait3A_265, %dma_wait3A_266] : memref<10240x128xf32, #tpu.memory_space<vmem_shared>> -> memref<10240x128xf32, #tpu.memory_space<vmem_shared>>
        tpu.wait_indirect_dma semaphore(%arg15 : memref<!tpu.dma_semaphore, #tpu.memory_space<semaphore_mem>>) src(%arg9 : memref<80x128xf32, #tpu.memory_space<vmem>>) dst(%dma_wait3A_267 : memref<10240x128xf32, #tpu.memory_space<vmem_shared>>)
        %add3A_268 = arith.constant 2 : i32
        %add3A_269 = arith.addi %add3A_247, %add3A_268 : i32
        %dma_start3A_270 = arith.constant 0 : i32
        %dma_start3A_271 = tpu.memref_slice %arg6[%add3A_269, %dma_start3A_270] : memref<25x80xi32, #tpu.memory_space<vmem>> -> memref<1x80xi32, #tpu.memory_space<vmem>>
        %dma_start3A_272 = tpu.memref_squeeze %dma_start3A_271 : memref<1x80xi32, #tpu.memory_space<vmem>> -> memref<80xi32, #tpu.memory_space<vmem>>
        %dma_start3A_273 = arith.constant 0 : i32
        %dma_start3A_274 = arith.constant 0 : i32
        %dma_start3A_275 = tpu.memref_slice %arg2[%dma_start3A_273, %dma_start3A_274] : memref<10000x128xf32, #tpu.memory_space<hbm>> -> memref<10000x128xf32, #tpu.memory_space<hbm>>
        tpu.enqueue_indirect_dma source(%dma_start3A_275 : memref<10000x128xf32, #tpu.memory_space<hbm>>) target(%arg9 : memref<80x128xf32, #tpu.memory_space<vmem>>) offsets(%dma_start3A_272 : memref<80xi32, #tpu.memory_space<vmem>>) semaphore(%arg12 : memref<!tpu.dma_semaphore, #tpu.memory_space<semaphore_mem>>)
        %mul3A_276 = arith.constant 3 : i32
        %mul3A_277 = arith.muli %mul3A_276, %scan3A_208 : i32
        %add3A_278 = arith.constant 1 : i32
        %add3A_279 = arith.addi %mul3A_277, %add3A_278 : i32
        %add3A_280 = arith.constant 2 : i32
        %add3A_281 = arith.addi %add3A_279, %add3A_280 : i32
        %dma_wait3A_282 = arith.constant 0 : i32
        %dma_wait3A_283 = tpu.memref_slice %arg6[%add3A_281, %dma_wait3A_282] : memref<25x80xi32, #tpu.memory_space<vmem>> -> memref<1x80xi32, #tpu.memory_space<vmem>>
        %dma_wait3A_284 = tpu.memref_squeeze %dma_wait3A_283 : memref<1x80xi32, #tpu.memory_space<vmem>> -> memref<80xi32, #tpu.memory_space<vmem>>
        %dma_wait3A_285 = arith.constant 0 : i32
        %dma_wait3A_286 = arith.constant 0 : i32
        %dma_wait3A_287 = tpu.memref_slice %arg2[%dma_wait3A_285, %dma_wait3A_286] : memref<10000x128xf32, #tpu.memory_space<hbm>> -> memref<10000x128xf32, #tpu.memory_space<hbm>>
        tpu.wait_indirect_dma semaphore(%arg11 : memref<!tpu.dma_semaphore, #tpu.memory_space<semaphore_mem>>) src(%dma_wait3A_287 : memref<10000x128xf32, #tpu.memory_space<hbm>>) dst(%arg8 : memref<80x128xf32, #tpu.memory_space<vmem>>)
        %dma_start3A_288 = arith.constant 0 : i32
        %dma_start3A_289 = tpu.memref_slice %arg7[%add3A_281, %dma_start3A_288] : memref<25x80xi32, #tpu.memory_space<vmem>> -> memref<1x80xi32, #tpu.memory_space<vmem>>
        %dma_start3A_290 = tpu.memref_squeeze %dma_start3A_289 : memref<1x80xi32, #tpu.memory_space<vmem>> -> memref<80xi32, #tpu.memory_space<vmem>>
        %dma_start3A_291 = arith.constant 0 : i32
        %dma_start3A_292 = arith.constant 0 : i32
        %dma_start3A_293 = tpu.memref_slice %arg5[%dma_start3A_291, %dma_start3A_292] : memref<10240x128xf32, #tpu.memory_space<vmem_shared>> -> memref<10240x128xf32, #tpu.memory_space<vmem_shared>>
        tpu.enqueue_indirect_dma source(%arg8 : memref<80x128xf32, #tpu.memory_space<vmem>>) target(%dma_start3A_293 : memref<10240x128xf32, #tpu.memory_space<vmem_shared>>) offsets(%dma_start3A_290 : memref<80xi32, #tpu.memory_space<vmem>>) semaphore(%arg14 : memref<!tpu.dma_semaphore, #tpu.memory_space<semaphore_mem>>) {add = true}
        %sub3A_294 = arith.constant 1 : i32
        %sub3A_295 = arith.subi %add3A_281, %sub3A_294 : i32
        %dma_wait3A_296 = arith.constant 0 : i32
        %dma_wait3A_297 = tpu.memref_slice %arg7[%sub3A_295, %dma_wait3A_296] : memref<25x80xi32, #tpu.memory_space<vmem>> -> memref<1x80xi32, #tpu.memory_space<vmem>>
        %dma_wait3A_298 = tpu.memref_squeeze %dma_wait3A_297 : memref<1x80xi32, #tpu.memory_space<vmem>> -> memref<80xi32, #tpu.memory_space<vmem>>
        %dma_wait3A_299 = arith.constant 0 : i32
        %dma_wait3A_300 = arith.constant 0 : i32
        %dma_wait3A_301 = tpu.memref_slice %arg5[%dma_wait3A_299, %dma_wait3A_300] : memref<10240x128xf32, #tpu.memory_space<vmem_shared>> -> memref<10240x128xf32, #tpu.memory_space<vmem_shared>>
        tpu.wait_indirect_dma semaphore(%arg16 : memref<!tpu.dma_semaphore, #tpu.memory_space<semaphore_mem>>) src(%arg10 : memref<80x128xf32, #tpu.memory_space<vmem>>) dst(%dma_wait3A_301 : memref<10240x128xf32, #tpu.memory_space<vmem_shared>>)
        %add3A_302 = arith.constant 2 : i32
        %add3A_303 = arith.addi %add3A_281, %add3A_302 : i32
        %dma_start3A_304 = arith.constant 0 : i32
        %dma_start3A_305 = tpu.memref_slice %arg6[%add3A_303, %dma_start3A_304] : memref<25x80xi32, #tpu.memory_space<vmem>> -> memref<1x80xi32, #tpu.memory_space<vmem>>
        %dma_start3A_306 = tpu.memref_squeeze %dma_start3A_305 : memref<1x80xi32, #tpu.memory_space<vmem>> -> memref<80xi32, #tpu.memory_space<vmem>>
        %dma_start3A_307 = arith.constant 0 : i32
        %dma_start3A_308 = arith.constant 0 : i32
        %dma_start3A_309 = tpu.memref_slice %arg2[%dma_start3A_307, %dma_start3A_308] : memref<10000x128xf32, #tpu.memory_space<hbm>> -> memref<10000x128xf32, #tpu.memory_space<hbm>>
        tpu.enqueue_indirect_dma source(%dma_start3A_309 : memref<10000x128xf32, #tpu.memory_space<hbm>>) target(%arg10 : memref<80x128xf32, #tpu.memory_space<vmem>>) offsets(%dma_start3A_306 : memref<80xi32, #tpu.memory_space<vmem>>) semaphore(%arg13 : memref<!tpu.dma_semaphore, #tpu.memory_space<semaphore_mem>>)
      }
      %scan3A_118 = arith.constant 7 : i32
      %dma_wait3A_119 = arith.constant 22 : i32
      %dma_wait3A_120 = arith.constant 0 : i32
      %dma_wait3A_121 = tpu.memref_slice %arg6[%dma_wait3A_119, %dma_wait3A_120] : memref<25x80xi32, #tpu.memory_space<vmem>> -> memref<1x80xi32, #tpu.memory_space<vmem>>
      %dma_wait3A_122 = tpu.memref_squeeze %dma_wait3A_121 : memref<1x80xi32, #tpu.memory_space<vmem>> -> memref<80xi32, #tpu.memory_space<vmem>>
      %dma_wait3A_123 = arith.constant 0 : i32
      %dma_wait3A_124 = arith.constant 0 : i32
      %dma_wait3A_125 = tpu.memref_slice %arg2[%dma_wait3A_123, %dma_wait3A_124] : memref<10000x128xf32, #tpu.memory_space<hbm>> -> memref<10000x128xf32, #tpu.memory_space<hbm>>
      tpu.wait_indirect_dma semaphore(%arg12 : memref<!tpu.dma_semaphore, #tpu.memory_space<semaphore_mem>>) src(%dma_wait3A_125 : memref<10000x128xf32, #tpu.memory_space<hbm>>) dst(%arg9 : memref<80x128xf32, #tpu.memory_space<vmem>>)
      %dma_start3A_126 = arith.constant 22 : i32
      %dma_start3A_127 = arith.constant 0 : i32
      %dma_start3A_128 = tpu.memref_slice %arg7[%dma_start3A_126, %dma_start3A_127] : memref<25x80xi32, #tpu.memory_space<vmem>> -> memref<1x80xi32, #tpu.memory_space<vmem>>
      %dma_start3A_129 = tpu.memref_squeeze %dma_start3A_128 : memref<1x80xi32, #tpu.memory_space<vmem>> -> memref<80xi32, #tpu.memory_space<vmem>>
      %dma_start3A_130 = arith.constant 0 : i32
      %dma_start3A_131 = arith.constant 0 : i32
      %dma_start3A_132 = tpu.memref_slice %arg5[%dma_start3A_130, %dma_start3A_131] : memref<10240x128xf32, #tpu.memory_space<vmem_shared>> -> memref<10240x128xf32, #tpu.memory_space<vmem_shared>>
      tpu.enqueue_indirect_dma source(%arg9 : memref<80x128xf32, #tpu.memory_space<vmem>>) target(%dma_start3A_132 : memref<10240x128xf32, #tpu.memory_space<vmem_shared>>) offsets(%dma_start3A_129 : memref<80xi32, #tpu.memory_space<vmem>>) semaphore(%arg15 : memref<!tpu.dma_semaphore, #tpu.memory_space<semaphore_mem>>) {add = true}
      %dma_wait3A_133 = arith.constant 21 : i32
      %dma_wait3A_134 = arith.constant 0 : i32
      %dma_wait3A_135 = tpu.memref_slice %arg7[%dma_wait3A_133, %dma_wait3A_134] : memref<25x80xi32, #tpu.memory_space<vmem>> -> memref<1x80xi32, #tpu.memory_space<vmem>>
      %dma_wait3A_136 = tpu.memref_squeeze %dma_wait3A_135 : memref<1x80xi32, #tpu.memory_space<vmem>> -> memref<80xi32, #tpu.memory_space<vmem>>
      %dma_wait3A_137 = arith.constant 0 : i32
      %dma_wait3A_138 = arith.constant 0 : i32
      %dma_wait3A_139 = tpu.memref_slice %arg5[%dma_wait3A_137, %dma_wait3A_138] : memref<10240x128xf32, #tpu.memory_space<vmem_shared>> -> memref<10240x128xf32, #tpu.memory_space<vmem_shared>>
      tpu.wait_indirect_dma semaphore(%arg14 : memref<!tpu.dma_semaphore, #tpu.memory_space<semaphore_mem>>) src(%arg8 : memref<80x128xf32, #tpu.memory_space<vmem>>) dst(%dma_wait3A_139 : memref<10240x128xf32, #tpu.memory_space<vmem_shared>>)
      %dma_start3A_140 = arith.constant 24 : i32
      %dma_start3A_141 = arith.constant 0 : i32
      %dma_start3A_142 = tpu.memref_slice %arg6[%dma_start3A_140, %dma_start3A_141] : memref<25x80xi32, #tpu.memory_space<vmem>> -> memref<1x80xi32, #tpu.memory_space<vmem>>
      %dma_start3A_143 = tpu.memref_squeeze %dma_start3A_142 : memref<1x80xi32, #tpu.memory_space<vmem>> -> memref<80xi32, #tpu.memory_space<vmem>>
      %dma_start3A_144 = arith.constant 0 : i32
      %dma_start3A_145 = arith.constant 0 : i32
      %dma_start3A_146 = tpu.memref_slice %arg2[%dma_start3A_144, %dma_start3A_145] : memref<10000x128xf32, #tpu.memory_space<hbm>> -> memref<10000x128xf32, #tpu.memory_space<hbm>>
      tpu.enqueue_indirect_dma source(%dma_start3A_146 : memref<10000x128xf32, #tpu.memory_space<hbm>>) target(%arg8 : memref<80x128xf32, #tpu.memory_space<vmem>>) offsets(%dma_start3A_143 : memref<80xi32, #tpu.memory_space<vmem>>) semaphore(%arg11 : memref<!tpu.dma_semaphore, #tpu.memory_space<semaphore_mem>>)
      %dma_wait3A_147 = arith.constant 23 : i32
      %dma_wait3A_148 = arith.constant 0 : i32
      %dma_wait3A_149 = tpu.memref_slice %arg6[%dma_wait3A_147, %dma_wait3A_148] : memref<25x80xi32, #tpu.memory_space<vmem>> -> memref<1x80xi32, #tpu.memory_space<vmem>>
      %dma_wait3A_150 = tpu.memref_squeeze %dma_wait3A_149 : memref<1x80xi32, #tpu.memory_space<vmem>> -> memref<80xi32, #tpu.memory_space<vmem>>
      %dma_wait3A_151 = arith.constant 0 : i32
      %dma_wait3A_152 = arith.constant 0 : i32
      %dma_wait3A_153 = tpu.memref_slice %arg2[%dma_wait3A_151, %dma_wait3A_152] : memref<10000x128xf32, #tpu.memory_space<hbm>> -> memref<10000x128xf32, #tpu.memory_space<hbm>>
      tpu.wait_indirect_dma semaphore(%arg13 : memref<!tpu.dma_semaphore, #tpu.memory_space<semaphore_mem>>) src(%dma_wait3A_153 : memref<10000x128xf32, #tpu.memory_space<hbm>>) dst(%arg10 : memref<80x128xf32, #tpu.memory_space<vmem>>)
      %dma_start3A_154 = arith.constant 23 : i32
      %dma_start3A_155 = arith.constant 0 : i32
      %dma_start3A_156 = tpu.memref_slice %arg7[%dma_start3A_154, %dma_start3A_155] : memref<25x80xi32, #tpu.memory_space<vmem>> -> memref<1x80xi32, #tpu.memory_space<vmem>>
      %dma_start3A_157 = tpu.memref_squeeze %dma_start3A_156 : memref<1x80xi32, #tpu.memory_space<vmem>> -> memref<80xi32, #tpu.memory_space<vmem>>
      %dma_start3A_158 = arith.constant 0 : i32
      %dma_start3A_159 = arith.constant 0 : i32
      %dma_start3A_160 = tpu.memref_slice %arg5[%dma_start3A_158, %dma_start3A_159] : memref<10240x128xf32, #tpu.memory_space<vmem_shared>> -> memref<10240x128xf32, #tpu.memory_space<vmem_shared>>
      tpu.enqueue_indirect_dma source(%arg10 : memref<80x128xf32, #tpu.memory_space<vmem>>) target(%dma_start3A_160 : memref<10240x128xf32, #tpu.memory_space<vmem_shared>>) offsets(%dma_start3A_157 : memref<80xi32, #tpu.memory_space<vmem>>) semaphore(%arg16 : memref<!tpu.dma_semaphore, #tpu.memory_space<semaphore_mem>>) {add = true}
      %dma_wait3A_161 = arith.constant 24 : i32
      %dma_wait3A_162 = arith.constant 0 : i32
      %dma_wait3A_163 = tpu.memref_slice %arg6[%dma_wait3A_161, %dma_wait3A_162] : memref<25x80xi32, #tpu.memory_space<vmem>> -> memref<1x80xi32, #tpu.memory_space<vmem>>
      %dma_wait3A_164 = tpu.memref_squeeze %dma_wait3A_163 : memref<1x80xi32, #tpu.memory_space<vmem>> -> memref<80xi32, #tpu.memory_space<vmem>>
      %dma_wait3A_165 = arith.constant 0 : i32
      %dma_wait3A_166 = arith.constant 0 : i32
      %dma_wait3A_167 = tpu.memref_slice %arg2[%dma_wait3A_165, %dma_wait3A_166] : memref<10000x128xf32, #tpu.memory_space<hbm>> -> memref<10000x128xf32, #tpu.memory_space<hbm>>
      tpu.wait_indirect_dma semaphore(%arg11 : memref<!tpu.dma_semaphore, #tpu.memory_space<semaphore_mem>>) src(%dma_wait3A_167 : memref<10000x128xf32, #tpu.memory_space<hbm>>) dst(%arg8 : memref<80x128xf32, #tpu.memory_space<vmem>>)
      %add3A_168 = arith.constant 1 : i32
      %add3A_169 = arith.addi %scan3A_50, %add3A_168 : i32
      %min3A = arith.constant 4 : i32
      %min3A_170 = arith.minsi %add3A_169, %min3A : i32
      %dma_start3A_171 = arith.constant 0 : i32
      %dma_start3A_172 = arith.constant 0 : i32
      %dma_start3A_173 = arith.constant 0 : i32
      %dma_start3A_174 = tpu.memref_slice %arg3[%dma_start3A_171, %add3A, %min3A_170, %dma_start3A_172, %dma_start3A_173] : memref<2x32x5x25x80xi32, #tpu.memory_space<hbm>> -> memref<1x1x1x25x80xi32, #tpu.memory_space<hbm>>
      %dma_start3A_175 = tpu.memref_squeeze %dma_start3A_174 : memref<1x1x1x25x80xi32, #tpu.memory_space<hbm>> -> memref<25x80xi32, #tpu.memory_space<hbm>>
      %dma_start3A_176 = arith.constant 0 : i32
      %dma_start3A_177 = arith.constant 0 : i32
      %dma_start3A_178 = tpu.memref_slice %arg3[%dma_start3A_171, %add3A, %min3A_170, %dma_start3A_176, %dma_start3A_177] : memref<2x32x5x25x80xi32, #tpu.memory_space<hbm>> -> memref<1x1x1x25x80xi32, #tpu.memory_space<hbm>>
      %dma_start3A_179 = tpu.memref_squeeze %dma_start3A_178 : memref<1x1x1x25x80xi32, #tpu.memory_space<hbm>> -> memref<25x80xi32, #tpu.memory_space<hbm>>
      tpu.enqueue_dma source(%dma_start3A_179 : memref<25x80xi32, #tpu.memory_space<hbm>>) target(%arg6 : memref<25x80xi32, #tpu.memory_space<vmem>>) target_semaphore(%arg11 : memref<!tpu.dma_semaphore, #tpu.memory_space<semaphore_mem>>)
      %dma_start3A_180 = arith.constant 24 : i32
      %dma_start3A_181 = arith.constant 0 : i32
      %dma_start3A_182 = tpu.memref_slice %arg7[%dma_start3A_180, %dma_start3A_181] : memref<25x80xi32, #tpu.memory_space<vmem>> -> memref<1x80xi32, #tpu.memory_space<vmem>>
      %dma_start3A_183 = tpu.memref_squeeze %dma_start3A_182 : memref<1x80xi32, #tpu.memory_space<vmem>> -> memref<80xi32, #tpu.memory_space<vmem>>
      %dma_start3A_184 = arith.constant 0 : i32
      %dma_start3A_185 = arith.constant 0 : i32
      %dma_start3A_186 = tpu.memref_slice %arg5[%dma_start3A_184, %dma_start3A_185] : memref<10240x128xf32, #tpu.memory_space<vmem_shared>> -> memref<10240x128xf32, #tpu.memory_space<vmem_shared>>
      tpu.enqueue_indirect_dma source(%arg8 : memref<80x128xf32, #tpu.memory_space<vmem>>) target(%dma_start3A_186 : memref<10240x128xf32, #tpu.memory_space<vmem_shared>>) offsets(%dma_start3A_183 : memref<80xi32, #tpu.memory_space<vmem>>) semaphore(%arg14 : memref<!tpu.dma_semaphore, #tpu.memory_space<semaphore_mem>>) {add = true}
      %dma_wait3A_187 = arith.constant 22 : i32
      %dma_wait3A_188 = arith.constant 0 : i32
      %dma_wait3A_189 = tpu.memref_slice %arg7[%dma_wait3A_187, %dma_wait3A_188] : memref<25x80xi32, #tpu.memory_space<vmem>> -> memref<1x80xi32, #tpu.memory_space<vmem>>
      %dma_wait3A_190 = tpu.memref_squeeze %dma_wait3A_189 : memref<1x80xi32, #tpu.memory_space<vmem>> -> memref<80xi32, #tpu.memory_space<vmem>>
      %dma_wait3A_191 = arith.constant 0 : i32
      %dma_wait3A_192 = arith.constant 0 : i32
      %dma_wait3A_193 = tpu.memref_slice %arg5[%dma_wait3A_191, %dma_wait3A_192] : memref<10240x128xf32, #tpu.memory_space<vmem_shared>> -> memref<10240x128xf32, #tpu.memory_space<vmem_shared>>
      tpu.wait_indirect_dma semaphore(%arg15 : memref<!tpu.dma_semaphore, #tpu.memory_space<semaphore_mem>>) src(%arg9 : memref<80x128xf32, #tpu.memory_space<vmem>>) dst(%dma_wait3A_193 : memref<10240x128xf32, #tpu.memory_space<vmem_shared>>)
      %dma_wait3A_194 = arith.constant 23 : i32
      %dma_wait3A_195 = arith.constant 0 : i32
      %dma_wait3A_196 = tpu.memref_slice %arg7[%dma_wait3A_194, %dma_wait3A_195] : memref<25x80xi32, #tpu.memory_space<vmem>> -> memref<1x80xi32, #tpu.memory_space<vmem>>
      %dma_wait3A_197 = tpu.memref_squeeze %dma_wait3A_196 : memref<1x80xi32, #tpu.memory_space<vmem>> -> memref<80xi32, #tpu.memory_space<vmem>>
      %dma_wait3A_198 = arith.constant 0 : i32
      %dma_wait3A_199 = arith.constant 0 : i32
      %dma_wait3A_200 = tpu.memref_slice %arg5[%dma_wait3A_198, %dma_wait3A_199] : memref<10240x128xf32, #tpu.memory_space<vmem_shared>> -> memref<10240x128xf32, #tpu.memory_space<vmem_shared>>
      tpu.wait_indirect_dma semaphore(%arg16 : memref<!tpu.dma_semaphore, #tpu.memory_space<semaphore_mem>>) src(%arg10 : memref<80x128xf32, #tpu.memory_space<vmem>>) dst(%dma_wait3A_200 : memref<10240x128xf32, #tpu.memory_space<vmem_shared>>)
      %dma_wait3A_201 = arith.constant 24 : i32
      %dma_wait3A_202 = arith.constant 0 : i32
      %dma_wait3A_203 = tpu.memref_slice %arg7[%dma_wait3A_201, %dma_wait3A_202] : memref<25x80xi32, #tpu.memory_space<vmem>> -> memref<1x80xi32, #tpu.memory_space<vmem>>
      %dma_wait3A_204 = tpu.memref_squeeze %dma_wait3A_203 : memref<1x80xi32, #tpu.memory_space<vmem>> -> memref<80xi32, #tpu.memory_space<vmem>>
      %dma_wait3A_205 = arith.constant 0 : i32
      %dma_wait3A_206 = arith.constant 0 : i32
      %dma_wait3A_207 = tpu.memref_slice %arg5[%dma_wait3A_205, %dma_wait3A_206] : memref<10240x128xf32, #tpu.memory_space<vmem_shared>> -> memref<10240x128xf32, #tpu.memory_space<vmem_shared>>
      tpu.wait_indirect_dma semaphore(%arg14 : memref<!tpu.dma_semaphore, #tpu.memory_space<semaphore_mem>>) src(%arg8 : memref<80x128xf32, #tpu.memory_space<vmem>>) dst(%dma_wait3A_207 : memref<10240x128xf32, #tpu.memory_space<vmem_shared>>)
    }
    %scan3A_39 = arith.constant 5 : i32
    %dma_wait3A = arith.constant 0 : i32
    %dma_wait3A_40 = arith.constant 4 : i32
    %dma_wait3A_41 = arith.constant 0 : i32
    %dma_wait3A_42 = arith.constant 0 : i32
    %dma_wait3A_43 = tpu.memref_slice %arg3[%dma_wait3A, %add3A, %dma_wait3A_40, %dma_wait3A_41, %dma_wait3A_42] : memref<2x32x5x25x80xi32, #tpu.memory_space<hbm>> -> memref<1x1x1x25x80xi32, #tpu.memory_space<hbm>>
    %dma_wait3A_44 = tpu.memref_squeeze %dma_wait3A_43 : memref<1x1x1x25x80xi32, #tpu.memory_space<hbm>> -> memref<25x80xi32, #tpu.memory_space<hbm>>
    %dma_wait3A_45 = arith.constant 0 : i32
    %dma_wait3A_46 = arith.constant 0 : i32
    %dma_wait3A_47 = tpu.memref_slice %arg3[%dma_wait3A, %add3A, %dma_wait3A_40, %dma_wait3A_45, %dma_wait3A_46] : memref<2x32x5x25x80xi32, #tpu.memory_space<hbm>> -> memref<1x1x1x25x80xi32, #tpu.memory_space<hbm>>
    %dma_wait3A_48 = tpu.memref_squeeze %dma_wait3A_47 : memref<1x1x1x25x80xi32, #tpu.memory_space<hbm>> -> memref<25x80xi32, #tpu.memory_space<hbm>>
    tpu.wait_dma2 semaphore(%arg11 : memref<!tpu.dma_semaphore, #tpu.memory_space<semaphore_mem>>) src(%dma_wait3A_48 : memref<25x80xi32, #tpu.memory_space<hbm>>) dst(%arg6 : memref<25x80xi32, #tpu.memory_space<vmem>>)
    %barrier3A_49 = arith.constant 0 : index
    tpu.barrier barrier_id(%barrier3A_49)
    "tpu.region"() ({
      %run_scoped3A = tpu.sem_alloc : memref<!tpu.dma_semaphore, #tpu.memory_space<semaphore_mem>>
      %dma_start3A_50 = arith.constant 0 : i32
      %dma_start3A_51 = tpu.memref_slice %arg4[%arg0, %mul3A_17, %dma_start3A_50] : memref<2x10240x128xf32, #tpu.memory_space<hbm>> -> memref<1x640x128xf32, #tpu.memory_space<hbm>>
      %dma_start3A_52 = tpu.memref_squeeze %dma_start3A_51 : memref<1x640x128xf32, #tpu.memory_space<hbm>> -> memref<640x128xf32, #tpu.memory_space<hbm>>
      %dma_start3A_53 = arith.constant 0 : i32
      %dma_start3A_54 = tpu.memref_slice %arg5[%mul3A_17, %dma_start3A_53] : memref<10240x128xf32, #tpu.memory_space<vmem_shared>> -> memref<640x128xf32, #tpu.memory_space<vmem_shared>>
      tpu.enqueue_dma source(%dma_start3A_54 : memref<640x128xf32, #tpu.memory_space<vmem_shared>>) target(%dma_start3A_52 : memref<640x128xf32, #tpu.memory_space<hbm>>) target_semaphore(%run_scoped3A : memref<!tpu.dma_semaphore, #tpu.memory_space<semaphore_mem>>)
      %dma_wait3A_55 = arith.constant 0 : i32
      %dma_wait3A_56 = tpu.memref_slice %arg4[%arg0, %mul3A_17, %dma_wait3A_55] : memref<2x10240x128xf32, #tpu.memory_space<hbm>> -> memref<1x640x128xf32, #tpu.memory_space<hbm>>
      %dma_wait3A_57 = tpu.memref_squeeze %dma_wait3A_56 : memref<1x640x128xf32, #tpu.memory_space<hbm>> -> memref<640x128xf32, #tpu.memory_space<hbm>>
      %dma_wait3A_58 = arith.constant 0 : i32
      %dma_wait3A_59 = tpu.memref_slice %arg5[%mul3A_17, %dma_wait3A_58] : memref<10240x128xf32, #tpu.memory_space<vmem_shared>> -> memref<640x128xf32, #tpu.memory_space<vmem_shared>>
      tpu.wait_dma2 semaphore(%run_scoped3A : memref<!tpu.dma_semaphore, #tpu.memory_space<semaphore_mem>>) src(%dma_wait3A_59 : memref<640x128xf32, #tpu.memory_space<vmem_shared>>) dst(%dma_wait3A_57 : memref<640x128xf32, #tpu.memory_space<hbm>>)
      tpu.yield
    }) : () -> ()
    return
  }
}

module attributes {stable_mosaic.version = 14 : i64} {
  func.func @_mmy_body(%arg0: i32, %arg1: memref<2000x128xf32, #tpu.memory_space<vmem>>, %arg2: memref<128x128xf32, #tpu.memory_space<vmem>>, %arg3: memref<2000x128xf32, #tpu.memory_space<vmem>>) attributes {dimension_semantics = [#tpu.dimension_semantics<arbitrary>], iteration_bounds = array<i64: 5>, scalar_prefetch = 0 : i64, scratch_operands = 0 : i64, tpu.core_type = #tpu.core_type<tc>, window_params = [{transform_indices = @transform_0, window_bounds = array<i64: 2000, 128>}, {pipeline_mode = #tpu.pipeline_mode<synchronous>, transform_indices = @transform_1, window_bounds = array<i64: 128, 128>}, {transform_indices = @transform_2, window_bounds = array<i64: 2000, 128>}]} {
    %get3A = arith.constant 0 : index
    %get3A_0 = arith.constant 0 : index
    %get3A_1 = vector.load %arg1[%get3A, %get3A_0] : memref<2000x128xf32, #tpu.memory_space<vmem>>, vector<2000x128xf32>
    %get3A_2 = arith.constant 0 : index
    %get3A_3 = arith.constant 0 : index
    %get3A_4 = vector.load %arg2[%get3A_2, %get3A_3] : memref<128x128xf32, #tpu.memory_space<vmem>>, vector<128x128xf32>
    %dot_general3A = arith.constant dense<0.000000e+00> : vector<2000x128xf32>
    %dot_general3A_5 = tpu.matmul %get3A_1, %get3A_4, %dot_general3A {dimension_numbers = #tpu.dot_dimension_numbers<[1], [0], [0], [1], [0, 0, 1, 1], [], []>, transpose_lhs_hint = false} : vector<2000x128xf32>, vector<128x128xf32>, vector<2000x128xf32> -> vector<2000x128xf32>
    %swap3A = arith.constant 0 : index
    %swap3A_6 = arith.constant 0 : index
    %swap3A_7 = vector.load %arg3[%swap3A, %swap3A_6] : memref<2000x128xf32, #tpu.memory_space<vmem>>, vector<2000x128xf32>
    tpu.vector_store %arg3[%swap3A, %swap3A_6], %dot_general3A_5 {strides = array<i32>} : memref<2000x128xf32, #tpu.memory_space<vmem>>, vector<2000x128xf32>,
    return
  }
  func.func @transform_0(%arg0: i32) -> (i32, i32) {
    %c0_i32 = arith.constant 0 : i32
    %c0_i32_0 = arith.constant 0 : i32
    return %arg0, %c0_i32 : i32, i32
  }
  func.func @transform_1(%arg0: i32) -> (i32, i32) {
    %c0_i32 = arith.constant 0 : i32
    %c0_i32_0 = arith.constant 0 : i32
    %c0_i32_1 = arith.constant 0 : i32
    return %c0_i32, %c0_i32_0 : i32, i32
  }
  func.func @transform_2(%arg0: i32) -> (i32, i32) {
    %c0_i32 = arith.constant 0 : i32
    %c0_i32_0 = arith.constant 0 : i32
    return %arg0, %c0_i32 : i32, i32
  }
}

module attributes {stable_mosaic.version = 14 : i64} {
  func.func @_cmby_body(%arg0: i32, %arg1: memref<2000x128xf32, #tpu.memory_space<vmem>>, %arg2: memref<2000x128xf32, #tpu.memory_space<vmem>>, %arg3: memref<2x2000x128xf32, #tpu.memory_space<vmem>>, %arg4: memref<128x128xf32, #tpu.memory_space<vmem>>, %arg5: memref<2000x128xf32, #tpu.memory_space<vmem>>, %arg6: memref<2000x128xf32, #tpu.memory_space<vmem>>) attributes {dimension_semantics = [#tpu.dimension_semantics<arbitrary>], iteration_bounds = array<i64: 5>, scalar_prefetch = 0 : i64, scratch_operands = 0 : i64, tpu.core_type = #tpu.core_type<tc>, window_params = [{transform_indices = @transform_0, window_bounds = array<i64: 2000, 128>}, {transform_indices = @transform_1, window_bounds = array<i64: 2000, 128>}, {transform_indices = @transform_2, window_bounds = array<i64: 2, 2000, 128>}, {pipeline_mode = #tpu.pipeline_mode<synchronous>, transform_indices = @transform_3, window_bounds = array<i64: 128, 128>}, {transform_indices = @transform_4, window_bounds = array<i64: 2000, 128>}, {transform_indices = @transform_5, window_bounds = array<i64: 2000, 128>}]} {
    %get3A = arith.constant 0 : index
    %get3A_0 = arith.constant 0 : index
    %get3A_1 = vector.load %arg1[%get3A, %get3A_0] : memref<2000x128xf32, #tpu.memory_space<vmem>>, vector<2000x128xf32>
    %get3A_2 = arith.constant 0 : index
    %get3A_3 = arith.constant 0 : index
    %get3A_4 = vector.load %arg2[%get3A_2, %get3A_3] : memref<2000x128xf32, #tpu.memory_space<vmem>>, vector<2000x128xf32>
    %get3A_5 = arith.constant 0 : index
    %get3A_6 = arith.constant 0 : index
    %get3A_7 = arith.constant 0 : index
    %get3A_8 = vector.load %arg3[%get3A_5, %get3A_6, %get3A_7] : memref<2x2000x128xf32, #tpu.memory_space<vmem>>, vector<1x2000x128xf32>
    %get3A_9 = vector.shape_cast %get3A_8 : vector<1x2000x128xf32> to vector<2000x128xf32>
    %add3A = arith.addf %get3A_4, %get3A_9 : vector<2000x128xf32>
    %get3A_10 = arith.constant 1 : index
    %get3A_11 = arith.constant 0 : index
    %get3A_12 = arith.constant 0 : index
    %get3A_13 = vector.load %arg3[%get3A_10, %get3A_11, %get3A_12] : memref<2x2000x128xf32, #tpu.memory_space<vmem>>, vector<1x2000x128xf32>
    %get3A_14 = vector.shape_cast %get3A_13 : vector<1x2000x128xf32> to vector<2000x128xf32>
    %add3A_15 = arith.addf %add3A, %get3A_14 : vector<2000x128xf32>
    %max3A = arith.constant 0.000000e+00 : f32
    %max3A_16 = vector.broadcast %max3A : f32 to vector<2000x128xf32>
    %max3A_17 = arith.maximumf %add3A_15, %max3A_16 : vector<2000x128xf32>
    %add3A_18 = arith.addf %get3A_1, %max3A_17 : vector<2000x128xf32>
    %swap3A = arith.constant 0 : index
    %swap3A_19 = arith.constant 0 : index
    %swap3A_20 = vector.load %arg5[%swap3A, %swap3A_19] : memref<2000x128xf32, #tpu.memory_space<vmem>>, vector<2000x128xf32>
    tpu.vector_store %arg5[%swap3A, %swap3A_19], %add3A_18 {strides = array<i32>} : memref<2000x128xf32, #tpu.memory_space<vmem>>, vector<2000x128xf32>,
    %get3A_21 = arith.constant 0 : index
    %get3A_22 = arith.constant 0 : index
    %get3A_23 = vector.load %arg4[%get3A_21, %get3A_22] : memref<128x128xf32, #tpu.memory_space<vmem>>, vector<128x128xf32>
    %dot_general3A = arith.constant dense<0.000000e+00> : vector<2000x128xf32>
    %dot_general3A_24 = tpu.matmul %add3A_18, %get3A_23, %dot_general3A {dimension_numbers = #tpu.dot_dimension_numbers<[1], [0], [0], [1], [0, 0, 1, 1], [], []>, transpose_lhs_hint = false} : vector<2000x128xf32>, vector<128x128xf32>, vector<2000x128xf32> -> vector<2000x128xf32>
    %swap3A_25 = arith.constant 0 : index
    %swap3A_26 = arith.constant 0 : index
    %swap3A_27 = vector.load %arg6[%swap3A_25, %swap3A_26] : memref<2000x128xf32, #tpu.memory_space<vmem>>, vector<2000x128xf32>
    tpu.vector_store %arg6[%swap3A_25, %swap3A_26], %dot_general3A_24 {strides = array<i32>} : memref<2000x128xf32, #tpu.memory_space<vmem>>, vector<2000x128xf32>,
    return
  }
  func.func @transform_0(%arg0: i32) -> (i32, i32) {
    %c0_i32 = arith.constant 0 : i32
    %c0_i32_0 = arith.constant 0 : i32
    return %arg0, %c0_i32 : i32, i32
  }
  func.func @transform_1(%arg0: i32) -> (i32, i32) {
    %c0_i32 = arith.constant 0 : i32
    %c0_i32_0 = arith.constant 0 : i32
    return %arg0, %c0_i32 : i32, i32
  }
  func.func @transform_2(%arg0: i32) -> (i32, i32, i32) {
    %c0_i32 = arith.constant 0 : i32
    %c0_i32_0 = arith.constant 0 : i32
    %c0_i32_1 = arith.constant 0 : i32
    return %c0_i32, %arg0, %c0_i32_0 : i32, i32, i32
  }
  func.func @transform_3(%arg0: i32) -> (i32, i32) {
    %c0_i32 = arith.constant 0 : i32
    %c0_i32_0 = arith.constant 0 : i32
    %c0_i32_1 = arith.constant 0 : i32
    return %c0_i32, %c0_i32_0 : i32, i32
  }
  func.func @transform_4(%arg0: i32) -> (i32, i32) {
    %c0_i32 = arith.constant 0 : i32
    %c0_i32_0 = arith.constant 0 : i32
    return %arg0, %c0_i32 : i32, i32
  }
  func.func @transform_5(%arg0: i32) -> (i32, i32) {
    %c0_i32 = arith.constant 0 : i32
    %c0_i32_0 = arith.constant 0 : i32
    return %arg0, %c0_i32 : i32, i32
  }
}

module attributes {stable_mosaic.version = 14 : i64} {
  func.func @_mms_body(%arg0: i32, %arg1: memref<2000x128xf32, #tpu.memory_space<vmem>>, %arg2: memref<128x128xf32, #tpu.memory_space<vmem>>, %arg3: memref<1x128xf32, #tpu.memory_space<vmem>>, %arg4: memref<2000x128xf32, #tpu.memory_space<vmem>>) attributes {dimension_semantics = [#tpu.dimension_semantics<arbitrary>], iteration_bounds = array<i64: 5>, scalar_prefetch = 0 : i64, scratch_operands = 0 : i64, tpu.core_type = #tpu.core_type<tc>, window_params = [{transform_indices = @transform_0, window_bounds = array<i64: 2000, 128>}, {pipeline_mode = #tpu.pipeline_mode<synchronous>, transform_indices = @transform_1, window_bounds = array<i64: 128, 128>}, {pipeline_mode = #tpu.pipeline_mode<synchronous>, transform_indices = @transform_2, window_bounds = array<i64: 1, 128>}, {transform_indices = @transform_3, window_bounds = array<i64: 2000, 128>}]} {
    %get3A = arith.constant 0 : index
    %get3A_0 = arith.constant 0 : index
    %get3A_1 = vector.load %arg1[%get3A, %get3A_0] : memref<2000x128xf32, #tpu.memory_space<vmem>>, vector<2000x128xf32>
    %get3A_2 = arith.constant 0 : index
    %get3A_3 = arith.constant 0 : index
    %get3A_4 = vector.load %arg2[%get3A_2, %get3A_3] : memref<128x128xf32, #tpu.memory_space<vmem>>, vector<128x128xf32>
    %dot_general3A = arith.constant dense<0.000000e+00> : vector<2000x128xf32>
    %dot_general3A_5 = tpu.matmul %get3A_1, %get3A_4, %dot_general3A {dimension_numbers = #tpu.dot_dimension_numbers<[1], [0], [0], [1], [0, 0, 1, 1], [], []>, transpose_lhs_hint = false} : vector<2000x128xf32>, vector<128x128xf32>, vector<2000x128xf32> -> vector<2000x128xf32>
    %get3A_6 = arith.constant 0 : index
    %get3A_7 = arith.constant 0 : index
    %get3A_8 = vector.load %arg3[%get3A_6, %get3A_7] : memref<1x128xf32, #tpu.memory_space<vmem>>, vector<1x128xf32>
    %add3A = vector.broadcast %get3A_8 : vector<1x128xf32> to vector<2000x128xf32>
    %add3A_9 = arith.addf %dot_general3A_5, %add3A : vector<2000x128xf32>
    %swap3A = arith.constant 0 : index
    %swap3A_10 = arith.constant 0 : index
    %swap3A_11 = vector.load %arg4[%swap3A, %swap3A_10] : memref<2000x128xf32, #tpu.memory_space<vmem>>, vector<2000x128xf32>
    tpu.vector_store %arg4[%swap3A, %swap3A_10], %add3A_9 {strides = array<i32>} : memref<2000x128xf32, #tpu.memory_space<vmem>>, vector<2000x128xf32>,
    return
  }
  func.func @transform_0(%arg0: i32) -> (i32, i32) {
    %c0_i32 = arith.constant 0 : i32
    %c0_i32_0 = arith.constant 0 : i32
    return %arg0, %c0_i32 : i32, i32
  }
  func.func @transform_1(%arg0: i32) -> (i32, i32) {
    %c0_i32 = arith.constant 0 : i32
    %c0_i32_0 = arith.constant 0 : i32
    %c0_i32_1 = arith.constant 0 : i32
    return %c0_i32, %c0_i32_0 : i32, i32
  }
  func.func @transform_2(%arg0: i32) -> (i32, i32) {
    %c0_i32 = arith.constant 0 : i32
    %c0_i32_0 = arith.constant 0 : i32
    %c0_i32_1 = arith.constant 0 : i32
    return %c0_i32, %c0_i32_0 : i32, i32
  }
  func.func @transform_3(%arg0: i32) -> (i32, i32) {
    %c0_i32 = arith.constant 0 : i32
    %c0_i32_0 = arith.constant 0 : i32
    return %arg0, %c0_i32 : i32, i32
  }
}

module attributes {stable_mosaic.version = 14 : i64} {
  func.func @_final_body(%arg0: i32, %arg1: memref<2000x128xf32, #tpu.memory_space<vmem>>, %arg2: memref<2x2000x128xf32, #tpu.memory_space<vmem>>, %arg3: memref<2000x128xf32, #tpu.memory_space<vmem>>) attributes {dimension_semantics = [#tpu.dimension_semantics<arbitrary>], iteration_bounds = array<i64: 5>, scalar_prefetch = 0 : i64, scratch_operands = 0 : i64, tpu.core_type = #tpu.core_type<tc>, window_params = [{transform_indices = @transform_0, window_bounds = array<i64: 2000, 128>}, {transform_indices = @transform_1, window_bounds = array<i64: 2, 2000, 128>}, {transform_indices = @transform_2, window_bounds = array<i64: 2000, 128>}]} {
    %get3A = arith.constant 0 : index
    %get3A_0 = arith.constant 0 : index
    %get3A_1 = vector.load %arg1[%get3A, %get3A_0] : memref<2000x128xf32, #tpu.memory_space<vmem>>, vector<2000x128xf32>
    %get3A_2 = arith.constant 0 : index
    %get3A_3 = arith.constant 0 : index
    %get3A_4 = arith.constant 0 : index
    %get3A_5 = vector.load %arg2[%get3A_2, %get3A_3, %get3A_4] : memref<2x2000x128xf32, #tpu.memory_space<vmem>>, vector<1x2000x128xf32>
    %get3A_6 = vector.shape_cast %get3A_5 : vector<1x2000x128xf32> to vector<2000x128xf32>
    %add3A = arith.addf %get3A_1, %get3A_6 : vector<2000x128xf32>
    %get3A_7 = arith.constant 1 : index
    %get3A_8 = arith.constant 0 : index
    %get3A_9 = arith.constant 0 : index
    %get3A_10 = vector.load %arg2[%get3A_7, %get3A_8, %get3A_9] : memref<2x2000x128xf32, #tpu.memory_space<vmem>>, vector<1x2000x128xf32>
    %get3A_11 = vector.shape_cast %get3A_10 : vector<1x2000x128xf32> to vector<2000x128xf32>
    %add3A_12 = arith.addf %add3A, %get3A_11 : vector<2000x128xf32>
    %swap3A = arith.constant 0 : index
    %swap3A_13 = arith.constant 0 : index
    %swap3A_14 = vector.load %arg3[%swap3A, %swap3A_13] : memref<2000x128xf32, #tpu.memory_space<vmem>>, vector<2000x128xf32>
    tpu.vector_store %arg3[%swap3A, %swap3A_13], %add3A_12 {strides = array<i32>} : memref<2000x128xf32, #tpu.memory_space<vmem>>, vector<2000x128xf32>,
    return
  }
  func.func @transform_0(%arg0: i32) -> (i32, i32) {
    %c0_i32 = arith.constant 0 : i32
    %c0_i32_0 = arith.constant 0 : i32
    return %arg0, %c0_i32 : i32, i32
  }
  func.func @transform_1(%arg0: i32) -> (i32, i32, i32) {
    %c0_i32 = arith.constant 0 : i32
    %c0_i32_0 = arith.constant 0 : i32
    %c0_i32_1 = arith.constant 0 : i32
    return %c0_i32, %arg0, %c0_i32_0 : i32, i32, i32
  }
  func.func @transform_2(%arg0: i32) -> (i32, i32) {
    %c0_i32 = arith.constant 0 : i32
    %c0_i32_0 = arith.constant 0 : i32
    return %arg0, %c0_i32 : i32, i32
  }
}

</mosaic_0001>

<sc_bundles>
// kernel: kernel.12.cloned.1.call-start
scs
__scs_entry_jumppad:
0x0: {  	(pc) =	sbr.rel $0x88, $3  }
0x1: {  	(tag) =	ssettag $0x0;
	lr =	simm.s32 $0x1  }
0x2: {  	[smem:$0x3F96] =	sst lr;
	_ =	strace $0xD0000000  }
0x3: {  	_ = 	snop  }
0x4: {  	_ = 	snop  }
0x5: {  	_ = 	snop  }
0x6: {  	_ = 	snop  }
0x7: {  	_ = 	snop  }
__scs_overlays_trampoline_lowered:
0x8: {  	[smem:$0x3FA5] =	sst s0  }
0x9: {  	[smem:$0x3FA6] =	sst s1  }
0xa: {  	[smem:$0x3FA7] =	sst s2  }
0xb: {  	[smem:$0x3FA8] =	sst s3  }
0xc: {  	[smem:$0x3FA9] =	sst s4  }
0xd: {  	[smem:$0x3FAA] =	sst s5  }
0xe: {  	[smem:$0x3FAB] =	sst s6  }
0xf: {  	[smem:$0x3FAC] =	sst s7  }
0x10: {  	[smem:$0x3FAD] =	sst s8  }
0x11: {  	[smem:$0x3FAE] =	sst s9;
	s0 =	simm.s32 @!p0 $0x0  }
0x12: {  	s1 =	sld [smem:$0x3F94];
	s0 =	simm.s32 @p0 $0x1  }
0x13: {  	[smem:$0x3FAF] =	sst s0;
	s0 =	simm.s32 @!p1 $0x0  }
0x14: {  	s2 =	sld [smem:$0x3F93];
	s0 =	simm.s32 @p1 $0x1  }
0x15: {  	[smem:$0x3FB0] =	sst s0;
	s0 =	simm.s32 @!p2 $0x0  }
0x16: {  	s3 =	sld [smem:$0x3FDB];
	s0 =	simm.s32 @p2 $0x1  }
0x17: {  	s4 =	simm.s32 $0x1BF5;
	[smem:$0x3FB2] =	sst s0  }
0x18: {  	s0 =	sld [smem:$0x3F95];
	_ =	swait.ge [sflag:s4], $0x0  }
0x19: {  	s7 =	sld [smem:$0x3F96]  }
0x1a: {  	s8 =	sadd.s32 $0xFFFFE003, lr  }
0x1b: {  	s9 =	sadd.s32 $0xFFFFFEF7, lr;
	s5 =	simm.s32 $0xFFFFFFFF;
	p2 =	slt.u32 s8, $0xFFFFF086  }
0x1c: {  	p1 =	slt.u32 s9, $0xF7A;
	s5 =	simm.s32 @!p2 $0x0  }
0x1d: {  	s5 =	simm.s32 @p1 $0x1;
	p0 =	seq.s32 s7, s2  }
0x1e: {  	s7 =	smul.u32 @!p0 $0xF7A, s2;
	p2 =	seq.s32 @!p0 s5, $0x0  }
0x1f: {  	s9 =	smul.u32 $0xF7A, s1;
	s8 =	simm.s32 @!p0 $0x1BF5;
	p2 =	por !p2, p0  }
0x20: {  	[sflag:s8] =	ssyncset.s32 @!p0 $0xFFFFF086;
	s6 =	sadd.s32 @!p0 s3, s7;
	s7 =	simm.s32 @!p0 $0x108  }
0x21: {  	s3 =	sadd.s32 s3, s9;
	s6 =	sadd.s32 @!p0 $0x88, s6;
	s7 =	simm.s32 @p2 $0x1082  }
0x22: {  	[simem:s7], [sflag:s8] =	dma.local @!p0 [hbm:s6], $0xF7A  }
0x23: {  	s9 =	sor.u32 $0xD0000000, s2;
	s6 =	simm.s32 $0x108;
	_ =	swait.ge @!p0 [sflag:s8], $0x0  }
0x24: {  	s3 =	sadd.s32 $0x88, s3;
	s6 =	simm.s32 @!p1 $0x1082;
	[sflag:s4] =	ssyncset.s32 $0xFFFFF086  }
0x25: {  	[simem:s6], [sflag:s4] =	dma.local [hbm:s3], $0xF7A  }
0x26: {  	[smem:$0x3F96] =	sst s1;
	(tag) =	ssettag s2;
	_ =	strace s9  }
0x27: {  	s1 =	sld [smem:$0x3FA6]  }
0x28: {  	s2 =	sld [smem:$0x3FA7]  }
0x29: {  	s4 =	sld [smem:$0x3FA9]  }
0x2a: {  	p0 =	seq.s32 s5, $0x0;
	s5 =	sld [smem:$0x3FAA]  }
0x2b: {  	s6 =	sld [smem:$0x3FAB]  }
0x2c: {  	s7 =	sld [smem:$0x3FAC]  }
0x2d: {  	s3 =	simm.s32 $0x108;
	s8 =	sld [smem:$0x3FAD]  }
0x2e: {  	s3 =	simm.s32 @!p0 $0x1082;
	s9 =	sld [smem:$0x3FAE]  }
0x2f: {  	lr =	sadd.s32 s0, s3;
	s0 =	sld [smem:$0x3FA5]  }
0x30: {  	s3 =	sld [smem:$0x3FA8]  }
0x31: {  	[smem:$0x3FB1] =	sst s10  }
0x32: {  	s10 =	sld [smem:$0x3FAF];
	_ =	sdelay $0x3  }
0x33: {  	p0 =	seq.s32 s10, $0x1;
	s10 =	sld [smem:$0x3FB1];
	_ =	sdelay $0x3  }
0x34: {  	[smem:$0x3FB1] =	sst s10  }
0x35: {  	s10 =	sld [smem:$0x3FB0];
	_ =	sdelay $0x3  }
0x36: {  	p1 =	seq.s32 s10, $0x1;
	s10 =	sld [smem:$0x3FB1];
	_ =	sdelay $0x3  }
0x37: {  	[smem:$0x3FB1] =	sst s10  }
0x38: {  	s10 =	sld [smem:$0x3FB2]  }
0x39: {  	_ = 	snop;
	(pc) =	sbr.ind lr, $3  }
0x3a: {  	_ = 	snop  }
0x3b: {  	_ = 	snop  }
0x3c: {  	p2 =	seq.s32 s10, $0x1;
	s10 =	sld [smem:$0x3FB1]  }
0x3d: {  	_ =	shalt  }
0x3e: {  	_ =	shalt  }
0x3f: {  	_ =	shalt  }
0x40: {  	_ =	shalt  }
0x41: {  	_ =	shalt  }
0x42: {  	_ =	shalt  }
0x43: {  	_ =	shalt  }
0x44: {  	_ =	shalt  }
0x45: {  	_ =	shalt  }
0x46: {  	_ =	shalt  }
0x47: {  	_ =	shalt  }
0x48: {  	_ =	shalt  }
0x49: {  	_ =	shalt  }
0x4a: {  	_ =	shalt  }
0x4b: {  	_ =	shalt  }
0x4c: {  	_ =	shalt  }
0x4d: {  	_ =	shalt  }
0x4e: {  	_ =	shalt  }
0x4f: {  	_ =	shalt  }
0x50: {  	_ =	shalt  }
0x51: {  	_ =	shalt  }
0x52: {  	_ =	shalt  }
0x53: {  	_ =	shalt  }
0x54: {  	_ =	shalt  }
0x55: {  	_ =	shalt  }
0x56: {  	_ =	shalt  }
0x57: {  	_ =	shalt  }
0x58: {  	_ =	shalt  }
0x59: {  	_ =	shalt  }
0x5a: {  	_ =	shalt  }
0x5b: {  	_ =	shalt  }
0x5c: {  	_ =	shalt  }
0x5d: {  	_ =	shalt  }
0x5e: {  	_ =	shalt  }
0x5f: {  	_ =	shalt  }
0x60: {  	_ =	shalt  }
0x61: {  	_ =	shalt  }
0x62: {  	_ =	shalt  }
0x63: {  	_ =	shalt  }
0x64: {  	_ =	shalt  }
0x65: {  	_ =	shalt  }
0x66: {  	_ =	shalt  }
0x67: {  	_ =	shalt  }
0x68: {  	_ =	shalt  }
0x69: {  	_ =	shalt  }
0x6a: {  	_ =	shalt  }
0x6b: {  	_ =	shalt  }
0x6c: {  	_ =	shalt  }
0x6d: {  	_ =	shalt  }
0x6e: {  	_ =	shalt  }
0x6f: {  	_ =	shalt  }
0x70: {  	_ =	shalt  }
0x71: {  	_ =	shalt  }
0x72: {  	_ =	shalt  }
0x73: {  	_ =	shalt  }
0x74: {  	_ =	shalt  }
0x75: {  	_ =	shalt  }
0x76: {  	_ =	shalt  }
0x77: {  	_ =	shalt  }
0x78: {  	_ =	shalt  }
0x79: {  	_ =	shalt  }
0x7a: {  	_ =	shalt  }
0x7b: {  	_ =	shalt  }
0x7c: {  	_ =	shalt  }
0x7d: {  	_ =	shalt  }
0x7e: {  	_ =	shalt  }
0x7f: {  	_ =	shalt  }
0x80: {  	_ =	shalt  }
0x81: {  	_ =	shalt  }
0x82: {  	_ =	shalt  }
0x83: {  	_ =	shalt  }
0x84: {  	_ =	shalt  }
0x85: {  	_ =	shalt  }
0x86: {  	_ =	shalt  }
0x87: {  	_ =	shalt  }
.Lfunc_end0:
.L_simem_size_0:
called_computation_lowered:
.L_overlay_start_0:
0x88: {  	s2 =	sld [smem:$0x3FD9]  }
0x89: {  	s3 =	sld [smem:$0x3FFE];
	_ =	sdelay $0x1  }
0x8a: {  	s1 =	srdreg.scid  }
0x8b: {  	s0 =	sand.u32 $0x1, s1  }
0x8c: {  	s17 =	sshll.u32 s0, $0xA;
	s2 =	sadd.s32 s3, s2  }
0x8d: {  	s2 =	sadd.s32 s2, s17  }
0x8e: {  	[smem:$0x3FBD] =	sst s2  }
0x8f: {  	_ = 	snop  }
0x90: {  	s2 =	sld [smem:$0x3FD0];
	(tm) =	ssettm $0x1  }
0x91: {  	s18 =	sld [smem:$0x3FFB];
	_ =	sdelay $0x3  }
0x92: {  	_ =	strace s18  }
0x93: {  	s3 =	sld [smem:$0x3FFC];
	_ =	sdelay $0x3  }
0x94: {  	_ =	strace s3  }
0x95: {  	s3 =	sld [smem:$0x3FFD];
	_ =	sdelay $0x3  }
0x96: {  	_ =	strace s3  }
0x97: {  	_ =	strace $0x8FFFFFFF  }
0x98: {  	s19 =	sld [smem:$0x3FDB];
	_ =	sdelay $0x1  }
0x99: {  	s4 =	simm.s32 $_scs_section_size  }
0x9a: {  	s5 =	simm.s32 $_size__tile_overlayer_lowered;
	s6 =	simm.s32 $_tile_overlayer_lowered  }
0x9b: {  	s22 =	simm.s32 $0x1BFF;
	s21 =	sshll.u32 s6, $0x1;
	s3 =	sadd.s32 s4, s19  }
0x9c: {  	s7 =	simm.s32 $0x0;
	s20 =	sshll.u32 s5, $0x1;
	s5 =	sadd.s32 s21, s3  }
0x9d: {  	[timem:s7], [sflag:s22] =	dma.local [hbm:s5], s20  }
0x9e: {  	_ =	swait.ge [sflag:s22], s20  }
0x9f: {  	s4 =	ssub.s32 $0x0, s20;
	[sflag:s22] =	ssyncset.done $0x0  }
0xa0: {  	[sflag:s22] =	ssyncadd.s32 s4;
	_ =	sdelay $0x1  }
0xa1: {  	s23 =	simm.s32 $0x1B8B  }
0xa2: {  	_ =	swait.ge [sflag:s23], $0x1  }
0xa3: {  	[sflag:s23] =	ssyncset.done $0x0  }
0xa4: {  	s25 =	simm.s32 $0x1B8E;
	s24 =	sld [smem:$0x3FFE];
	[sflag:s23] =	ssyncadd.s32 $0xFFFFFFFF  }
0xa5: {  	s26 =	simm.s32 $execute0_lowered;
	[smem:$0x3FD2] =	sst s25  }
0xa6: {  	s5 =	sshll.u32 s26, $0x1;
	_ =	strace $0x80000046;
	[dreg:$0x1] =	wrdreg $0xFFFFFFFF  }
0xa7: {  	s28 =	simm.s32 $_size_execute0_lowered;
	s3 =	sadd.s32 s3, s5;
	[dreg:$0x0] =	wrdreg $0x0  }
0xa8: {  	s5 =	sshll.u32 s28, $0x1;
	[dreg:$0x2] =	wrdreg s3  }
0xa9: {  	[dreg:$0x3] =	wrdreg s5  }
0xaa: {  	[dreg:$0x4] =	wrdreg $0xC0  }
0xab: {  	_ =	task [dreg:s7], $0x5FFFF  }
0xac: {  	[dreg:$0x1] =	wrdreg $0xFFFFFFFF  }
0xad: {  	[dreg:$0x0] =	wrdreg $0x60  }
0xae: {  	[dreg:$0x2] =	wrdreg s2  }
0xaf: {  	[dreg:$0x3] =	wrdreg s24  }
0xb0: {  	[dreg:$0x4] =	wrdreg $0x0  }
0xb1: {  	[dreg:$0x5] =	wrdreg $0x9  }
0xb2: {  	_ =	task.clear_ibuf [dreg:s7], $0x6FFFF;
	_ =	strace $0x90000046  }
0xb3: {  	s29 =	simm.s32 $0x9;
	_ =	strace $0x80000048  }
0xb4: {  	_ =	swait.ge [sflag:s29], $0x1  }
0xb5: {  	[sflag:s29] =	ssyncadd.s32 $0xFFFFFFFF  }
0xb6: {  	_ =	strace $0x90000048  }
0xb7: {  	_ =	sfence  }
0xb8: {  	s30 =	sld [smem:$0x0];
	_ =	sdelay $0x2  }
0xb9: {  	s31 =	sshll.u32 s1, $0xD;
	s1 =	sshrl.u32 s1, $0x2  }
0xba: {  	s3 =	sand.u32 $0x4000, s31;
	s1 =	sadd.s32 s1, s30  }
0xbb: {  	s0 =	sor.u32 s3, s0;
	s1 =	sshll.u32 s1, $0x11  }
0xbc: {  	s0 =	sor.u32 s1, s0  }
0xbd: {  	s0 =	sadd.s32 $0x8F2B, s0  }
0xbe: {  	[sflag:s0] =	ssyncadd.remote.s32 $0x1  }
0xbf: {  	_ =	sfence.sel $0xFFFF  }
0xc0: {  	[dreg:$0x0] =	wrdreg $0xFFFFFFFF;
	(pc) =	sbr.abs _section_cstart, $3  }
0xc1: {  	[dreg:$0x1] =	wrdreg $0xFFFFFFFF  }
0xc2: {  	_ =	task.clear_ibuf [dreg:s7], $0x2FFFF;
	_ =	strace $0x9FFFFFFF  }
0xc3: {  	(tm) =	ssettm $0x7FFFFFFF  }
tec
execute0_lowered:
.L_overlay_start_1:
0x0: {  	(tag) =	ssettag $0x1  }
0x1: {  	s1 =	rddreg [dreg:$0x0]  }
0x2: {  	s4 =	rddreg [dreg:$0x1]  }
0x3: {  	s2 =	rddreg [dreg:$0x2];
	s3 =	simm.s32 $0x0  }
0x4: {  	s0 =	simm.s32 $0x14080;
	[smem:$0x7FF] =	sst s3  }
0x5: {  	s7 =	simm.s32 $0x14100;
	_ =	strace $0x80000047;
	[dreg:$0x4] =	wrdreg s0  }
0x6: {  	s6 =	simm.s32 $0x15080;
	[dreg:$0x5] =	wrdreg s7  }
0x7: {  	s8 =	simm.s32 $0x14180;
	[dreg:$0x6] =	wrdreg s6  }
0x8: {  	s10 =	simm.s32 $0x15100;
	[dreg:$0x7] =	wrdreg s8  }
0x9: {  	s12 =	simm.s32 $0x15180;
	[dreg:$0x8] =	wrdreg s10  }
0xa: {  	s13 =	simm.s32 $0x14280;
	[dreg:$0xa] =	wrdreg s12  }
0xb: {  	s14 =	simm.s32 $0x15200;
	[dreg:$0xb] =	wrdreg s13  }
0xc: {  	s15 =	simm.s32 $0x14300;
	[dreg:$0xc] =	wrdreg s14  }
0xd: {  	s17 =	simm.s32 $0x15280;
	[dreg:$0xd] =	wrdreg s15  }
0xe: {  	s19 =	simm.s32 $0x14380;
	[dreg:$0xe] =	wrdreg s17  }
0xf: {  	s20 =	simm.s32 $0x15300;
	[dreg:$0xf] =	wrdreg s19  }
0x10: {  	s21 =	simm.s32 $0x15380;
	[dreg:$0x10] =	wrdreg s20  }
0x11: {  	s22 =	simm.s32 $0x14480;
	[dreg:$0x12] =	wrdreg s21  }
0x12: {  	s24 =	simm.s32 $0x15400;
	[dreg:$0x13] =	wrdreg s22  }
0x13: {  	s5 =	srdreg.scid;
	s26 =	simm.s32 $0x14500;
	[dreg:$0x14] =	wrdreg s24  }
0x14: {  	s11 =	stileid.u32;
	s8 =	simm.s32 $0x14200;
	[dreg:$0x15] =	wrdreg s26  }
0x15: {  	s28 =	simm.s32 $0x1B000;
	s10 =	simm.s32 $0x14400;
	[dreg:$0x9] =	wrdreg s8  }
0x16: {  	s29 =	simm.s32 $0x2;
	s12 =	simm.s32 $0x14580;
	[dreg:$0x11] =	wrdreg s10  }
0x17: {  	s30 =	simm.s32 $0x4;
	s13 =	simm.s32 $0x15500;
	[dreg:$0x17] =	wrdreg s12  }
0x18: {  	s31 =	simm.s32 $0x3;
	s15 =	simm.s32 $0x14600;
	[dreg:$0x18] =	wrdreg s13  }
0x19: {  	s25 =	smul.u32 $0x50000, s11;
	s17 =	simm.s32 $0x15580;
	[dreg:$0x19] =	wrdreg s15  }
0x1a: {  	s0 =	sand.u32 $0x1, s5;
	s19 =	simm.s32 $0x14680;
	[dreg:$0x1a] =	wrdreg s17  }
0x1b: {  	s7 =	smul.u32 $0x14000, s11;
	s21 =	simm.s32 $0x15600;
	[dreg:$0x1b] =	wrdreg s19  }
0x1c: {  	s10 =	sshrl.u32 s25, $0x2;
	[dreg:$0x1c] =	wrdreg s21;
	s25 =	simm.s32 $0x15680  }
0x1d: {  	s5 =	sadd.s32 $0x2C00, s4;
	s12 =	simm.s32 $0x15700;
	[dreg:$0x1e] =	wrdreg s25  }
0x1e: {  	s9 =	smul.u32 $0x140000, s0;
	s13 =	simm.s32 $0x14800;
	[smem:$0x7EF] =	sst s12  }
0x1f: {  	s16 =	ssub.s32 $0x2, s0;
	s15 =	simm.s32 $0x15780;
	[smem:$0x7F0] =	sst s13  }
0x20: {  	s17 =	simm.s32 $0x15800;
	s19 =	simm.s32 $0x15880;
	[smem:$0x7F2] =	sst s15  }
0x21: {  	s21 =	simm.s32 $0x15900;
	s18 =	sshrl.u32 s16, $0x1;
	[smem:$0x7F4] =	sst s17  }
0x22: {  	s8 =	sadd.s32 s10, s2;
	s10 =	simm.s32 $0x14780;
	[smem:$0x7F6] =	sst s19  }
0x23: {  	s19 =	simm.s32 $0x14000;
	[smem:$0x7F8] =	sst s21;
	s21 =	simm.s32 $0x7  }
0x24: {  	s25 =	simm.s32 $0x15A00;
	s12 =	simm.s32 $0x15C00;
	[dreg:$0x1f] =	wrdreg s10  }
0x25: {  	s6 =	sadd.s32 s7, s9;
	s14 =	sadd.s32 $0x2800, s8;
	[smem:$0x7FC] =	sst s25  }
0x26: {  	s7 =	ssub.s32 s16, s18;
	s16 =	sadd.s32 $0x5000, s8;
	[smem:$0x7E7] =	sst s14  }
0x27: {  	s13 =	simm.s32 $0x0;
	s18 =	sadd.s32 $0x7800, s8;
	[smem:$0x7E8] =	sst s16  }
0x28: {  	s9 =	sshll.u32 s0, $0x4;
	s20 =	sadd.s32 $0xA000, s8;
	[smem:$0x7E9] =	sst s18  }
0x29: {  	s22 =	sadd.s32 $0xC800, s8;
	s24 =	sadd.s32 $0xF000, s8;
	[smem:$0x7EA] =	sst s20  }
0x2a: {  	s26 =	sadd.s32 $0x11800, s8;
	s0 =	smul.u32 $0x50000, s0;
	[smem:$0x7EB] =	sst s22  }
0x2b: {  	s25 =	simm.s32 $0x16000;
	s10 =	simm.s32 $0x14C00;
	[smem:$0x7EC] =	sst s24  }
0x2c: {  	s6 =	sshrl.u32 s6, $0x3;
	[smem:$0x7ED] =	sst s26;
	s7 =	smax.u32 s7, $0x1  }
0x2d: {  	s9 =	sor.u32 s11, s9;
	s16 =	simm.s32 $0x14880;
	[smem:$0x7F1] =	sst s7  }
0x2e: {  	s14 =	smul.u32 $0x5000, s11;
	s18 =	simm.s32 $0x14900;
	[smem:$0x7F3] =	sst s16  }
0x2f: {  	s20 =	simm.s32 $0x14980;
	s22 =	simm.s32 $0x14A00;
	[smem:$0x7F5] =	sst s18  }
0x30: {  	s24 =	simm.s32 $0x14A80;
	s26 =	simm.s32 $0x14B00;
	[smem:$0x7F7] =	sst s20  }
0x31: {  	s11 =	simm.s32 $0x15B80;
	s4 =	sadd.s32 s6, s4;
	[smem:$0x7F9] =	sst s22  }
0x32: {  	s6 =	smul.u32 $0x5000, s9;
	s20 =	simm.s32 $0x18800;
	[smem:$0x7FB] =	sst s24  }
0x33: {  	s22 =	simm.s32 $0x15000;
	s24 =	simm.s32 $0x50;
	[smem:$0x7FD] =	sst s26  }
0x34: {  	s26 =	simm.s32 $0x5;
	s7 =	simm.s32 $0x14B80;
	s4 =	sadd.s32 $0x2AC00, s4  }
0x35: {  	s0 =	sadd.s32 s14, s0;
	s23 =	sshrl.u32 s6, $0x3;
	[smem:$0x7EE] =	sst s4  }
0x36: {  	s0 =	sadd.s32 $0xA0000, s0;
	s4 =	simm.s32 $0x15A80;
	s9 =	sadd.s32 s5, s23  }
0x37: {  	s23 =	simm.s32 $0x14700;
	s0 =	sshrl.u32 s0, $0x3;
	[smem:$0x7E6] =	sst s9  }
0x38: {  	s9 =	simm.s32 $0x15480;
	[dreg:$0x1d] =	wrdreg s23;
	s15 =	sadd.s32 s0, s5  }
0x39: {  	s23 =	simm.s32 $0x15980;
	s0 =	simm.s32 $0x6;
	[dreg:$0x16] =	wrdreg s9  }
0x3a: {  	v0 =	vimm.f32 $0.0e+00;
	[smem:$0x7FA] =	sst s23;
	s23 =	simm.s32 $0x1;
	s9 =	simm.s32 $0x15B00  }
.LBB2_1:
0x3b: {  	s14 =	simm.s32 $0x0;
	s16 =	simm.s32 $0x200  }
.LBB2_2:
0x3c: {  	p0 =	sne.s32 s16, $0x9E00;
	[tilespmem:s14+$0x18870] =	vst v0  }
0x3d: {  	[tilespmem:s14+$0x18800] =	vst v0  }
0x3e: {  	[tilespmem:s14+$0x18810] =	vst v0  }
.Ltmp0:
0x3f: {  	[tilespmem:s14+$0x18820] =	vst v0;
	(pc) =	sbr.rel @p0 .LBB2_2-.Ltmp0, $4  }
0x40: {  	[tilespmem:s14+$0x18830] =	vst v0  }
0x41: {  	[tilespmem:s14+$0x18840] =	vst v0  }
0x42: {  	[tilespmem:s14+$0x18850] =	vst v0  }
0x43: {  	[tilespmem:s14+$0x18860] =	vst v0;
	s14 =	sshra.s32 s16, $0x2;
	s16 =	sadd.s32 $0x200, s16  }
0x44: {  	[tilespmem:s14+$0x18870] =	vst v0  }
0x45: {  	[tilespmem:s14+$0x18800] =	vst v0  }
0x46: {  	[tilespmem:s14+$0x18810] =	vst v0  }
0x47: {  	[tilespmem:s14+$0x18820] =	vst v0  }
0x48: {  	[tilespmem:s14+$0x18830] =	vst v0  }
0x49: {  	[tilespmem:s14+$0x18840] =	vst v0;
	s17 =	sld [smem:$0x7E6]  }
0x4a: {  	[tilespmem:s14+$0x18850] =	vst v0  }
0x4b: {  	[tilespmem:s14+$0x18860] =	vst v0  }
0x4c: {  	[tilespmem:s19], [sflag:$0x1] =	stream.linear.gather [hbm4b:s17+s3], $0xC80, $0x38;
	[tilespmem:$0x1D800] =	vst v63  }
0x4d: {  	_ = 	snop  }
0x4e: {  	[spmem:s8] =	stream.linear.scatter [tilespmem:s20], [sflag:$0x7], $0x2800, $0x38;
	[tilespmem:$0x1D800] =	vst v63  }
0x4f: {  	_ =	swait.ge [sflag:s21], $0x2800  }
0x50: {  	s18 =	sld [smem:$0x7E7]  }
0x51: {  	[sflag:s21] =	ssyncset.done $0x0  }
0x52: {  	[sflag:s21] =	ssyncadd.s32 $0xFFFFD800  }
0x53: {  	[spmem:s18] =	stream.linear.scatter [tilespmem:s20], [sflag:$0x7], $0x2800, $0x38;
	[tilespmem:$0x1D800] =	vst v63  }
0x54: {  	_ =	swait.ge [sflag:s21], $0x2800  }
0x55: {  	s16 =	sld [smem:$0x7E8]  }
0x56: {  	[sflag:s21] =	ssyncset.done $0x0  }
0x57: {  	[sflag:s21] =	ssyncadd.s32 $0xFFFFD800  }
0x58: {  	[spmem:s16] =	stream.linear.scatter [tilespmem:s20], [sflag:$0x7], $0x2800, $0x38;
	[tilespmem:$0x1D800] =	vst v63  }
0x59: {  	_ =	swait.ge [sflag:s21], $0x2800  }
0x5a: {  	s17 =	sld [smem:$0x7E9]  }
0x5b: {  	[sflag:s21] =	ssyncset.done $0x0  }
0x5c: {  	[sflag:s21] =	ssyncadd.s32 $0xFFFFD800  }
0x5d: {  	[spmem:s17] =	stream.linear.scatter [tilespmem:s20], [sflag:$0x7], $0x2800, $0x38;
	[tilespmem:$0x1D800] =	vst v63  }
0x5e: {  	_ =	swait.ge [sflag:s21], $0x2800  }
0x5f: {  	s18 =	sld [smem:$0x7EA]  }
0x60: {  	[sflag:s21] =	ssyncset.done $0x0  }
0x61: {  	[sflag:s21] =	ssyncadd.s32 $0xFFFFD800  }
0x62: {  	[spmem:s18] =	stream.linear.scatter [tilespmem:s20], [sflag:$0x7], $0x2800, $0x38;
	[tilespmem:$0x1D800] =	vst v63  }
0x63: {  	_ =	swait.ge [sflag:s21], $0x2800  }
0x64: {  	s16 =	sld [smem:$0x7EB]  }
0x65: {  	[sflag:s21] =	ssyncset.done $0x0  }
0x66: {  	[sflag:s21] =	ssyncadd.s32 $0xFFFFD800  }
0x67: {  	[spmem:s16] =	stream.linear.scatter [tilespmem:s20], [sflag:$0x7], $0x2800, $0x38;
	[tilespmem:$0x1D800] =	vst v63  }
0x68: {  	_ =	swait.ge [sflag:s21], $0x2800  }
0x69: {  	s17 =	sld [smem:$0x7EC]  }
0x6a: {  	[sflag:s21] =	ssyncset.done $0x0  }
0x6b: {  	[sflag:s21] =	ssyncadd.s32 $0xFFFFD800  }
0x6c: {  	[spmem:s17] =	stream.linear.scatter [tilespmem:s20], [sflag:$0x7], $0x2800, $0x38;
	[tilespmem:$0x1D800] =	vst v63  }
0x6d: {  	_ =	swait.ge [sflag:s21], $0x2800  }
0x6e: {  	s18 =	sld [smem:$0x7ED]  }
0x6f: {  	[sflag:s21] =	ssyncset.done $0x0  }
0x70: {  	[sflag:s21] =	ssyncadd.s32 $0xFFFFD800  }
0x71: {  	[spmem:s18] =	stream.linear.scatter [tilespmem:s20], [sflag:$0x7], $0x2800, $0x38;
	[tilespmem:$0x1D800] =	vst v63  }
0x72: {  	_ =	swait.ge [sflag:s21], $0x2800  }
0x73: {  	[sflag:s21] =	ssyncset.done $0x0  }
0x74: {  	[sflag:s21] =	ssyncadd.s32 $0xFFFFD800  }
0x75: {  	[bflag:$0x0] =	sbarrier.arrive $0xFFFF  }
0x76: {  	[tilespmem:s22], [sflag:$0x5] =	stream.linear.gather [hbm4b:s15+s3], $0xC80, $0x38;
	[tilespmem:$0x1D800] =	vst v63  }
0x77: {  	_ =	swait.ge [sflag:s23], $0xC80  }
0x78: {  	[sflag:s23] =	ssyncset.done $0x0  }
0x79: {  	[sflag:s23] =	ssyncadd.s32 $0xFFFFF380  }
0x7a: {  	[tilespmem:s25], [sflag:$0x1] =	stream.indirect.gather [hbm4b:s1+s24], $0x80, s19, s24, $0xb8;
	[tilespmem:$0x1D800] =	vst v63  }
0x7b: {  	s16 =	rddreg [dreg:$0x4]  }
0x7c: {  	[tilespmem:s20], [sflag:$0x2] =	stream.indirect.gather [hbm4b:s1+s24], $0x80, s16, s24, $0xb8;
	[tilespmem:$0x1D800] =	vst v63  }
0x7d: {  	_ =	swait.ge [sflag:s23], $0x2800  }
0x7e: {  	[sflag:s23] =	ssyncset.done $0x0  }
0x7f: {  	[sflag:s23] =	ssyncadd.s32 $0xFFFFD800  }
0x80: {  	_ =	swait.ge [sflag:s26], $0xC80  }
0x81: {  	[sflag:s26] =	ssyncset.done $0x0  }
0x82: {  	[sflag:s26] =	ssyncadd.s32 $0xFFFFF380  }
0x83: {  	[spmem:s2] =	stream.indirect.scatter.add.f32 [tilespmem:s25], [sflag:$0x4], $0x80, s22, s24, $0xb8;
	[tilespmem:$0x1D800] =	vst v63  }
0x84: {  	s17 =	rddreg [dreg:$0x5]  }
0x85: {  	[tilespmem:s28], [sflag:$0x3] =	stream.indirect.gather [hbm4b:s1+s24], $0x80, s17, s24, $0xb8;
	[tilespmem:$0x1D800] =	vst v63  }
0x86: {  	_ =	swait.ge [sflag:s29], $0x2800  }
0x87: {  	[sflag:s29] =	ssyncset.done $0x0  }
0x88: {  	s18 =	rddreg [dreg:$0x6];
	[sflag:s29] =	ssyncadd.s32 $0xFFFFD800  }
0x89: {  	[spmem:s2] =	stream.indirect.scatter.add.f32 [tilespmem:s20], [sflag:$0x5], $0x80, s18, s24, $0xb8;
	[tilespmem:$0x1D800] =	vst v63  }
0x8a: {  	_ =	swait.ge [sflag:s30], $0x2800  }
0x8b: {  	[sflag:s30] =	ssyncset.done $0x0  }
0x8c: {  	s16 =	rddreg [dreg:$0x7];
	[sflag:s30] =	ssyncadd.s32 $0xFFFFD800  }
0x8d: {  	[tilespmem:s25], [sflag:$0x1] =	stream.indirect.gather [hbm4b:s1+s24], $0x80, s16, s24, $0xb8;
	[tilespmem:$0x1D800] =	vst v63  }
0x8e: {  	_ =	swait.ge [sflag:s31], $0x2800  }
0x8f: {  	[sflag:s31] =	ssyncset.done $0x0  }
0x90: {  	s17 =	rddreg [dreg:$0x8];
	[sflag:s31] =	ssyncadd.s32 $0xFFFFD800  }
0x91: {  	[spmem:s2] =	stream.indirect.scatter.add.f32 [tilespmem:s28], [sflag:$0x6], $0x80, s17, s24, $0xb8;
	[tilespmem:$0x1D800] =	vst v63  }
0x92: {  	_ =	swait.ge [sflag:s26], $0x2800  }
0x93: {  	[sflag:s26] =	ssyncset.done $0x0  }
0x94: {  	s18 =	rddreg [dreg:$0x9];
	[sflag:s26] =	ssyncadd.s32 $0xFFFFD800  }
0x95: {  	[tilespmem:s20], [sflag:$0x2] =	stream.indirect.gather [hbm4b:s1+s24], $0x80, s18, s24, $0xb8;
	[tilespmem:$0x1D800] =	vst v63  }
0x96: {  	_ =	swait.ge [sflag:s23], $0x2800  }
0x97: {  	[sflag:s23] =	ssyncset.done $0x0  }
0x98: {  	s16 =	rddreg [dreg:$0xa];
	[sflag:s23] =	ssyncadd.s32 $0xFFFFD800  }
0x99: {  	[spmem:s2] =	stream.indirect.scatter.add.f32 [tilespmem:s25], [sflag:$0x4], $0x80, s16, s24, $0xb8;
	[tilespmem:$0x1D800] =	vst v63  }
0x9a: {  	_ =	swait.ge [sflag:s0], $0x2800  }
0x9b: {  	[sflag:s0] =	ssyncset.done $0x0  }
0x9c: {  	s17 =	rddreg [dreg:$0xb];
	[sflag:s0] =	ssyncadd.s32 $0xFFFFD800  }
0x9d: {  	[tilespmem:s28], [sflag:$0x3] =	stream.indirect.gather [hbm4b:s1+s24], $0x80, s17, s24, $0xb8;
	[tilespmem:$0x1D800] =	vst v63  }
0x9e: {  	_ =	swait.ge [sflag:s29], $0x2800  }
0x9f: {  	[sflag:s29] =	ssyncset.done $0x0  }
0xa0: {  	s18 =	rddreg [dreg:$0xc];
	[sflag:s29] =	ssyncadd.s32 $0xFFFFD800  }
0xa1: {  	[spmem:s2] =	stream.indirect.scatter.add.f32 [tilespmem:s20], [sflag:$0x5], $0x80, s18, s24, $0xb8;
	[tilespmem:$0x1D800] =	vst v63  }
0xa2: {  	_ =	swait.ge [sflag:s30], $0x2800  }
0xa3: {  	[sflag:s30] =	ssyncset.done $0x0  }
0xa4: {  	s16 =	rddreg [dreg:$0xd];
	[sflag:s30] =	ssyncadd.s32 $0xFFFFD800  }
0xa5: {  	[tilespmem:s25], [sflag:$0x1] =	stream.indirect.gather [hbm4b:s1+s24], $0x80, s16, s24, $0xb8;
	[tilespmem:$0x1D800] =	vst v63  }
0xa6: {  	_ =	swait.ge [sflag:s31], $0x2800  }
0xa7: {  	[sflag:s31] =	ssyncset.done $0x0  }
0xa8: {  	s17 =	rddreg [dreg:$0xe];
	[sflag:s31] =	ssyncadd.s32 $0xFFFFD800  }
0xa9: {  	[spmem:s2] =	stream.indirect.scatter.add.f32 [tilespmem:s28], [sflag:$0x6], $0x80, s17, s24, $0xb8;
	[tilespmem:$0x1D800] =	vst v63  }
0xaa: {  	_ =	swait.ge [sflag:s26], $0x2800  }
0xab: {  	[sflag:s26] =	ssyncset.done $0x0  }
0xac: {  	s18 =	rddreg [dreg:$0xf];
	[sflag:s26] =	ssyncadd.s32 $0xFFFFD800  }
0xad: {  	[tilespmem:s20], [sflag:$0x2] =	stream.indirect.gather [hbm4b:s1+s24], $0x80, s18, s24, $0xb8;
	[tilespmem:$0x1D800] =	vst v63  }
0xae: {  	_ =	swait.ge [sflag:s23], $0x2800  }
0xaf: {  	[sflag:s23] =	ssyncset.done $0x0  }
0xb0: {  	s16 =	rddreg [dreg:$0x10];
	[sflag:s23] =	ssyncadd.s32 $0xFFFFD800  }
0xb1: {  	[spmem:s2] =	stream.indirect.scatter.add.f32 [tilespmem:s25], [sflag:$0x4], $0x80, s16, s24, $0xb8;
	[tilespmem:$0x1D800] =	vst v63  }
0xb2: {  	_ =	swait.ge [sflag:s0], $0x2800  }
0xb3: {  	[sflag:s0] =	ssyncset.done $0x0  }
0xb4: {  	s17 =	rddreg [dreg:$0x11];
	[sflag:s0] =	ssyncadd.s32 $0xFFFFD800  }
0xb5: {  	[tilespmem:s28], [sflag:$0x3] =	stream.indirect.gather [hbm4b:s1+s24], $0x80, s17, s24, $0xb8;
	[tilespmem:$0x1D800] =	vst v63  }
0xb6: {  	_ =	swait.ge [sflag:s29], $0x2800  }
0xb7: {  	[sflag:s29] =	ssyncset.done $0x0  }
0xb8: {  	s18 =	rddreg [dreg:$0x12];
	[sflag:s29] =	ssyncadd.s32 $0xFFFFD800  }
0xb9: {  	[spmem:s2] =	stream.indirect.scatter.add.f32 [tilespmem:s20], [sflag:$0x5], $0x80, s18, s24, $0xb8;
	[tilespmem:$0x1D800] =	vst v63  }
0xba: {  	_ =	swait.ge [sflag:s30], $0x2800  }
0xbb: {  	[sflag:s30] =	ssyncset.done $0x0  }
0xbc: {  	s16 =	rddreg [dreg:$0x13];
	[sflag:s30] =	ssyncadd.s32 $0xFFFFD800  }
0xbd: {  	[tilespmem:s25], [sflag:$0x1] =	stream.indirect.gather [hbm4b:s1+s24], $0x80, s16, s24, $0xb8;
	[tilespmem:$0x1D800] =	vst v63  }
0xbe: {  	_ =	swait.ge [sflag:s31], $0x2800  }
0xbf: {  	[sflag:s31] =	ssyncset.done $0x0  }
0xc0: {  	s17 =	rddreg [dreg:$0x14];
	[sflag:s31] =	ssyncadd.s32 $0xFFFFD800  }
0xc1: {  	[spmem:s2] =	stream.indirect.scatter.add.f32 [tilespmem:s28], [sflag:$0x6], $0x80, s17, s24, $0xb8;
	[tilespmem:$0x1D800] =	vst v63  }
0xc2: {  	_ =	swait.ge [sflag:s26], $0x2800  }
0xc3: {  	[sflag:s26] =	ssyncset.done $0x0  }
0xc4: {  	s18 =	rddreg [dreg:$0x15];
	[sflag:s26] =	ssyncadd.s32 $0xFFFFD800  }
0xc5: {  	[tilespmem:s20], [sflag:$0x2] =	stream.indirect.gather [hbm4b:s1+s24], $0x80, s18, s24, $0xb8;
	[tilespmem:$0x1D800] =	vst v63  }
0xc6: {  	_ =	swait.ge [sflag:s23], $0x2800  }
0xc7: {  	[sflag:s23] =	ssyncset.done $0x0  }
0xc8: {  	s16 =	rddreg [dreg:$0x16];
	[sflag:s23] =	ssyncadd.s32 $0xFFFFD800  }
0xc9: {  	[spmem:s2] =	stream.indirect.scatter.add.f32 [tilespmem:s25], [sflag:$0x4], $0x80, s16, s24, $0xb8;
	[tilespmem:$0x1D800] =	vst v63  }
0xca: {  	_ =	swait.ge [sflag:s0], $0x2800  }
0xcb: {  	[sflag:s0] =	ssyncset.done $0x0  }
0xcc: {  	s17 =	rddreg [dreg:$0x17];
	[sflag:s0] =	ssyncadd.s32 $0xFFFFD800  }
0xcd: {  	[tilespmem:s28], [sflag:$0x3] =	stream.indirect.gather [hbm4b:s1+s24], $0x80, s17, s24, $0xb8;
	[tilespmem:$0x1D800] =	vst v63  }
0xce: {  	_ =	swait.ge [sflag:s29], $0x2800  }
0xcf: {  	[sflag:s29] =	ssyncset.done $0x0  }
0xd0: {  	s18 =	rddreg [dreg:$0x18];
	[sflag:s29] =	ssyncadd.s32 $0xFFFFD800  }
0xd1: {  	[spmem:s2] =	stream.indirect.scatter.add.f32 [tilespmem:s20], [sflag:$0x5], $0x80, s18, s24, $0xb8;
	[tilespmem:$0x1D800] =	vst v63  }
0xd2: {  	_ =	swait.ge [sflag:s30], $0x2800  }
0xd3: {  	[sflag:s30] =	ssyncset.done $0x0  }
0xd4: {  	s16 =	rddreg [dreg:$0x19];
	[sflag:s30] =	ssyncadd.s32 $0xFFFFD800  }
0xd5: {  	[tilespmem:s25], [sflag:$0x1] =	stream.indirect.gather [hbm4b:s1+s24], $0x80, s16, s24, $0xb8;
	[tilespmem:$0x1D800] =	vst v63  }
0xd6: {  	_ =	swait.ge [sflag:s31], $0x2800  }
0xd7: {  	[sflag:s31] =	ssyncset.done $0x0  }
0xd8: {  	s17 =	rddreg [dreg:$0x1a];
	[sflag:s31] =	ssyncadd.s32 $0xFFFFD800  }
0xd9: {  	[spmem:s2] =	stream.indirect.scatter.add.f32 [tilespmem:s28], [sflag:$0x6], $0x80, s17, s24, $0xb8;
	[tilespmem:$0x1D800] =	vst v63  }
0xda: {  	_ =	swait.ge [sflag:s26], $0x2800  }
0xdb: {  	[sflag:s26] =	ssyncset.done $0x0  }
0xdc: {  	s18 =	rddreg [dreg:$0x1b];
	[sflag:s26] =	ssyncadd.s32 $0xFFFFD800  }
0xdd: {  	[tilespmem:s20], [sflag:$0x2] =	stream.indirect.gather [hbm4b:s1+s24], $0x80, s18, s24, $0xb8;
	[tilespmem:$0x1D800] =	vst v63  }
0xde: {  	_ =	swait.ge [sflag:s23], $0x2800  }
0xdf: {  	[sflag:s23] =	ssyncset.done $0x0  }
0xe0: {  	s16 =	rddreg [dreg:$0x1c];
	[sflag:s23] =	ssyncadd.s32 $0xFFFFD800  }
0xe1: {  	[spmem:s2] =	stream.indirect.scatter.add.f32 [tilespmem:s25], [sflag:$0x4], $0x80, s16, s24, $0xb8;
	[tilespmem:$0x1D800] =	vst v63  }
0xe2: {  	_ =	swait.ge [sflag:s0], $0x2800  }
0xe3: {  	[sflag:s0] =	ssyncset.done $0x0  }
0xe4: {  	s17 =	rddreg [dreg:$0x1d];
	[sflag:s0] =	ssyncadd.s32 $0xFFFFD800  }
0xe5: {  	[tilespmem:s28], [sflag:$0x3] =	stream.indirect.gather [hbm4b:s1+s24], $0x80, s17, s24, $0xb8;
	[tilespmem:$0x1D800] =	vst v63  }
0xe6: {  	_ =	swait.ge [sflag:s29], $0x2800  }
0xe7: {  	[sflag:s29] =	ssyncset.done $0x0  }
0xe8: {  	s18 =	rddreg [dreg:$0x1e];
	[sflag:s29] =	ssyncadd.s32 $0xFFFFD800  }
0xe9: {  	[spmem:s2] =	stream.indirect.scatter.add.f32 [tilespmem:s20], [sflag:$0x5], $0x80, s18, s24, $0xb8;
	[tilespmem:$0x1D800] =	vst v63  }
0xea: {  	_ =	swait.ge [sflag:s30], $0x2800  }
0xeb: {  	[sflag:s30] =	ssyncset.done $0x0  }
0xec: {  	s16 =	rddreg [dreg:$0x1f];
	[sflag:s30] =	ssyncadd.s32 $0xFFFFD800  }
0xed: {  	[tilespmem:s25], [sflag:$0x1] =	stream.indirect.gather [hbm4b:s1+s24], $0x80, s16, s24, $0xb8;
	[tilespmem:$0x1D800] =	vst v63  }
0xee: {  	_ =	swait.ge [sflag:s31], $0x2800  }
0xef: {  	s17 =	sld [smem:$0x7EF]  }
0xf0: {  	[sflag:s31] =	ssyncset.done $0x0  }
0xf1: {  	[sflag:s31] =	ssyncadd.s32 $0xFFFFD800  }
0xf2: {  	[spmem:s2] =	stream.indirect.scatter.add.f32 [tilespmem:s28], [sflag:$0x6], $0x80, s17, s24, $0xb8;
	[tilespmem:$0x1D800] =	vst v63  }
0xf3: {  	_ =	swait.ge [sflag:s26], $0x2800  }
0xf4: {  	s18 =	sld [smem:$0x7F0]  }
0xf5: {  	[sflag:s26] =	ssyncset.done $0x0  }
0xf6: {  	[sflag:s26] =	ssyncadd.s32 $0xFFFFD800  }
0xf7: {  	[tilespmem:s20], [sflag:$0x2] =	stream.indirect.gather [hbm4b:s1+s24], $0x80, s18, s24, $0xb8;
	[tilespmem:$0x1D800] =	vst v63  }
0xf8: {  	_ =	swait.ge [sflag:s23], $0x2800  }
0xf9: {  	s16 =	sld [smem:$0x7F2]  }
0xfa: {  	[sflag:s23] =	ssyncset.done $0x0  }
0xfb: {  	[sflag:s23] =	ssyncadd.s32 $0xFFFFD800  }
0xfc: {  	[spmem:s2] =	stream.indirect.scatter.add.f32 [tilespmem:s25], [sflag:$0x4], $0x80, s16, s24, $0xb8;
	[tilespmem:$0x1D800] =	vst v63  }
0xfd: {  	_ =	swait.ge [sflag:s0], $0x2800  }
0xfe: {  	s17 =	sld [smem:$0x7F3]  }
0xff: {  	[sflag:s0] =	ssyncset.done $0x0  }
0x100: {  	[sflag:s0] =	ssyncadd.s32 $0xFFFFD800  }
0x101: {  	[tilespmem:s28], [sflag:$0x3] =	stream.indirect.gather [hbm4b:s1+s24], $0x80, s17, s24, $0xb8;
	[tilespmem:$0x1D800] =	vst v63  }
0x102: {  	_ =	swait.ge [sflag:s29], $0x2800  }
0x103: {  	s18 =	sld [smem:$0x7F4]  }
0x104: {  	[sflag:s29] =	ssyncset.done $0x0  }
0x105: {  	[sflag:s29] =	ssyncadd.s32 $0xFFFFD800  }
0x106: {  	[spmem:s2] =	stream.indirect.scatter.add.f32 [tilespmem:s20], [sflag:$0x5], $0x80, s18, s24, $0xb8;
	[tilespmem:$0x1D800] =	vst v63  }
0x107: {  	_ =	swait.ge [sflag:s30], $0x2800  }
0x108: {  	s16 =	sld [smem:$0x7F5]  }
0x109: {  	[sflag:s30] =	ssyncset.done $0x0  }
0x10a: {  	[sflag:s30] =	ssyncadd.s32 $0xFFFFD800  }
0x10b: {  	[tilespmem:s25], [sflag:$0x1] =	stream.indirect.gather [hbm4b:s1+s24], $0x80, s16, s24, $0xb8;
	[tilespmem:$0x1D800] =	vst v63  }
0x10c: {  	_ =	swait.ge [sflag:s31], $0x2800  }
0x10d: {  	s17 =	sld [smem:$0x7F6]  }
0x10e: {  	[sflag:s31] =	ssyncset.done $0x0  }
0x10f: {  	[sflag:s31] =	ssyncadd.s32 $0xFFFFD800  }
0x110: {  	[spmem:s2] =	stream.indirect.scatter.add.f32 [tilespmem:s28], [sflag:$0x6], $0x80, s17, s24, $0xb8;
	[tilespmem:$0x1D800] =	vst v63  }
0x111: {  	_ =	swait.ge [sflag:s26], $0x2800  }
0x112: {  	s18 =	sld [smem:$0x7F7]  }
0x113: {  	[sflag:s26] =	ssyncset.done $0x0  }
0x114: {  	[sflag:s26] =	ssyncadd.s32 $0xFFFFD800  }
0x115: {  	[tilespmem:s20], [sflag:$0x2] =	stream.indirect.gather [hbm4b:s1+s24], $0x80, s18, s24, $0xb8;
	[tilespmem:$0x1D800] =	vst v63  }
0x116: {  	_ =	swait.ge [sflag:s23], $0x2800  }
0x117: {  	s16 =	sld [smem:$0x7F8]  }
0x118: {  	[sflag:s23] =	ssyncset.done $0x0  }
0x119: {  	[sflag:s23] =	ssyncadd.s32 $0xFFFFD800  }
0x11a: {  	[spmem:s2] =	stream.indirect.scatter.add.f32 [tilespmem:s25], [sflag:$0x4], $0x80, s16, s24, $0xb8;
	[tilespmem:$0x1D800] =	vst v63  }
0x11b: {  	_ =	swait.ge [sflag:s0], $0x2800  }
0x11c: {  	s17 =	sld [smem:$0x7F9]  }
0x11d: {  	[sflag:s0] =	ssyncset.done $0x0  }
0x11e: {  	[sflag:s0] =	ssyncadd.s32 $0xFFFFD800  }
0x11f: {  	[tilespmem:s28], [sflag:$0x3] =	stream.indirect.gather [hbm4b:s1+s24], $0x80, s17, s24, $0xb8;
	[tilespmem:$0x1D800] =	vst v63  }
0x120: {  	_ =	swait.ge [sflag:s29], $0x2800  }
0x121: {  	s18 =	sld [smem:$0x7FA]  }
0x122: {  	[sflag:s29] =	ssyncset.done $0x0  }
0x123: {  	[sflag:s29] =	ssyncadd.s32 $0xFFFFD800  }
0x124: {  	[spmem:s2] =	stream.indirect.scatter.add.f32 [tilespmem:s20], [sflag:$0x5], $0x80, s18, s24, $0xb8;
	[tilespmem:$0x1D800] =	vst v63  }
0x125: {  	_ =	swait.ge [sflag:s30], $0x2800  }
0x126: {  	s16 =	sld [smem:$0x7FB]  }
0x127: {  	[sflag:s30] =	ssyncset.done $0x0  }
0x128: {  	[sflag:s30] =	ssyncadd.s32 $0xFFFFD800  }
0x129: {  	[tilespmem:s25], [sflag:$0x1] =	stream.indirect.gather [hbm4b:s1+s24], $0x80, s16, s24, $0xb8;
	[tilespmem:$0x1D800] =	vst v63  }
0x12a: {  	_ =	swait.ge [sflag:s31], $0x2800  }
0x12b: {  	s17 =	sld [smem:$0x7FC]  }
0x12c: {  	[sflag:s31] =	ssyncset.done $0x0  }
0x12d: {  	[sflag:s31] =	ssyncadd.s32 $0xFFFFD800  }
0x12e: {  	[spmem:s2] =	stream.indirect.scatter.add.f32 [tilespmem:s28], [sflag:$0x6], $0x80, s17, s24, $0xb8;
	[tilespmem:$0x1D800] =	vst v63  }
0x12f: {  	_ =	swait.ge [sflag:s26], $0x2800  }
0x130: {  	s18 =	sld [smem:$0x7FD]  }
0x131: {  	[sflag:s26] =	ssyncset.done $0x0  }
0x132: {  	[sflag:s26] =	ssyncadd.s32 $0xFFFFD800  }
0x133: {  	[tilespmem:s20], [sflag:$0x2] =	stream.indirect.gather [hbm4b:s1+s24], $0x80, s18, s24, $0xb8;
	[tilespmem:$0x1D800] =	vst v63  }
0x134: {  	_ =	swait.ge [sflag:s23], $0x2800  }
0x135: {  	[sflag:s23] =	ssyncset.done $0x0  }
0x136: {  	[sflag:s23] =	ssyncadd.s32 $0xFFFFD800  }
0x137: {  	[spmem:s2] =	stream.indirect.scatter.add.f32 [tilespmem:s25], [sflag:$0x4], $0x80, s4, s24, $0xb8;
	[tilespmem:$0x1D800] =	vst v63  }
0x138: {  	_ =	swait.ge [sflag:s0], $0x2800  }
0x139: {  	[sflag:s0] =	ssyncset.done $0x0  }
0x13a: {  	[sflag:s0] =	ssyncadd.s32 $0xFFFFD800  }
0x13b: {  	[tilespmem:s28], [sflag:$0x3] =	stream.indirect.gather [hbm4b:s1+s24], $0x80, s7, s24, $0xb8;
	[tilespmem:$0x1D800] =	vst v63  }
0x13c: {  	_ =	swait.ge [sflag:s29], $0x2800  }
0x13d: {  	[sflag:s29] =	ssyncset.done $0x0  }
0x13e: {  	[sflag:s29] =	ssyncadd.s32 $0xFFFFD800  }
0x13f: {  	[spmem:s2] =	stream.indirect.scatter.add.f32 [tilespmem:s20], [sflag:$0x5], $0x80, s9, s24, $0xb8;
	[tilespmem:$0x1D800] =	vst v63  }
0x140: {  	_ =	swait.ge [sflag:s30], $0x2800  }
0x141: {  	[sflag:s30] =	ssyncset.done $0x0  }
0x142: {  	[sflag:s30] =	ssyncadd.s32 $0xFFFFD800  }
0x143: {  	[tilespmem:s25], [sflag:$0x1] =	stream.indirect.gather [hbm4b:s1+s24], $0x80, s10, s24, $0xb8;
	[tilespmem:$0x1D800] =	vst v63  }
0x144: {  	s14 =	simm.s32 $0x1;
	p0 =	por $0x1, $0x1;
	_ =	swait.ge [sflag:s31], $0x2800  }
0x145: {  	s14 =	simm.s32 @!p0 $0x4;
	[sflag:s31] =	ssyncset.done $0x0  }
0x146: {  	s14 =	sshll.u32 s14, $0xC;
	[sflag:s31] =	ssyncadd.s32 $0xFFFFD800  }
0x147: {  	[spmem:s2] =	stream.indirect.scatter.add.f32 [tilespmem:s28], [sflag:$0x6], $0x80, s11, s24, $0xb8;
	[tilespmem:$0x1D800] =	vst v63  }
0x148: {  	s14 =	sadd.s32 s6, s14;
	_ =	swait.ge [sflag:s23], $0x2800  }
0x149: {  	s14 =	sshrl.u32 s14, $0x3;
	[sflag:s23] =	ssyncset.done $0x0  }
0x14a: {  	s14 =	sadd.s32 s5, s14;
	[sflag:s23] =	ssyncadd.s32 $0xFFFFD800  }
0x14b: {  	[tilespmem:s19], [sflag:$0x1] =	stream.linear.gather [hbm4b:s14+s3], $0xC80, $0x38;
	[tilespmem:$0x1D800] =	vst v63  }
0x14c: {  	_ = 	snop  }
0x14d: {  	[spmem:s2] =	stream.indirect.scatter.add.f32 [tilespmem:s25], [sflag:$0x4], $0x80, s12, s24, $0xb8;
	[tilespmem:$0x1D800] =	vst v63  }
0x14e: {  	_ =	swait.ge [sflag:s26], $0x2800  }
0x14f: {  	[sflag:s26] =	ssyncset.done $0x0  }
0x150: {  	[sflag:s26] =	ssyncadd.s32 $0xFFFFD800  }
0x151: {  	_ =	swait.ge [sflag:s0], $0x2800  }
0x152: {  	[sflag:s0] =	ssyncset.done $0x0  }
0x153: {  	[sflag:s0] =	ssyncadd.s32 $0xFFFFD800  }
0x154: {  	s18 =	smov.u32 s15;
	s14 =	simm.s32 $0x2;
	_ =	swait.ge [sflag:s30], $0x2800  }
.LBB2_4:
0x155: {  	[sflag:s30] =	ssyncset.done $0x0  }
0x156: {  	s18 =	sadd.s32 $0x200, s18;
	[sflag:s30] =	ssyncadd.s32 $0xFFFFD800  }
0x157: {  	[tilespmem:s22], [sflag:$0x5] =	stream.linear.gather [hbm4b:s18+s3], $0xC80, $0x38;
	[tilespmem:$0x1D800] =	vst v63  }
0x158: {  	_ =	swait.ge [sflag:s23], $0xC80  }
0x159: {  	[sflag:s23] =	ssyncset.done $0x0  }
0x15a: {  	[sflag:s23] =	ssyncadd.s32 $0xFFFFF380  }
0x15b: {  	[tilespmem:s25], [sflag:$0x1] =	stream.indirect.gather [hbm4b:s1+s24], $0x80, s19, s24, $0xb8;
	[tilespmem:$0x1D800] =	vst v63  }
0x15c: {  	s17 =	rddreg [dreg:$0x4]  }
0x15d: {  	[tilespmem:s20], [sflag:$0x2] =	stream.indirect.gather [hbm4b:s1+s24], $0x80, s17, s24, $0xb8;
	[tilespmem:$0x1D800] =	vst v63  }
0x15e: {  	_ =	swait.ge [sflag:s23], $0x2800  }
0x15f: {  	[sflag:s23] =	ssyncset.done $0x0  }
0x160: {  	[sflag:s23] =	ssyncadd.s32 $0xFFFFD800  }
0x161: {  	_ =	swait.ge [sflag:s26], $0xC80  }
0x162: {  	[sflag:s26] =	ssyncset.done $0x0  }
0x163: {  	[sflag:s26] =	ssyncadd.s32 $0xFFFFF380  }
0x164: {  	[spmem:s2] =	stream.indirect.scatter.add.f32 [tilespmem:s25], [sflag:$0x4], $0x80, s22, s24, $0xb8;
	[tilespmem:$0x1D800] =	vst v63  }
0x165: {  	s17 =	rddreg [dreg:$0x5]  }
0x166: {  	[tilespmem:s28], [sflag:$0x3] =	stream.indirect.gather [hbm4b:s1+s24], $0x80, s17, s24, $0xb8;
	[tilespmem:$0x1D800] =	vst v63  }
0x167: {  	_ =	swait.ge [sflag:s29], $0x2800  }
0x168: {  	[sflag:s29] =	ssyncset.done $0x0  }
0x169: {  	s17 =	rddreg [dreg:$0x6];
	[sflag:s29] =	ssyncadd.s32 $0xFFFFD800  }
0x16a: {  	[spmem:s2] =	stream.indirect.scatter.add.f32 [tilespmem:s20], [sflag:$0x5], $0x80, s17, s24, $0xb8;
	[tilespmem:$0x1D800] =	vst v63  }
0x16b: {  	_ =	swait.ge [sflag:s30], $0x2800  }
0x16c: {  	[sflag:s30] =	ssyncset.done $0x0  }
0x16d: {  	s17 =	rddreg [dreg:$0x7];
	[sflag:s30] =	ssyncadd.s32 $0xFFFFD800  }
0x16e: {  	[tilespmem:s25], [sflag:$0x1] =	stream.indirect.gather [hbm4b:s1+s24], $0x80, s17, s24, $0xb8;
	[tilespmem:$0x1D800] =	vst v63  }
0x16f: {  	_ =	swait.ge [sflag:s31], $0x2800  }
0x170: {  	[sflag:s31] =	ssyncset.done $0x0  }
0x171: {  	s17 =	rddreg [dreg:$0x8];
	[sflag:s31] =	ssyncadd.s32 $0xFFFFD800  }
0x172: {  	[spmem:s2] =	stream.indirect.scatter.add.f32 [tilespmem:s28], [sflag:$0x6], $0x80, s17, s24, $0xb8;
	[tilespmem:$0x1D800] =	vst v63  }
0x173: {  	_ =	swait.ge [sflag:s26], $0x2800  }
0x174: {  	[sflag:s26] =	ssyncset.done $0x0  }
0x175: {  	s17 =	rddreg [dreg:$0x9];
	[sflag:s26] =	ssyncadd.s32 $0xFFFFD800  }
0x176: {  	[tilespmem:s20], [sflag:$0x2] =	stream.indirect.gather [hbm4b:s1+s24], $0x80, s17, s24, $0xb8;
	[tilespmem:$0x1D800] =	vst v63  }
0x177: {  	_ =	swait.ge [sflag:s23], $0x2800  }
0x178: {  	[sflag:s23] =	ssyncset.done $0x0  }
0x179: {  	s17 =	rddreg [dreg:$0xa];
	[sflag:s23] =	ssyncadd.s32 $0xFFFFD800  }
0x17a: {  	[spmem:s2] =	stream.indirect.scatter.add.f32 [tilespmem:s25], [sflag:$0x4], $0x80, s17, s24, $0xb8;
	[tilespmem:$0x1D800] =	vst v63  }
0x17b: {  	_ =	swait.ge [sflag:s0], $0x2800  }
0x17c: {  	[sflag:s0] =	ssyncset.done $0x0  }
0x17d: {  	s17 =	rddreg [dreg:$0xb];
	[sflag:s0] =	ssyncadd.s32 $0xFFFFD800  }
0x17e: {  	[tilespmem:s28], [sflag:$0x3] =	stream.indirect.gather [hbm4b:s1+s24], $0x80, s17, s24, $0xb8;
	[tilespmem:$0x1D800] =	vst v63  }
0x17f: {  	_ =	swait.ge [sflag:s29], $0x2800  }
0x180: {  	[sflag:s29] =	ssyncset.done $0x0  }
0x181: {  	s17 =	rddreg [dreg:$0xc];
	[sflag:s29] =	ssyncadd.s32 $0xFFFFD800  }
0x182: {  	[spmem:s2] =	stream.indirect.scatter.add.f32 [tilespmem:s20], [sflag:$0x5], $0x80, s17, s24, $0xb8;
	[tilespmem:$0x1D800] =	vst v63  }
0x183: {  	_ =	swait.ge [sflag:s30], $0x2800  }
0x184: {  	[sflag:s30] =	ssyncset.done $0x0  }
0x185: {  	s17 =	rddreg [dreg:$0xd];
	[sflag:s30] =	ssyncadd.s32 $0xFFFFD800  }
0x186: {  	[tilespmem:s25], [sflag:$0x1] =	stream.indirect.gather [hbm4b:s1+s24], $0x80, s17, s24, $0xb8;
	[tilespmem:$0x1D800] =	vst v63  }
0x187: {  	_ =	swait.ge [sflag:s31], $0x2800  }
0x188: {  	[sflag:s31] =	ssyncset.done $0x0  }
0x189: {  	s17 =	rddreg [dreg:$0xe];
	[sflag:s31] =	ssyncadd.s32 $0xFFFFD800  }
0x18a: {  	[spmem:s2] =	stream.indirect.scatter.add.f32 [tilespmem:s28], [sflag:$0x6], $0x80, s17, s24, $0xb8;
	[tilespmem:$0x1D800] =	vst v63  }
0x18b: {  	_ =	swait.ge [sflag:s26], $0x2800  }
0x18c: {  	[sflag:s26] =	ssyncset.done $0x0  }
0x18d: {  	s17 =	rddreg [dreg:$0xf];
	[sflag:s26] =	ssyncadd.s32 $0xFFFFD800  }
0x18e: {  	[tilespmem:s20], [sflag:$0x2] =	stream.indirect.gather [hbm4b:s1+s24], $0x80, s17, s24, $0xb8;
	[tilespmem:$0x1D800] =	vst v63  }
0x18f: {  	_ =	swait.ge [sflag:s23], $0x2800  }
0x190: {  	[sflag:s23] =	ssyncset.done $0x0  }
0x191: {  	s17 =	rddreg [dreg:$0x10];
	[sflag:s23] =	ssyncadd.s32 $0xFFFFD800  }
0x192: {  	[spmem:s2] =	stream.indirect.scatter.add.f32 [tilespmem:s25], [sflag:$0x4], $0x80, s17, s24, $0xb8;
	[tilespmem:$0x1D800] =	vst v63  }
0x193: {  	_ =	swait.ge [sflag:s0], $0x2800  }
0x194: {  	[sflag:s0] =	ssyncset.done $0x0  }
0x195: {  	s17 =	rddreg [dreg:$0x11];
	[sflag:s0] =	ssyncadd.s32 $0xFFFFD800  }
0x196: {  	[tilespmem:s28], [sflag:$0x3] =	stream.indirect.gather [hbm4b:s1+s24], $0x80, s17, s24, $0xb8;
	[tilespmem:$0x1D800] =	vst v63  }
0x197: {  	_ =	swait.ge [sflag:s29], $0x2800  }
0x198: {  	[sflag:s29] =	ssyncset.done $0x0  }
0x199: {  	s17 =	rddreg [dreg:$0x12];
	[sflag:s29] =	ssyncadd.s32 $0xFFFFD800  }
0x19a: {  	[spmem:s2] =	stream.indirect.scatter.add.f32 [tilespmem:s20], [sflag:$0x5], $0x80, s17, s24, $0xb8;
	[tilespmem:$0x1D800] =	vst v63  }
0x19b: {  	_ =	swait.ge [sflag:s30], $0x2800  }
0x19c: {  	[sflag:s30] =	ssyncset.done $0x0  }
0x19d: {  	s17 =	rddreg [dreg:$0x13];
	[sflag:s30] =	ssyncadd.s32 $0xFFFFD800  }
0x19e: {  	[tilespmem:s25], [sflag:$0x1] =	stream.indirect.gather [hbm4b:s1+s24], $0x80, s17, s24, $0xb8;
	[tilespmem:$0x1D800] =	vst v63  }
0x19f: {  	_ =	swait.ge [sflag:s31], $0x2800  }
0x1a0: {  	[sflag:s31] =	ssyncset.done $0x0  }
0x1a1: {  	s17 =	rddreg [dreg:$0x14];
	[sflag:s31] =	ssyncadd.s32 $0xFFFFD800  }
0x1a2: {  	[spmem:s2] =	stream.indirect.scatter.add.f32 [tilespmem:s28], [sflag:$0x6], $0x80, s17, s24, $0xb8;
	[tilespmem:$0x1D800] =	vst v63  }
0x1a3: {  	_ =	swait.ge [sflag:s26], $0x2800  }
0x1a4: {  	[sflag:s26] =	ssyncset.done $0x0  }
0x1a5: {  	s17 =	rddreg [dreg:$0x15];
	[sflag:s26] =	ssyncadd.s32 $0xFFFFD800  }
0x1a6: {  	[tilespmem:s20], [sflag:$0x2] =	stream.indirect.gather [hbm4b:s1+s24], $0x80, s17, s24, $0xb8;
	[tilespmem:$0x1D800] =	vst v63  }
0x1a7: {  	_ =	swait.ge [sflag:s23], $0x2800  }
0x1a8: {  	[sflag:s23] =	ssyncset.done $0x0  }
0x1a9: {  	s17 =	rddreg [dreg:$0x16];
	[sflag:s23] =	ssyncadd.s32 $0xFFFFD800  }
0x1aa: {  	[spmem:s2] =	stream.indirect.scatter.add.f32 [tilespmem:s25], [sflag:$0x4], $0x80, s17, s24, $0xb8;
	[tilespmem:$0x1D800] =	vst v63  }
0x1ab: {  	_ =	swait.ge [sflag:s0], $0x2800  }
0x1ac: {  	[sflag:s0] =	ssyncset.done $0x0  }
0x1ad: {  	s17 =	rddreg [dreg:$0x17];
	[sflag:s0] =	ssyncadd.s32 $0xFFFFD800  }
0x1ae: {  	[tilespmem:s28], [sflag:$0x3] =	stream.indirect.gather [hbm4b:s1+s24], $0x80, s17, s24, $0xb8;
	[tilespmem:$0x1D800] =	vst v63  }
0x1af: {  	_ =	swait.ge [sflag:s29], $0x2800  }
0x1b0: {  	[sflag:s29] =	ssyncset.done $0x0  }
0x1b1: {  	s17 =	rddreg [dreg:$0x18];
	[sflag:s29] =	ssyncadd.s32 $0xFFFFD800  }
0x1b2: {  	[spmem:s2] =	stream.indirect.scatter.add.f32 [tilespmem:s20], [sflag:$0x5], $0x80, s17, s24, $0xb8;
	[tilespmem:$0x1D800] =	vst v63  }
0x1b3: {  	_ =	swait.ge [sflag:s30], $0x2800  }
0x1b4: {  	[sflag:s30] =	ssyncset.done $0x0  }
0x1b5: {  	s17 =	rddreg [dreg:$0x19];
	[sflag:s30] =	ssyncadd.s32 $0xFFFFD800  }
0x1b6: {  	[tilespmem:s25], [sflag:$0x1] =	stream.indirect.gather [hbm4b:s1+s24], $0x80, s17, s24, $0xb8;
	[tilespmem:$0x1D800] =	vst v63  }
0x1b7: {  	_ =	swait.ge [sflag:s31], $0x2800  }
0x1b8: {  	[sflag:s31] =	ssyncset.done $0x0  }
0x1b9: {  	s17 =	rddreg [dreg:$0x1a];
	[sflag:s31] =	ssyncadd.s32 $0xFFFFD800  }
0x1ba: {  	[spmem:s2] =	stream.indirect.scatter.add.f32 [tilespmem:s28], [sflag:$0x6], $0x80, s17, s24, $0xb8;
	[tilespmem:$0x1D800] =	vst v63  }
0x1bb: {  	_ =	swait.ge [sflag:s26], $0x2800  }
0x1bc: {  	[sflag:s26] =	ssyncset.done $0x0  }
0x1bd: {  	s17 =	rddreg [dreg:$0x1b];
	[sflag:s26] =	ssyncadd.s32 $0xFFFFD800  }
0x1be: {  	[tilespmem:s20], [sflag:$0x2] =	stream.indirect.gather [hbm4b:s1+s24], $0x80, s17, s24, $0xb8;
	[tilespmem:$0x1D800] =	vst v63  }
0x1bf: {  	_ =	swait.ge [sflag:s23], $0x2800  }
0x1c0: {  	[sflag:s23] =	ssyncset.done $0x0  }
0x1c1: {  	s17 =	rddreg [dreg:$0x1c];
	[sflag:s23] =	ssyncadd.s32 $0xFFFFD800  }
0x1c2: {  	[spmem:s2] =	stream.indirect.scatter.add.f32 [tilespmem:s25], [sflag:$0x4], $0x80, s17, s24, $0xb8;
	[tilespmem:$0x1D800] =	vst v63  }
0x1c3: {  	_ =	swait.ge [sflag:s0], $0x2800  }
0x1c4: {  	[sflag:s0] =	ssyncset.done $0x0  }
0x1c5: {  	s17 =	rddreg [dreg:$0x1d];
	[sflag:s0] =	ssyncadd.s32 $0xFFFFD800  }
0x1c6: {  	[tilespmem:s28], [sflag:$0x3] =	stream.indirect.gather [hbm4b:s1+s24], $0x80, s17, s24, $0xb8;
	[tilespmem:$0x1D800] =	vst v63  }
0x1c7: {  	_ =	swait.ge [sflag:s29], $0x2800  }
0x1c8: {  	[sflag:s29] =	ssyncset.done $0x0  }
0x1c9: {  	s17 =	rddreg [dreg:$0x1e];
	[sflag:s29] =	ssyncadd.s32 $0xFFFFD800  }
0x1ca: {  	[spmem:s2] =	stream.indirect.scatter.add.f32 [tilespmem:s20], [sflag:$0x5], $0x80, s17, s24, $0xb8;
	[tilespmem:$0x1D800] =	vst v63  }
0x1cb: {  	_ =	swait.ge [sflag:s30], $0x2800  }
0x1cc: {  	[sflag:s30] =	ssyncset.done $0x0  }
0x1cd: {  	s17 =	rddreg [dreg:$0x1f];
	[sflag:s30] =	ssyncadd.s32 $0xFFFFD800  }
0x1ce: {  	[tilespmem:s25], [sflag:$0x1] =	stream.indirect.gather [hbm4b:s1+s24], $0x80, s17, s24, $0xb8;
	[tilespmem:$0x1D800] =	vst v63  }
0x1cf: {  	_ =	swait.ge [sflag:s31], $0x2800  }
0x1d0: {  	s17 =	sld [smem:$0x7EF]  }
0x1d1: {  	[sflag:s31] =	ssyncset.done $0x0  }
0x1d2: {  	[sflag:s31] =	ssyncadd.s32 $0xFFFFD800  }
0x1d3: {  	[spmem:s2] =	stream.indirect.scatter.add.f32 [tilespmem:s28], [sflag:$0x6], $0x80, s17, s24, $0xb8;
	[tilespmem:$0x1D800] =	vst v63  }
0x1d4: {  	_ =	swait.ge [sflag:s26], $0x2800  }
0x1d5: {  	s17 =	sld [smem:$0x7F0]  }
0x1d6: {  	[sflag:s26] =	ssyncset.done $0x0  }
0x1d7: {  	[sflag:s26] =	ssyncadd.s32 $0xFFFFD800  }
0x1d8: {  	[tilespmem:s20], [sflag:$0x2] =	stream.indirect.gather [hbm4b:s1+s24], $0x80, s17, s24, $0xb8;
	[tilespmem:$0x1D800] =	vst v63  }
0x1d9: {  	_ =	swait.ge [sflag:s23], $0x2800  }
0x1da: {  	s17 =	sld [smem:$0x7F2]  }
0x1db: {  	[sflag:s23] =	ssyncset.done $0x0  }
0x1dc: {  	[sflag:s23] =	ssyncadd.s32 $0xFFFFD800  }
0x1dd: {  	[spmem:s2] =	stream.indirect.scatter.add.f32 [tilespmem:s25], [sflag:$0x4], $0x80, s17, s24, $0xb8;
	[tilespmem:$0x1D800] =	vst v63  }
0x1de: {  	_ =	swait.ge [sflag:s0], $0x2800  }
0x1df: {  	s17 =	sld [smem:$0x7F3]  }
0x1e0: {  	[sflag:s0] =	ssyncset.done $0x0  }
0x1e1: {  	[sflag:s0] =	ssyncadd.s32 $0xFFFFD800  }
0x1e2: {  	[tilespmem:s28], [sflag:$0x3] =	stream.indirect.gather [hbm4b:s1+s24], $0x80, s17, s24, $0xb8;
	[tilespmem:$0x1D800] =	vst v63  }
0x1e3: {  	_ =	swait.ge [sflag:s29], $0x2800  }
0x1e4: {  	s17 =	sld [smem:$0x7F4]  }
0x1e5: {  	[sflag:s29] =	ssyncset.done $0x0  }
0x1e6: {  	[sflag:s29] =	ssyncadd.s32 $0xFFFFD800  }
0x1e7: {  	[spmem:s2] =	stream.indirect.scatter.add.f32 [tilespmem:s20], [sflag:$0x5], $0x80, s17, s24, $0xb8;
	[tilespmem:$0x1D800] =	vst v63  }
0x1e8: {  	_ =	swait.ge [sflag:s30], $0x2800  }
0x1e9: {  	s17 =	sld [smem:$0x7F5]  }
0x1ea: {  	[sflag:s30] =	ssyncset.done $0x0  }
0x1eb: {  	[sflag:s30] =	ssyncadd.s32 $0xFFFFD800  }
0x1ec: {  	[tilespmem:s25], [sflag:$0x1] =	stream.indirect.gather [hbm4b:s1+s24], $0x80, s17, s24, $0xb8;
	[tilespmem:$0x1D800] =	vst v63  }
0x1ed: {  	_ =	swait.ge [sflag:s31], $0x2800  }
0x1ee: {  	s17 =	sld [smem:$0x7F6]  }
0x1ef: {  	[sflag:s31] =	ssyncset.done $0x0  }
0x1f0: {  	[sflag:s31] =	ssyncadd.s32 $0xFFFFD800  }
0x1f1: {  	[spmem:s2] =	stream.indirect.scatter.add.f32 [tilespmem:s28], [sflag:$0x6], $0x80, s17, s24, $0xb8;
	[tilespmem:$0x1D800] =	vst v63  }
0x1f2: {  	_ =	swait.ge [sflag:s26], $0x2800  }
0x1f3: {  	s17 =	sld [smem:$0x7F7]  }
0x1f4: {  	[sflag:s26] =	ssyncset.done $0x0  }
0x1f5: {  	[sflag:s26] =	ssyncadd.s32 $0xFFFFD800  }
0x1f6: {  	[tilespmem:s20], [sflag:$0x2] =	stream.indirect.gather [hbm4b:s1+s24], $0x80, s17, s24, $0xb8;
	[tilespmem:$0x1D800] =	vst v63  }
0x1f7: {  	_ =	swait.ge [sflag:s23], $0x2800  }
0x1f8: {  	s17 =	sld [smem:$0x7F8]  }
0x1f9: {  	[sflag:s23] =	ssyncset.done $0x0  }
0x1fa: {  	[sflag:s23] =	ssyncadd.s32 $0xFFFFD800  }
0x1fb: {  	[spmem:s2] =	stream.indirect.scatter.add.f32 [tilespmem:s25], [sflag:$0x4], $0x80, s17, s24, $0xb8;
	[tilespmem:$0x1D800] =	vst v63  }
0x1fc: {  	_ =	swait.ge [sflag:s0], $0x2800  }
0x1fd: {  	s17 =	sld [smem:$0x7F9]  }
0x1fe: {  	[sflag:s0] =	ssyncset.done $0x0  }
0x1ff: {  	[sflag:s0] =	ssyncadd.s32 $0xFFFFD800  }
0x200: {  	[tilespmem:s28], [sflag:$0x3] =	stream.indirect.gather [hbm4b:s1+s24], $0x80, s17, s24, $0xb8;
	[tilespmem:$0x1D800] =	vst v63  }
0x201: {  	_ =	swait.ge [sflag:s29], $0x2800  }
0x202: {  	s17 =	sld [smem:$0x7FA]  }
0x203: {  	[sflag:s29] =	ssyncset.done $0x0  }
0x204: {  	[sflag:s29] =	ssyncadd.s32 $0xFFFFD800  }
0x205: {  	[spmem:s2] =	stream.indirect.scatter.add.f32 [tilespmem:s20], [sflag:$0x5], $0x80, s17, s24, $0xb8;
	[tilespmem:$0x1D800] =	vst v63  }
0x206: {  	_ =	swait.ge [sflag:s30], $0x2800  }
0x207: {  	s17 =	sld [smem:$0x7FB]  }
0x208: {  	[sflag:s30] =	ssyncset.done $0x0  }
0x209: {  	[sflag:s30] =	ssyncadd.s32 $0xFFFFD800  }
0x20a: {  	[tilespmem:s25], [sflag:$0x1] =	stream.indirect.gather [hbm4b:s1+s24], $0x80, s17, s24, $0xb8;
	[tilespmem:$0x1D800] =	vst v63  }
0x20b: {  	_ =	swait.ge [sflag:s31], $0x2800  }
0x20c: {  	s17 =	sld [smem:$0x7FC]  }
0x20d: {  	[sflag:s31] =	ssyncset.done $0x0  }
0x20e: {  	[sflag:s31] =	ssyncadd.s32 $0xFFFFD800  }
0x20f: {  	[spmem:s2] =	stream.indirect.scatter.add.f32 [tilespmem:s28], [sflag:$0x6], $0x80, s17, s24, $0xb8;
	[tilespmem:$0x1D800] =	vst v63  }
0x210: {  	_ =	swait.ge [sflag:s26], $0x2800  }
0x211: {  	s17 =	sld [smem:$0x7FD]  }
0x212: {  	[sflag:s26] =	ssyncset.done $0x0  }
0x213: {  	[sflag:s26] =	ssyncadd.s32 $0xFFFFD800  }
0x214: {  	[tilespmem:s20], [sflag:$0x2] =	stream.indirect.gather [hbm4b:s1+s24], $0x80, s17, s24, $0xb8;
	[tilespmem:$0x1D800] =	vst v63  }
0x215: {  	_ =	swait.ge [sflag:s23], $0x2800  }
0x216: {  	[sflag:s23] =	ssyncset.done $0x0  }
0x217: {  	[sflag:s23] =	ssyncadd.s32 $0xFFFFD800  }
0x218: {  	[spmem:s2] =	stream.indirect.scatter.add.f32 [tilespmem:s25], [sflag:$0x4], $0x80, s4, s24, $0xb8;
	[tilespmem:$0x1D800] =	vst v63  }
0x219: {  	_ =	swait.ge [sflag:s0], $0x2800  }
0x21a: {  	[sflag:s0] =	ssyncset.done $0x0  }
0x21b: {  	[sflag:s0] =	ssyncadd.s32 $0xFFFFD800  }
0x21c: {  	[tilespmem:s28], [sflag:$0x3] =	stream.indirect.gather [hbm4b:s1+s24], $0x80, s7, s24, $0xb8;
	[tilespmem:$0x1D800] =	vst v63  }
0x21d: {  	_ =	swait.ge [sflag:s29], $0x2800  }
0x21e: {  	[sflag:s29] =	ssyncset.done $0x0  }
0x21f: {  	[sflag:s29] =	ssyncadd.s32 $0xFFFFD800  }
0x220: {  	[spmem:s2] =	stream.indirect.scatter.add.f32 [tilespmem:s20], [sflag:$0x5], $0x80, s9, s24, $0xb8;
	[tilespmem:$0x1D800] =	vst v63  }
0x221: {  	_ =	swait.ge [sflag:s30], $0x2800  }
0x222: {  	[sflag:s30] =	ssyncset.done $0x0  }
0x223: {  	s16 =	smov.u32 s14;
	[sflag:s30] =	ssyncadd.s32 $0xFFFFD800  }
0x224: {  	[tilespmem:s25], [sflag:$0x1] =	stream.indirect.gather [hbm4b:s1+s24], $0x80, s10, s24, $0xb8;
	[tilespmem:$0x1D800] =	vst v63  }
0x225: {  	p1 =	slt.s32 s16, $0x4;
	_ =	swait.ge [sflag:s31], $0x2800  }
0x226: {  	s16 =	simm.s32 @!p1 $0x4;
	[sflag:s31] =	ssyncset.done $0x0  }
0x227: {  	s16 =	sshll.u32 s16, $0xC;
	[sflag:s31] =	ssyncadd.s32 $0xFFFFD800  }
0x228: {  	[spmem:s2] =	stream.indirect.scatter.add.f32 [tilespmem:s28], [sflag:$0x6], $0x80, s11, s24, $0xb8;
	[tilespmem:$0x1D800] =	vst v63  }
0x229: {  	s16 =	sadd.s32 s6, s16;
	_ =	swait.ge [sflag:s23], $0x2800  }
0x22a: {  	s16 =	sshrl.u32 s16, $0x3;
	[sflag:s23] =	ssyncset.done $0x0  }
0x22b: {  	s16 =	sadd.s32 s5, s16;
	[sflag:s23] =	ssyncadd.s32 $0xFFFFD800  }
0x22c: {  	[tilespmem:s19], [sflag:$0x1] =	stream.linear.gather [hbm4b:s16+s3], $0xC80, $0x38;
	[tilespmem:$0x1D800] =	vst v63  }
0x22d: {  	_ = 	snop  }
0x22e: {  	[spmem:s2] =	stream.indirect.scatter.add.f32 [tilespmem:s25], [sflag:$0x4], $0x80, s12, s24, $0xb8;
	[tilespmem:$0x1D800] =	vst v63  }
0x22f: {  	_ =	swait.ge [sflag:s26], $0x2800  }
0x230: {  	p0 =	sne.s32 s14, $0x5;
	[sflag:s26] =	ssyncset.done $0x0  }
.Ltmp1:
0x231: {  	[sflag:s26] =	ssyncadd.s32 $0xFFFFD800;
	(pc) =	sbr.rel @p0 .LBB2_4-.Ltmp1, $4  }
0x232: {  	_ =	swait.ge [sflag:s0], $0x2800  }
0x233: {  	[sflag:s0] =	ssyncset.done $0x0  }
0x234: {  	[sflag:s0] =	ssyncadd.s32 $0xFFFFD800  }
0x235: {  	s14 =	sadd.s32 $0x1, s14;
	_ =	swait.ge [sflag:s30], $0x2800  }
0x236: {  	[sflag:s30] =	ssyncset.done $0x0  }
0x237: {  	[sflag:s30] =	ssyncadd.s32 $0xFFFFD800  }
0x238: {  	_ =	swait.ge [sflag:s23], $0xC80  }
0x239: {  	[sflag:s23] =	ssyncset.done $0x0  }
0x23a: {  	[sflag:s23] =	ssyncadd.s32 $0xFFFFF380  }
0x23b: {  	[bflag:$0x0] =	sbarrier.arrive $0xFFFF  }
0x23c: {  	s14 =	stileid.u32;
	s17 =	sld [smem:$0x7EE]  }
0x23d: {  	s14 =	sshll.u32 s14, $0x6  }
0x23e: {  	s16 =	sshrl.u32 s8, $0x3;
	s14 =	sor.u32 $0x1C07, s14  }
0x23f: {  	[hbm:s17], [sflag:s14] =	dma.local [spmem:s16], $0x2800  }
0x240: {  	_ =	swait.ge [sflag:s21], $0x2800  }
0x241: {  	s18 =	sld [smem:$0x7F1];
	_ =	sdelay $0x1  }
0x242: {  	s13 =	sadd.s32 $0x1, s13  }
0x243: {  	p0 =	sne.s32 s13, s18  }
.Ltmp2:
0x244: {  	_ = 	snop;
	(pc) =	sbr.rel @p0 .LBB2_1-.Ltmp2, $3  }
0x245: {  	_ =	sdelay $0x1  }
0x246: {  	[sflag:s21] =	ssyncset.done $0x0  }
0x247: {  	[sflag:s21] =	ssyncadd.s32 $0xFFFFD800  }
0x248: {  	_ =	sfence.sel $0x180000  }
0x249: {  	[bflag:$0x0] =	sbarrier.arrive $0xFFFF  }
0x24a: {  	_ =	strace $0x90000047  }
0x24b: {  	s0 =	stileid.u32;
	[bflag:$0x2] =	sbarrier.arrive $0xFFFF  }
0x24c: {  	p0 =	sne.s32 s0, $0x0;
	s0 =	rddreg [dreg:$0x3]  }
0x24d: {  	s0 =	sadd.s32 @!p0 $0x100000, s0  }
0x24e: {  	[sflag:s0] =	ssyncadd.tile.s32 @!p0 $0x1;
	_ =	shalt  }
.Lfunc_end2:
_tile_overlayer_lowered:
.L_overlay_start_2:
0x24f: {  	(tag) =	ssettag $0x2  }
0x250: {  	s0 =	rddreg [dreg:$0x0];
	s2 =	stileid.u32  }
0x251: {  	s1 =	rddreg [dreg:$0x1];
	p0 =	sne.s32 s2, $0x0  }
0x252: {  	s3 =	rddreg [dreg:$0x2];
	[bflag:$0x3] =	sbarrier.arrive $0xFFFF;
	s2 =	simm.s32 @!p0 $0x1C07  }
0x253: {  	[timem:s3], [sflag:s2] =	dma.local @!p0 [hbm:s0], s1  }
0x254: {  	s0 =	simm.s32 @!p0 $0x7  }
0x255: {  	_ =	swait.ge @!p0 [sflag:s0], s1  }
0x256: {  	s1 =	ssub.s32 @!p0 $0x0, s1;
	[sflag:s0] =	ssyncset.done @!p0 $0x0  }
0x257: {  	[sflag:s0] =	ssyncadd.s32 @!p0 s1  }
0x258: {  	[bflag:$0x3] =	sbarrier.arrive $0xFFFF  }
0x259: {  	_ =	shalt  }

// kernel: kernel.15.cloned.1.call-start
scs
__scs_entry_jumppad:
0x0: {  	(pc) =	sbr.rel $0x88, $3  }
0x1: {  	(tag) =	ssettag $0x0;
	lr =	simm.s32 $0x1  }
0x2: {  	[smem:$0x3F96] =	sst lr;
	_ =	strace $0xD0000000  }
0x3: {  	_ = 	snop  }
0x4: {  	_ = 	snop  }
0x5: {  	_ = 	snop  }
0x6: {  	_ = 	snop  }
0x7: {  	_ = 	snop  }
__scs_overlays_trampoline_lowered:
0x8: {  	[smem:$0x3FA5] =	sst s0  }
0x9: {  	[smem:$0x3FA6] =	sst s1  }
0xa: {  	[smem:$0x3FA7] =	sst s2  }
0xb: {  	[smem:$0x3FA8] =	sst s3  }
0xc: {  	[smem:$0x3FA9] =	sst s4  }
0xd: {  	[smem:$0x3FAA] =	sst s5  }
0xe: {  	[smem:$0x3FAB] =	sst s6  }
0xf: {  	[smem:$0x3FAC] =	sst s7  }
0x10: {  	[smem:$0x3FAD] =	sst s8  }
0x11: {  	[smem:$0x3FAE] =	sst s9;
	s0 =	simm.s32 @!p0 $0x0  }
0x12: {  	s1 =	sld [smem:$0x3F94];
	s0 =	simm.s32 @p0 $0x1  }
0x13: {  	[smem:$0x3FAF] =	sst s0;
	s0 =	simm.s32 @!p1 $0x0  }
0x14: {  	s2 =	sld [smem:$0x3F93];
	s0 =	simm.s32 @p1 $0x1  }
0x15: {  	[smem:$0x3FB0] =	sst s0;
	s0 =	simm.s32 @!p2 $0x0  }
0x16: {  	s3 =	sld [smem:$0x3FDB];
	s0 =	simm.s32 @p2 $0x1  }
0x17: {  	s4 =	simm.s32 $0x1BF5;
	[smem:$0x3FB2] =	sst s0  }
0x18: {  	s0 =	sld [smem:$0x3F95];
	_ =	swait.ge [sflag:s4], $0x0  }
0x19: {  	s7 =	sld [smem:$0x3F96]  }
0x1a: {  	s8 =	sadd.s32 $0xFFFFE003, lr  }
0x1b: {  	s9 =	sadd.s32 $0xFFFFFEF7, lr;
	s5 =	simm.s32 $0xFFFFFFFF;
	p2 =	slt.u32 s8, $0xFFFFF086  }
0x1c: {  	p1 =	slt.u32 s9, $0xF7A;
	s5 =	simm.s32 @!p2 $0x0  }
0x1d: {  	s5 =	simm.s32 @p1 $0x1;
	p0 =	seq.s32 s7, s2  }
0x1e: {  	s7 =	smul.u32 @!p0 $0xF7A, s2;
	p2 =	seq.s32 @!p0 s5, $0x0  }
0x1f: {  	s9 =	smul.u32 $0xF7A, s1;
	s8 =	simm.s32 @!p0 $0x1BF5;
	p2 =	por !p2, p0  }
0x20: {  	[sflag:s8] =	ssyncset.s32 @!p0 $0xFFFFF086;
	s6 =	sadd.s32 @!p0 s3, s7;
	s7 =	simm.s32 @!p0 $0x108  }
0x21: {  	s3 =	sadd.s32 s3, s9;
	s6 =	sadd.s32 @!p0 $0x88, s6;
	s7 =	simm.s32 @p2 $0x1082  }
0x22: {  	[simem:s7], [sflag:s8] =	dma.local @!p0 [hbm:s6], $0xF7A  }
0x23: {  	s9 =	sor.u32 $0xD0000000, s2;
	s6 =	simm.s32 $0x108;
	_ =	swait.ge @!p0 [sflag:s8], $0x0  }
0x24: {  	s3 =	sadd.s32 $0x88, s3;
	s6 =	simm.s32 @!p1 $0x1082;
	[sflag:s4] =	ssyncset.s32 $0xFFFFF086  }
0x25: {  	[simem:s6], [sflag:s4] =	dma.local [hbm:s3], $0xF7A  }
0x26: {  	[smem:$0x3F96] =	sst s1;
	(tag) =	ssettag s2;
	_ =	strace s9  }
0x27: {  	s1 =	sld [smem:$0x3FA6]  }
0x28: {  	s2 =	sld [smem:$0x3FA7]  }
0x29: {  	s4 =	sld [smem:$0x3FA9]  }
0x2a: {  	p0 =	seq.s32 s5, $0x0;
	s5 =	sld [smem:$0x3FAA]  }
0x2b: {  	s6 =	sld [smem:$0x3FAB]  }
0x2c: {  	s7 =	sld [smem:$0x3FAC]  }
0x2d: {  	s3 =	simm.s32 $0x108;
	s8 =	sld [smem:$0x3FAD]  }
0x2e: {  	s3 =	simm.s32 @!p0 $0x1082;
	s9 =	sld [smem:$0x3FAE]  }
0x2f: {  	lr =	sadd.s32 s0, s3;
	s0 =	sld [smem:$0x3FA5]  }
0x30: {  	s3 =	sld [smem:$0x3FA8]  }
0x31: {  	[smem:$0x3FB1] =	sst s10  }
0x32: {  	s10 =	sld [smem:$0x3FAF];
	_ =	sdelay $0x3  }
0x33: {  	p0 =	seq.s32 s10, $0x1;
	s10 =	sld [smem:$0x3FB1];
	_ =	sdelay $0x3  }
0x34: {  	[smem:$0x3FB1] =	sst s10  }
0x35: {  	s10 =	sld [smem:$0x3FB0];
	_ =	sdelay $0x3  }
0x36: {  	p1 =	seq.s32 s10, $0x1;
	s10 =	sld [smem:$0x3FB1];
	_ =	sdelay $0x3  }
0x37: {  	[smem:$0x3FB1] =	sst s10  }
0x38: {  	s10 =	sld [smem:$0x3FB2]  }
0x39: {  	_ = 	snop;
	(pc) =	sbr.ind lr, $3  }
0x3a: {  	_ = 	snop  }
0x3b: {  	_ = 	snop  }
0x3c: {  	p2 =	seq.s32 s10, $0x1;
	s10 =	sld [smem:$0x3FB1]  }
0x3d: {  	_ =	shalt  }
0x3e: {  	_ =	shalt  }
0x3f: {  	_ =	shalt  }
0x40: {  	_ =	shalt  }
0x41: {  	_ =	shalt  }
0x42: {  	_ =	shalt  }
0x43: {  	_ =	shalt  }
0x44: {  	_ =	shalt  }
0x45: {  	_ =	shalt  }
0x46: {  	_ =	shalt  }
0x47: {  	_ =	shalt  }
0x48: {  	_ =	shalt  }
0x49: {  	_ =	shalt  }
0x4a: {  	_ =	shalt  }
0x4b: {  	_ =	shalt  }
0x4c: {  	_ =	shalt  }
0x4d: {  	_ =	shalt  }
0x4e: {  	_ =	shalt  }
0x4f: {  	_ =	shalt  }
0x50: {  	_ =	shalt  }
0x51: {  	_ =	shalt  }
0x52: {  	_ =	shalt  }
0x53: {  	_ =	shalt  }
0x54: {  	_ =	shalt  }
0x55: {  	_ =	shalt  }
0x56: {  	_ =	shalt  }
0x57: {  	_ =	shalt  }
0x58: {  	_ =	shalt  }
0x59: {  	_ =	shalt  }
0x5a: {  	_ =	shalt  }
0x5b: {  	_ =	shalt  }
0x5c: {  	_ =	shalt  }
0x5d: {  	_ =	shalt  }
0x5e: {  	_ =	shalt  }
0x5f: {  	_ =	shalt  }
0x60: {  	_ =	shalt  }
0x61: {  	_ =	shalt  }
0x62: {  	_ =	shalt  }
0x63: {  	_ =	shalt  }
0x64: {  	_ =	shalt  }
0x65: {  	_ =	shalt  }
0x66: {  	_ =	shalt  }
0x67: {  	_ =	shalt  }
0x68: {  	_ =	shalt  }
0x69: {  	_ =	shalt  }
0x6a: {  	_ =	shalt  }
0x6b: {  	_ =	shalt  }
0x6c: {  	_ =	shalt  }
0x6d: {  	_ =	shalt  }
0x6e: {  	_ =	shalt  }
0x6f: {  	_ =	shalt  }
0x70: {  	_ =	shalt  }
0x71: {  	_ =	shalt  }
0x72: {  	_ =	shalt  }
0x73: {  	_ =	shalt  }
0x74: {  	_ =	shalt  }
0x75: {  	_ =	shalt  }
0x76: {  	_ =	shalt  }
0x77: {  	_ =	shalt  }
0x78: {  	_ =	shalt  }
0x79: {  	_ =	shalt  }
0x7a: {  	_ =	shalt  }
0x7b: {  	_ =	shalt  }
0x7c: {  	_ =	shalt  }
0x7d: {  	_ =	shalt  }
0x7e: {  	_ =	shalt  }
0x7f: {  	_ =	shalt  }
0x80: {  	_ =	shalt  }
0x81: {  	_ =	shalt  }
0x82: {  	_ =	shalt  }
0x83: {  	_ =	shalt  }
0x84: {  	_ =	shalt  }
0x85: {  	_ =	shalt  }
0x86: {  	_ =	shalt  }
0x87: {  	_ =	shalt  }
.Lfunc_end0:
.L_simem_size_0:
called_computation.1_lowered:
.L_overlay_start_0:
0x88: {  	s2 =	sld [smem:$0x3FD9]  }
0x89: {  	s3 =	sld [smem:$0x3FFE];
	_ =	sdelay $0x1  }
0x8a: {  	s1 =	srdreg.scid  }
0x8b: {  	s0 =	sand.u32 $0x1, s1  }
0x8c: {  	s17 =	sshll.u32 s0, $0xA;
	s2 =	sadd.s32 s3, s2  }
0x8d: {  	s2 =	sadd.s32 s2, s17  }
0x8e: {  	[smem:$0x3FBD] =	sst s2  }
0x8f: {  	_ = 	snop  }
0x90: {  	s2 =	sld [smem:$0x3FD0];
	(tm) =	ssettm $0x1  }
0x91: {  	s18 =	sld [smem:$0x3FFB];
	_ =	sdelay $0x3  }
0x92: {  	_ =	strace s18  }
0x93: {  	s3 =	sld [smem:$0x3FFC];
	_ =	sdelay $0x3  }
0x94: {  	_ =	strace s3  }
0x95: {  	s3 =	sld [smem:$0x3FFD];
	_ =	sdelay $0x3  }
0x96: {  	_ =	strace s3  }
0x97: {  	_ =	strace $0x8FFFFFFF  }
0x98: {  	s19 =	sld [smem:$0x3FDB];
	_ =	sdelay $0x1  }
0x99: {  	s4 =	simm.s32 $_scs_section_size  }
0x9a: {  	s5 =	simm.s32 $_size__tile_overlayer_lowered;
	s6 =	simm.s32 $_tile_overlayer_lowered  }
0x9b: {  	s22 =	simm.s32 $0x1BFF;
	s21 =	sshll.u32 s6, $0x1;
	s3 =	sadd.s32 s4, s19  }
0x9c: {  	s7 =	simm.s32 $0x0;
	s20 =	sshll.u32 s5, $0x1;
	s5 =	sadd.s32 s21, s3  }
0x9d: {  	[timem:s7], [sflag:s22] =	dma.local [hbm:s5], s20  }
0x9e: {  	_ =	swait.ge [sflag:s22], s20  }
0x9f: {  	s4 =	ssub.s32 $0x0, s20;
	[sflag:s22] =	ssyncset.done $0x0  }
0xa0: {  	[sflag:s22] =	ssyncadd.s32 s4;
	_ =	sdelay $0x1  }
0xa1: {  	s23 =	simm.s32 $0x1B8B  }
0xa2: {  	_ =	swait.ge [sflag:s23], $0x1  }
0xa3: {  	[sflag:s23] =	ssyncset.done $0x0  }
0xa4: {  	s25 =	simm.s32 $0x1B8E;
	s24 =	sld [smem:$0x3FFE];
	[sflag:s23] =	ssyncadd.s32 $0xFFFFFFFF  }
0xa5: {  	s26 =	simm.s32 $execute0_lowered;
	[smem:$0x3FD2] =	sst s25  }
0xa6: {  	s5 =	sshll.u32 s26, $0x1;
	_ =	strace $0x80000049;
	[dreg:$0x1] =	wrdreg $0xFFFFFFFF  }
0xa7: {  	s28 =	simm.s32 $_size_execute0_lowered;
	s3 =	sadd.s32 s3, s5;
	[dreg:$0x0] =	wrdreg $0x0  }
0xa8: {  	s5 =	sshll.u32 s28, $0x1;
	[dreg:$0x2] =	wrdreg s3  }
0xa9: {  	[dreg:$0x3] =	wrdreg s5  }
0xaa: {  	[dreg:$0x4] =	wrdreg $0xC0  }
0xab: {  	_ =	task [dreg:s7], $0x5FFFF  }
0xac: {  	[dreg:$0x1] =	wrdreg $0xFFFFFFFF  }
0xad: {  	[dreg:$0x0] =	wrdreg $0x60  }
0xae: {  	[dreg:$0x2] =	wrdreg s2  }
0xaf: {  	[dreg:$0x3] =	wrdreg s24  }
0xb0: {  	[dreg:$0x4] =	wrdreg $0x0  }
0xb1: {  	[dreg:$0x5] =	wrdreg $0x9  }
0xb2: {  	_ =	task.clear_ibuf [dreg:s7], $0x6FFFF;
	_ =	strace $0x90000049  }
0xb3: {  	s29 =	simm.s32 $0x9;
	_ =	strace $0x8000004B  }
0xb4: {  	_ =	swait.ge [sflag:s29], $0x1  }
0xb5: {  	[sflag:s29] =	ssyncadd.s32 $0xFFFFFFFF  }
0xb6: {  	_ =	strace $0x9000004B  }
0xb7: {  	_ =	sfence  }
0xb8: {  	s30 =	sld [smem:$0x0];
	_ =	sdelay $0x2  }
0xb9: {  	s31 =	sshll.u32 s1, $0xD;
	s1 =	sshrl.u32 s1, $0x2  }
0xba: {  	s3 =	sand.u32 $0x4000, s31;
	s1 =	sadd.s32 s1, s30  }
0xbb: {  	s0 =	sor.u32 s3, s0;
	s1 =	sshll.u32 s1, $0x11  }
0xbc: {  	s0 =	sor.u32 s1, s0  }
0xbd: {  	s0 =	sadd.s32 $0x8F2B, s0  }
0xbe: {  	[sflag:s0] =	ssyncadd.remote.s32 $0x1  }
0xbf: {  	_ =	sfence.sel $0xFFFF  }
0xc0: {  	[dreg:$0x0] =	wrdreg $0xFFFFFFFF;
	(pc) =	sbr.abs _section_cstart, $3  }
0xc1: {  	[dreg:$0x1] =	wrdreg $0xFFFFFFFF  }
0xc2: {  	_ =	task.clear_ibuf [dreg:s7], $0x2FFFF;
	_ =	strace $0x9FFFFFFF  }
0xc3: {  	(tm) =	ssettm $0x7FFFFFFF  }
tec
execute0_lowered:
.L_overlay_start_1:
0x0: {  	(tag) =	ssettag $0x1  }
0x1: {  	s1 =	rddreg [dreg:$0x0]  }
0x2: {  	s4 =	rddreg [dreg:$0x1]  }
0x3: {  	s2 =	rddreg [dreg:$0x2];
	s3 =	simm.s32 $0x0  }
0x4: {  	s0 =	simm.s32 $0x14080;
	[smem:$0x7FF] =	sst s3  }
0x5: {  	s7 =	simm.s32 $0x14100;
	_ =	strace $0x8000004A;
	[dreg:$0x4] =	wrdreg s0  }
0x6: {  	s6 =	simm.s32 $0x15080;
	[dreg:$0x5] =	wrdreg s7  }
0x7: {  	s8 =	simm.s32 $0x14180;
	[dreg:$0x6] =	wrdreg s6  }
0x8: {  	s10 =	simm.s32 $0x15100;
	[dreg:$0x7] =	wrdreg s8  }
0x9: {  	s12 =	simm.s32 $0x15180;
	[dreg:$0x8] =	wrdreg s10  }
0xa: {  	s13 =	simm.s32 $0x14280;
	[dreg:$0xa] =	wrdreg s12  }
0xb: {  	s14 =	simm.s32 $0x15200;
	[dreg:$0xb] =	wrdreg s13  }
0xc: {  	s15 =	simm.s32 $0x14300;
	[dreg:$0xc] =	wrdreg s14  }
0xd: {  	s17 =	simm.s32 $0x15280;
	[dreg:$0xd] =	wrdreg s15  }
0xe: {  	s19 =	simm.s32 $0x14380;
	[dreg:$0xe] =	wrdreg s17  }
0xf: {  	s20 =	simm.s32 $0x15300;
	[dreg:$0xf] =	wrdreg s19  }
0x10: {  	s21 =	simm.s32 $0x15380;
	[dreg:$0x10] =	wrdreg s20  }
0x11: {  	s22 =	simm.s32 $0x14480;
	[dreg:$0x12] =	wrdreg s21  }
0x12: {  	s24 =	simm.s32 $0x15400;
	[dreg:$0x13] =	wrdreg s22  }
0x13: {  	s5 =	srdreg.scid;
	s26 =	simm.s32 $0x14500;
	[dreg:$0x14] =	wrdreg s24  }
0x14: {  	s11 =	stileid.u32;
	s8 =	simm.s32 $0x14200;
	[dreg:$0x15] =	wrdreg s26  }
0x15: {  	s28 =	simm.s32 $0x1B000;
	s10 =	simm.s32 $0x14400;
	[dreg:$0x9] =	wrdreg s8  }
0x16: {  	s29 =	simm.s32 $0x2;
	s12 =	simm.s32 $0x14580;
	[dreg:$0x11] =	wrdreg s10  }
0x17: {  	s30 =	simm.s32 $0x4;
	s13 =	simm.s32 $0x15500;
	[dreg:$0x17] =	wrdreg s12  }
0x18: {  	s31 =	simm.s32 $0x3;
	s15 =	simm.s32 $0x14600;
	[dreg:$0x18] =	wrdreg s13  }
0x19: {  	s25 =	smul.u32 $0x50000, s11;
	s17 =	simm.s32 $0x15580;
	[dreg:$0x19] =	wrdreg s15  }
0x1a: {  	s0 =	sand.u32 $0x1, s5;
	s19 =	simm.s32 $0x14680;
	[dreg:$0x1a] =	wrdreg s17  }
0x1b: {  	s7 =	smul.u32 $0x14000, s11;
	s21 =	simm.s32 $0x15600;
	[dreg:$0x1b] =	wrdreg s19  }
0x1c: {  	s10 =	sshrl.u32 s25, $0x2;
	[dreg:$0x1c] =	wrdreg s21;
	s25 =	simm.s32 $0x15680  }
0x1d: {  	s5 =	sadd.s32 $0x2C00, s4;
	s12 =	simm.s32 $0x15700;
	[dreg:$0x1e] =	wrdreg s25  }
0x1e: {  	s9 =	smul.u32 $0x140000, s0;
	s13 =	simm.s32 $0x14800;
	[smem:$0x7EF] =	sst s12  }
0x1f: {  	s16 =	ssub.s32 $0x2, s0;
	s15 =	simm.s32 $0x15780;
	[smem:$0x7F0] =	sst s13  }
0x20: {  	s17 =	simm.s32 $0x15800;
	s19 =	simm.s32 $0x15880;
	[smem:$0x7F2] =	sst s15  }
0x21: {  	s21 =	simm.s32 $0x15900;
	s18 =	sshrl.u32 s16, $0x1;
	[smem:$0x7F4] =	sst s17  }
0x22: {  	s8 =	sadd.s32 s10, s2;
	s10 =	simm.s32 $0x14780;
	[smem:$0x7F6] =	sst s19  }
0x23: {  	s19 =	simm.s32 $0x14000;
	[smem:$0x7F8] =	sst s21;
	s21 =	simm.s32 $0x7  }
0x24: {  	s25 =	simm.s32 $0x15A00;
	s12 =	simm.s32 $0x15C00;
	[dreg:$0x1f] =	wrdreg s10  }
0x25: {  	s6 =	sadd.s32 s7, s9;
	s14 =	sadd.s32 $0x2800, s8;
	[smem:$0x7FC] =	sst s25  }
0x26: {  	s7 =	ssub.s32 s16, s18;
	s16 =	sadd.s32 $0x5000, s8;
	[smem:$0x7E7] =	sst s14  }
0x27: {  	s13 =	simm.s32 $0x0;
	s18 =	sadd.s32 $0x7800, s8;
	[smem:$0x7E8] =	sst s16  }
0x28: {  	s9 =	sshll.u32 s0, $0x4;
	s20 =	sadd.s32 $0xA000, s8;
	[smem:$0x7E9] =	sst s18  }
0x29: {  	s22 =	sadd.s32 $0xC800, s8;
	s24 =	sadd.s32 $0xF000, s8;
	[smem:$0x7EA] =	sst s20  }
0x2a: {  	s26 =	sadd.s32 $0x11800, s8;
	s0 =	smul.u32 $0x50000, s0;
	[smem:$0x7EB] =	sst s22  }
0x2b: {  	s25 =	simm.s32 $0x16000;
	s10 =	simm.s32 $0x14C00;
	[smem:$0x7EC] =	sst s24  }
0x2c: {  	s6 =	sshrl.u32 s6, $0x3;
	[smem:$0x7ED] =	sst s26;
	s7 =	smax.u32 s7, $0x1  }
0x2d: {  	s9 =	sor.u32 s11, s9;
	s16 =	simm.s32 $0x14880;
	[smem:$0x7F1] =	sst s7  }
0x2e: {  	s14 =	smul.u32 $0x5000, s11;
	s18 =	simm.s32 $0x14900;
	[smem:$0x7F3] =	sst s16  }
0x2f: {  	s20 =	simm.s32 $0x14980;
	s22 =	simm.s32 $0x14A00;
	[smem:$0x7F5] =	sst s18  }
0x30: {  	s24 =	simm.s32 $0x14A80;
	s26 =	simm.s32 $0x14B00;
	[smem:$0x7F7] =	sst s20  }
0x31: {  	s11 =	simm.s32 $0x15B80;
	s4 =	sadd.s32 s6, s4;
	[smem:$0x7F9] =	sst s22  }
0x32: {  	s6 =	smul.u32 $0x5000, s9;
	s20 =	simm.s32 $0x18800;
	[smem:$0x7FB] =	sst s24  }
0x33: {  	s22 =	simm.s32 $0x15000;
	s24 =	simm.s32 $0x50;
	[smem:$0x7FD] =	sst s26  }
0x34: {  	s26 =	simm.s32 $0x5;
	s7 =	simm.s32 $0x14B80;
	s4 =	sadd.s32 $0x2AC00, s4  }
0x35: {  	s0 =	sadd.s32 s14, s0;
	s23 =	sshrl.u32 s6, $0x3;
	[smem:$0x7EE] =	sst s4  }
0x36: {  	s0 =	sadd.s32 $0xA0000, s0;
	s4 =	simm.s32 $0x15A80;
	s9 =	sadd.s32 s5, s23  }
0x37: {  	s23 =	simm.s32 $0x14700;
	s0 =	sshrl.u32 s0, $0x3;
	[smem:$0x7E6] =	sst s9  }
0x38: {  	s9 =	simm.s32 $0x15480;
	[dreg:$0x1d] =	wrdreg s23;
	s15 =	sadd.s32 s0, s5  }
0x39: {  	s23 =	simm.s32 $0x15980;
	s0 =	simm.s32 $0x6;
	[dreg:$0x16] =	wrdreg s9  }
0x3a: {  	v0 =	vimm.f32 $0.0e+00;
	[smem:$0x7FA] =	sst s23;
	s23 =	simm.s32 $0x1;
	s9 =	simm.s32 $0x15B00  }
.LBB2_1:
0x3b: {  	s14 =	simm.s32 $0x0;
	s16 =	simm.s32 $0x200  }
.LBB2_2:
0x3c: {  	p0 =	sne.s32 s16, $0x9E00;
	[tilespmem:s14+$0x18870] =	vst v0  }
0x3d: {  	[tilespmem:s14+$0x18800] =	vst v0  }
0x3e: {  	[tilespmem:s14+$0x18810] =	vst v0  }
.Ltmp0:
0x3f: {  	[tilespmem:s14+$0x18820] =	vst v0;
	(pc) =	sbr.rel @p0 .LBB2_2-.Ltmp0, $4  }
0x40: {  	[tilespmem:s14+$0x18830] =	vst v0  }
0x41: {  	[tilespmem:s14+$0x18840] =	vst v0  }
0x42: {  	[tilespmem:s14+$0x18850] =	vst v0  }
0x43: {  	[tilespmem:s14+$0x18860] =	vst v0;
	s14 =	sshra.s32 s16, $0x2;
	s16 =	sadd.s32 $0x200, s16  }
0x44: {  	[tilespmem:s14+$0x18870] =	vst v0  }
0x45: {  	[tilespmem:s14+$0x18800] =	vst v0  }
0x46: {  	[tilespmem:s14+$0x18810] =	vst v0  }
0x47: {  	[tilespmem:s14+$0x18820] =	vst v0  }
0x48: {  	[tilespmem:s14+$0x18830] =	vst v0  }
0x49: {  	[tilespmem:s14+$0x18840] =	vst v0;
	s17 =	sld [smem:$0x7E6]  }
0x4a: {  	[tilespmem:s14+$0x18850] =	vst v0  }
0x4b: {  	[tilespmem:s14+$0x18860] =	vst v0  }
0x4c: {  	[tilespmem:s19], [sflag:$0x1] =	stream.linear.gather [hbm4b:s17+s3], $0xC80, $0x38;
	[tilespmem:$0x1D800] =	vst v63  }
0x4d: {  	_ = 	snop  }
0x4e: {  	[spmem:s8] =	stream.linear.scatter [tilespmem:s20], [sflag:$0x7], $0x2800, $0x38;
	[tilespmem:$0x1D800] =	vst v63  }
0x4f: {  	_ =	swait.ge [sflag:s21], $0x2800  }
0x50: {  	s18 =	sld [smem:$0x7E7]  }
0x51: {  	[sflag:s21] =	ssyncset.done $0x0  }
0x52: {  	[sflag:s21] =	ssyncadd.s32 $0xFFFFD800  }
0x53: {  	[spmem:s18] =	stream.linear.scatter [tilespmem:s20], [sflag:$0x7], $0x2800, $0x38;
	[tilespmem:$0x1D800] =	vst v63  }
0x54: {  	_ =	swait.ge [sflag:s21], $0x2800  }
0x55: {  	s16 =	sld [smem:$0x7E8]  }
0x56: {  	[sflag:s21] =	ssyncset.done $0x0  }
0x57: {  	[sflag:s21] =	ssyncadd.s32 $0xFFFFD800  }
0x58: {  	[spmem:s16] =	stream.linear.scatter [tilespmem:s20], [sflag:$0x7], $0x2800, $0x38;
	[tilespmem:$0x1D800] =	vst v63  }
0x59: {  	_ =	swait.ge [sflag:s21], $0x2800  }
0x5a: {  	s17 =	sld [smem:$0x7E9]  }
0x5b: {  	[sflag:s21] =	ssyncset.done $0x0  }
0x5c: {  	[sflag:s21] =	ssyncadd.s32 $0xFFFFD800  }
0x5d: {  	[spmem:s17] =	stream.linear.scatter [tilespmem:s20], [sflag:$0x7], $0x2800, $0x38;
	[tilespmem:$0x1D800] =	vst v63  }
0x5e: {  	_ =	swait.ge [sflag:s21], $0x2800  }
0x5f: {  	s18 =	sld [smem:$0x7EA]  }
0x60: {  	[sflag:s21] =	ssyncset.done $0x0  }
0x61: {  	[sflag:s21] =	ssyncadd.s32 $0xFFFFD800  }
0x62: {  	[spmem:s18] =	stream.linear.scatter [tilespmem:s20], [sflag:$0x7], $0x2800, $0x38;
	[tilespmem:$0x1D800] =	vst v63  }
0x63: {  	_ =	swait.ge [sflag:s21], $0x2800  }
0x64: {  	s16 =	sld [smem:$0x7EB]  }
0x65: {  	[sflag:s21] =	ssyncset.done $0x0  }
0x66: {  	[sflag:s21] =	ssyncadd.s32 $0xFFFFD800  }
0x67: {  	[spmem:s16] =	stream.linear.scatter [tilespmem:s20], [sflag:$0x7], $0x2800, $0x38;
	[tilespmem:$0x1D800] =	vst v63  }
0x68: {  	_ =	swait.ge [sflag:s21], $0x2800  }
0x69: {  	s17 =	sld [smem:$0x7EC]  }
0x6a: {  	[sflag:s21] =	ssyncset.done $0x0  }
0x6b: {  	[sflag:s21] =	ssyncadd.s32 $0xFFFFD800  }
0x6c: {  	[spmem:s17] =	stream.linear.scatter [tilespmem:s20], [sflag:$0x7], $0x2800, $0x38;
	[tilespmem:$0x1D800] =	vst v63  }
0x6d: {  	_ =	swait.ge [sflag:s21], $0x2800  }
0x6e: {  	s18 =	sld [smem:$0x7ED]  }
0x6f: {  	[sflag:s21] =	ssyncset.done $0x0  }
0x70: {  	[sflag:s21] =	ssyncadd.s32 $0xFFFFD800  }
0x71: {  	[spmem:s18] =	stream.linear.scatter [tilespmem:s20], [sflag:$0x7], $0x2800, $0x38;
	[tilespmem:$0x1D800] =	vst v63  }
0x72: {  	_ =	swait.ge [sflag:s21], $0x2800  }
0x73: {  	[sflag:s21] =	ssyncset.done $0x0  }
0x74: {  	[sflag:s21] =	ssyncadd.s32 $0xFFFFD800  }
0x75: {  	[bflag:$0x0] =	sbarrier.arrive $0xFFFF  }
0x76: {  	[tilespmem:s22], [sflag:$0x5] =	stream.linear.gather [hbm4b:s15+s3], $0xC80, $0x38;
	[tilespmem:$0x1D800] =	vst v63  }
0x77: {  	_ =	swait.ge [sflag:s23], $0xC80  }
0x78: {  	[sflag:s23] =	ssyncset.done $0x0  }
0x79: {  	[sflag:s23] =	ssyncadd.s32 $0xFFFFF380  }
0x7a: {  	[tilespmem:s25], [sflag:$0x1] =	stream.indirect.gather [hbm4b:s1+s24], $0x80, s19, s24, $0xb8;
	[tilespmem:$0x1D800] =	vst v63  }
0x7b: {  	s16 =	rddreg [dreg:$0x4]  }
0x7c: {  	[tilespmem:s20], [sflag:$0x2] =	stream.indirect.gather [hbm4b:s1+s24], $0x80, s16, s24, $0xb8;
	[tilespmem:$0x1D800] =	vst v63  }
0x7d: {  	_ =	swait.ge [sflag:s23], $0x2800  }
0x7e: {  	[sflag:s23] =	ssyncset.done $0x0  }
0x7f: {  	[sflag:s23] =	ssyncadd.s32 $0xFFFFD800  }
0x80: {  	_ =	swait.ge [sflag:s26], $0xC80  }
0x81: {  	[sflag:s26] =	ssyncset.done $0x0  }
0x82: {  	[sflag:s26] =	ssyncadd.s32 $0xFFFFF380  }
0x83: {  	[spmem:s2] =	stream.indirect.scatter.add.f32 [tilespmem:s25], [sflag:$0x4], $0x80, s22, s24, $0xb8;
	[tilespmem:$0x1D800] =	vst v63  }
0x84: {  	s17 =	rddreg [dreg:$0x5]  }
0x85: {  	[tilespmem:s28], [sflag:$0x3] =	stream.indirect.gather [hbm4b:s1+s24], $0x80, s17, s24, $0xb8;
	[tilespmem:$0x1D800] =	vst v63  }
0x86: {  	_ =	swait.ge [sflag:s29], $0x2800  }
0x87: {  	[sflag:s29] =	ssyncset.done $0x0  }
0x88: {  	s18 =	rddreg [dreg:$0x6];
	[sflag:s29] =	ssyncadd.s32 $0xFFFFD800  }
0x89: {  	[spmem:s2] =	stream.indirect.scatter.add.f32 [tilespmem:s20], [sflag:$0x5], $0x80, s18, s24, $0xb8;
	[tilespmem:$0x1D800] =	vst v63  }
0x8a: {  	_ =	swait.ge [sflag:s30], $0x2800  }
0x8b: {  	[sflag:s30] =	ssyncset.done $0x0  }
0x8c: {  	s16 =	rddreg [dreg:$0x7];
	[sflag:s30] =	ssyncadd.s32 $0xFFFFD800  }
0x8d: {  	[tilespmem:s25], [sflag:$0x1] =	stream.indirect.gather [hbm4b:s1+s24], $0x80, s16, s24, $0xb8;
	[tilespmem:$0x1D800] =	vst v63  }
0x8e: {  	_ =	swait.ge [sflag:s31], $0x2800  }
0x8f: {  	[sflag:s31] =	ssyncset.done $0x0  }
0x90: {  	s17 =	rddreg [dreg:$0x8];
	[sflag:s31] =	ssyncadd.s32 $0xFFFFD800  }
0x91: {  	[spmem:s2] =	stream.indirect.scatter.add.f32 [tilespmem:s28], [sflag:$0x6], $0x80, s17, s24, $0xb8;
	[tilespmem:$0x1D800] =	vst v63  }
0x92: {  	_ =	swait.ge [sflag:s26], $0x2800  }
0x93: {  	[sflag:s26] =	ssyncset.done $0x0  }
0x94: {  	s18 =	rddreg [dreg:$0x9];
	[sflag:s26] =	ssyncadd.s32 $0xFFFFD800  }
0x95: {  	[tilespmem:s20], [sflag:$0x2] =	stream.indirect.gather [hbm4b:s1+s24], $0x80, s18, s24, $0xb8;
	[tilespmem:$0x1D800] =	vst v63  }
0x96: {  	_ =	swait.ge [sflag:s23], $0x2800  }
0x97: {  	[sflag:s23] =	ssyncset.done $0x0  }
0x98: {  	s16 =	rddreg [dreg:$0xa];
	[sflag:s23] =	ssyncadd.s32 $0xFFFFD800  }
0x99: {  	[spmem:s2] =	stream.indirect.scatter.add.f32 [tilespmem:s25], [sflag:$0x4], $0x80, s16, s24, $0xb8;
	[tilespmem:$0x1D800] =	vst v63  }
0x9a: {  	_ =	swait.ge [sflag:s0], $0x2800  }
0x9b: {  	[sflag:s0] =	ssyncset.done $0x0  }
0x9c: {  	s17 =	rddreg [dreg:$0xb];
	[sflag:s0] =	ssyncadd.s32 $0xFFFFD800  }
0x9d: {  	[tilespmem:s28], [sflag:$0x3] =	stream.indirect.gather [hbm4b:s1+s24], $0x80, s17, s24, $0xb8;
	[tilespmem:$0x1D800] =	vst v63  }
0x9e: {  	_ =	swait.ge [sflag:s29], $0x2800  }
0x9f: {  	[sflag:s29] =	ssyncset.done $0x0  }
0xa0: {  	s18 =	rddreg [dreg:$0xc];
	[sflag:s29] =	ssyncadd.s32 $0xFFFFD800  }
0xa1: {  	[spmem:s2] =	stream.indirect.scatter.add.f32 [tilespmem:s20], [sflag:$0x5], $0x80, s18, s24, $0xb8;
	[tilespmem:$0x1D800] =	vst v63  }
0xa2: {  	_ =	swait.ge [sflag:s30], $0x2800  }
0xa3: {  	[sflag:s30] =	ssyncset.done $0x0  }
0xa4: {  	s16 =	rddreg [dreg:$0xd];
	[sflag:s30] =	ssyncadd.s32 $0xFFFFD800  }
0xa5: {  	[tilespmem:s25], [sflag:$0x1] =	stream.indirect.gather [hbm4b:s1+s24], $0x80, s16, s24, $0xb8;
	[tilespmem:$0x1D800] =	vst v63  }
0xa6: {  	_ =	swait.ge [sflag:s31], $0x2800  }
0xa7: {  	[sflag:s31] =	ssyncset.done $0x0  }
0xa8: {  	s17 =	rddreg [dreg:$0xe];
	[sflag:s31] =	ssyncadd.s32 $0xFFFFD800  }
0xa9: {  	[spmem:s2] =	stream.indirect.scatter.add.f32 [tilespmem:s28], [sflag:$0x6], $0x80, s17, s24, $0xb8;
	[tilespmem:$0x1D800] =	vst v63  }
0xaa: {  	_ =	swait.ge [sflag:s26], $0x2800  }
0xab: {  	[sflag:s26] =	ssyncset.done $0x0  }
0xac: {  	s18 =	rddreg [dreg:$0xf];
	[sflag:s26] =	ssyncadd.s32 $0xFFFFD800  }
0xad: {  	[tilespmem:s20], [sflag:$0x2] =	stream.indirect.gather [hbm4b:s1+s24], $0x80, s18, s24, $0xb8;
	[tilespmem:$0x1D800] =	vst v63  }
0xae: {  	_ =	swait.ge [sflag:s23], $0x2800  }
0xaf: {  	[sflag:s23] =	ssyncset.done $0x0  }
0xb0: {  	s16 =	rddreg [dreg:$0x10];
	[sflag:s23] =	ssyncadd.s32 $0xFFFFD800  }
0xb1: {  	[spmem:s2] =	stream.indirect.scatter.add.f32 [tilespmem:s25], [sflag:$0x4], $0x80, s16, s24, $0xb8;
	[tilespmem:$0x1D800] =	vst v63  }
0xb2: {  	_ =	swait.ge [sflag:s0], $0x2800  }
0xb3: {  	[sflag:s0] =	ssyncset.done $0x0  }
0xb4: {  	s17 =	rddreg [dreg:$0x11];
	[sflag:s0] =	ssyncadd.s32 $0xFFFFD800  }
0xb5: {  	[tilespmem:s28], [sflag:$0x3] =	stream.indirect.gather [hbm4b:s1+s24], $0x80, s17, s24, $0xb8;
	[tilespmem:$0x1D800] =	vst v63  }
0xb6: {  	_ =	swait.ge [sflag:s29], $0x2800  }
0xb7: {  	[sflag:s29] =	ssyncset.done $0x0  }
0xb8: {  	s18 =	rddreg [dreg:$0x12];
	[sflag:s29] =	ssyncadd.s32 $0xFFFFD800  }
0xb9: {  	[spmem:s2] =	stream.indirect.scatter.add.f32 [tilespmem:s20], [sflag:$0x5], $0x80, s18, s24, $0xb8;
	[tilespmem:$0x1D800] =	vst v63  }
0xba: {  	_ =	swait.ge [sflag:s30], $0x2800  }
0xbb: {  	[sflag:s30] =	ssyncset.done $0x0  }
0xbc: {  	s16 =	rddreg [dreg:$0x13];
	[sflag:s30] =	ssyncadd.s32 $0xFFFFD800  }
0xbd: {  	[tilespmem:s25], [sflag:$0x1] =	stream.indirect.gather [hbm4b:s1+s24], $0x80, s16, s24, $0xb8;
	[tilespmem:$0x1D800] =	vst v63  }
0xbe: {  	_ =	swait.ge [sflag:s31], $0x2800  }
0xbf: {  	[sflag:s31] =	ssyncset.done $0x0  }
0xc0: {  	s17 =	rddreg [dreg:$0x14];
	[sflag:s31] =	ssyncadd.s32 $0xFFFFD800  }
0xc1: {  	[spmem:s2] =	stream.indirect.scatter.add.f32 [tilespmem:s28], [sflag:$0x6], $0x80, s17, s24, $0xb8;
	[tilespmem:$0x1D800] =	vst v63  }
0xc2: {  	_ =	swait.ge [sflag:s26], $0x2800  }
0xc3: {  	[sflag:s26] =	ssyncset.done $0x0  }
0xc4: {  	s18 =	rddreg [dreg:$0x15];
	[sflag:s26] =	ssyncadd.s32 $0xFFFFD800  }
0xc5: {  	[tilespmem:s20], [sflag:$0x2] =	stream.indirect.gather [hbm4b:s1+s24], $0x80, s18, s24, $0xb8;
	[tilespmem:$0x1D800] =	vst v63  }
0xc6: {  	_ =	swait.ge [sflag:s23], $0x2800  }
0xc7: {  	[sflag:s23] =	ssyncset.done $0x0  }
0xc8: {  	s16 =	rddreg [dreg:$0x16];
	[sflag:s23] =	ssyncadd.s32 $0xFFFFD800  }
0xc9: {  	[spmem:s2] =	stream.indirect.scatter.add.f32 [tilespmem:s25], [sflag:$0x4], $0x80, s16, s24, $0xb8;
	[tilespmem:$0x1D800] =	vst v63  }
0xca: {  	_ =	swait.ge [sflag:s0], $0x2800  }
0xcb: {  	[sflag:s0] =	ssyncset.done $0x0  }
0xcc: {  	s17 =	rddreg [dreg:$0x17];
	[sflag:s0] =	ssyncadd.s32 $0xFFFFD800  }
0xcd: {  	[tilespmem:s28], [sflag:$0x3] =	stream.indirect.gather [hbm4b:s1+s24], $0x80, s17, s24, $0xb8;
	[tilespmem:$0x1D800] =	vst v63  }
0xce: {  	_ =	swait.ge [sflag:s29], $0x2800  }
0xcf: {  	[sflag:s29] =	ssyncset.done $0x0  }
0xd0: {  	s18 =	rddreg [dreg:$0x18];
	[sflag:s29] =	ssyncadd.s32 $0xFFFFD800  }
0xd1: {  	[spmem:s2] =	stream.indirect.scatter.add.f32 [tilespmem:s20], [sflag:$0x5], $0x80, s18, s24, $0xb8;
	[tilespmem:$0x1D800] =	vst v63  }
0xd2: {  	_ =	swait.ge [sflag:s30], $0x2800  }
0xd3: {  	[sflag:s30] =	ssyncset.done $0x0  }
0xd4: {  	s16 =	rddreg [dreg:$0x19];
	[sflag:s30] =	ssyncadd.s32 $0xFFFFD800  }
0xd5: {  	[tilespmem:s25], [sflag:$0x1] =	stream.indirect.gather [hbm4b:s1+s24], $0x80, s16, s24, $0xb8;
	[tilespmem:$0x1D800] =	vst v63  }
0xd6: {  	_ =	swait.ge [sflag:s31], $0x2800  }
0xd7: {  	[sflag:s31] =	ssyncset.done $0x0  }
0xd8: {  	s17 =	rddreg [dreg:$0x1a];
	[sflag:s31] =	ssyncadd.s32 $0xFFFFD800  }
0xd9: {  	[spmem:s2] =	stream.indirect.scatter.add.f32 [tilespmem:s28], [sflag:$0x6], $0x80, s17, s24, $0xb8;
	[tilespmem:$0x1D800] =	vst v63  }
0xda: {  	_ =	swait.ge [sflag:s26], $0x2800  }
0xdb: {  	[sflag:s26] =	ssyncset.done $0x0  }
0xdc: {  	s18 =	rddreg [dreg:$0x1b];
	[sflag:s26] =	ssyncadd.s32 $0xFFFFD800  }
0xdd: {  	[tilespmem:s20], [sflag:$0x2] =	stream.indirect.gather [hbm4b:s1+s24], $0x80, s18, s24, $0xb8;
	[tilespmem:$0x1D800] =	vst v63  }
0xde: {  	_ =	swait.ge [sflag:s23], $0x2800  }
0xdf: {  	[sflag:s23] =	ssyncset.done $0x0  }
0xe0: {  	s16 =	rddreg [dreg:$0x1c];
	[sflag:s23] =	ssyncadd.s32 $0xFFFFD800  }
0xe1: {  	[spmem:s2] =	stream.indirect.scatter.add.f32 [tilespmem:s25], [sflag:$0x4], $0x80, s16, s24, $0xb8;
	[tilespmem:$0x1D800] =	vst v63  }
0xe2: {  	_ =	swait.ge [sflag:s0], $0x2800  }
0xe3: {  	[sflag:s0] =	ssyncset.done $0x0  }
0xe4: {  	s17 =	rddreg [dreg:$0x1d];
	[sflag:s0] =	ssyncadd.s32 $0xFFFFD800  }
0xe5: {  	[tilespmem:s28], [sflag:$0x3] =	stream.indirect.gather [hbm4b:s1+s24], $0x80, s17, s24, $0xb8;
	[tilespmem:$0x1D800] =	vst v63  }
0xe6: {  	_ =	swait.ge [sflag:s29], $0x2800  }
0xe7: {  	[sflag:s29] =	ssyncset.done $0x0  }
0xe8: {  	s18 =	rddreg [dreg:$0x1e];
	[sflag:s29] =	ssyncadd.s32 $0xFFFFD800  }
0xe9: {  	[spmem:s2] =	stream.indirect.scatter.add.f32 [tilespmem:s20], [sflag:$0x5], $0x80, s18, s24, $0xb8;
	[tilespmem:$0x1D800] =	vst v63  }
0xea: {  	_ =	swait.ge [sflag:s30], $0x2800  }
0xeb: {  	[sflag:s30] =	ssyncset.done $0x0  }
0xec: {  	s16 =	rddreg [dreg:$0x1f];
	[sflag:s30] =	ssyncadd.s32 $0xFFFFD800  }
0xed: {  	[tilespmem:s25], [sflag:$0x1] =	stream.indirect.gather [hbm4b:s1+s24], $0x80, s16, s24, $0xb8;
	[tilespmem:$0x1D800] =	vst v63  }
0xee: {  	_ =	swait.ge [sflag:s31], $0x2800  }
0xef: {  	s17 =	sld [smem:$0x7EF]  }
0xf0: {  	[sflag:s31] =	ssyncset.done $0x0  }
0xf1: {  	[sflag:s31] =	ssyncadd.s32 $0xFFFFD800  }
0xf2: {  	[spmem:s2] =	stream.indirect.scatter.add.f32 [tilespmem:s28], [sflag:$0x6], $0x80, s17, s24, $0xb8;
	[tilespmem:$0x1D800] =	vst v63  }
0xf3: {  	_ =	swait.ge [sflag:s26], $0x2800  }
0xf4: {  	s18 =	sld [smem:$0x7F0]  }
0xf5: {  	[sflag:s26] =	ssyncset.done $0x0  }
0xf6: {  	[sflag:s26] =	ssyncadd.s32 $0xFFFFD800  }
0xf7: {  	[tilespmem:s20], [sflag:$0x2] =	stream.indirect.gather [hbm4b:s1+s24], $0x80, s18, s24, $0xb8;
	[tilespmem:$0x1D800] =	vst v63  }
0xf8: {  	_ =	swait.ge [sflag:s23], $0x2800  }
0xf9: {  	s16 =	sld [smem:$0x7F2]  }
0xfa: {  	[sflag:s23] =	ssyncset.done $0x0  }
0xfb: {  	[sflag:s23] =	ssyncadd.s32 $0xFFFFD800  }
0xfc: {  	[spmem:s2] =	stream.indirect.scatter.add.f32 [tilespmem:s25], [sflag:$0x4], $0x80, s16, s24, $0xb8;
	[tilespmem:$0x1D800] =	vst v63  }
0xfd: {  	_ =	swait.ge [sflag:s0], $0x2800  }
0xfe: {  	s17 =	sld [smem:$0x7F3]  }
0xff: {  	[sflag:s0] =	ssyncset.done $0x0  }
0x100: {  	[sflag:s0] =	ssyncadd.s32 $0xFFFFD800  }
0x101: {  	[tilespmem:s28], [sflag:$0x3] =	stream.indirect.gather [hbm4b:s1+s24], $0x80, s17, s24, $0xb8;
	[tilespmem:$0x1D800] =	vst v63  }
0x102: {  	_ =	swait.ge [sflag:s29], $0x2800  }
0x103: {  	s18 =	sld [smem:$0x7F4]  }
0x104: {  	[sflag:s29] =	ssyncset.done $0x0  }
0x105: {  	[sflag:s29] =	ssyncadd.s32 $0xFFFFD800  }
0x106: {  	[spmem:s2] =	stream.indirect.scatter.add.f32 [tilespmem:s20], [sflag:$0x5], $0x80, s18, s24, $0xb8;
	[tilespmem:$0x1D800] =	vst v63  }
0x107: {  	_ =	swait.ge [sflag:s30], $0x2800  }
0x108: {  	s16 =	sld [smem:$0x7F5]  }
0x109: {  	[sflag:s30] =	ssyncset.done $0x0  }
0x10a: {  	[sflag:s30] =	ssyncadd.s32 $0xFFFFD800  }
0x10b: {  	[tilespmem:s25], [sflag:$0x1] =	stream.indirect.gather [hbm4b:s1+s24], $0x80, s16, s24, $0xb8;
	[tilespmem:$0x1D800] =	vst v63  }
0x10c: {  	_ =	swait.ge [sflag:s31], $0x2800  }
0x10d: {  	s17 =	sld [smem:$0x7F6]  }
0x10e: {  	[sflag:s31] =	ssyncset.done $0x0  }
0x10f: {  	[sflag:s31] =	ssyncadd.s32 $0xFFFFD800  }
0x110: {  	[spmem:s2] =	stream.indirect.scatter.add.f32 [tilespmem:s28], [sflag:$0x6], $0x80, s17, s24, $0xb8;
	[tilespmem:$0x1D800] =	vst v63  }
0x111: {  	_ =	swait.ge [sflag:s26], $0x2800  }
0x112: {  	s18 =	sld [smem:$0x7F7]  }
0x113: {  	[sflag:s26] =	ssyncset.done $0x0  }
0x114: {  	[sflag:s26] =	ssyncadd.s32 $0xFFFFD800  }
0x115: {  	[tilespmem:s20], [sflag:$0x2] =	stream.indirect.gather [hbm4b:s1+s24], $0x80, s18, s24, $0xb8;
	[tilespmem:$0x1D800] =	vst v63  }
0x116: {  	_ =	swait.ge [sflag:s23], $0x2800  }
0x117: {  	s16 =	sld [smem:$0x7F8]  }
0x118: {  	[sflag:s23] =	ssyncset.done $0x0  }
0x119: {  	[sflag:s23] =	ssyncadd.s32 $0xFFFFD800  }
0x11a: {  	[spmem:s2] =	stream.indirect.scatter.add.f32 [tilespmem:s25], [sflag:$0x4], $0x80, s16, s24, $0xb8;
	[tilespmem:$0x1D800] =	vst v63  }
0x11b: {  	_ =	swait.ge [sflag:s0], $0x2800  }
0x11c: {  	s17 =	sld [smem:$0x7F9]  }
0x11d: {  	[sflag:s0] =	ssyncset.done $0x0  }
0x11e: {  	[sflag:s0] =	ssyncadd.s32 $0xFFFFD800  }
0x11f: {  	[tilespmem:s28], [sflag:$0x3] =	stream.indirect.gather [hbm4b:s1+s24], $0x80, s17, s24, $0xb8;
	[tilespmem:$0x1D800] =	vst v63  }
0x120: {  	_ =	swait.ge [sflag:s29], $0x2800  }
0x121: {  	s18 =	sld [smem:$0x7FA]  }
0x122: {  	[sflag:s29] =	ssyncset.done $0x0  }
0x123: {  	[sflag:s29] =	ssyncadd.s32 $0xFFFFD800  }
0x124: {  	[spmem:s2] =	stream.indirect.scatter.add.f32 [tilespmem:s20], [sflag:$0x5], $0x80, s18, s24, $0xb8;
	[tilespmem:$0x1D800] =	vst v63  }
0x125: {  	_ =	swait.ge [sflag:s30], $0x2800  }
0x126: {  	s16 =	sld [smem:$0x7FB]  }
0x127: {  	[sflag:s30] =	ssyncset.done $0x0  }
0x128: {  	[sflag:s30] =	ssyncadd.s32 $0xFFFFD800  }
0x129: {  	[tilespmem:s25], [sflag:$0x1] =	stream.indirect.gather [hbm4b:s1+s24], $0x80, s16, s24, $0xb8;
	[tilespmem:$0x1D800] =	vst v63  }
0x12a: {  	_ =	swait.ge [sflag:s31], $0x2800  }
0x12b: {  	s17 =	sld [smem:$0x7FC]  }
0x12c: {  	[sflag:s31] =	ssyncset.done $0x0  }
0x12d: {  	[sflag:s31] =	ssyncadd.s32 $0xFFFFD800  }
0x12e: {  	[spmem:s2] =	stream.indirect.scatter.add.f32 [tilespmem:s28], [sflag:$0x6], $0x80, s17, s24, $0xb8;
	[tilespmem:$0x1D800] =	vst v63  }
0x12f: {  	_ =	swait.ge [sflag:s26], $0x2800  }
0x130: {  	s18 =	sld [smem:$0x7FD]  }
0x131: {  	[sflag:s26] =	ssyncset.done $0x0  }
0x132: {  	[sflag:s26] =	ssyncadd.s32 $0xFFFFD800  }
0x133: {  	[tilespmem:s20], [sflag:$0x2] =	stream.indirect.gather [hbm4b:s1+s24], $0x80, s18, s24, $0xb8;
	[tilespmem:$0x1D800] =	vst v63  }
0x134: {  	_ =	swait.ge [sflag:s23], $0x2800  }
0x135: {  	[sflag:s23] =	ssyncset.done $0x0  }
0x136: {  	[sflag:s23] =	ssyncadd.s32 $0xFFFFD800  }
0x137: {  	[spmem:s2] =	stream.indirect.scatter.add.f32 [tilespmem:s25], [sflag:$0x4], $0x80, s4, s24, $0xb8;
	[tilespmem:$0x1D800] =	vst v63  }
0x138: {  	_ =	swait.ge [sflag:s0], $0x2800  }
0x139: {  	[sflag:s0] =	ssyncset.done $0x0  }
0x13a: {  	[sflag:s0] =	ssyncadd.s32 $0xFFFFD800  }
0x13b: {  	[tilespmem:s28], [sflag:$0x3] =	stream.indirect.gather [hbm4b:s1+s24], $0x80, s7, s24, $0xb8;
	[tilespmem:$0x1D800] =	vst v63  }
0x13c: {  	_ =	swait.ge [sflag:s29], $0x2800  }
0x13d: {  	[sflag:s29] =	ssyncset.done $0x0  }
0x13e: {  	[sflag:s29] =	ssyncadd.s32 $0xFFFFD800  }
0x13f: {  	[spmem:s2] =	stream.indirect.scatter.add.f32 [tilespmem:s20], [sflag:$0x5], $0x80, s9, s24, $0xb8;
	[tilespmem:$0x1D800] =	vst v63  }
0x140: {  	_ =	swait.ge [sflag:s30], $0x2800  }
0x141: {  	[sflag:s30] =	ssyncset.done $0x0  }
0x142: {  	[sflag:s30] =	ssyncadd.s32 $0xFFFFD800  }
0x143: {  	[tilespmem:s25], [sflag:$0x1] =	stream.indirect.gather [hbm4b:s1+s24], $0x80, s10, s24, $0xb8;
	[tilespmem:$0x1D800] =	vst v63  }
0x144: {  	s14 =	simm.s32 $0x1;
	p0 =	por $0x1, $0x1;
	_ =	swait.ge [sflag:s31], $0x2800  }
0x145: {  	s14 =	simm.s32 @!p0 $0x4;
	[sflag:s31] =	ssyncset.done $0x0  }
0x146: {  	s14 =	sshll.u32 s14, $0xC;
	[sflag:s31] =	ssyncadd.s32 $0xFFFFD800  }
0x147: {  	[spmem:s2] =	stream.indirect.scatter.add.f32 [tilespmem:s28], [sflag:$0x6], $0x80, s11, s24, $0xb8;
	[tilespmem:$0x1D800] =	vst v63  }
0x148: {  	s14 =	sadd.s32 s6, s14;
	_ =	swait.ge [sflag:s23], $0x2800  }
0x149: {  	s14 =	sshrl.u32 s14, $0x3;
	[sflag:s23] =	ssyncset.done $0x0  }
0x14a: {  	s14 =	sadd.s32 s5, s14;
	[sflag:s23] =	ssyncadd.s32 $0xFFFFD800  }
0x14b: {  	[tilespmem:s19], [sflag:$0x1] =	stream.linear.gather [hbm4b:s14+s3], $0xC80, $0x38;
	[tilespmem:$0x1D800] =	vst v63  }
0x14c: {  	_ = 	snop  }
0x14d: {  	[spmem:s2] =	stream.indirect.scatter.add.f32 [tilespmem:s25], [sflag:$0x4], $0x80, s12, s24, $0xb8;
	[tilespmem:$0x1D800] =	vst v63  }
0x14e: {  	_ =	swait.ge [sflag:s26], $0x2800  }
0x14f: {  	[sflag:s26] =	ssyncset.done $0x0  }
0x150: {  	[sflag:s26] =	ssyncadd.s32 $0xFFFFD800  }
0x151: {  	_ =	swait.ge [sflag:s0], $0x2800  }
0x152: {  	[sflag:s0] =	ssyncset.done $0x0  }
0x153: {  	[sflag:s0] =	ssyncadd.s32 $0xFFFFD800  }
0x154: {  	s18 =	smov.u32 s15;
	s14 =	simm.s32 $0x2;
	_ =	swait.ge [sflag:s30], $0x2800  }
.LBB2_4:
0x155: {  	[sflag:s30] =	ssyncset.done $0x0  }
0x156: {  	s18 =	sadd.s32 $0x200, s18;
	[sflag:s30] =	ssyncadd.s32 $0xFFFFD800  }
0x157: {  	[tilespmem:s22], [sflag:$0x5] =	stream.linear.gather [hbm4b:s18+s3], $0xC80, $0x38;
	[tilespmem:$0x1D800] =	vst v63  }
0x158: {  	_ =	swait.ge [sflag:s23], $0xC80  }
0x159: {  	[sflag:s23] =	ssyncset.done $0x0  }
0x15a: {  	[sflag:s23] =	ssyncadd.s32 $0xFFFFF380  }
0x15b: {  	[tilespmem:s25], [sflag:$0x1] =	stream.indirect.gather [hbm4b:s1+s24], $0x80, s19, s24, $0xb8;
	[tilespmem:$0x1D800] =	vst v63  }
0x15c: {  	s17 =	rddreg [dreg:$0x4]  }
0x15d: {  	[tilespmem:s20], [sflag:$0x2] =	stream.indirect.gather [hbm4b:s1+s24], $0x80, s17, s24, $0xb8;
	[tilespmem:$0x1D800] =	vst v63  }
0x15e: {  	_ =	swait.ge [sflag:s23], $0x2800  }
0x15f: {  	[sflag:s23] =	ssyncset.done $0x0  }
0x160: {  	[sflag:s23] =	ssyncadd.s32 $0xFFFFD800  }
0x161: {  	_ =	swait.ge [sflag:s26], $0xC80  }
0x162: {  	[sflag:s26] =	ssyncset.done $0x0  }
0x163: {  	[sflag:s26] =	ssyncadd.s32 $0xFFFFF380  }
0x164: {  	[spmem:s2] =	stream.indirect.scatter.add.f32 [tilespmem:s25], [sflag:$0x4], $0x80, s22, s24, $0xb8;
	[tilespmem:$0x1D800] =	vst v63  }
0x165: {  	s17 =	rddreg [dreg:$0x5]  }
0x166: {  	[tilespmem:s28], [sflag:$0x3] =	stream.indirect.gather [hbm4b:s1+s24], $0x80, s17, s24, $0xb8;
	[tilespmem:$0x1D800] =	vst v63  }
0x167: {  	_ =	swait.ge [sflag:s29], $0x2800  }
0x168: {  	[sflag:s29] =	ssyncset.done $0x0  }
0x169: {  	s17 =	rddreg [dreg:$0x6];
	[sflag:s29] =	ssyncadd.s32 $0xFFFFD800  }
0x16a: {  	[spmem:s2] =	stream.indirect.scatter.add.f32 [tilespmem:s20], [sflag:$0x5], $0x80, s17, s24, $0xb8;
	[tilespmem:$0x1D800] =	vst v63  }
0x16b: {  	_ =	swait.ge [sflag:s30], $0x2800  }
0x16c: {  	[sflag:s30] =	ssyncset.done $0x0  }
0x16d: {  	s17 =	rddreg [dreg:$0x7];
	[sflag:s30] =	ssyncadd.s32 $0xFFFFD800  }
0x16e: {  	[tilespmem:s25], [sflag:$0x1] =	stream.indirect.gather [hbm4b:s1+s24], $0x80, s17, s24, $0xb8;
	[tilespmem:$0x1D800] =	vst v63  }
0x16f: {  	_ =	swait.ge [sflag:s31], $0x2800  }
0x170: {  	[sflag:s31] =	ssyncset.done $0x0  }
0x171: {  	s17 =	rddreg [dreg:$0x8];
	[sflag:s31] =	ssyncadd.s32 $0xFFFFD800  }
0x172: {  	[spmem:s2] =	stream.indirect.scatter.add.f32 [tilespmem:s28], [sflag:$0x6], $0x80, s17, s24, $0xb8;
	[tilespmem:$0x1D800] =	vst v63  }
0x173: {  	_ =	swait.ge [sflag:s26], $0x2800  }
0x174: {  	[sflag:s26] =	ssyncset.done $0x0  }
0x175: {  	s17 =	rddreg [dreg:$0x9];
	[sflag:s26] =	ssyncadd.s32 $0xFFFFD800  }
0x176: {  	[tilespmem:s20], [sflag:$0x2] =	stream.indirect.gather [hbm4b:s1+s24], $0x80, s17, s24, $0xb8;
	[tilespmem:$0x1D800] =	vst v63  }
0x177: {  	_ =	swait.ge [sflag:s23], $0x2800  }
0x178: {  	[sflag:s23] =	ssyncset.done $0x0  }
0x179: {  	s17 =	rddreg [dreg:$0xa];
	[sflag:s23] =	ssyncadd.s32 $0xFFFFD800  }
0x17a: {  	[spmem:s2] =	stream.indirect.scatter.add.f32 [tilespmem:s25], [sflag:$0x4], $0x80, s17, s24, $0xb8;
	[tilespmem:$0x1D800] =	vst v63  }
0x17b: {  	_ =	swait.ge [sflag:s0], $0x2800  }
0x17c: {  	[sflag:s0] =	ssyncset.done $0x0  }
0x17d: {  	s17 =	rddreg [dreg:$0xb];
	[sflag:s0] =	ssyncadd.s32 $0xFFFFD800  }
0x17e: {  	[tilespmem:s28], [sflag:$0x3] =	stream.indirect.gather [hbm4b:s1+s24], $0x80, s17, s24, $0xb8;
	[tilespmem:$0x1D800] =	vst v63  }
0x17f: {  	_ =	swait.ge [sflag:s29], $0x2800  }
0x180: {  	[sflag:s29] =	ssyncset.done $0x0  }
0x181: {  	s17 =	rddreg [dreg:$0xc];
	[sflag:s29] =	ssyncadd.s32 $0xFFFFD800  }
0x182: {  	[spmem:s2] =	stream.indirect.scatter.add.f32 [tilespmem:s20], [sflag:$0x5], $0x80, s17, s24, $0xb8;
	[tilespmem:$0x1D800] =	vst v63  }
0x183: {  	_ =	swait.ge [sflag:s30], $0x2800  }
0x184: {  	[sflag:s30] =	ssyncset.done $0x0  }
0x185: {  	s17 =	rddreg [dreg:$0xd];
	[sflag:s30] =	ssyncadd.s32 $0xFFFFD800  }
0x186: {  	[tilespmem:s25], [sflag:$0x1] =	stream.indirect.gather [hbm4b:s1+s24], $0x80, s17, s24, $0xb8;
	[tilespmem:$0x1D800] =	vst v63  }
0x187: {  	_ =	swait.ge [sflag:s31], $0x2800  }
0x188: {  	[sflag:s31] =	ssyncset.done $0x0  }
0x189: {  	s17 =	rddreg [dreg:$0xe];
	[sflag:s31] =	ssyncadd.s32 $0xFFFFD800  }
0x18a: {  	[spmem:s2] =	stream.indirect.scatter.add.f32 [tilespmem:s28], [sflag:$0x6], $0x80, s17, s24, $0xb8;
	[tilespmem:$0x1D800] =	vst v63  }
0x18b: {  	_ =	swait.ge [sflag:s26], $0x2800  }
0x18c: {  	[sflag:s26] =	ssyncset.done $0x0  }
0x18d: {  	s17 =	rddreg [dreg:$0xf];
	[sflag:s26] =	ssyncadd.s32 $0xFFFFD800  }
0x18e: {  	[tilespmem:s20], [sflag:$0x2] =	stream.indirect.gather [hbm4b:s1+s24], $0x80, s17, s24, $0xb8;
	[tilespmem:$0x1D800] =	vst v63  }
0x18f: {  	_ =	swait.ge [sflag:s23], $0x2800  }
0x190: {  	[sflag:s23] =	ssyncset.done $0x0  }
0x191: {  	s17 =	rddreg [dreg:$0x10];
	[sflag:s23] =	ssyncadd.s32 $0xFFFFD800  }
0x192: {  	[spmem:s2] =	stream.indirect.scatter.add.f32 [tilespmem:s25], [sflag:$0x4], $0x80, s17, s24, $0xb8;
	[tilespmem:$0x1D800] =	vst v63  }
0x193: {  	_ =	swait.ge [sflag:s0], $0x2800  }
0x194: {  	[sflag:s0] =	ssyncset.done $0x0  }
0x195: {  	s17 =	rddreg [dreg:$0x11];
	[sflag:s0] =	ssyncadd.s32 $0xFFFFD800  }
0x196: {  	[tilespmem:s28], [sflag:$0x3] =	stream.indirect.gather [hbm4b:s1+s24], $0x80, s17, s24, $0xb8;
	[tilespmem:$0x1D800] =	vst v63  }
0x197: {  	_ =	swait.ge [sflag:s29], $0x2800  }
0x198: {  	[sflag:s29] =	ssyncset.done $0x0  }
0x199: {  	s17 =	rddreg [dreg:$0x12];
	[sflag:s29] =	ssyncadd.s32 $0xFFFFD800  }
0x19a: {  	[spmem:s2] =	stream.indirect.scatter.add.f32 [tilespmem:s20], [sflag:$0x5], $0x80, s17, s24, $0xb8;
	[tilespmem:$0x1D800] =	vst v63  }
0x19b: {  	_ =	swait.ge [sflag:s30], $0x2800  }
0x19c: {  	[sflag:s30] =	ssyncset.done $0x0  }
0x19d: {  	s17 =	rddreg [dreg:$0x13];
	[sflag:s30] =	ssyncadd.s32 $0xFFFFD800  }
0x19e: {  	[tilespmem:s25], [sflag:$0x1] =	stream.indirect.gather [hbm4b:s1+s24], $0x80, s17, s24, $0xb8;
	[tilespmem:$0x1D800] =	vst v63  }
0x19f: {  	_ =	swait.ge [sflag:s31], $0x2800  }
0x1a0: {  	[sflag:s31] =	ssyncset.done $0x0  }
0x1a1: {  	s17 =	rddreg [dreg:$0x14];
	[sflag:s31] =	ssyncadd.s32 $0xFFFFD800  }
0x1a2: {  	[spmem:s2] =	stream.indirect.scatter.add.f32 [tilespmem:s28], [sflag:$0x6], $0x80, s17, s24, $0xb8;
	[tilespmem:$0x1D800] =	vst v63  }
0x1a3: {  	_ =	swait.ge [sflag:s26], $0x2800  }
0x1a4: {  	[sflag:s26] =	ssyncset.done $0x0  }
0x1a5: {  	s17 =	rddreg [dreg:$0x15];
	[sflag:s26] =	ssyncadd.s32 $0xFFFFD800  }
0x1a6: {  	[tilespmem:s20], [sflag:$0x2] =	stream.indirect.gather [hbm4b:s1+s24], $0x80, s17, s24, $0xb8;
	[tilespmem:$0x1D800] =	vst v63  }
0x1a7: {  	_ =	swait.ge [sflag:s23], $0x2800  }
0x1a8: {  	[sflag:s23] =	ssyncset.done $0x0  }
0x1a9: {  	s17 =	rddreg [dreg:$0x16];
	[sflag:s23] =	ssyncadd.s32 $0xFFFFD800  }
0x1aa: {  	[spmem:s2] =	stream.indirect.scatter.add.f32 [tilespmem:s25], [sflag:$0x4], $0x80, s17, s24, $0xb8;
	[tilespmem:$0x1D800] =	vst v63  }
0x1ab: {  	_ =	swait.ge [sflag:s0], $0x2800  }
0x1ac: {  	[sflag:s0] =	ssyncset.done $0x0  }
0x1ad: {  	s17 =	rddreg [dreg:$0x17];
	[sflag:s0] =	ssyncadd.s32 $0xFFFFD800  }
0x1ae: {  	[tilespmem:s28], [sflag:$0x3] =	stream.indirect.gather [hbm4b:s1+s24], $0x80, s17, s24, $0xb8;
	[tilespmem:$0x1D800] =	vst v63  }
0x1af: {  	_ =	swait.ge [sflag:s29], $0x2800  }
0x1b0: {  	[sflag:s29] =	ssyncset.done $0x0  }
0x1b1: {  	s17 =	rddreg [dreg:$0x18];
	[sflag:s29] =	ssyncadd.s32 $0xFFFFD800  }
0x1b2: {  	[spmem:s2] =	stream.indirect.scatter.add.f32 [tilespmem:s20], [sflag:$0x5], $0x80, s17, s24, $0xb8;
	[tilespmem:$0x1D800] =	vst v63  }
0x1b3: {  	_ =	swait.ge [sflag:s30], $0x2800  }
0x1b4: {  	[sflag:s30] =	ssyncset.done $0x0  }
0x1b5: {  	s17 =	rddreg [dreg:$0x19];
	[sflag:s30] =	ssyncadd.s32 $0xFFFFD800  }
0x1b6: {  	[tilespmem:s25], [sflag:$0x1] =	stream.indirect.gather [hbm4b:s1+s24], $0x80, s17, s24, $0xb8;
	[tilespmem:$0x1D800] =	vst v63  }
0x1b7: {  	_ =	swait.ge [sflag:s31], $0x2800  }
0x1b8: {  	[sflag:s31] =	ssyncset.done $0x0  }
0x1b9: {  	s17 =	rddreg [dreg:$0x1a];
	[sflag:s31] =	ssyncadd.s32 $0xFFFFD800  }
0x1ba: {  	[spmem:s2] =	stream.indirect.scatter.add.f32 [tilespmem:s28], [sflag:$0x6], $0x80, s17, s24, $0xb8;
	[tilespmem:$0x1D800] =	vst v63  }
0x1bb: {  	_ =	swait.ge [sflag:s26], $0x2800  }
0x1bc: {  	[sflag:s26] =	ssyncset.done $0x0  }
0x1bd: {  	s17 =	rddreg [dreg:$0x1b];
	[sflag:s26] =	ssyncadd.s32 $0xFFFFD800  }
0x1be: {  	[tilespmem:s20], [sflag:$0x2] =	stream.indirect.gather [hbm4b:s1+s24], $0x80, s17, s24, $0xb8;
	[tilespmem:$0x1D800] =	vst v63  }
0x1bf: {  	_ =	swait.ge [sflag:s23], $0x2800  }
0x1c0: {  	[sflag:s23] =	ssyncset.done $0x0  }
0x1c1: {  	s17 =	rddreg [dreg:$0x1c];
	[sflag:s23] =	ssyncadd.s32 $0xFFFFD800  }
0x1c2: {  	[spmem:s2] =	stream.indirect.scatter.add.f32 [tilespmem:s25], [sflag:$0x4], $0x80, s17, s24, $0xb8;
	[tilespmem:$0x1D800] =	vst v63  }
0x1c3: {  	_ =	swait.ge [sflag:s0], $0x2800  }
0x1c4: {  	[sflag:s0] =	ssyncset.done $0x0  }
0x1c5: {  	s17 =	rddreg [dreg:$0x1d];
	[sflag:s0] =	ssyncadd.s32 $0xFFFFD800  }
0x1c6: {  	[tilespmem:s28], [sflag:$0x3] =	stream.indirect.gather [hbm4b:s1+s24], $0x80, s17, s24, $0xb8;
	[tilespmem:$0x1D800] =	vst v63  }
0x1c7: {  	_ =	swait.ge [sflag:s29], $0x2800  }
0x1c8: {  	[sflag:s29] =	ssyncset.done $0x0  }
0x1c9: {  	s17 =	rddreg [dreg:$0x1e];
	[sflag:s29] =	ssyncadd.s32 $0xFFFFD800  }
0x1ca: {  	[spmem:s2] =	stream.indirect.scatter.add.f32 [tilespmem:s20], [sflag:$0x5], $0x80, s17, s24, $0xb8;
	[tilespmem:$0x1D800] =	vst v63  }
0x1cb: {  	_ =	swait.ge [sflag:s30], $0x2800  }
0x1cc: {  	[sflag:s30] =	ssyncset.done $0x0  }
0x1cd: {  	s17 =	rddreg [dreg:$0x1f];
	[sflag:s30] =	ssyncadd.s32 $0xFFFFD800  }
0x1ce: {  	[tilespmem:s25], [sflag:$0x1] =	stream.indirect.gather [hbm4b:s1+s24], $0x80, s17, s24, $0xb8;
	[tilespmem:$0x1D800] =	vst v63  }
0x1cf: {  	_ =	swait.ge [sflag:s31], $0x2800  }
0x1d0: {  	s17 =	sld [smem:$0x7EF]  }
0x1d1: {  	[sflag:s31] =	ssyncset.done $0x0  }
0x1d2: {  	[sflag:s31] =	ssyncadd.s32 $0xFFFFD800  }
0x1d3: {  	[spmem:s2] =	stream.indirect.scatter.add.f32 [tilespmem:s28], [sflag:$0x6], $0x80, s17, s24, $0xb8;
	[tilespmem:$0x1D800] =	vst v63  }
0x1d4: {  	_ =	swait.ge [sflag:s26], $0x2800  }
0x1d5: {  	s17 =	sld [smem:$0x7F0]  }
0x1d6: {  	[sflag:s26] =	ssyncset.done $0x0  }
0x1d7: {  	[sflag:s26] =	ssyncadd.s32 $0xFFFFD800  }
0x1d8: {  	[tilespmem:s20], [sflag:$0x2] =	stream.indirect.gather [hbm4b:s1+s24], $0x80, s17, s24, $0xb8;
	[tilespmem:$0x1D800] =	vst v63  }
0x1d9: {  	_ =	swait.ge [sflag:s23], $0x2800  }
0x1da: {  	s17 =	sld [smem:$0x7F2]  }
0x1db: {  	[sflag:s23] =	ssyncset.done $0x0  }
0x1dc: {  	[sflag:s23] =	ssyncadd.s32 $0xFFFFD800  }
0x1dd: {  	[spmem:s2] =	stream.indirect.scatter.add.f32 [tilespmem:s25], [sflag:$0x4], $0x80, s17, s24, $0xb8;
	[tilespmem:$0x1D800] =	vst v63  }
0x1de: {  	_ =	swait.ge [sflag:s0], $0x2800  }
0x1df: {  	s17 =	sld [smem:$0x7F3]  }
0x1e0: {  	[sflag:s0] =	ssyncset.done $0x0  }
0x1e1: {  	[sflag:s0] =	ssyncadd.s32 $0xFFFFD800  }
0x1e2: {  	[tilespmem:s28], [sflag:$0x3] =	stream.indirect.gather [hbm4b:s1+s24], $0x80, s17, s24, $0xb8;
	[tilespmem:$0x1D800] =	vst v63  }
0x1e3: {  	_ =	swait.ge [sflag:s29], $0x2800  }
0x1e4: {  	s17 =	sld [smem:$0x7F4]  }
0x1e5: {  	[sflag:s29] =	ssyncset.done $0x0  }
0x1e6: {  	[sflag:s29] =	ssyncadd.s32 $0xFFFFD800  }
0x1e7: {  	[spmem:s2] =	stream.indirect.scatter.add.f32 [tilespmem:s20], [sflag:$0x5], $0x80, s17, s24, $0xb8;
	[tilespmem:$0x1D800] =	vst v63  }
0x1e8: {  	_ =	swait.ge [sflag:s30], $0x2800  }
0x1e9: {  	s17 =	sld [smem:$0x7F5]  }
0x1ea: {  	[sflag:s30] =	ssyncset.done $0x0  }
0x1eb: {  	[sflag:s30] =	ssyncadd.s32 $0xFFFFD800  }
0x1ec: {  	[tilespmem:s25], [sflag:$0x1] =	stream.indirect.gather [hbm4b:s1+s24], $0x80, s17, s24, $0xb8;
	[tilespmem:$0x1D800] =	vst v63  }
0x1ed: {  	_ =	swait.ge [sflag:s31], $0x2800  }
0x1ee: {  	s17 =	sld [smem:$0x7F6]  }
0x1ef: {  	[sflag:s31] =	ssyncset.done $0x0  }
0x1f0: {  	[sflag:s31] =	ssyncadd.s32 $0xFFFFD800  }
0x1f1: {  	[spmem:s2] =	stream.indirect.scatter.add.f32 [tilespmem:s28], [sflag:$0x6], $0x80, s17, s24, $0xb8;
	[tilespmem:$0x1D800] =	vst v63  }
0x1f2: {  	_ =	swait.ge [sflag:s26], $0x2800  }
0x1f3: {  	s17 =	sld [smem:$0x7F7]  }
0x1f4: {  	[sflag:s26] =	ssyncset.done $0x0  }
0x1f5: {  	[sflag:s26] =	ssyncadd.s32 $0xFFFFD800  }
0x1f6: {  	[tilespmem:s20], [sflag:$0x2] =	stream.indirect.gather [hbm4b:s1+s24], $0x80, s17, s24, $0xb8;
	[tilespmem:$0x1D800] =	vst v63  }
0x1f7: {  	_ =	swait.ge [sflag:s23], $0x2800  }
0x1f8: {  	s17 =	sld [smem:$0x7F8]  }
0x1f9: {  	[sflag:s23] =	ssyncset.done $0x0  }
0x1fa: {  	[sflag:s23] =	ssyncadd.s32 $0xFFFFD800  }
0x1fb: {  	[spmem:s2] =	stream.indirect.scatter.add.f32 [tilespmem:s25], [sflag:$0x4], $0x80, s17, s24, $0xb8;
	[tilespmem:$0x1D800] =	vst v63  }
0x1fc: {  	_ =	swait.ge [sflag:s0], $0x2800  }
0x1fd: {  	s17 =	sld [smem:$0x7F9]  }
0x1fe: {  	[sflag:s0] =	ssyncset.done $0x0  }
0x1ff: {  	[sflag:s0] =	ssyncadd.s32 $0xFFFFD800  }
0x200: {  	[tilespmem:s28], [sflag:$0x3] =	stream.indirect.gather [hbm4b:s1+s24], $0x80, s17, s24, $0xb8;
	[tilespmem:$0x1D800] =	vst v63  }
0x201: {  	_ =	swait.ge [sflag:s29], $0x2800  }
0x202: {  	s17 =	sld [smem:$0x7FA]  }
0x203: {  	[sflag:s29] =	ssyncset.done $0x0  }
0x204: {  	[sflag:s29] =	ssyncadd.s32 $0xFFFFD800  }
0x205: {  	[spmem:s2] =	stream.indirect.scatter.add.f32 [tilespmem:s20], [sflag:$0x5], $0x80, s17, s24, $0xb8;
	[tilespmem:$0x1D800] =	vst v63  }
0x206: {  	_ =	swait.ge [sflag:s30], $0x2800  }
0x207: {  	s17 =	sld [smem:$0x7FB]  }
0x208: {  	[sflag:s30] =	ssyncset.done $0x0  }
0x209: {  	[sflag:s30] =	ssyncadd.s32 $0xFFFFD800  }
0x20a: {  	[tilespmem:s25], [sflag:$0x1] =	stream.indirect.gather [hbm4b:s1+s24], $0x80, s17, s24, $0xb8;
	[tilespmem:$0x1D800] =	vst v63  }
0x20b: {  	_ =	swait.ge [sflag:s31], $0x2800  }
0x20c: {  	s17 =	sld [smem:$0x7FC]  }
0x20d: {  	[sflag:s31] =	ssyncset.done $0x0  }
0x20e: {  	[sflag:s31] =	ssyncadd.s32 $0xFFFFD800  }
0x20f: {  	[spmem:s2] =	stream.indirect.scatter.add.f32 [tilespmem:s28], [sflag:$0x6], $0x80, s17, s24, $0xb8;
	[tilespmem:$0x1D800] =	vst v63  }
0x210: {  	_ =	swait.ge [sflag:s26], $0x2800  }
0x211: {  	s17 =	sld [smem:$0x7FD]  }
0x212: {  	[sflag:s26] =	ssyncset.done $0x0  }
0x213: {  	[sflag:s26] =	ssyncadd.s32 $0xFFFFD800  }
0x214: {  	[tilespmem:s20], [sflag:$0x2] =	stream.indirect.gather [hbm4b:s1+s24], $0x80, s17, s24, $0xb8;
	[tilespmem:$0x1D800] =	vst v63  }
0x215: {  	_ =	swait.ge [sflag:s23], $0x2800  }
0x216: {  	[sflag:s23] =	ssyncset.done $0x0  }
0x217: {  	[sflag:s23] =	ssyncadd.s32 $0xFFFFD800  }
0x218: {  	[spmem:s2] =	stream.indirect.scatter.add.f32 [tilespmem:s25], [sflag:$0x4], $0x80, s4, s24, $0xb8;
	[tilespmem:$0x1D800] =	vst v63  }
0x219: {  	_ =	swait.ge [sflag:s0], $0x2800  }
0x21a: {  	[sflag:s0] =	ssyncset.done $0x0  }
0x21b: {  	[sflag:s0] =	ssyncadd.s32 $0xFFFFD800  }
0x21c: {  	[tilespmem:s28], [sflag:$0x3] =	stream.indirect.gather [hbm4b:s1+s24], $0x80, s7, s24, $0xb8;
	[tilespmem:$0x1D800] =	vst v63  }
0x21d: {  	_ =	swait.ge [sflag:s29], $0x2800  }
0x21e: {  	[sflag:s29] =	ssyncset.done $0x0  }
0x21f: {  	[sflag:s29] =	ssyncadd.s32 $0xFFFFD800  }
0x220: {  	[spmem:s2] =	stream.indirect.scatter.add.f32 [tilespmem:s20], [sflag:$0x5], $0x80, s9, s24, $0xb8;
	[tilespmem:$0x1D800] =	vst v63  }
0x221: {  	_ =	swait.ge [sflag:s30], $0x2800  }
0x222: {  	[sflag:s30] =	ssyncset.done $0x0  }
0x223: {  	s16 =	smov.u32 s14;
	[sflag:s30] =	ssyncadd.s32 $0xFFFFD800  }
0x224: {  	[tilespmem:s25], [sflag:$0x1] =	stream.indirect.gather [hbm4b:s1+s24], $0x80, s10, s24, $0xb8;
	[tilespmem:$0x1D800] =	vst v63  }
0x225: {  	p1 =	slt.s32 s16, $0x4;
	_ =	swait.ge [sflag:s31], $0x2800  }
0x226: {  	s16 =	simm.s32 @!p1 $0x4;
	[sflag:s31] =	ssyncset.done $0x0  }
0x227: {  	s16 =	sshll.u32 s16, $0xC;
	[sflag:s31] =	ssyncadd.s32 $0xFFFFD800  }
0x228: {  	[spmem:s2] =	stream.indirect.scatter.add.f32 [tilespmem:s28], [sflag:$0x6], $0x80, s11, s24, $0xb8;
	[tilespmem:$0x1D800] =	vst v63  }
0x229: {  	s16 =	sadd.s32 s6, s16;
	_ =	swait.ge [sflag:s23], $0x2800  }
0x22a: {  	s16 =	sshrl.u32 s16, $0x3;
	[sflag:s23] =	ssyncset.done $0x0  }
0x22b: {  	s16 =	sadd.s32 s5, s16;
	[sflag:s23] =	ssyncadd.s32 $0xFFFFD800  }
0x22c: {  	[tilespmem:s19], [sflag:$0x1] =	stream.linear.gather [hbm4b:s16+s3], $0xC80, $0x38;
	[tilespmem:$0x1D800] =	vst v63  }
0x22d: {  	_ = 	snop  }
0x22e: {  	[spmem:s2] =	stream.indirect.scatter.add.f32 [tilespmem:s25], [sflag:$0x4], $0x80, s12, s24, $0xb8;
	[tilespmem:$0x1D800] =	vst v63  }
0x22f: {  	_ =	swait.ge [sflag:s26], $0x2800  }
0x230: {  	p0 =	sne.s32 s14, $0x5;
	[sflag:s26] =	ssyncset.done $0x0  }
.Ltmp1:
0x231: {  	[sflag:s26] =	ssyncadd.s32 $0xFFFFD800;
	(pc) =	sbr.rel @p0 .LBB2_4-.Ltmp1, $4  }
0x232: {  	_ =	swait.ge [sflag:s0], $0x2800  }
0x233: {  	[sflag:s0] =	ssyncset.done $0x0  }
0x234: {  	[sflag:s0] =	ssyncadd.s32 $0xFFFFD800  }
0x235: {  	s14 =	sadd.s32 $0x1, s14;
	_ =	swait.ge [sflag:s30], $0x2800  }
0x236: {  	[sflag:s30] =	ssyncset.done $0x0  }
0x237: {  	[sflag:s30] =	ssyncadd.s32 $0xFFFFD800  }
0x238: {  	_ =	swait.ge [sflag:s23], $0xC80  }
0x239: {  	[sflag:s23] =	ssyncset.done $0x0  }
0x23a: {  	[sflag:s23] =	ssyncadd.s32 $0xFFFFF380  }
0x23b: {  	[bflag:$0x0] =	sbarrier.arrive $0xFFFF  }
0x23c: {  	s14 =	stileid.u32;
	s17 =	sld [smem:$0x7EE]  }
0x23d: {  	s14 =	sshll.u32 s14, $0x6  }
0x23e: {  	s16 =	sshrl.u32 s8, $0x3;
	s14 =	sor.u32 $0x1C07, s14  }
0x23f: {  	[hbm:s17], [sflag:s14] =	dma.local [spmem:s16], $0x2800  }
0x240: {  	_ =	swait.ge [sflag:s21], $0x2800  }
0x241: {  	s18 =	sld [smem:$0x7F1];
	_ =	sdelay $0x1  }
0x242: {  	s13 =	sadd.s32 $0x1, s13  }
0x243: {  	p0 =	sne.s32 s13, s18  }
.Ltmp2:
0x244: {  	_ = 	snop;
	(pc) =	sbr.rel @p0 .LBB2_1-.Ltmp2, $3  }
0x245: {  	_ =	sdelay $0x1  }
0x246: {  	[sflag:s21] =	ssyncset.done $0x0  }
0x247: {  	[sflag:s21] =	ssyncadd.s32 $0xFFFFD800  }
0x248: {  	_ =	sfence.sel $0x180000  }
0x249: {  	[bflag:$0x0] =	sbarrier.arrive $0xFFFF  }
0x24a: {  	_ =	strace $0x9000004A  }
0x24b: {  	s0 =	stileid.u32;
	[bflag:$0x2] =	sbarrier.arrive $0xFFFF  }
0x24c: {  	p0 =	sne.s32 s0, $0x0;
	s0 =	rddreg [dreg:$0x3]  }
0x24d: {  	s0 =	sadd.s32 @!p0 $0x100000, s0  }
0x24e: {  	[sflag:s0] =	ssyncadd.tile.s32 @!p0 $0x1;
	_ =	shalt  }
.Lfunc_end2:
_tile_overlayer_lowered:
.L_overlay_start_2:
0x24f: {  	(tag) =	ssettag $0x2  }
0x250: {  	s0 =	rddreg [dreg:$0x0];
	s2 =	stileid.u32  }
0x251: {  	s1 =	rddreg [dreg:$0x1];
	p0 =	sne.s32 s2, $0x0  }
0x252: {  	s3 =	rddreg [dreg:$0x2];
	[bflag:$0x3] =	sbarrier.arrive $0xFFFF;
	s2 =	simm.s32 @!p0 $0x1C07  }
0x253: {  	[timem:s3], [sflag:s2] =	dma.local @!p0 [hbm:s0], s1  }
0x254: {  	s0 =	simm.s32 @!p0 $0x7  }
0x255: {  	_ =	swait.ge @!p0 [sflag:s0], s1  }
0x256: {  	s1 =	ssub.s32 @!p0 $0x0, s1;
	[sflag:s0] =	ssyncset.done @!p0 $0x0  }
0x257: {  	[sflag:s0] =	ssyncadd.s32 @!p0 s1  }
0x258: {  	[bflag:$0x3] =	sbarrier.arrive $0xFFFF  }
0x259: {  	_ =	shalt  }

// kernel: kernel.18.cloned.1.call-start
scs
__scs_entry_jumppad:
0x0: {  	(pc) =	sbr.rel $0x88, $3  }
0x1: {  	(tag) =	ssettag $0x0;
	lr =	simm.s32 $0x1  }
0x2: {  	[smem:$0x3F96] =	sst lr;
	_ =	strace $0xD0000000  }
0x3: {  	_ = 	snop  }
0x4: {  	_ = 	snop  }
0x5: {  	_ = 	snop  }
0x6: {  	_ = 	snop  }
0x7: {  	_ = 	snop  }
__scs_overlays_trampoline_lowered:
0x8: {  	[smem:$0x3FA5] =	sst s0  }
0x9: {  	[smem:$0x3FA6] =	sst s1  }
0xa: {  	[smem:$0x3FA7] =	sst s2  }
0xb: {  	[smem:$0x3FA8] =	sst s3  }
0xc: {  	[smem:$0x3FA9] =	sst s4  }
0xd: {  	[smem:$0x3FAA] =	sst s5  }
0xe: {  	[smem:$0x3FAB] =	sst s6  }
0xf: {  	[smem:$0x3FAC] =	sst s7  }
0x10: {  	[smem:$0x3FAD] =	sst s8  }
0x11: {  	[smem:$0x3FAE] =	sst s9;
	s0 =	simm.s32 @!p0 $0x0  }
0x12: {  	s1 =	sld [smem:$0x3F94];
	s0 =	simm.s32 @p0 $0x1  }
0x13: {  	[smem:$0x3FAF] =	sst s0;
	s0 =	simm.s32 @!p1 $0x0  }
0x14: {  	s2 =	sld [smem:$0x3F93];
	s0 =	simm.s32 @p1 $0x1  }
0x15: {  	[smem:$0x3FB0] =	sst s0;
	s0 =	simm.s32 @!p2 $0x0  }
0x16: {  	s3 =	sld [smem:$0x3FDB];
	s0 =	simm.s32 @p2 $0x1  }
0x17: {  	s4 =	simm.s32 $0x1BF5;
	[smem:$0x3FB2] =	sst s0  }
0x18: {  	s0 =	sld [smem:$0x3F95];
	_ =	swait.ge [sflag:s4], $0x0  }
0x19: {  	s7 =	sld [smem:$0x3F96]  }
0x1a: {  	s8 =	sadd.s32 $0xFFFFE003, lr  }
0x1b: {  	s9 =	sadd.s32 $0xFFFFFEF7, lr;
	s5 =	simm.s32 $0xFFFFFFFF;
	p2 =	slt.u32 s8, $0xFFFFF086  }
0x1c: {  	p1 =	slt.u32 s9, $0xF7A;
	s5 =	simm.s32 @!p2 $0x0  }
0x1d: {  	s5 =	simm.s32 @p1 $0x1;
	p0 =	seq.s32 s7, s2  }
0x1e: {  	s7 =	smul.u32 @!p0 $0xF7A, s2;
	p2 =	seq.s32 @!p0 s5, $0x0  }
0x1f: {  	s9 =	smul.u32 $0xF7A, s1;
	s8 =	simm.s32 @!p0 $0x1BF5;
	p2 =	por !p2, p0  }
0x20: {  	[sflag:s8] =	ssyncset.s32 @!p0 $0xFFFFF086;
	s6 =	sadd.s32 @!p0 s3, s7;
	s7 =	simm.s32 @!p0 $0x108  }
0x21: {  	s3 =	sadd.s32 s3, s9;
	s6 =	sadd.s32 @!p0 $0x88, s6;
	s7 =	simm.s32 @p2 $0x1082  }
0x22: {  	[simem:s7], [sflag:s8] =	dma.local @!p0 [hbm:s6], $0xF7A  }
0x23: {  	s9 =	sor.u32 $0xD0000000, s2;
	s6 =	simm.s32 $0x108;
	_ =	swait.ge @!p0 [sflag:s8], $0x0  }
0x24: {  	s3 =	sadd.s32 $0x88, s3;
	s6 =	simm.s32 @!p1 $0x1082;
	[sflag:s4] =	ssyncset.s32 $0xFFFFF086  }
0x25: {  	[simem:s6], [sflag:s4] =	dma.local [hbm:s3], $0xF7A  }
0x26: {  	[smem:$0x3F96] =	sst s1;
	(tag) =	ssettag s2;
	_ =	strace s9  }
0x27: {  	s1 =	sld [smem:$0x3FA6]  }
0x28: {  	s2 =	sld [smem:$0x3FA7]  }
0x29: {  	s4 =	sld [smem:$0x3FA9]  }
0x2a: {  	p0 =	seq.s32 s5, $0x0;
	s5 =	sld [smem:$0x3FAA]  }
0x2b: {  	s6 =	sld [smem:$0x3FAB]  }
0x2c: {  	s7 =	sld [smem:$0x3FAC]  }
0x2d: {  	s3 =	simm.s32 $0x108;
	s8 =	sld [smem:$0x3FAD]  }
0x2e: {  	s3 =	simm.s32 @!p0 $0x1082;
	s9 =	sld [smem:$0x3FAE]  }
0x2f: {  	lr =	sadd.s32 s0, s3;
	s0 =	sld [smem:$0x3FA5]  }
0x30: {  	s3 =	sld [smem:$0x3FA8]  }
0x31: {  	[smem:$0x3FB1] =	sst s10  }
0x32: {  	s10 =	sld [smem:$0x3FAF];
	_ =	sdelay $0x3  }
0x33: {  	p0 =	seq.s32 s10, $0x1;
	s10 =	sld [smem:$0x3FB1];
	_ =	sdelay $0x3  }
0x34: {  	[smem:$0x3FB1] =	sst s10  }
0x35: {  	s10 =	sld [smem:$0x3FB0];
	_ =	sdelay $0x3  }
0x36: {  	p1 =	seq.s32 s10, $0x1;
	s10 =	sld [smem:$0x3FB1];
	_ =	sdelay $0x3  }
0x37: {  	[smem:$0x3FB1] =	sst s10  }
0x38: {  	s10 =	sld [smem:$0x3FB2]  }
0x39: {  	_ = 	snop;
	(pc) =	sbr.ind lr, $3  }
0x3a: {  	_ = 	snop  }
0x3b: {  	_ = 	snop  }
0x3c: {  	p2 =	seq.s32 s10, $0x1;
	s10 =	sld [smem:$0x3FB1]  }
0x3d: {  	_ =	shalt  }
0x3e: {  	_ =	shalt  }
0x3f: {  	_ =	shalt  }
0x40: {  	_ =	shalt  }
0x41: {  	_ =	shalt  }
0x42: {  	_ =	shalt  }
0x43: {  	_ =	shalt  }
0x44: {  	_ =	shalt  }
0x45: {  	_ =	shalt  }
0x46: {  	_ =	shalt  }
0x47: {  	_ =	shalt  }
0x48: {  	_ =	shalt  }
0x49: {  	_ =	shalt  }
0x4a: {  	_ =	shalt  }
0x4b: {  	_ =	shalt  }
0x4c: {  	_ =	shalt  }
0x4d: {  	_ =	shalt  }
0x4e: {  	_ =	shalt  }
0x4f: {  	_ =	shalt  }
0x50: {  	_ =	shalt  }
0x51: {  	_ =	shalt  }
0x52: {  	_ =	shalt  }
0x53: {  	_ =	shalt  }
0x54: {  	_ =	shalt  }
0x55: {  	_ =	shalt  }
0x56: {  	_ =	shalt  }
0x57: {  	_ =	shalt  }
0x58: {  	_ =	shalt  }
0x59: {  	_ =	shalt  }
0x5a: {  	_ =	shalt  }
0x5b: {  	_ =	shalt  }
0x5c: {  	_ =	shalt  }
0x5d: {  	_ =	shalt  }
0x5e: {  	_ =	shalt  }
0x5f: {  	_ =	shalt  }
0x60: {  	_ =	shalt  }
0x61: {  	_ =	shalt  }
0x62: {  	_ =	shalt  }
0x63: {  	_ =	shalt  }
0x64: {  	_ =	shalt  }
0x65: {  	_ =	shalt  }
0x66: {  	_ =	shalt  }
0x67: {  	_ =	shalt  }
0x68: {  	_ =	shalt  }
0x69: {  	_ =	shalt  }
0x6a: {  	_ =	shalt  }
0x6b: {  	_ =	shalt  }
0x6c: {  	_ =	shalt  }
0x6d: {  	_ =	shalt  }
0x6e: {  	_ =	shalt  }
0x6f: {  	_ =	shalt  }
0x70: {  	_ =	shalt  }
0x71: {  	_ =	shalt  }
0x72: {  	_ =	shalt  }
0x73: {  	_ =	shalt  }
0x74: {  	_ =	shalt  }
0x75: {  	_ =	shalt  }
0x76: {  	_ =	shalt  }
0x77: {  	_ =	shalt  }
0x78: {  	_ =	shalt  }
0x79: {  	_ =	shalt  }
0x7a: {  	_ =	shalt  }
0x7b: {  	_ =	shalt  }
0x7c: {  	_ =	shalt  }
0x7d: {  	_ =	shalt  }
0x7e: {  	_ =	shalt  }
0x7f: {  	_ =	shalt  }
0x80: {  	_ =	shalt  }
0x81: {  	_ =	shalt  }
0x82: {  	_ =	shalt  }
0x83: {  	_ =	shalt  }
0x84: {  	_ =	shalt  }
0x85: {  	_ =	shalt  }
0x86: {  	_ =	shalt  }
0x87: {  	_ =	shalt  }
.Lfunc_end0:
.L_simem_size_0:
called_computation.2_lowered:
.L_overlay_start_0:
0x88: {  	s2 =	sld [smem:$0x3FD9]  }
0x89: {  	s3 =	sld [smem:$0x3FFE];
	_ =	sdelay $0x1  }
0x8a: {  	s1 =	srdreg.scid  }
0x8b: {  	s0 =	sand.u32 $0x1, s1  }
0x8c: {  	s17 =	sshll.u32 s0, $0xA;
	s2 =	sadd.s32 s3, s2  }
0x8d: {  	s2 =	sadd.s32 s2, s17  }
0x8e: {  	[smem:$0x3FBD] =	sst s2  }
0x8f: {  	_ = 	snop  }
0x90: {  	s2 =	sld [smem:$0x3FD0];
	(tm) =	ssettm $0x1  }
0x91: {  	s18 =	sld [smem:$0x3FFB];
	_ =	sdelay $0x3  }
0x92: {  	_ =	strace s18  }
0x93: {  	s3 =	sld [smem:$0x3FFC];
	_ =	sdelay $0x3  }
0x94: {  	_ =	strace s3  }
0x95: {  	s3 =	sld [smem:$0x3FFD];
	_ =	sdelay $0x3  }
0x96: {  	_ =	strace s3  }
0x97: {  	_ =	strace $0x8FFFFFFF  }
0x98: {  	s19 =	sld [smem:$0x3FDB];
	_ =	sdelay $0x1  }
0x99: {  	s4 =	simm.s32 $_scs_section_size  }
0x9a: {  	s5 =	simm.s32 $_size__tile_overlayer_lowered;
	s6 =	simm.s32 $_tile_overlayer_lowered  }
0x9b: {  	s22 =	simm.s32 $0x1BFF;
	s21 =	sshll.u32 s6, $0x1;
	s3 =	sadd.s32 s4, s19  }
0x9c: {  	s7 =	simm.s32 $0x0;
	s20 =	sshll.u32 s5, $0x1;
	s5 =	sadd.s32 s21, s3  }
0x9d: {  	[timem:s7], [sflag:s22] =	dma.local [hbm:s5], s20  }
0x9e: {  	_ =	swait.ge [sflag:s22], s20  }
0x9f: {  	s4 =	ssub.s32 $0x0, s20;
	[sflag:s22] =	ssyncset.done $0x0  }
0xa0: {  	[sflag:s22] =	ssyncadd.s32 s4;
	_ =	sdelay $0x1  }
0xa1: {  	s23 =	simm.s32 $0x1B8B  }
0xa2: {  	_ =	swait.ge [sflag:s23], $0x1  }
0xa3: {  	[sflag:s23] =	ssyncset.done $0x0  }
0xa4: {  	s25 =	simm.s32 $0x1B8E;
	s24 =	sld [smem:$0x3FFE];
	[sflag:s23] =	ssyncadd.s32 $0xFFFFFFFF  }
0xa5: {  	s26 =	simm.s32 $execute0_lowered;
	[smem:$0x3FD2] =	sst s25  }
0xa6: {  	s5 =	sshll.u32 s26, $0x1;
	_ =	strace $0x8000004C;
	[dreg:$0x1] =	wrdreg $0xFFFFFFFF  }
0xa7: {  	s28 =	simm.s32 $_size_execute0_lowered;
	s3 =	sadd.s32 s3, s5;
	[dreg:$0x0] =	wrdreg $0x0  }
0xa8: {  	s5 =	sshll.u32 s28, $0x1;
	[dreg:$0x2] =	wrdreg s3  }
0xa9: {  	[dreg:$0x3] =	wrdreg s5  }
0xaa: {  	[dreg:$0x4] =	wrdreg $0xC0  }
0xab: {  	_ =	task [dreg:s7], $0x5FFFF  }
0xac: {  	[dreg:$0x1] =	wrdreg $0xFFFFFFFF  }
0xad: {  	[dreg:$0x0] =	wrdreg $0x60  }
0xae: {  	[dreg:$0x2] =	wrdreg s2  }
0xaf: {  	[dreg:$0x3] =	wrdreg s24  }
0xb0: {  	[dreg:$0x4] =	wrdreg $0x0  }
0xb1: {  	[dreg:$0x5] =	wrdreg $0x9  }
0xb2: {  	_ =	task.clear_ibuf [dreg:s7], $0x6FFFF;
	_ =	strace $0x9000004C  }
0xb3: {  	s29 =	simm.s32 $0x9;
	_ =	strace $0x8000004E  }
0xb4: {  	_ =	swait.ge [sflag:s29], $0x1  }
0xb5: {  	[sflag:s29] =	ssyncadd.s32 $0xFFFFFFFF  }
0xb6: {  	_ =	strace $0x9000004E  }
0xb7: {  	_ =	sfence  }
0xb8: {  	s30 =	sld [smem:$0x0];
	_ =	sdelay $0x2  }
0xb9: {  	s31 =	sshll.u32 s1, $0xD;
	s1 =	sshrl.u32 s1, $0x2  }
0xba: {  	s3 =	sand.u32 $0x4000, s31;
	s1 =	sadd.s32 s1, s30  }
0xbb: {  	s0 =	sor.u32 s3, s0;
	s1 =	sshll.u32 s1, $0x11  }
0xbc: {  	s0 =	sor.u32 s1, s0  }
0xbd: {  	s0 =	sadd.s32 $0x8F2B, s0  }
0xbe: {  	[sflag:s0] =	ssyncadd.remote.s32 $0x1  }
0xbf: {  	_ =	sfence.sel $0xFFFF  }
0xc0: {  	[dreg:$0x0] =	wrdreg $0xFFFFFFFF;
	(pc) =	sbr.abs _section_cstart, $3  }
0xc1: {  	[dreg:$0x1] =	wrdreg $0xFFFFFFFF  }
0xc2: {  	_ =	task.clear_ibuf [dreg:s7], $0x2FFFF;
	_ =	strace $0x9FFFFFFF  }
0xc3: {  	(tm) =	ssettm $0x7FFFFFFF  }
tec
execute0_lowered:
.L_overlay_start_1:
0x0: {  	(tag) =	ssettag $0x1  }
0x1: {  	s1 =	rddreg [dreg:$0x0]  }
0x2: {  	s4 =	rddreg [dreg:$0x1]  }
0x3: {  	s2 =	rddreg [dreg:$0x2];
	s3 =	simm.s32 $0x0  }
0x4: {  	s0 =	simm.s32 $0x14080;
	[smem:$0x7FF] =	sst s3  }
0x5: {  	s7 =	simm.s32 $0x14100;
	_ =	strace $0x8000004D;
	[dreg:$0x4] =	wrdreg s0  }
0x6: {  	s6 =	simm.s32 $0x15080;
	[dreg:$0x5] =	wrdreg s7  }
0x7: {  	s8 =	simm.s32 $0x14180;
	[dreg:$0x6] =	wrdreg s6  }
0x8: {  	s10 =	simm.s32 $0x15100;
	[dreg:$0x7] =	wrdreg s8  }
0x9: {  	s12 =	simm.s32 $0x15180;
	[dreg:$0x8] =	wrdreg s10  }
0xa: {  	s13 =	simm.s32 $0x14280;
	[dreg:$0xa] =	wrdreg s12  }
0xb: {  	s14 =	simm.s32 $0x15200;
	[dreg:$0xb] =	wrdreg s13  }
0xc: {  	s15 =	simm.s32 $0x14300;
	[dreg:$0xc] =	wrdreg s14  }
0xd: {  	s17 =	simm.s32 $0x15280;
	[dreg:$0xd] =	wrdreg s15  }
0xe: {  	s19 =	simm.s32 $0x14380;
	[dreg:$0xe] =	wrdreg s17  }
0xf: {  	s20 =	simm.s32 $0x15300;
	[dreg:$0xf] =	wrdreg s19  }
0x10: {  	s21 =	simm.s32 $0x15380;
	[dreg:$0x10] =	wrdreg s20  }
0x11: {  	s22 =	simm.s32 $0x14480;
	[dreg:$0x12] =	wrdreg s21  }
0x12: {  	s24 =	simm.s32 $0x15400;
	[dreg:$0x13] =	wrdreg s22  }
0x13: {  	s5 =	srdreg.scid;
	s26 =	simm.s32 $0x14500;
	[dreg:$0x14] =	wrdreg s24  }
0x14: {  	s11 =	stileid.u32;
	s8 =	simm.s32 $0x14200;
	[dreg:$0x15] =	wrdreg s26  }
0x15: {  	s28 =	simm.s32 $0x1B000;
	s10 =	simm.s32 $0x14400;
	[dreg:$0x9] =	wrdreg s8  }
0x16: {  	s29 =	simm.s32 $0x2;
	s12 =	simm.s32 $0x14580;
	[dreg:$0x11] =	wrdreg s10  }
0x17: {  	s30 =	simm.s32 $0x4;
	s13 =	simm.s32 $0x15500;
	[dreg:$0x17] =	wrdreg s12  }
0x18: {  	s31 =	simm.s32 $0x3;
	s15 =	simm.s32 $0x14600;
	[dreg:$0x18] =	wrdreg s13  }
0x19: {  	s25 =	smul.u32 $0x50000, s11;
	s17 =	simm.s32 $0x15580;
	[dreg:$0x19] =	wrdreg s15  }
0x1a: {  	s0 =	sand.u32 $0x1, s5;
	s19 =	simm.s32 $0x14680;
	[dreg:$0x1a] =	wrdreg s17  }
0x1b: {  	s7 =	smul.u32 $0x14000, s11;
	s21 =	simm.s32 $0x15600;
	[dreg:$0x1b] =	wrdreg s19  }
0x1c: {  	s10 =	sshrl.u32 s25, $0x2;
	[dreg:$0x1c] =	wrdreg s21;
	s25 =	simm.s32 $0x15680  }
0x1d: {  	s5 =	sadd.s32 $0x2C00, s4;
	s12 =	simm.s32 $0x15700;
	[dreg:$0x1e] =	wrdreg s25  }
0x1e: {  	s9 =	smul.u32 $0x140000, s0;
	s13 =	simm.s32 $0x14800;
	[smem:$0x7EF] =	sst s12  }
0x1f: {  	s16 =	ssub.s32 $0x2, s0;
	s15 =	simm.s32 $0x15780;
	[smem:$0x7F0] =	sst s13  }
0x20: {  	s17 =	simm.s32 $0x15800;
	s19 =	simm.s32 $0x15880;
	[smem:$0x7F2] =	sst s15  }
0x21: {  	s21 =	simm.s32 $0x15900;
	s18 =	sshrl.u32 s16, $0x1;
	[smem:$0x7F4] =	sst s17  }
0x22: {  	s8 =	sadd.s32 s10, s2;
	s10 =	simm.s32 $0x14780;
	[smem:$0x7F6] =	sst s19  }
0x23: {  	s19 =	simm.s32 $0x14000;
	[smem:$0x7F8] =	sst s21;
	s21 =	simm.s32 $0x7  }
0x24: {  	s25 =	simm.s32 $0x15A00;
	s12 =	simm.s32 $0x15C00;
	[dreg:$0x1f] =	wrdreg s10  }
0x25: {  	s6 =	sadd.s32 s7, s9;
	s14 =	sadd.s32 $0x2800, s8;
	[smem:$0x7FC] =	sst s25  }
0x26: {  	s7 =	ssub.s32 s16, s18;
	s16 =	sadd.s32 $0x5000, s8;
	[smem:$0x7E7] =	sst s14  }
0x27: {  	s13 =	simm.s32 $0x0;
	s18 =	sadd.s32 $0x7800, s8;
	[smem:$0x7E8] =	sst s16  }
0x28: {  	s9 =	sshll.u32 s0, $0x4;
	s20 =	sadd.s32 $0xA000, s8;
	[smem:$0x7E9] =	sst s18  }
0x29: {  	s22 =	sadd.s32 $0xC800, s8;
	s24 =	sadd.s32 $0xF000, s8;
	[smem:$0x7EA] =	sst s20  }
0x2a: {  	s26 =	sadd.s32 $0x11800, s8;
	s0 =	smul.u32 $0x50000, s0;
	[smem:$0x7EB] =	sst s22  }
0x2b: {  	s25 =	simm.s32 $0x16000;
	s10 =	simm.s32 $0x14C00;
	[smem:$0x7EC] =	sst s24  }
0x2c: {  	s6 =	sshrl.u32 s6, $0x3;
	[smem:$0x7ED] =	sst s26;
	s7 =	smax.u32 s7, $0x1  }
0x2d: {  	s9 =	sor.u32 s11, s9;
	s16 =	simm.s32 $0x14880;
	[smem:$0x7F1] =	sst s7  }
0x2e: {  	s14 =	smul.u32 $0x5000, s11;
	s18 =	simm.s32 $0x14900;
	[smem:$0x7F3] =	sst s16  }
0x2f: {  	s20 =	simm.s32 $0x14980;
	s22 =	simm.s32 $0x14A00;
	[smem:$0x7F5] =	sst s18  }
0x30: {  	s24 =	simm.s32 $0x14A80;
	s26 =	simm.s32 $0x14B00;
	[smem:$0x7F7] =	sst s20  }
0x31: {  	s11 =	simm.s32 $0x15B80;
	s4 =	sadd.s32 s6, s4;
	[smem:$0x7F9] =	sst s22  }
0x32: {  	s6 =	smul.u32 $0x5000, s9;
	s20 =	simm.s32 $0x18800;
	[smem:$0x7FB] =	sst s24  }
0x33: {  	s22 =	simm.s32 $0x15000;
	s24 =	simm.s32 $0x50;
	[smem:$0x7FD] =	sst s26  }
0x34: {  	s26 =	simm.s32 $0x5;
	s7 =	simm.s32 $0x14B80;
	s4 =	sadd.s32 $0x2AC00, s4  }
0x35: {  	s0 =	sadd.s32 s14, s0;
	s23 =	sshrl.u32 s6, $0x3;
	[smem:$0x7EE] =	sst s4  }
0x36: {  	s0 =	sadd.s32 $0xA0000, s0;
	s4 =	simm.s32 $0x15A80;
	s9 =	sadd.s32 s5, s23  }
0x37: {  	s23 =	simm.s32 $0x14700;
	s0 =	sshrl.u32 s0, $0x3;
	[smem:$0x7E6] =	sst s9  }
0x38: {  	s9 =	simm.s32 $0x15480;
	[dreg:$0x1d] =	wrdreg s23;
	s15 =	sadd.s32 s0, s5  }
0x39: {  	s23 =	simm.s32 $0x15980;
	s0 =	simm.s32 $0x6;
	[dreg:$0x16] =	wrdreg s9  }
0x3a: {  	v0 =	vimm.f32 $0.0e+00;
	[smem:$0x7FA] =	sst s23;
	s23 =	simm.s32 $0x1;
	s9 =	simm.s32 $0x15B00  }
.LBB2_1:
0x3b: {  	s14 =	simm.s32 $0x0;
	s16 =	simm.s32 $0x200  }
.LBB2_2:
0x3c: {  	p0 =	sne.s32 s16, $0x9E00;
	[tilespmem:s14+$0x18870] =	vst v0  }
0x3d: {  	[tilespmem:s14+$0x18800] =	vst v0  }
0x3e: {  	[tilespmem:s14+$0x18810] =	vst v0  }
.Ltmp0:
0x3f: {  	[tilespmem:s14+$0x18820] =	vst v0;
	(pc) =	sbr.rel @p0 .LBB2_2-.Ltmp0, $4  }
0x40: {  	[tilespmem:s14+$0x18830] =	vst v0  }
0x41: {  	[tilespmem:s14+$0x18840] =	vst v0  }
0x42: {  	[tilespmem:s14+$0x18850] =	vst v0  }
0x43: {  	[tilespmem:s14+$0x18860] =	vst v0;
	s14 =	sshra.s32 s16, $0x2;
	s16 =	sadd.s32 $0x200, s16  }
0x44: {  	[tilespmem:s14+$0x18870] =	vst v0  }
0x45: {  	[tilespmem:s14+$0x18800] =	vst v0  }
0x46: {  	[tilespmem:s14+$0x18810] =	vst v0  }
0x47: {  	[tilespmem:s14+$0x18820] =	vst v0  }
0x48: {  	[tilespmem:s14+$0x18830] =	vst v0  }
0x49: {  	[tilespmem:s14+$0x18840] =	vst v0;
	s17 =	sld [smem:$0x7E6]  }
0x4a: {  	[tilespmem:s14+$0x18850] =	vst v0  }
0x4b: {  	[tilespmem:s14+$0x18860] =	vst v0  }
0x4c: {  	[tilespmem:s19], [sflag:$0x1] =	stream.linear.gather [hbm4b:s17+s3], $0xC80, $0x38;
	[tilespmem:$0x1D800] =	vst v63  }
0x4d: {  	_ = 	snop  }
0x4e: {  	[spmem:s8] =	stream.linear.scatter [tilespmem:s20], [sflag:$0x7], $0x2800, $0x38;
	[tilespmem:$0x1D800] =	vst v63  }
0x4f: {  	_ =	swait.ge [sflag:s21], $0x2800  }
0x50: {  	s18 =	sld [smem:$0x7E7]  }
0x51: {  	[sflag:s21] =	ssyncset.done $0x0  }
0x52: {  	[sflag:s21] =	ssyncadd.s32 $0xFFFFD800  }
0x53: {  	[spmem:s18] =	stream.linear.scatter [tilespmem:s20], [sflag:$0x7], $0x2800, $0x38;
	[tilespmem:$0x1D800] =	vst v63  }
0x54: {  	_ =	swait.ge [sflag:s21], $0x2800  }
0x55: {  	s16 =	sld [smem:$0x7E8]  }
0x56: {  	[sflag:s21] =	ssyncset.done $0x0  }
0x57: {  	[sflag:s21] =	ssyncadd.s32 $0xFFFFD800  }
0x58: {  	[spmem:s16] =	stream.linear.scatter [tilespmem:s20], [sflag:$0x7], $0x2800, $0x38;
	[tilespmem:$0x1D800] =	vst v63  }
0x59: {  	_ =	swait.ge [sflag:s21], $0x2800  }
0x5a: {  	s17 =	sld [smem:$0x7E9]  }
0x5b: {  	[sflag:s21] =	ssyncset.done $0x0  }
0x5c: {  	[sflag:s21] =	ssyncadd.s32 $0xFFFFD800  }
0x5d: {  	[spmem:s17] =	stream.linear.scatter [tilespmem:s20], [sflag:$0x7], $0x2800, $0x38;
	[tilespmem:$0x1D800] =	vst v63  }
0x5e: {  	_ =	swait.ge [sflag:s21], $0x2800  }
0x5f: {  	s18 =	sld [smem:$0x7EA]  }
0x60: {  	[sflag:s21] =	ssyncset.done $0x0  }
0x61: {  	[sflag:s21] =	ssyncadd.s32 $0xFFFFD800  }
0x62: {  	[spmem:s18] =	stream.linear.scatter [tilespmem:s20], [sflag:$0x7], $0x2800, $0x38;
	[tilespmem:$0x1D800] =	vst v63  }
0x63: {  	_ =	swait.ge [sflag:s21], $0x2800  }
0x64: {  	s16 =	sld [smem:$0x7EB]  }
0x65: {  	[sflag:s21] =	ssyncset.done $0x0  }
0x66: {  	[sflag:s21] =	ssyncadd.s32 $0xFFFFD800  }
0x67: {  	[spmem:s16] =	stream.linear.scatter [tilespmem:s20], [sflag:$0x7], $0x2800, $0x38;
	[tilespmem:$0x1D800] =	vst v63  }
0x68: {  	_ =	swait.ge [sflag:s21], $0x2800  }
0x69: {  	s17 =	sld [smem:$0x7EC]  }
0x6a: {  	[sflag:s21] =	ssyncset.done $0x0  }
0x6b: {  	[sflag:s21] =	ssyncadd.s32 $0xFFFFD800  }
0x6c: {  	[spmem:s17] =	stream.linear.scatter [tilespmem:s20], [sflag:$0x7], $0x2800, $0x38;
	[tilespmem:$0x1D800] =	vst v63  }
0x6d: {  	_ =	swait.ge [sflag:s21], $0x2800  }
0x6e: {  	s18 =	sld [smem:$0x7ED]  }
0x6f: {  	[sflag:s21] =	ssyncset.done $0x0  }
0x70: {  	[sflag:s21] =	ssyncadd.s32 $0xFFFFD800  }
0x71: {  	[spmem:s18] =	stream.linear.scatter [tilespmem:s20], [sflag:$0x7], $0x2800, $0x38;
	[tilespmem:$0x1D800] =	vst v63  }
0x72: {  	_ =	swait.ge [sflag:s21], $0x2800  }
0x73: {  	[sflag:s21] =	ssyncset.done $0x0  }
0x74: {  	[sflag:s21] =	ssyncadd.s32 $0xFFFFD800  }
0x75: {  	[bflag:$0x0] =	sbarrier.arrive $0xFFFF  }
0x76: {  	[tilespmem:s22], [sflag:$0x5] =	stream.linear.gather [hbm4b:s15+s3], $0xC80, $0x38;
	[tilespmem:$0x1D800] =	vst v63  }
0x77: {  	_ =	swait.ge [sflag:s23], $0xC80  }
0x78: {  	[sflag:s23] =	ssyncset.done $0x0  }
0x79: {  	[sflag:s23] =	ssyncadd.s32 $0xFFFFF380  }
0x7a: {  	[tilespmem:s25], [sflag:$0x1] =	stream.indirect.gather [hbm4b:s1+s24], $0x80, s19, s24, $0xb8;
	[tilespmem:$0x1D800] =	vst v63  }
0x7b: {  	s16 =	rddreg [dreg:$0x4]  }
0x7c: {  	[tilespmem:s20], [sflag:$0x2] =	stream.indirect.gather [hbm4b:s1+s24], $0x80, s16, s24, $0xb8;
	[tilespmem:$0x1D800] =	vst v63  }
0x7d: {  	_ =	swait.ge [sflag:s23], $0x2800  }
0x7e: {  	[sflag:s23] =	ssyncset.done $0x0  }
0x7f: {  	[sflag:s23] =	ssyncadd.s32 $0xFFFFD800  }
0x80: {  	_ =	swait.ge [sflag:s26], $0xC80  }
0x81: {  	[sflag:s26] =	ssyncset.done $0x0  }
0x82: {  	[sflag:s26] =	ssyncadd.s32 $0xFFFFF380  }
0x83: {  	[spmem:s2] =	stream.indirect.scatter.add.f32 [tilespmem:s25], [sflag:$0x4], $0x80, s22, s24, $0xb8;
	[tilespmem:$0x1D800] =	vst v63  }
0x84: {  	s17 =	rddreg [dreg:$0x5]  }
0x85: {  	[tilespmem:s28], [sflag:$0x3] =	stream.indirect.gather [hbm4b:s1+s24], $0x80, s17, s24, $0xb8;
	[tilespmem:$0x1D800] =	vst v63  }
0x86: {  	_ =	swait.ge [sflag:s29], $0x2800  }
0x87: {  	[sflag:s29] =	ssyncset.done $0x0  }
0x88: {  	s18 =	rddreg [dreg:$0x6];
	[sflag:s29] =	ssyncadd.s32 $0xFFFFD800  }
0x89: {  	[spmem:s2] =	stream.indirect.scatter.add.f32 [tilespmem:s20], [sflag:$0x5], $0x80, s18, s24, $0xb8;
	[tilespmem:$0x1D800] =	vst v63  }
0x8a: {  	_ =	swait.ge [sflag:s30], $0x2800  }
0x8b: {  	[sflag:s30] =	ssyncset.done $0x0  }
0x8c: {  	s16 =	rddreg [dreg:$0x7];
	[sflag:s30] =	ssyncadd.s32 $0xFFFFD800  }
0x8d: {  	[tilespmem:s25], [sflag:$0x1] =	stream.indirect.gather [hbm4b:s1+s24], $0x80, s16, s24, $0xb8;
	[tilespmem:$0x1D800] =	vst v63  }
0x8e: {  	_ =	swait.ge [sflag:s31], $0x2800  }
0x8f: {  	[sflag:s31] =	ssyncset.done $0x0  }
0x90: {  	s17 =	rddreg [dreg:$0x8];
	[sflag:s31] =	ssyncadd.s32 $0xFFFFD800  }
0x91: {  	[spmem:s2] =	stream.indirect.scatter.add.f32 [tilespmem:s28], [sflag:$0x6], $0x80, s17, s24, $0xb8;
	[tilespmem:$0x1D800] =	vst v63  }
0x92: {  	_ =	swait.ge [sflag:s26], $0x2800  }
0x93: {  	[sflag:s26] =	ssyncset.done $0x0  }
0x94: {  	s18 =	rddreg [dreg:$0x9];
	[sflag:s26] =	ssyncadd.s32 $0xFFFFD800  }
0x95: {  	[tilespmem:s20], [sflag:$0x2] =	stream.indirect.gather [hbm4b:s1+s24], $0x80, s18, s24, $0xb8;
	[tilespmem:$0x1D800] =	vst v63  }
0x96: {  	_ =	swait.ge [sflag:s23], $0x2800  }
0x97: {  	[sflag:s23] =	ssyncset.done $0x0  }
0x98: {  	s16 =	rddreg [dreg:$0xa];
	[sflag:s23] =	ssyncadd.s32 $0xFFFFD800  }
0x99: {  	[spmem:s2] =	stream.indirect.scatter.add.f32 [tilespmem:s25], [sflag:$0x4], $0x80, s16, s24, $0xb8;
	[tilespmem:$0x1D800] =	vst v63  }
0x9a: {  	_ =	swait.ge [sflag:s0], $0x2800  }
0x9b: {  	[sflag:s0] =	ssyncset.done $0x0  }
0x9c: {  	s17 =	rddreg [dreg:$0xb];
	[sflag:s0] =	ssyncadd.s32 $0xFFFFD800  }
0x9d: {  	[tilespmem:s28], [sflag:$0x3] =	stream.indirect.gather [hbm4b:s1+s24], $0x80, s17, s24, $0xb8;
	[tilespmem:$0x1D800] =	vst v63  }
0x9e: {  	_ =	swait.ge [sflag:s29], $0x2800  }
0x9f: {  	[sflag:s29] =	ssyncset.done $0x0  }
0xa0: {  	s18 =	rddreg [dreg:$0xc];
	[sflag:s29] =	ssyncadd.s32 $0xFFFFD800  }
0xa1: {  	[spmem:s2] =	stream.indirect.scatter.add.f32 [tilespmem:s20], [sflag:$0x5], $0x80, s18, s24, $0xb8;
	[tilespmem:$0x1D800] =	vst v63  }
0xa2: {  	_ =	swait.ge [sflag:s30], $0x2800  }
0xa3: {  	[sflag:s30] =	ssyncset.done $0x0  }
0xa4: {  	s16 =	rddreg [dreg:$0xd];
	[sflag:s30] =	ssyncadd.s32 $0xFFFFD800  }
0xa5: {  	[tilespmem:s25], [sflag:$0x1] =	stream.indirect.gather [hbm4b:s1+s24], $0x80, s16, s24, $0xb8;
	[tilespmem:$0x1D800] =	vst v63  }
0xa6: {  	_ =	swait.ge [sflag:s31], $0x2800  }
0xa7: {  	[sflag:s31] =	ssyncset.done $0x0  }
0xa8: {  	s17 =	rddreg [dreg:$0xe];
	[sflag:s31] =	ssyncadd.s32 $0xFFFFD800  }
0xa9: {  	[spmem:s2] =	stream.indirect.scatter.add.f32 [tilespmem:s28], [sflag:$0x6], $0x80, s17, s24, $0xb8;
	[tilespmem:$0x1D800] =	vst v63  }
0xaa: {  	_ =	swait.ge [sflag:s26], $0x2800  }
0xab: {  	[sflag:s26] =	ssyncset.done $0x0  }
0xac: {  	s18 =	rddreg [dreg:$0xf];
	[sflag:s26] =	ssyncadd.s32 $0xFFFFD800  }
0xad: {  	[tilespmem:s20], [sflag:$0x2] =	stream.indirect.gather [hbm4b:s1+s24], $0x80, s18, s24, $0xb8;
	[tilespmem:$0x1D800] =	vst v63  }
0xae: {  	_ =	swait.ge [sflag:s23], $0x2800  }
0xaf: {  	[sflag:s23] =	ssyncset.done $0x0  }
0xb0: {  	s16 =	rddreg [dreg:$0x10];
	[sflag:s23] =	ssyncadd.s32 $0xFFFFD800  }
0xb1: {  	[spmem:s2] =	stream.indirect.scatter.add.f32 [tilespmem:s25], [sflag:$0x4], $0x80, s16, s24, $0xb8;
	[tilespmem:$0x1D800] =	vst v63  }
0xb2: {  	_ =	swait.ge [sflag:s0], $0x2800  }
0xb3: {  	[sflag:s0] =	ssyncset.done $0x0  }
0xb4: {  	s17 =	rddreg [dreg:$0x11];
	[sflag:s0] =	ssyncadd.s32 $0xFFFFD800  }
0xb5: {  	[tilespmem:s28], [sflag:$0x3] =	stream.indirect.gather [hbm4b:s1+s24], $0x80, s17, s24, $0xb8;
	[tilespmem:$0x1D800] =	vst v63  }
0xb6: {  	_ =	swait.ge [sflag:s29], $0x2800  }
0xb7: {  	[sflag:s29] =	ssyncset.done $0x0  }
0xb8: {  	s18 =	rddreg [dreg:$0x12];
	[sflag:s29] =	ssyncadd.s32 $0xFFFFD800  }
0xb9: {  	[spmem:s2] =	stream.indirect.scatter.add.f32 [tilespmem:s20], [sflag:$0x5], $0x80, s18, s24, $0xb8;
	[tilespmem:$0x1D800] =	vst v63  }
0xba: {  	_ =	swait.ge [sflag:s30], $0x2800  }
0xbb: {  	[sflag:s30] =	ssyncset.done $0x0  }
0xbc: {  	s16 =	rddreg [dreg:$0x13];
	[sflag:s30] =	ssyncadd.s32 $0xFFFFD800  }
0xbd: {  	[tilespmem:s25], [sflag:$0x1] =	stream.indirect.gather [hbm4b:s1+s24], $0x80, s16, s24, $0xb8;
	[tilespmem:$0x1D800] =	vst v63  }
0xbe: {  	_ =	swait.ge [sflag:s31], $0x2800  }
0xbf: {  	[sflag:s31] =	ssyncset.done $0x0  }
0xc0: {  	s17 =	rddreg [dreg:$0x14];
	[sflag:s31] =	ssyncadd.s32 $0xFFFFD800  }
0xc1: {  	[spmem:s2] =	stream.indirect.scatter.add.f32 [tilespmem:s28], [sflag:$0x6], $0x80, s17, s24, $0xb8;
	[tilespmem:$0x1D800] =	vst v63  }
0xc2: {  	_ =	swait.ge [sflag:s26], $0x2800  }
0xc3: {  	[sflag:s26] =	ssyncset.done $0x0  }
0xc4: {  	s18 =	rddreg [dreg:$0x15];
	[sflag:s26] =	ssyncadd.s32 $0xFFFFD800  }
0xc5: {  	[tilespmem:s20], [sflag:$0x2] =	stream.indirect.gather [hbm4b:s1+s24], $0x80, s18, s24, $0xb8;
	[tilespmem:$0x1D800] =	vst v63  }
0xc6: {  	_ =	swait.ge [sflag:s23], $0x2800  }
0xc7: {  	[sflag:s23] =	ssyncset.done $0x0  }
0xc8: {  	s16 =	rddreg [dreg:$0x16];
	[sflag:s23] =	ssyncadd.s32 $0xFFFFD800  }
0xc9: {  	[spmem:s2] =	stream.indirect.scatter.add.f32 [tilespmem:s25], [sflag:$0x4], $0x80, s16, s24, $0xb8;
	[tilespmem:$0x1D800] =	vst v63  }
0xca: {  	_ =	swait.ge [sflag:s0], $0x2800  }
0xcb: {  	[sflag:s0] =	ssyncset.done $0x0  }
0xcc: {  	s17 =	rddreg [dreg:$0x17];
	[sflag:s0] =	ssyncadd.s32 $0xFFFFD800  }
0xcd: {  	[tilespmem:s28], [sflag:$0x3] =	stream.indirect.gather [hbm4b:s1+s24], $0x80, s17, s24, $0xb8;
	[tilespmem:$0x1D800] =	vst v63  }
0xce: {  	_ =	swait.ge [sflag:s29], $0x2800  }
0xcf: {  	[sflag:s29] =	ssyncset.done $0x0  }
0xd0: {  	s18 =	rddreg [dreg:$0x18];
	[sflag:s29] =	ssyncadd.s32 $0xFFFFD800  }
0xd1: {  	[spmem:s2] =	stream.indirect.scatter.add.f32 [tilespmem:s20], [sflag:$0x5], $0x80, s18, s24, $0xb8;
	[tilespmem:$0x1D800] =	vst v63  }
0xd2: {  	_ =	swait.ge [sflag:s30], $0x2800  }
0xd3: {  	[sflag:s30] =	ssyncset.done $0x0  }
0xd4: {  	s16 =	rddreg [dreg:$0x19];
	[sflag:s30] =	ssyncadd.s32 $0xFFFFD800  }
0xd5: {  	[tilespmem:s25], [sflag:$0x1] =	stream.indirect.gather [hbm4b:s1+s24], $0x80, s16, s24, $0xb8;
	[tilespmem:$0x1D800] =	vst v63  }
0xd6: {  	_ =	swait.ge [sflag:s31], $0x2800  }
0xd7: {  	[sflag:s31] =	ssyncset.done $0x0  }
0xd8: {  	s17 =	rddreg [dreg:$0x1a];
	[sflag:s31] =	ssyncadd.s32 $0xFFFFD800  }
0xd9: {  	[spmem:s2] =	stream.indirect.scatter.add.f32 [tilespmem:s28], [sflag:$0x6], $0x80, s17, s24, $0xb8;
	[tilespmem:$0x1D800] =	vst v63  }
0xda: {  	_ =	swait.ge [sflag:s26], $0x2800  }
0xdb: {  	[sflag:s26] =	ssyncset.done $0x0  }
0xdc: {  	s18 =	rddreg [dreg:$0x1b];
	[sflag:s26] =	ssyncadd.s32 $0xFFFFD800  }
0xdd: {  	[tilespmem:s20], [sflag:$0x2] =	stream.indirect.gather [hbm4b:s1+s24], $0x80, s18, s24, $0xb8;
	[tilespmem:$0x1D800] =	vst v63  }
0xde: {  	_ =	swait.ge [sflag:s23], $0x2800  }
0xdf: {  	[sflag:s23] =	ssyncset.done $0x0  }
0xe0: {  	s16 =	rddreg [dreg:$0x1c];
	[sflag:s23] =	ssyncadd.s32 $0xFFFFD800  }
0xe1: {  	[spmem:s2] =	stream.indirect.scatter.add.f32 [tilespmem:s25], [sflag:$0x4], $0x80, s16, s24, $0xb8;
	[tilespmem:$0x1D800] =	vst v63  }
0xe2: {  	_ =	swait.ge [sflag:s0], $0x2800  }
0xe3: {  	[sflag:s0] =	ssyncset.done $0x0  }
0xe4: {  	s17 =	rddreg [dreg:$0x1d];
	[sflag:s0] =	ssyncadd.s32 $0xFFFFD800  }
0xe5: {  	[tilespmem:s28], [sflag:$0x3] =	stream.indirect.gather [hbm4b:s1+s24], $0x80, s17, s24, $0xb8;
	[tilespmem:$0x1D800] =	vst v63  }
0xe6: {  	_ =	swait.ge [sflag:s29], $0x2800  }
0xe7: {  	[sflag:s29] =	ssyncset.done $0x0  }
0xe8: {  	s18 =	rddreg [dreg:$0x1e];
	[sflag:s29] =	ssyncadd.s32 $0xFFFFD800  }
0xe9: {  	[spmem:s2] =	stream.indirect.scatter.add.f32 [tilespmem:s20], [sflag:$0x5], $0x80, s18, s24, $0xb8;
	[tilespmem:$0x1D800] =	vst v63  }
0xea: {  	_ =	swait.ge [sflag:s30], $0x2800  }
0xeb: {  	[sflag:s30] =	ssyncset.done $0x0  }
0xec: {  	s16 =	rddreg [dreg:$0x1f];
	[sflag:s30] =	ssyncadd.s32 $0xFFFFD800  }
0xed: {  	[tilespmem:s25], [sflag:$0x1] =	stream.indirect.gather [hbm4b:s1+s24], $0x80, s16, s24, $0xb8;
	[tilespmem:$0x1D800] =	vst v63  }
0xee: {  	_ =	swait.ge [sflag:s31], $0x2800  }
0xef: {  	s17 =	sld [smem:$0x7EF]  }
0xf0: {  	[sflag:s31] =	ssyncset.done $0x0  }
0xf1: {  	[sflag:s31] =	ssyncadd.s32 $0xFFFFD800  }
0xf2: {  	[spmem:s2] =	stream.indirect.scatter.add.f32 [tilespmem:s28], [sflag:$0x6], $0x80, s17, s24, $0xb8;
	[tilespmem:$0x1D800] =	vst v63  }
0xf3: {  	_ =	swait.ge [sflag:s26], $0x2800  }
0xf4: {  	s18 =	sld [smem:$0x7F0]  }
0xf5: {  	[sflag:s26] =	ssyncset.done $0x0  }
0xf6: {  	[sflag:s26] =	ssyncadd.s32 $0xFFFFD800  }
0xf7: {  	[tilespmem:s20], [sflag:$0x2] =	stream.indirect.gather [hbm4b:s1+s24], $0x80, s18, s24, $0xb8;
	[tilespmem:$0x1D800] =	vst v63  }
0xf8: {  	_ =	swait.ge [sflag:s23], $0x2800  }
0xf9: {  	s16 =	sld [smem:$0x7F2]  }
0xfa: {  	[sflag:s23] =	ssyncset.done $0x0  }
0xfb: {  	[sflag:s23] =	ssyncadd.s32 $0xFFFFD800  }
0xfc: {  	[spmem:s2] =	stream.indirect.scatter.add.f32 [tilespmem:s25], [sflag:$0x4], $0x80, s16, s24, $0xb8;
	[tilespmem:$0x1D800] =	vst v63  }
0xfd: {  	_ =	swait.ge [sflag:s0], $0x2800  }
0xfe: {  	s17 =	sld [smem:$0x7F3]  }
0xff: {  	[sflag:s0] =	ssyncset.done $0x0  }
0x100: {  	[sflag:s0] =	ssyncadd.s32 $0xFFFFD800  }
0x101: {  	[tilespmem:s28], [sflag:$0x3] =	stream.indirect.gather [hbm4b:s1+s24], $0x80, s17, s24, $0xb8;
	[tilespmem:$0x1D800] =	vst v63  }
0x102: {  	_ =	swait.ge [sflag:s29], $0x2800  }
0x103: {  	s18 =	sld [smem:$0x7F4]  }
0x104: {  	[sflag:s29] =	ssyncset.done $0x0  }
0x105: {  	[sflag:s29] =	ssyncadd.s32 $0xFFFFD800  }
0x106: {  	[spmem:s2] =	stream.indirect.scatter.add.f32 [tilespmem:s20], [sflag:$0x5], $0x80, s18, s24, $0xb8;
	[tilespmem:$0x1D800] =	vst v63  }
0x107: {  	_ =	swait.ge [sflag:s30], $0x2800  }
0x108: {  	s16 =	sld [smem:$0x7F5]  }
0x109: {  	[sflag:s30] =	ssyncset.done $0x0  }
0x10a: {  	[sflag:s30] =	ssyncadd.s32 $0xFFFFD800  }
0x10b: {  	[tilespmem:s25], [sflag:$0x1] =	stream.indirect.gather [hbm4b:s1+s24], $0x80, s16, s24, $0xb8;
	[tilespmem:$0x1D800] =	vst v63  }
0x10c: {  	_ =	swait.ge [sflag:s31], $0x2800  }
0x10d: {  	s17 =	sld [smem:$0x7F6]  }
0x10e: {  	[sflag:s31] =	ssyncset.done $0x0  }
0x10f: {  	[sflag:s31] =	ssyncadd.s32 $0xFFFFD800  }
0x110: {  	[spmem:s2] =	stream.indirect.scatter.add.f32 [tilespmem:s28], [sflag:$0x6], $0x80, s17, s24, $0xb8;
	[tilespmem:$0x1D800] =	vst v63  }
0x111: {  	_ =	swait.ge [sflag:s26], $0x2800  }
0x112: {  	s18 =	sld [smem:$0x7F7]  }
0x113: {  	[sflag:s26] =	ssyncset.done $0x0  }
0x114: {  	[sflag:s26] =	ssyncadd.s32 $0xFFFFD800  }
0x115: {  	[tilespmem:s20], [sflag:$0x2] =	stream.indirect.gather [hbm4b:s1+s24], $0x80, s18, s24, $0xb8;
	[tilespmem:$0x1D800] =	vst v63  }
0x116: {  	_ =	swait.ge [sflag:s23], $0x2800  }
0x117: {  	s16 =	sld [smem:$0x7F8]  }
0x118: {  	[sflag:s23] =	ssyncset.done $0x0  }
0x119: {  	[sflag:s23] =	ssyncadd.s32 $0xFFFFD800  }
0x11a: {  	[spmem:s2] =	stream.indirect.scatter.add.f32 [tilespmem:s25], [sflag:$0x4], $0x80, s16, s24, $0xb8;
	[tilespmem:$0x1D800] =	vst v63  }
0x11b: {  	_ =	swait.ge [sflag:s0], $0x2800  }
0x11c: {  	s17 =	sld [smem:$0x7F9]  }
0x11d: {  	[sflag:s0] =	ssyncset.done $0x0  }
0x11e: {  	[sflag:s0] =	ssyncadd.s32 $0xFFFFD800  }
0x11f: {  	[tilespmem:s28], [sflag:$0x3] =	stream.indirect.gather [hbm4b:s1+s24], $0x80, s17, s24, $0xb8;
	[tilespmem:$0x1D800] =	vst v63  }
0x120: {  	_ =	swait.ge [sflag:s29], $0x2800  }
0x121: {  	s18 =	sld [smem:$0x7FA]  }
0x122: {  	[sflag:s29] =	ssyncset.done $0x0  }
0x123: {  	[sflag:s29] =	ssyncadd.s32 $0xFFFFD800  }
0x124: {  	[spmem:s2] =	stream.indirect.scatter.add.f32 [tilespmem:s20], [sflag:$0x5], $0x80, s18, s24, $0xb8;
	[tilespmem:$0x1D800] =	vst v63  }
0x125: {  	_ =	swait.ge [sflag:s30], $0x2800  }
0x126: {  	s16 =	sld [smem:$0x7FB]  }
0x127: {  	[sflag:s30] =	ssyncset.done $0x0  }
0x128: {  	[sflag:s30] =	ssyncadd.s32 $0xFFFFD800  }
0x129: {  	[tilespmem:s25], [sflag:$0x1] =	stream.indirect.gather [hbm4b:s1+s24], $0x80, s16, s24, $0xb8;
	[tilespmem:$0x1D800] =	vst v63  }
0x12a: {  	_ =	swait.ge [sflag:s31], $0x2800  }
0x12b: {  	s17 =	sld [smem:$0x7FC]  }
0x12c: {  	[sflag:s31] =	ssyncset.done $0x0  }
0x12d: {  	[sflag:s31] =	ssyncadd.s32 $0xFFFFD800  }
0x12e: {  	[spmem:s2] =	stream.indirect.scatter.add.f32 [tilespmem:s28], [sflag:$0x6], $0x80, s17, s24, $0xb8;
	[tilespmem:$0x1D800] =	vst v63  }
0x12f: {  	_ =	swait.ge [sflag:s26], $0x2800  }
0x130: {  	s18 =	sld [smem:$0x7FD]  }
0x131: {  	[sflag:s26] =	ssyncset.done $0x0  }
0x132: {  	[sflag:s26] =	ssyncadd.s32 $0xFFFFD800  }
0x133: {  	[tilespmem:s20], [sflag:$0x2] =	stream.indirect.gather [hbm4b:s1+s24], $0x80, s18, s24, $0xb8;
	[tilespmem:$0x1D800] =	vst v63  }
0x134: {  	_ =	swait.ge [sflag:s23], $0x2800  }
0x135: {  	[sflag:s23] =	ssyncset.done $0x0  }
0x136: {  	[sflag:s23] =	ssyncadd.s32 $0xFFFFD800  }
0x137: {  	[spmem:s2] =	stream.indirect.scatter.add.f32 [tilespmem:s25], [sflag:$0x4], $0x80, s4, s24, $0xb8;
	[tilespmem:$0x1D800] =	vst v63  }
0x138: {  	_ =	swait.ge [sflag:s0], $0x2800  }
0x139: {  	[sflag:s0] =	ssyncset.done $0x0  }
0x13a: {  	[sflag:s0] =	ssyncadd.s32 $0xFFFFD800  }
0x13b: {  	[tilespmem:s28], [sflag:$0x3] =	stream.indirect.gather [hbm4b:s1+s24], $0x80, s7, s24, $0xb8;
	[tilespmem:$0x1D800] =	vst v63  }
0x13c: {  	_ =	swait.ge [sflag:s29], $0x2800  }
0x13d: {  	[sflag:s29] =	ssyncset.done $0x0  }
0x13e: {  	[sflag:s29] =	ssyncadd.s32 $0xFFFFD800  }
0x13f: {  	[spmem:s2] =	stream.indirect.scatter.add.f32 [tilespmem:s20], [sflag:$0x5], $0x80, s9, s24, $0xb8;
	[tilespmem:$0x1D800] =	vst v63  }
0x140: {  	_ =	swait.ge [sflag:s30], $0x2800  }
0x141: {  	[sflag:s30] =	ssyncset.done $0x0  }
0x142: {  	[sflag:s30] =	ssyncadd.s32 $0xFFFFD800  }
0x143: {  	[tilespmem:s25], [sflag:$0x1] =	stream.indirect.gather [hbm4b:s1+s24], $0x80, s10, s24, $0xb8;
	[tilespmem:$0x1D800] =	vst v63  }
0x144: {  	s14 =	simm.s32 $0x1;
	p0 =	por $0x1, $0x1;
	_ =	swait.ge [sflag:s31], $0x2800  }
0x145: {  	s14 =	simm.s32 @!p0 $0x4;
	[sflag:s31] =	ssyncset.done $0x0  }
0x146: {  	s14 =	sshll.u32 s14, $0xC;
	[sflag:s31] =	ssyncadd.s32 $0xFFFFD800  }
0x147: {  	[spmem:s2] =	stream.indirect.scatter.add.f32 [tilespmem:s28], [sflag:$0x6], $0x80, s11, s24, $0xb8;
	[tilespmem:$0x1D800] =	vst v63  }
0x148: {  	s14 =	sadd.s32 s6, s14;
	_ =	swait.ge [sflag:s23], $0x2800  }
0x149: {  	s14 =	sshrl.u32 s14, $0x3;
	[sflag:s23] =	ssyncset.done $0x0  }
0x14a: {  	s14 =	sadd.s32 s5, s14;
	[sflag:s23] =	ssyncadd.s32 $0xFFFFD800  }
0x14b: {  	[tilespmem:s19], [sflag:$0x1] =	stream.linear.gather [hbm4b:s14+s3], $0xC80, $0x38;
	[tilespmem:$0x1D800] =	vst v63  }
0x14c: {  	_ = 	snop  }
0x14d: {  	[spmem:s2] =	stream.indirect.scatter.add.f32 [tilespmem:s25], [sflag:$0x4], $0x80, s12, s24, $0xb8;
	[tilespmem:$0x1D800] =	vst v63  }
0x14e: {  	_ =	swait.ge [sflag:s26], $0x2800  }
0x14f: {  	[sflag:s26] =	ssyncset.done $0x0  }
0x150: {  	[sflag:s26] =	ssyncadd.s32 $0xFFFFD800  }
0x151: {  	_ =	swait.ge [sflag:s0], $0x2800  }
0x152: {  	[sflag:s0] =	ssyncset.done $0x0  }
0x153: {  	[sflag:s0] =	ssyncadd.s32 $0xFFFFD800  }
0x154: {  	s18 =	smov.u32 s15;
	s14 =	simm.s32 $0x2;
	_ =	swait.ge [sflag:s30], $0x2800  }
.LBB2_4:
0x155: {  	[sflag:s30] =	ssyncset.done $0x0  }
0x156: {  	s18 =	sadd.s32 $0x200, s18;
	[sflag:s30] =	ssyncadd.s32 $0xFFFFD800  }
0x157: {  	[tilespmem:s22], [sflag:$0x5] =	stream.linear.gather [hbm4b:s18+s3], $0xC80, $0x38;
	[tilespmem:$0x1D800] =	vst v63  }
0x158: {  	_ =	swait.ge [sflag:s23], $0xC80  }
0x159: {  	[sflag:s23] =	ssyncset.done $0x0  }
0x15a: {  	[sflag:s23] =	ssyncadd.s32 $0xFFFFF380  }
0x15b: {  	[tilespmem:s25], [sflag:$0x1] =	stream.indirect.gather [hbm4b:s1+s24], $0x80, s19, s24, $0xb8;
	[tilespmem:$0x1D800] =	vst v63  }
0x15c: {  	s17 =	rddreg [dreg:$0x4]  }
0x15d: {  	[tilespmem:s20], [sflag:$0x2] =	stream.indirect.gather [hbm4b:s1+s24], $0x80, s17, s24, $0xb8;
	[tilespmem:$0x1D800] =	vst v63  }
0x15e: {  	_ =	swait.ge [sflag:s23], $0x2800  }
0x15f: {  	[sflag:s23] =	ssyncset.done $0x0  }
0x160: {  	[sflag:s23] =	ssyncadd.s32 $0xFFFFD800  }
0x161: {  	_ =	swait.ge [sflag:s26], $0xC80  }
0x162: {  	[sflag:s26] =	ssyncset.done $0x0  }
0x163: {  	[sflag:s26] =	ssyncadd.s32 $0xFFFFF380  }
0x164: {  	[spmem:s2] =	stream.indirect.scatter.add.f32 [tilespmem:s25], [sflag:$0x4], $0x80, s22, s24, $0xb8;
	[tilespmem:$0x1D800] =	vst v63  }
0x165: {  	s17 =	rddreg [dreg:$0x5]  }
0x166: {  	[tilespmem:s28], [sflag:$0x3] =	stream.indirect.gather [hbm4b:s1+s24], $0x80, s17, s24, $0xb8;
	[tilespmem:$0x1D800] =	vst v63  }
0x167: {  	_ =	swait.ge [sflag:s29], $0x2800  }
0x168: {  	[sflag:s29] =	ssyncset.done $0x0  }
0x169: {  	s17 =	rddreg [dreg:$0x6];
	[sflag:s29] =	ssyncadd.s32 $0xFFFFD800  }
0x16a: {  	[spmem:s2] =	stream.indirect.scatter.add.f32 [tilespmem:s20], [sflag:$0x5], $0x80, s17, s24, $0xb8;
	[tilespmem:$0x1D800] =	vst v63  }
0x16b: {  	_ =	swait.ge [sflag:s30], $0x2800  }
0x16c: {  	[sflag:s30] =	ssyncset.done $0x0  }
0x16d: {  	s17 =	rddreg [dreg:$0x7];
	[sflag:s30] =	ssyncadd.s32 $0xFFFFD800  }
0x16e: {  	[tilespmem:s25], [sflag:$0x1] =	stream.indirect.gather [hbm4b:s1+s24], $0x80, s17, s24, $0xb8;
	[tilespmem:$0x1D800] =	vst v63  }
0x16f: {  	_ =	swait.ge [sflag:s31], $0x2800  }
0x170: {  	[sflag:s31] =	ssyncset.done $0x0  }
0x171: {  	s17 =	rddreg [dreg:$0x8];
	[sflag:s31] =	ssyncadd.s32 $0xFFFFD800  }
0x172: {  	[spmem:s2] =	stream.indirect.scatter.add.f32 [tilespmem:s28], [sflag:$0x6], $0x80, s17, s24, $0xb8;
	[tilespmem:$0x1D800] =	vst v63  }
0x173: {  	_ =	swait.ge [sflag:s26], $0x2800  }
0x174: {  	[sflag:s26] =	ssyncset.done $0x0  }
0x175: {  	s17 =	rddreg [dreg:$0x9];
	[sflag:s26] =	ssyncadd.s32 $0xFFFFD800  }
0x176: {  	[tilespmem:s20], [sflag:$0x2] =	stream.indirect.gather [hbm4b:s1+s24], $0x80, s17, s24, $0xb8;
	[tilespmem:$0x1D800] =	vst v63  }
0x177: {  	_ =	swait.ge [sflag:s23], $0x2800  }
0x178: {  	[sflag:s23] =	ssyncset.done $0x0  }
0x179: {  	s17 =	rddreg [dreg:$0xa];
	[sflag:s23] =	ssyncadd.s32 $0xFFFFD800  }
0x17a: {  	[spmem:s2] =	stream.indirect.scatter.add.f32 [tilespmem:s25], [sflag:$0x4], $0x80, s17, s24, $0xb8;
	[tilespmem:$0x1D800] =	vst v63  }
0x17b: {  	_ =	swait.ge [sflag:s0], $0x2800  }
0x17c: {  	[sflag:s0] =	ssyncset.done $0x0  }
0x17d: {  	s17 =	rddreg [dreg:$0xb];
	[sflag:s0] =	ssyncadd.s32 $0xFFFFD800  }
0x17e: {  	[tilespmem:s28], [sflag:$0x3] =	stream.indirect.gather [hbm4b:s1+s24], $0x80, s17, s24, $0xb8;
	[tilespmem:$0x1D800] =	vst v63  }
0x17f: {  	_ =	swait.ge [sflag:s29], $0x2800  }
0x180: {  	[sflag:s29] =	ssyncset.done $0x0  }
0x181: {  	s17 =	rddreg [dreg:$0xc];
	[sflag:s29] =	ssyncadd.s32 $0xFFFFD800  }
0x182: {  	[spmem:s2] =	stream.indirect.scatter.add.f32 [tilespmem:s20], [sflag:$0x5], $0x80, s17, s24, $0xb8;
	[tilespmem:$0x1D800] =	vst v63  }
0x183: {  	_ =	swait.ge [sflag:s30], $0x2800  }
0x184: {  	[sflag:s30] =	ssyncset.done $0x0  }
0x185: {  	s17 =	rddreg [dreg:$0xd];
	[sflag:s30] =	ssyncadd.s32 $0xFFFFD800  }
0x186: {  	[tilespmem:s25], [sflag:$0x1] =	stream.indirect.gather [hbm4b:s1+s24], $0x80, s17, s24, $0xb8;
	[tilespmem:$0x1D800] =	vst v63  }
0x187: {  	_ =	swait.ge [sflag:s31], $0x2800  }
0x188: {  	[sflag:s31] =	ssyncset.done $0x0  }
0x189: {  	s17 =	rddreg [dreg:$0xe];
	[sflag:s31] =	ssyncadd.s32 $0xFFFFD800  }
0x18a: {  	[spmem:s2] =	stream.indirect.scatter.add.f32 [tilespmem:s28], [sflag:$0x6], $0x80, s17, s24, $0xb8;
	[tilespmem:$0x1D800] =	vst v63  }
0x18b: {  	_ =	swait.ge [sflag:s26], $0x2800  }
0x18c: {  	[sflag:s26] =	ssyncset.done $0x0  }
0x18d: {  	s17 =	rddreg [dreg:$0xf];
	[sflag:s26] =	ssyncadd.s32 $0xFFFFD800  }
0x18e: {  	[tilespmem:s20], [sflag:$0x2] =	stream.indirect.gather [hbm4b:s1+s24], $0x80, s17, s24, $0xb8;
	[tilespmem:$0x1D800] =	vst v63  }
0x18f: {  	_ =	swait.ge [sflag:s23], $0x2800  }
0x190: {  	[sflag:s23] =	ssyncset.done $0x0  }
0x191: {  	s17 =	rddreg [dreg:$0x10];
	[sflag:s23] =	ssyncadd.s32 $0xFFFFD800  }
0x192: {  	[spmem:s2] =	stream.indirect.scatter.add.f32 [tilespmem:s25], [sflag:$0x4], $0x80, s17, s24, $0xb8;
	[tilespmem:$0x1D800] =	vst v63  }
0x193: {  	_ =	swait.ge [sflag:s0], $0x2800  }
0x194: {  	[sflag:s0] =	ssyncset.done $0x0  }
0x195: {  	s17 =	rddreg [dreg:$0x11];
	[sflag:s0] =	ssyncadd.s32 $0xFFFFD800  }
0x196: {  	[tilespmem:s28], [sflag:$0x3] =	stream.indirect.gather [hbm4b:s1+s24], $0x80, s17, s24, $0xb8;
	[tilespmem:$0x1D800] =	vst v63  }
0x197: {  	_ =	swait.ge [sflag:s29], $0x2800  }
0x198: {  	[sflag:s29] =	ssyncset.done $0x0  }
0x199: {  	s17 =	rddreg [dreg:$0x12];
	[sflag:s29] =	ssyncadd.s32 $0xFFFFD800  }
0x19a: {  	[spmem:s2] =	stream.indirect.scatter.add.f32 [tilespmem:s20], [sflag:$0x5], $0x80, s17, s24, $0xb8;
	[tilespmem:$0x1D800] =	vst v63  }
0x19b: {  	_ =	swait.ge [sflag:s30], $0x2800  }
0x19c: {  	[sflag:s30] =	ssyncset.done $0x0  }
0x19d: {  	s17 =	rddreg [dreg:$0x13];
	[sflag:s30] =	ssyncadd.s32 $0xFFFFD800  }
0x19e: {  	[tilespmem:s25], [sflag:$0x1] =	stream.indirect.gather [hbm4b:s1+s24], $0x80, s17, s24, $0xb8;
	[tilespmem:$0x1D800] =	vst v63  }
0x19f: {  	_ =	swait.ge [sflag:s31], $0x2800  }
0x1a0: {  	[sflag:s31] =	ssyncset.done $0x0  }
0x1a1: {  	s17 =	rddreg [dreg:$0x14];
	[sflag:s31] =	ssyncadd.s32 $0xFFFFD800  }
0x1a2: {  	[spmem:s2] =	stream.indirect.scatter.add.f32 [tilespmem:s28], [sflag:$0x6], $0x80, s17, s24, $0xb8;
	[tilespmem:$0x1D800] =	vst v63  }
0x1a3: {  	_ =	swait.ge [sflag:s26], $0x2800  }
0x1a4: {  	[sflag:s26] =	ssyncset.done $0x0  }
0x1a5: {  	s17 =	rddreg [dreg:$0x15];
	[sflag:s26] =	ssyncadd.s32 $0xFFFFD800  }
0x1a6: {  	[tilespmem:s20], [sflag:$0x2] =	stream.indirect.gather [hbm4b:s1+s24], $0x80, s17, s24, $0xb8;
	[tilespmem:$0x1D800] =	vst v63  }
0x1a7: {  	_ =	swait.ge [sflag:s23], $0x2800  }
0x1a8: {  	[sflag:s23] =	ssyncset.done $0x0  }
0x1a9: {  	s17 =	rddreg [dreg:$0x16];
	[sflag:s23] =	ssyncadd.s32 $0xFFFFD800  }
0x1aa: {  	[spmem:s2] =	stream.indirect.scatter.add.f32 [tilespmem:s25], [sflag:$0x4], $0x80, s17, s24, $0xb8;
	[tilespmem:$0x1D800] =	vst v63  }
0x1ab: {  	_ =	swait.ge [sflag:s0], $0x2800  }
0x1ac: {  	[sflag:s0] =	ssyncset.done $0x0  }
0x1ad: {  	s17 =	rddreg [dreg:$0x17];
	[sflag:s0] =	ssyncadd.s32 $0xFFFFD800  }
0x1ae: {  	[tilespmem:s28], [sflag:$0x3] =	stream.indirect.gather [hbm4b:s1+s24], $0x80, s17, s24, $0xb8;
	[tilespmem:$0x1D800] =	vst v63  }
0x1af: {  	_ =	swait.ge [sflag:s29], $0x2800  }
0x1b0: {  	[sflag:s29] =	ssyncset.done $0x0  }
0x1b1: {  	s17 =	rddreg [dreg:$0x18];
	[sflag:s29] =	ssyncadd.s32 $0xFFFFD800  }
0x1b2: {  	[spmem:s2] =	stream.indirect.scatter.add.f32 [tilespmem:s20], [sflag:$0x5], $0x80, s17, s24, $0xb8;
	[tilespmem:$0x1D800] =	vst v63  }
0x1b3: {  	_ =	swait.ge [sflag:s30], $0x2800  }
0x1b4: {  	[sflag:s30] =	ssyncset.done $0x0  }
0x1b5: {  	s17 =	rddreg [dreg:$0x19];
	[sflag:s30] =	ssyncadd.s32 $0xFFFFD800  }
0x1b6: {  	[tilespmem:s25], [sflag:$0x1] =	stream.indirect.gather [hbm4b:s1+s24], $0x80, s17, s24, $0xb8;
	[tilespmem:$0x1D800] =	vst v63  }
0x1b7: {  	_ =	swait.ge [sflag:s31], $0x2800  }
0x1b8: {  	[sflag:s31] =	ssyncset.done $0x0  }
0x1b9: {  	s17 =	rddreg [dreg:$0x1a];
	[sflag:s31] =	ssyncadd.s32 $0xFFFFD800  }
0x1ba: {  	[spmem:s2] =	stream.indirect.scatter.add.f32 [tilespmem:s28], [sflag:$0x6], $0x80, s17, s24, $0xb8;
	[tilespmem:$0x1D800] =	vst v63  }
0x1bb: {  	_ =	swait.ge [sflag:s26], $0x2800  }
0x1bc: {  	[sflag:s26] =	ssyncset.done $0x0  }
0x1bd: {  	s17 =	rddreg [dreg:$0x1b];
	[sflag:s26] =	ssyncadd.s32 $0xFFFFD800  }
0x1be: {  	[tilespmem:s20], [sflag:$0x2] =	stream.indirect.gather [hbm4b:s1+s24], $0x80, s17, s24, $0xb8;
	[tilespmem:$0x1D800] =	vst v63  }
0x1bf: {  	_ =	swait.ge [sflag:s23], $0x2800  }
0x1c0: {  	[sflag:s23] =	ssyncset.done $0x0  }
0x1c1: {  	s17 =	rddreg [dreg:$0x1c];
	[sflag:s23] =	ssyncadd.s32 $0xFFFFD800  }
0x1c2: {  	[spmem:s2] =	stream.indirect.scatter.add.f32 [tilespmem:s25], [sflag:$0x4], $0x80, s17, s24, $0xb8;
	[tilespmem:$0x1D800] =	vst v63  }
0x1c3: {  	_ =	swait.ge [sflag:s0], $0x2800  }
0x1c4: {  	[sflag:s0] =	ssyncset.done $0x0  }
0x1c5: {  	s17 =	rddreg [dreg:$0x1d];
	[sflag:s0] =	ssyncadd.s32 $0xFFFFD800  }
0x1c6: {  	[tilespmem:s28], [sflag:$0x3] =	stream.indirect.gather [hbm4b:s1+s24], $0x80, s17, s24, $0xb8;
	[tilespmem:$0x1D800] =	vst v63  }
0x1c7: {  	_ =	swait.ge [sflag:s29], $0x2800  }
0x1c8: {  	[sflag:s29] =	ssyncset.done $0x0  }
0x1c9: {  	s17 =	rddreg [dreg:$0x1e];
	[sflag:s29] =	ssyncadd.s32 $0xFFFFD800  }
0x1ca: {  	[spmem:s2] =	stream.indirect.scatter.add.f32 [tilespmem:s20], [sflag:$0x5], $0x80, s17, s24, $0xb8;
	[tilespmem:$0x1D800] =	vst v63  }
0x1cb: {  	_ =	swait.ge [sflag:s30], $0x2800  }
0x1cc: {  	[sflag:s30] =	ssyncset.done $0x0  }
0x1cd: {  	s17 =	rddreg [dreg:$0x1f];
	[sflag:s30] =	ssyncadd.s32 $0xFFFFD800  }
0x1ce: {  	[tilespmem:s25], [sflag:$0x1] =	stream.indirect.gather [hbm4b:s1+s24], $0x80, s17, s24, $0xb8;
	[tilespmem:$0x1D800] =	vst v63  }
0x1cf: {  	_ =	swait.ge [sflag:s31], $0x2800  }
0x1d0: {  	s17 =	sld [smem:$0x7EF]  }
0x1d1: {  	[sflag:s31] =	ssyncset.done $0x0  }
0x1d2: {  	[sflag:s31] =	ssyncadd.s32 $0xFFFFD800  }
0x1d3: {  	[spmem:s2] =	stream.indirect.scatter.add.f32 [tilespmem:s28], [sflag:$0x6], $0x80, s17, s24, $0xb8;
	[tilespmem:$0x1D800] =	vst v63  }
0x1d4: {  	_ =	swait.ge [sflag:s26], $0x2800  }
0x1d5: {  	s17 =	sld [smem:$0x7F0]  }
0x1d6: {  	[sflag:s26] =	ssyncset.done $0x0  }
0x1d7: {  	[sflag:s26] =	ssyncadd.s32 $0xFFFFD800  }
0x1d8: {  	[tilespmem:s20], [sflag:$0x2] =	stream.indirect.gather [hbm4b:s1+s24], $0x80, s17, s24, $0xb8;
	[tilespmem:$0x1D800] =	vst v63  }
0x1d9: {  	_ =	swait.ge [sflag:s23], $0x2800  }
0x1da: {  	s17 =	sld [smem:$0x7F2]  }
0x1db: {  	[sflag:s23] =	ssyncset.done $0x0  }
0x1dc: {  	[sflag:s23] =	ssyncadd.s32 $0xFFFFD800  }
0x1dd: {  	[spmem:s2] =	stream.indirect.scatter.add.f32 [tilespmem:s25], [sflag:$0x4], $0x80, s17, s24, $0xb8;
	[tilespmem:$0x1D800] =	vst v63  }
0x1de: {  	_ =	swait.ge [sflag:s0], $0x2800  }
0x1df: {  	s17 =	sld [smem:$0x7F3]  }
0x1e0: {  	[sflag:s0] =	ssyncset.done $0x0  }
0x1e1: {  	[sflag:s0] =	ssyncadd.s32 $0xFFFFD800  }
0x1e2: {  	[tilespmem:s28], [sflag:$0x3] =	stream.indirect.gather [hbm4b:s1+s24], $0x80, s17, s24, $0xb8;
	[tilespmem:$0x1D800] =	vst v63  }
0x1e3: {  	_ =	swait.ge [sflag:s29], $0x2800  }
0x1e4: {  	s17 =	sld [smem:$0x7F4]  }
0x1e5: {  	[sflag:s29] =	ssyncset.done $0x0  }
0x1e6: {  	[sflag:s29] =	ssyncadd.s32 $0xFFFFD800  }
0x1e7: {  	[spmem:s2] =	stream.indirect.scatter.add.f32 [tilespmem:s20], [sflag:$0x5], $0x80, s17, s24, $0xb8;
	[tilespmem:$0x1D800] =	vst v63  }
0x1e8: {  	_ =	swait.ge [sflag:s30], $0x2800  }
0x1e9: {  	s17 =	sld [smem:$0x7F5]  }
0x1ea: {  	[sflag:s30] =	ssyncset.done $0x0  }
0x1eb: {  	[sflag:s30] =	ssyncadd.s32 $0xFFFFD800  }
0x1ec: {  	[tilespmem:s25], [sflag:$0x1] =	stream.indirect.gather [hbm4b:s1+s24], $0x80, s17, s24, $0xb8;
	[tilespmem:$0x1D800] =	vst v63  }
0x1ed: {  	_ =	swait.ge [sflag:s31], $0x2800  }
0x1ee: {  	s17 =	sld [smem:$0x7F6]  }
0x1ef: {  	[sflag:s31] =	ssyncset.done $0x0  }
0x1f0: {  	[sflag:s31] =	ssyncadd.s32 $0xFFFFD800  }
0x1f1: {  	[spmem:s2] =	stream.indirect.scatter.add.f32 [tilespmem:s28], [sflag:$0x6], $0x80, s17, s24, $0xb8;
	[tilespmem:$0x1D800] =	vst v63  }
0x1f2: {  	_ =	swait.ge [sflag:s26], $0x2800  }
0x1f3: {  	s17 =	sld [smem:$0x7F7]  }
0x1f4: {  	[sflag:s26] =	ssyncset.done $0x0  }
0x1f5: {  	[sflag:s26] =	ssyncadd.s32 $0xFFFFD800  }
0x1f6: {  	[tilespmem:s20], [sflag:$0x2] =	stream.indirect.gather [hbm4b:s1+s24], $0x80, s17, s24, $0xb8;
	[tilespmem:$0x1D800] =	vst v63  }
0x1f7: {  	_ =	swait.ge [sflag:s23], $0x2800  }
0x1f8: {  	s17 =	sld [smem:$0x7F8]  }
0x1f9: {  	[sflag:s23] =	ssyncset.done $0x0  }
0x1fa: {  	[sflag:s23] =	ssyncadd.s32 $0xFFFFD800  }
0x1fb: {  	[spmem:s2] =	stream.indirect.scatter.add.f32 [tilespmem:s25], [sflag:$0x4], $0x80, s17, s24, $0xb8;
	[tilespmem:$0x1D800] =	vst v63  }
0x1fc: {  	_ =	swait.ge [sflag:s0], $0x2800  }
0x1fd: {  	s17 =	sld [smem:$0x7F9]  }
0x1fe: {  	[sflag:s0] =	ssyncset.done $0x0  }
0x1ff: {  	[sflag:s0] =	ssyncadd.s32 $0xFFFFD800  }
0x200: {  	[tilespmem:s28], [sflag:$0x3] =	stream.indirect.gather [hbm4b:s1+s24], $0x80, s17, s24, $0xb8;
	[tilespmem:$0x1D800] =	vst v63  }
0x201: {  	_ =	swait.ge [sflag:s29], $0x2800  }
0x202: {  	s17 =	sld [smem:$0x7FA]  }
0x203: {  	[sflag:s29] =	ssyncset.done $0x0  }
0x204: {  	[sflag:s29] =	ssyncadd.s32 $0xFFFFD800  }
0x205: {  	[spmem:s2] =	stream.indirect.scatter.add.f32 [tilespmem:s20], [sflag:$0x5], $0x80, s17, s24, $0xb8;
	[tilespmem:$0x1D800] =	vst v63  }
0x206: {  	_ =	swait.ge [sflag:s30], $0x2800  }
0x207: {  	s17 =	sld [smem:$0x7FB]  }
0x208: {  	[sflag:s30] =	ssyncset.done $0x0  }
0x209: {  	[sflag:s30] =	ssyncadd.s32 $0xFFFFD800  }
0x20a: {  	[tilespmem:s25], [sflag:$0x1] =	stream.indirect.gather [hbm4b:s1+s24], $0x80, s17, s24, $0xb8;
	[tilespmem:$0x1D800] =	vst v63  }
0x20b: {  	_ =	swait.ge [sflag:s31], $0x2800  }
0x20c: {  	s17 =	sld [smem:$0x7FC]  }
0x20d: {  	[sflag:s31] =	ssyncset.done $0x0  }
0x20e: {  	[sflag:s31] =	ssyncadd.s32 $0xFFFFD800  }
0x20f: {  	[spmem:s2] =	stream.indirect.scatter.add.f32 [tilespmem:s28], [sflag:$0x6], $0x80, s17, s24, $0xb8;
	[tilespmem:$0x1D800] =	vst v63  }
0x210: {  	_ =	swait.ge [sflag:s26], $0x2800  }
0x211: {  	s17 =	sld [smem:$0x7FD]  }
0x212: {  	[sflag:s26] =	ssyncset.done $0x0  }
0x213: {  	[sflag:s26] =	ssyncadd.s32 $0xFFFFD800  }
0x214: {  	[tilespmem:s20], [sflag:$0x2] =	stream.indirect.gather [hbm4b:s1+s24], $0x80, s17, s24, $0xb8;
	[tilespmem:$0x1D800] =	vst v63  }
0x215: {  	_ =	swait.ge [sflag:s23], $0x2800  }
0x216: {  	[sflag:s23] =	ssyncset.done $0x0  }
0x217: {  	[sflag:s23] =	ssyncadd.s32 $0xFFFFD800  }
0x218: {  	[spmem:s2] =	stream.indirect.scatter.add.f32 [tilespmem:s25], [sflag:$0x4], $0x80, s4, s24, $0xb8;
	[tilespmem:$0x1D800] =	vst v63  }
0x219: {  	_ =	swait.ge [sflag:s0], $0x2800  }
0x21a: {  	[sflag:s0] =	ssyncset.done $0x0  }
0x21b: {  	[sflag:s0] =	ssyncadd.s32 $0xFFFFD800  }
0x21c: {  	[tilespmem:s28], [sflag:$0x3] =	stream.indirect.gather [hbm4b:s1+s24], $0x80, s7, s24, $0xb8;
	[tilespmem:$0x1D800] =	vst v63  }
0x21d: {  	_ =	swait.ge [sflag:s29], $0x2800  }
0x21e: {  	[sflag:s29] =	ssyncset.done $0x0  }
0x21f: {  	[sflag:s29] =	ssyncadd.s32 $0xFFFFD800  }
0x220: {  	[spmem:s2] =	stream.indirect.scatter.add.f32 [tilespmem:s20], [sflag:$0x5], $0x80, s9, s24, $0xb8;
	[tilespmem:$0x1D800] =	vst v63  }
0x221: {  	_ =	swait.ge [sflag:s30], $0x2800  }
0x222: {  	[sflag:s30] =	ssyncset.done $0x0  }
0x223: {  	s16 =	smov.u32 s14;
	[sflag:s30] =	ssyncadd.s32 $0xFFFFD800  }
0x224: {  	[tilespmem:s25], [sflag:$0x1] =	stream.indirect.gather [hbm4b:s1+s24], $0x80, s10, s24, $0xb8;
	[tilespmem:$0x1D800] =	vst v63  }
0x225: {  	p1 =	slt.s32 s16, $0x4;
	_ =	swait.ge [sflag:s31], $0x2800  }
0x226: {  	s16 =	simm.s32 @!p1 $0x4;
	[sflag:s31] =	ssyncset.done $0x0  }
0x227: {  	s16 =	sshll.u32 s16, $0xC;
	[sflag:s31] =	ssyncadd.s32 $0xFFFFD800  }
0x228: {  	[spmem:s2] =	stream.indirect.scatter.add.f32 [tilespmem:s28], [sflag:$0x6], $0x80, s11, s24, $0xb8;
	[tilespmem:$0x1D800] =	vst v63  }
0x229: {  	s16 =	sadd.s32 s6, s16;
	_ =	swait.ge [sflag:s23], $0x2800  }
0x22a: {  	s16 =	sshrl.u32 s16, $0x3;
	[sflag:s23] =	ssyncset.done $0x0  }
0x22b: {  	s16 =	sadd.s32 s5, s16;
	[sflag:s23] =	ssyncadd.s32 $0xFFFFD800  }
0x22c: {  	[tilespmem:s19], [sflag:$0x1] =	stream.linear.gather [hbm4b:s16+s3], $0xC80, $0x38;
	[tilespmem:$0x1D800] =	vst v63  }
0x22d: {  	_ = 	snop  }
0x22e: {  	[spmem:s2] =	stream.indirect.scatter.add.f32 [tilespmem:s25], [sflag:$0x4], $0x80, s12, s24, $0xb8;
	[tilespmem:$0x1D800] =	vst v63  }
0x22f: {  	_ =	swait.ge [sflag:s26], $0x2800  }
0x230: {  	p0 =	sne.s32 s14, $0x5;
	[sflag:s26] =	ssyncset.done $0x0  }
.Ltmp1:
0x231: {  	[sflag:s26] =	ssyncadd.s32 $0xFFFFD800;
	(pc) =	sbr.rel @p0 .LBB2_4-.Ltmp1, $4  }
0x232: {  	_ =	swait.ge [sflag:s0], $0x2800  }
0x233: {  	[sflag:s0] =	ssyncset.done $0x0  }
0x234: {  	[sflag:s0] =	ssyncadd.s32 $0xFFFFD800  }
0x235: {  	s14 =	sadd.s32 $0x1, s14;
	_ =	swait.ge [sflag:s30], $0x2800  }
0x236: {  	[sflag:s30] =	ssyncset.done $0x0  }
0x237: {  	[sflag:s30] =	ssyncadd.s32 $0xFFFFD800  }
0x238: {  	_ =	swait.ge [sflag:s23], $0xC80  }
0x239: {  	[sflag:s23] =	ssyncset.done $0x0  }
0x23a: {  	[sflag:s23] =	ssyncadd.s32 $0xFFFFF380  }
0x23b: {  	[bflag:$0x0] =	sbarrier.arrive $0xFFFF  }
0x23c: {  	s14 =	stileid.u32;
	s17 =	sld [smem:$0x7EE]  }
0x23d: {  	s14 =	sshll.u32 s14, $0x6  }
0x23e: {  	s16 =	sshrl.u32 s8, $0x3;
	s14 =	sor.u32 $0x1C07, s14  }
0x23f: {  	[hbm:s17], [sflag:s14] =	dma.local [spmem:s16], $0x2800  }
0x240: {  	_ =	swait.ge [sflag:s21], $0x2800  }
0x241: {  	s18 =	sld [smem:$0x7F1];
	_ =	sdelay $0x1  }
0x242: {  	s13 =	sadd.s32 $0x1, s13  }
0x243: {  	p0 =	sne.s32 s13, s18  }
.Ltmp2:
0x244: {  	_ = 	snop;
	(pc) =	sbr.rel @p0 .LBB2_1-.Ltmp2, $3  }
0x245: {  	_ =	sdelay $0x1  }
0x246: {  	[sflag:s21] =	ssyncset.done $0x0  }
0x247: {  	[sflag:s21] =	ssyncadd.s32 $0xFFFFD800  }
0x248: {  	_ =	sfence.sel $0x180000  }
0x249: {  	[bflag:$0x0] =	sbarrier.arrive $0xFFFF  }
0x24a: {  	_ =	strace $0x9000004D  }
0x24b: {  	s0 =	stileid.u32;
	[bflag:$0x2] =	sbarrier.arrive $0xFFFF  }
0x24c: {  	p0 =	sne.s32 s0, $0x0;
	s0 =	rddreg [dreg:$0x3]  }
0x24d: {  	s0 =	sadd.s32 @!p0 $0x100000, s0  }
0x24e: {  	[sflag:s0] =	ssyncadd.tile.s32 @!p0 $0x1;
	_ =	shalt  }
.Lfunc_end2:
_tile_overlayer_lowered:
.L_overlay_start_2:
0x24f: {  	(tag) =	ssettag $0x2  }
0x250: {  	s0 =	rddreg [dreg:$0x0];
	s2 =	stileid.u32  }
0x251: {  	s1 =	rddreg [dreg:$0x1];
	p0 =	sne.s32 s2, $0x0  }
0x252: {  	s3 =	rddreg [dreg:$0x2];
	[bflag:$0x3] =	sbarrier.arrive $0xFFFF;
	s2 =	simm.s32 @!p0 $0x1C07  }
0x253: {  	[timem:s3], [sflag:s2] =	dma.local @!p0 [hbm:s0], s1  }
0x254: {  	s0 =	simm.s32 @!p0 $0x7  }
0x255: {  	_ =	swait.ge @!p0 [sflag:s0], s1  }
0x256: {  	s1 =	ssub.s32 @!p0 $0x0, s1;
	[sflag:s0] =	ssyncset.done @!p0 $0x0  }
0x257: {  	[sflag:s0] =	ssyncadd.s32 @!p0 s1  }
0x258: {  	[bflag:$0x3] =	sbarrier.arrive $0xFFFF  }
0x259: {  	_ =	shalt  }

</sc_bundles>
